<compile_context>
chip_gen: v7x
topology: tpu7x:2x2x1
jax: 0.10.2.dev20260603
libtpu: 0.0.44.dev20260713+nightly
codegen_flags: <defaults>
</compile_context>

<pallas_src>
import functools

import numpy as np

import jax
import jax.numpy as jnp
from jax import lax
from jax.experimental import pallas as pl
from jax.experimental.pallas import tpu as pltpu
from jax.experimental.pallas import tpu_sc as plsc

N = 10000
E = 640000
D = 128
H = 64
G = 64

NC, NS = 2, 16
NW = NC * NS
C = 128
KCH = 2 * -(-E // (NW * C * 2))
EPAD = NW * C * KCH
EW = KCH * C

RB = 1024
NROW = 10240
RPS = NROW // NS
NGRID = NROW // RB

_CIDX = np.zeros(H, np.int32)
for _q in (0, 32):
    for _i in range(16):
        _CIDX[_q + 2 * _i] = _q + _i
        _CIDX[_q + 2 * _i + 1] = _q + 16 + _i

_MESH = plsc.VectorSubcoreMesh(
    core_axis_name="c", subcore_axis_name="s", num_cores=NC, num_subcores=NS)
_SC_PARAMS = pltpu.CompilerParams(
    use_tc_tiling_on_sc=False, needs_layout_passes=False)



def _deg_body(dst_hbm, zero16_hbm, one16_hbm, out_hbm,
              dst_all, ones_v, acc_sh):
    c = lax.axis_index("c")
    s = lax.axis_index("s")
    w = c * NS + s
    pltpu.sync_copy(dst_hbm.at[w], dst_all)
    pltpu.sync_copy(one16_hbm, ones_v)
    pltpu.sync_copy(zero16_hbm.at[pl.ds(s * RPS, RPS)],
                    acc_sh.at[pl.ds(s * RPS, RPS)])
    plsc.subcore_barrier()

    def step(i, carry):
        pltpu.sync_copy(ones_v, acc_sh.at[dst_all.at[i]], add=True)
        return carry

    lax.fori_loop(0, KCH, step, 0)
    plsc.subcore_barrier()
    pltpu.sync_copy(acc_sh.at[pl.ds(s * RPS, RPS)],
                    out_hbm.at[c, pl.ds(s * RPS, RPS)])


_deg_call = functools.partial(
    pl.kernel,
    out_type=jax.ShapeDtypeStruct((NC, NROW, 16), jnp.float32),
    mesh=_MESH,
    scratch_types=[
        pltpu.VMEM((KCH, C), jnp.int32),
        pltpu.VMEM((C, 16), jnp.float32),
        pltpu.VMEM_SHARED((NROW, 16), jnp.float32),
    ],
    compiler_params=_SC_PARAMS,
)(_deg_body)


def _agg_body(hsb_hbm, src_hbm, dst_hbm, zero_hbm, out_hbm,
              src_all, dst_all, bf_a, bf_b, f_a, f_b, hsb_sh, acc_sh,
              ga, gb, sa, sb):
    c = lax.axis_index("c")
    s = lax.axis_index("s")
    w = c * NS + s
    pltpu.sync_copy(src_hbm.at[w], src_all)
    pltpu.sync_copy(dst_hbm.at[w], dst_all)
    pltpu.sync_copy(zero_hbm.at[pl.ds(s * RPS, RPS)],
                    acc_sh.at[pl.ds(s * RPS, RPS)])
    pltpu.sync_copy(hsb_hbm.at[pl.ds(s * RPS, RPS)],
                    hsb_sh.at[pl.ds(s * RPS, RPS)])
    plsc.subcore_barrier()
    pltpu.async_copy(hsb_sh.at[src_all.at[0]], bf_a, ga)
    pltpu.async_copy(hsb_sh.at[src_all.at[1]], bf_b, gb)

    def convert(bf, fr):
        def crow(r, carry):
            for t in range(2):
                v = bf[r, pl.ds(t * 32, 32)]
                lo, hi = plsc.unpack(
                    v, format=plsc.PackFormat.INTERLEAVED,
                    preferred_element_type=jnp.float32)
                fr[r, pl.ds(t * 32, 16)] = lo
                fr[r, pl.ds(t * 32 + 16, 16)] = hi
            return carry

        lax.fori_loop(0, C, crow, 0, unroll=8)

    def lane(j, bf, fr, gsem, ssem):
        pltpu.make_async_copy(hsb_sh.at[src_all.at[j]], bf, gsem).wait()

        @pl.when(j >= 2)
        def _():
            pltpu.make_async_copy(
                fr, acc_sh.at[dst_all.at[j - 2]], ssem).wait()

        convert(bf, fr)

        @pl.when(j + 2 < KCH)
        def _():
            pltpu.async_copy(hsb_sh.at[src_all.at[j + 2]], bf, gsem)

        pltpu.async_copy(fr, acc_sh.at[dst_all.at[j]], ssem, add=True)

    def pair(jj, carry):
        j = jj * 2
        lane(j, bf_a, f_a, ga, sa)
        lane(j + 1, bf_b, f_b, gb, sb)
        return carry

    lax.fori_loop(0, KCH // 2, pair, 0)
    pltpu.make_async_copy(f_a, acc_sh.at[dst_all.at[KCH - 2]], sa).wait()
    pltpu.make_async_copy(f_b, acc_sh.at[dst_all.at[KCH - 1]], sb).wait()
    plsc.subcore_barrier()
    pltpu.sync_copy(acc_sh.at[pl.ds(s * RPS, RPS)],
                    out_hbm.at[c, pl.ds(s * RPS, RPS)])


_agg_call = functools.partial(
    pl.kernel,
    out_type=jax.ShapeDtypeStruct((NC, NROW, H), jnp.float32),
    mesh=_MESH,
    scratch_types=[
        pltpu.VMEM((KCH, C), jnp.int32),
        pltpu.VMEM((KCH, C), jnp.int32),
        pltpu.VMEM((C, H), jnp.bfloat16),
        pltpu.VMEM((C, H), jnp.bfloat16),
        pltpu.VMEM((C, H), jnp.float32),
        pltpu.VMEM((C, H), jnp.float32),
        pltpu.VMEM_SHARED((NROW, H), jnp.bfloat16),
        pltpu.VMEM_SHARED((NROW, H), jnp.float32),
        pltpu.SemaphoreType.DMA,
        pltpu.SemaphoreType.DMA,
        pltpu.SemaphoreType.DMA,
        pltpu.SemaphoreType.DMA,
    ],
    compiler_params=_SC_PARAMS,
)(_agg_body)



def _prep_body(x_ref, w_ref, wp_ref, pd0_ref, pd1_ref,
               hs_ref, hsb_ref, dinv_ref):
    deg = pd0_ref[:, 0:1] + pd1_ref[:, 0:1] + 1.0
    dinv = lax.rsqrt(deg)
    xv = x_ref[...]
    hs_ref[...] = jnp.dot(
        xv, w_ref[...], preferred_element_type=jnp.float32) * dinv
    hsb_ref[...] = (jnp.dot(
        xv, wp_ref[...], preferred_element_type=jnp.float32)
        * dinv).astype(jnp.bfloat16)
    dinv_ref[...] = dinv


def _prep(xp, W1, W1p, pd0, pd1):
    return pl.pallas_call(
        _prep_body,
        grid=(NGRID,),
        in_specs=[
            pl.BlockSpec((RB, D), lambda i: (i, 0)),
            pl.BlockSpec((D, H), lambda i: (0, 0)),
            pl.BlockSpec((D, H), lambda i: (0, 0)),
            pl.BlockSpec((RB, 16), lambda i: (i, 0)),
            pl.BlockSpec((RB, 16), lambda i: (i, 0)),
        ],
        out_specs=[
            pl.BlockSpec((RB, H), lambda i: (i, 0)),
            pl.BlockSpec((RB, H), lambda i: (i, 0)),
            pl.BlockSpec((RB, 1), lambda i: (i, 0)),
        ],
        out_shape=[
            jax.ShapeDtypeStruct((NROW, H), jnp.float32),
            jax.ShapeDtypeStruct((NROW, H), jnp.bfloat16),
            jax.ShapeDtypeStruct((NROW, 1), jnp.float32),
        ],
    )(xp, W1, W1p, pd0, pd1)


def _combine_body(a0_ref, a1_ref, hs_ref, dinv_ref, b_ref, w_ref, wp_ref,
                  out_ref, outb_ref):
    dinv = dinv_ref[...]
    y = (a0_ref[...] + a1_ref[...] + hs_ref[...]) * dinv + b_ref[...]
    g = jax.nn.gelu(y)
    out_ref[...] = jnp.dot(
        g, w_ref[...], preferred_element_type=jnp.float32) * dinv
    outb_ref[...] = (jnp.dot(
        g, wp_ref[...], preferred_element_type=jnp.float32)
        * dinv).astype(jnp.bfloat16)


def _combine(a0, a1, hs, dinv, b, Wn, Wnp):
    return pl.pallas_call(
        _combine_body,
        grid=(NGRID,),
        in_specs=[
            pl.BlockSpec((RB, H), lambda i: (i, 0)),
            pl.BlockSpec((RB, H), lambda i: (i, 0)),
            pl.BlockSpec((RB, H), lambda i: (i, 0)),
            pl.BlockSpec((RB, 1), lambda i: (i, 0)),
            pl.BlockSpec((1, H), lambda i: (0, 0)),
            pl.BlockSpec((H, H), lambda i: (0, 0)),
            pl.BlockSpec((H, H), lambda i: (0, 0)),
        ],
        out_specs=[
            pl.BlockSpec((RB, H), lambda i: (i, 0)),
            pl.BlockSpec((RB, H), lambda i: (i, 0)),
        ],
        out_shape=[
            jax.ShapeDtypeStruct((NROW, H), jnp.float32),
            jax.ShapeDtypeStruct((NROW, H), jnp.bfloat16),
        ],
    )(a0, a1, hs, dinv, b, Wn, Wnp)


def _final_body(a0_ref, a1_ref, hs_ref, dinv_ref, b_ref, batch_ref,
                out_ref, acc, cnt):
    k = pl.program_id(0)
    y = (a0_ref[...] + a1_ref[...] + hs_ref[...]) * dinv_ref[...] + b_ref[...]
    bi = batch_ref[0]
    p = (lax.broadcasted_iota(jnp.int32, (G, RB), 0) == bi)
    p = p.astype(jnp.float32)

    @pl.when(k == 0)
    def _init():
        acc[...] = jnp.zeros_like(acc)
        cnt[...] = jnp.zeros_like(cnt)

    acc[...] += jnp.dot(p, y, preferred_element_type=jnp.float32)
    cnt[...] += jnp.sum(p, axis=1, keepdims=True)

    @pl.when(k == NGRID - 1)
    def _fin():
        out_ref[...] = acc[...] / jnp.maximum(cnt[...], 1.0)


def _final(a0, a1, hs, dinv, b, batch3):
    return pl.pallas_call(
        _final_body,
        grid=(NGRID,),
        in_specs=[
            pl.BlockSpec((RB, H), lambda i: (i, 0)),
            pl.BlockSpec((RB, H), lambda i: (i, 0)),
            pl.BlockSpec((RB, H), lambda i: (i, 0)),
            pl.BlockSpec((RB, 1), lambda i: (i, 0)),
            pl.BlockSpec((1, H), lambda i: (0, 0)),
            pl.BlockSpec((1, 1, RB), lambda i: (i, 0, 0)),
        ],
        out_specs=pl.BlockSpec((G, H), lambda i: (0, 0)),
        out_shape=jax.ShapeDtypeStruct((G, H), jnp.float32),
        scratch_shapes=[
            pltpu.VMEM((G, H), jnp.float32),
            pltpu.VMEM((G, 1), jnp.float32),
        ],
    )(a0, a1, hs, dinv, b, batch3)



def kernel(x, edge_index, batch, W1, b1, W2, b2, W3, b3):
    src = edge_index[0].astype(jnp.int32)
    dst = edge_index[1].astype(jnp.int32)
    pad = jnp.full((EPAD - E,), N, jnp.int32)
    srcp = jnp.concatenate([src, pad]).reshape(NW, KCH, C)
    dstp = jnp.concatenate([dst, pad]).reshape(NW, KCH, C)
    xp = jnp.zeros((NROW, D), jnp.float32).at[:N].set(x)
    batch3 = jnp.concatenate(
        [batch.astype(jnp.int32), jnp.full((NROW - N,), G, jnp.int32)]
    ).reshape(NGRID, 1, RB)
    zeros64 = jnp.zeros((NROW, H), jnp.float32)
    zeros16 = jnp.zeros((NROW, 16), jnp.float32)
    ones16 = jnp.ones((C, 16), jnp.float32)
    cidx = jnp.asarray(_CIDX)
    W1p, W2p, W3p = W1[:, cidx], W2[:, cidx], W3[:, cidx]

    pdeg = _deg_call(dstp, zeros16, ones16)
    hs, hsb, dinv = _prep(xp, W1, W1p, pdeg[0], pdeg[1])
    p = _agg_call(hsb, srcp, dstp, zeros64)
    hs, hsb = _combine(p[0], p[1], hs, dinv, b1.reshape(1, H), W2, W2p)
    p = _agg_call(hsb, srcp, dstp, zeros64)
    hs, hsb = _combine(p[0], p[1], hs, dinv, b2.reshape(1, H), W3, W3p)
    p = _agg_call(hsb, srcp, dstp, zeros64)
    return _final(p[0], p[1], hs, dinv, b3.reshape(1, H), batch3)

# --- scband reference (transcript-rebuilt; emitter-appended) ---
"""Pipeline reference for scband-graph-encoder-23398981828829 (READ-ONLY COPY).

The authoritative reference and input builder live on the scoring server;
editing this copy changes nothing except your own understanding.
"""

import jax, jax.numpy as jnp
import numpy as np

N_NODES = 10000
N_EDGES = 640000
D_FEAT = 128
HIDDEN = 64
OUT_DIM = 64
NUM_GRAPHS = 64


def gcn_conv(x, edge_index, W, b):
    # GCNConv: x' = D^{-1/2} (A + I) D^{-1/2} X W + b  (symmetric normalization with self-loops)
    n = x.shape[0]
    loop = jnp.arange(n, dtype=edge_index.dtype)
    src = jnp.concatenate([edge_index[0], loop])
    dst = jnp.concatenate([edge_index[1], loop])
    ones = jnp.ones(src.shape[0], dtype=x.dtype)
    deg = jax.ops.segment_sum(ones, dst, num_segments=n)
    dinv = jnp.where(deg > 0, jax.lax.rsqrt(jnp.maximum(deg, 1e-12)), 0.0)
    norm = dinv[src] * dinv[dst]
    h = x @ W
    msg = h[src] * norm[:, None]
    out = jax.ops.segment_sum(msg, dst, num_segments=n)
    return out + b


def global_mean_pool(x, batch, num_graphs):
    sums = jax.ops.segment_sum(x, batch, num_segments=num_graphs)
    cnt = jax.ops.segment_sum(jnp.ones(x.shape[0], dtype=x.dtype), batch, num_segments=num_graphs)
    return sums / jnp.maximum(cnt, 1.0)[:, None]


def setup_inputs(seed: int = 0) -> dict:
    key = jax.random.key(seed)
    ks = jax.random.split(key, 10)
    x = jax.random.normal(ks[0], (N_NODES, D_FEAT), dtype=jnp.float32)
    edge_index = jax.random.randint(ks[1], (2, N_EDGES), 0, N_NODES)
    batch = jnp.sort(jax.random.randint(ks[2], (N_NODES,), 0, NUM_GRAPHS))
    W1 = jax.random.normal(ks[3], (D_FEAT, HIDDEN), dtype=jnp.float32) * (1.0 / np.sqrt(D_FEAT))
    b1 = jnp.zeros((HIDDEN,), dtype=jnp.float32)
    W2 = jax.random.normal(ks[4], (HIDDEN, HIDDEN), dtype=jnp.float32) * (1.0 / np.sqrt(HIDDEN))
    b2 = jnp.zeros((HIDDEN,), dtype=jnp.float32)
    W3 = jax.random.normal(ks[5], (HIDDEN, OUT_DIM), dtype=jnp.float32) * (1.0 / np.sqrt(HIDDEN))
    b3 = jnp.zeros((OUT_DIM,), dtype=jnp.float32)
    return {"x": x, "edge_index": edge_index, "batch": batch,
            "W1": W1, "b1": b1, "W2": W2, "b2": b2, "W3": W3, "b3": b3}


def reference(x, edge_index, batch, W1, b1, W2, b2, W3, b3):
    h = jax.nn.gelu(gcn_conv(x, edge_index, W1, b1))
    h = jax.nn.gelu(gcn_conv(h, edge_index, W2, b2))
    h = gcn_conv(h, edge_index, W3, b3)
    return global_mean_pool(h, batch, NUM_GRAPHS)

if __name__ == "__main__":
    import jax
    _d = setup_inputs()
    print(jax.jit(kernel)(*tuple(_d.values())))

</pallas_src>

<mosaic_0001>
#map = affine_map<(d0, d1) -> (0, 0)>
#map1 = affine_map<(d0, d1) -> (0, 0, 0)>
module attributes {stable_mosaic.version = 14 : i64} {
  func.func @_agg_body(%arg0: i32, %arg1: i32, %arg2: memref<10240x64xbf16, #tpu.memory_space<hbm>>, %arg3: memref<32x158x128xi32, #tpu.memory_space<hbm>>, %arg4: memref<32x158x128xi32, #tpu.memory_space<hbm>>, %arg5: memref<10240x64xf32, #tpu.memory_space<hbm>>, %arg6: memref<2x10240x64xf32, #tpu.memory_space<hbm>>, %arg7: memref<158x128xi32, #tpu.memory_space<vmem>>, %arg8: memref<158x128xi32, #tpu.memory_space<vmem>>, %arg9: memref<128x64xbf16, #tpu.memory_space<vmem>>, %arg10: memref<128x64xbf16, #tpu.memory_space<vmem>>, %arg11: memref<128x64xf32, #tpu.memory_space<vmem>>, %arg12: memref<128x64xf32, #tpu.memory_space<vmem>>, %arg13: memref<10240x64xbf16, #tpu.memory_space<vmem_shared>>, %arg14: memref<10240x64xf32, #tpu.memory_space<vmem_shared>>, %arg15: memref<!tpu.dma_semaphore, #tpu.memory_space<semaphore_mem>>, %arg16: memref<!tpu.dma_semaphore, #tpu.memory_space<semaphore_mem>>, %arg17: memref<!tpu.dma_semaphore, #tpu.memory_space<semaphore_mem>>, %arg18: memref<!tpu.dma_semaphore, #tpu.memory_space<semaphore_mem>>) attributes {dimension_semantics = [#tpu.dimension_semantics<core_parallel>, #tpu.dimension_semantics<subcore_parallel>], iteration_bounds = array<i64: 2, 16>, scalar_prefetch = 0 : i64, scratch_operands = 12 : i64, tpu.core_type = #tpu.core_type<sc_vector_subcore>, window_params = [{transform_indices = #map}, {transform_indices = #map1}, {transform_indices = #map1}, {transform_indices = #map}, {transform_indices = #map1}]} {
    %mul3A = arith.constant 16 : i32
    %mul3A_0 = arith.muli %arg0, %mul3A : i32
    %add3A = arith.addi %mul3A_0, %arg1 : i32
    "tpu.region"() ({
      %run_scoped3A = tpu.sem_alloc : memref<!tpu.dma_semaphore, #tpu.memory_space<semaphore_mem>>
      %dma_start3A_45 = arith.constant 0 : i32
      %dma_start3A_46 = arith.constant 0 : i32
      %dma_start3A_47 = tpu.memref_slice %arg3[%add3A, %dma_start3A_45, %dma_start3A_46] : memref<32x158x128xi32, #tpu.memory_space<hbm>> -> memref<1x158x128xi32, #tpu.memory_space<hbm>>
      %dma_start3A_48 = tpu.memref_squeeze %dma_start3A_47 : memref<1x158x128xi32, #tpu.memory_space<hbm>> -> memref<158x128xi32, #tpu.memory_space<hbm>>
      %dma_start3A_49 = arith.constant 0 : i32
      %dma_start3A_50 = arith.constant 0 : i32
      %dma_start3A_51 = tpu.memref_slice %arg3[%add3A, %dma_start3A_49, %dma_start3A_50] : memref<32x158x128xi32, #tpu.memory_space<hbm>> -> memref<1x158x128xi32, #tpu.memory_space<hbm>>
      %dma_start3A_52 = tpu.memref_squeeze %dma_start3A_51 : memref<1x158x128xi32, #tpu.memory_space<hbm>> -> memref<158x128xi32, #tpu.memory_space<hbm>>
      tpu.enqueue_dma source(%dma_start3A_52 : memref<158x128xi32, #tpu.memory_space<hbm>>) target(%arg7 : memref<158x128xi32, #tpu.memory_space<vmem>>) target_semaphore(%run_scoped3A : memref<!tpu.dma_semaphore, #tpu.memory_space<semaphore_mem>>)
      %dma_wait3A_53 = arith.constant 0 : i32
      %dma_wait3A_54 = arith.constant 0 : i32
      %dma_wait3A_55 = tpu.memref_slice %arg3[%add3A, %dma_wait3A_53, %dma_wait3A_54] : memref<32x158x128xi32, #tpu.memory_space<hbm>> -> memref<1x158x128xi32, #tpu.memory_space<hbm>>
      %dma_wait3A_56 = tpu.memref_squeeze %dma_wait3A_55 : memref<1x158x128xi32, #tpu.memory_space<hbm>> -> memref<158x128xi32, #tpu.memory_space<hbm>>
      %dma_wait3A_57 = arith.constant 0 : i32
      %dma_wait3A_58 = arith.constant 0 : i32
      %dma_wait3A_59 = tpu.memref_slice %arg3[%add3A, %dma_wait3A_57, %dma_wait3A_58] : memref<32x158x128xi32, #tpu.memory_space<hbm>> -> memref<1x158x128xi32, #tpu.memory_space<hbm>>
      %dma_wait3A_60 = tpu.memref_squeeze %dma_wait3A_59 : memref<1x158x128xi32, #tpu.memory_space<hbm>> -> memref<158x128xi32, #tpu.memory_space<hbm>>
      tpu.wait_dma2 semaphore(%run_scoped3A : memref<!tpu.dma_semaphore, #tpu.memory_space<semaphore_mem>>) src(%dma_wait3A_60 : memref<158x128xi32, #tpu.memory_space<hbm>>) dst(%arg7 : memref<158x128xi32, #tpu.memory_space<vmem>>)
      tpu.yield
    }) : () -> ()
    "tpu.region"() ({
      %run_scoped3A = tpu.sem_alloc : memref<!tpu.dma_semaphore, #tpu.memory_space<semaphore_mem>>
      %dma_start3A_45 = arith.constant 0 : i32
      %dma_start3A_46 = arith.constant 0 : i32
      %dma_start3A_47 = tpu.memref_slice %arg4[%add3A, %dma_start3A_45, %dma_start3A_46] : memref<32x158x128xi32, #tpu.memory_space<hbm>> -> memref<1x158x128xi32, #tpu.memory_space<hbm>>
      %dma_start3A_48 = tpu.memref_squeeze %dma_start3A_47 : memref<1x158x128xi32, #tpu.memory_space<hbm>> -> memref<158x128xi32, #tpu.memory_space<hbm>>
      %dma_start3A_49 = arith.constant 0 : i32
      %dma_start3A_50 = arith.constant 0 : i32
      %dma_start3A_51 = tpu.memref_slice %arg4[%add3A, %dma_start3A_49, %dma_start3A_50] : memref<32x158x128xi32, #tpu.memory_space<hbm>> -> memref<1x158x128xi32, #tpu.memory_space<hbm>>
      %dma_start3A_52 = tpu.memref_squeeze %dma_start3A_51 : memref<1x158x128xi32, #tpu.memory_space<hbm>> -> memref<158x128xi32, #tpu.memory_space<hbm>>
      tpu.enqueue_dma source(%dma_start3A_52 : memref<158x128xi32, #tpu.memory_space<hbm>>) target(%arg8 : memref<158x128xi32, #tpu.memory_space<vmem>>) target_semaphore(%run_scoped3A : memref<!tpu.dma_semaphore, #tpu.memory_space<semaphore_mem>>)
      %dma_wait3A_53 = arith.constant 0 : i32
      %dma_wait3A_54 = arith.constant 0 : i32
      %dma_wait3A_55 = tpu.memref_slice %arg4[%add3A, %dma_wait3A_53, %dma_wait3A_54] : memref<32x158x128xi32, #tpu.memory_space<hbm>> -> memref<1x158x128xi32, #tpu.memory_space<hbm>>
      %dma_wait3A_56 = tpu.memref_squeeze %dma_wait3A_55 : memref<1x158x128xi32, #tpu.memory_space<hbm>> -> memref<158x128xi32, #tpu.memory_space<hbm>>
      %dma_wait3A_57 = arith.constant 0 : i32
      %dma_wait3A_58 = arith.constant 0 : i32
      %dma_wait3A_59 = tpu.memref_slice %arg4[%add3A, %dma_wait3A_57, %dma_wait3A_58] : memref<32x158x128xi32, #tpu.memory_space<hbm>> -> memref<1x158x128xi32, #tpu.memory_space<hbm>>
      %dma_wait3A_60 = tpu.memref_squeeze %dma_wait3A_59 : memref<1x158x128xi32, #tpu.memory_space<hbm>> -> memref<158x128xi32, #tpu.memory_space<hbm>>
      tpu.wait_dma2 semaphore(%run_scoped3A : memref<!tpu.dma_semaphore, #tpu.memory_space<semaphore_mem>>) src(%dma_wait3A_60 : memref<158x128xi32, #tpu.memory_space<hbm>>) dst(%arg8 : memref<158x128xi32, #tpu.memory_space<vmem>>)
      tpu.yield
    }) : () -> ()
    %mul3A_1 = arith.constant 640 : i32
    %mul3A_2 = arith.muli %arg1, %mul3A_1 : i32
    %mul3A_3 = arith.constant 640 : i32
    %mul3A_4 = arith.muli %arg1, %mul3A_3 : i32
    "tpu.region"() ({
      %run_scoped3A = tpu.sem_alloc : memref<!tpu.dma_semaphore, #tpu.memory_space<semaphore_mem>>
      %dma_start3A_45 = arith.constant 0 : i32
      %dma_start3A_46 = tpu.memref_slice %arg14[%mul3A_4, %dma_start3A_45] : memref<10240x64xf32, #tpu.memory_space<vmem_shared>> -> memref<640x64xf32, #tpu.memory_space<vmem_shared>>
      %dma_start3A_47 = arith.constant 0 : i32
      %dma_start3A_48 = tpu.memref_slice %arg5[%mul3A_2, %dma_start3A_47] : memref<10240x64xf32, #tpu.memory_space<hbm>> -> memref<640x64xf32, #tpu.memory_space<hbm>>
      tpu.enqueue_dma source(%dma_start3A_48 : memref<640x64xf32, #tpu.memory_space<hbm>>) target(%dma_start3A_46 : memref<640x64xf32, #tpu.memory_space<vmem_shared>>) target_semaphore(%run_scoped3A : memref<!tpu.dma_semaphore, #tpu.memory_space<semaphore_mem>>)
      %dma_wait3A_49 = arith.constant 0 : i32
      %dma_wait3A_50 = tpu.memref_slice %arg14[%mul3A_4, %dma_wait3A_49] : memref<10240x64xf32, #tpu.memory_space<vmem_shared>> -> memref<640x64xf32, #tpu.memory_space<vmem_shared>>
      %dma_wait3A_51 = arith.constant 0 : i32
      %dma_wait3A_52 = tpu.memref_slice %arg5[%mul3A_2, %dma_wait3A_51] : memref<10240x64xf32, #tpu.memory_space<hbm>> -> memref<640x64xf32, #tpu.memory_space<hbm>>
      tpu.wait_dma2 semaphore(%run_scoped3A : memref<!tpu.dma_semaphore, #tpu.memory_space<semaphore_mem>>) src(%dma_wait3A_52 : memref<640x64xf32, #tpu.memory_space<hbm>>) dst(%dma_wait3A_50 : memref<640x64xf32, #tpu.memory_space<vmem_shared>>)
      tpu.yield
    }) : () -> ()
    %mul3A_5 = arith.constant 640 : i32
    %mul3A_6 = arith.muli %arg1, %mul3A_5 : i32
    %mul3A_7 = arith.constant 640 : i32
    %mul3A_8 = arith.muli %arg1, %mul3A_7 : i32
    "tpu.region"() ({
      %run_scoped3A = tpu.sem_alloc : memref<!tpu.dma_semaphore, #tpu.memory_space<semaphore_mem>>
      %dma_start3A_45 = arith.constant 0 : i32
      %dma_start3A_46 = tpu.memref_slice %arg13[%mul3A_8, %dma_start3A_45] : memref<10240x64xbf16, #tpu.memory_space<vmem_shared>> -> memref<640x64xbf16, #tpu.memory_space<vmem_shared>>
      %dma_start3A_47 = arith.constant 0 : i32
      %dma_start3A_48 = tpu.memref_slice %arg2[%mul3A_6, %dma_start3A_47] : memref<10240x64xbf16, #tpu.memory_space<hbm>> -> memref<640x64xbf16, #tpu.memory_space<hbm>>
      tpu.enqueue_dma source(%dma_start3A_48 : memref<640x64xbf16, #tpu.memory_space<hbm>>) target(%dma_start3A_46 : memref<640x64xbf16, #tpu.memory_space<vmem_shared>>) target_semaphore(%run_scoped3A : memref<!tpu.dma_semaphore, #tpu.memory_space<semaphore_mem>>)
      %dma_wait3A_49 = arith.constant 0 : i32
      %dma_wait3A_50 = tpu.memref_slice %arg13[%mul3A_8, %dma_wait3A_49] : memref<10240x64xbf16, #tpu.memory_space<vmem_shared>> -> memref<640x64xbf16, #tpu.memory_space<vmem_shared>>
      %dma_wait3A_51 = arith.constant 0 : i32
      %dma_wait3A_52 = tpu.memref_slice %arg2[%mul3A_6, %dma_wait3A_51] : memref<10240x64xbf16, #tpu.memory_space<hbm>> -> memref<640x64xbf16, #tpu.memory_space<hbm>>
      tpu.wait_dma2 semaphore(%run_scoped3A : memref<!tpu.dma_semaphore, #tpu.memory_space<semaphore_mem>>) src(%dma_wait3A_52 : memref<640x64xbf16, #tpu.memory_space<hbm>>) dst(%dma_wait3A_50 : memref<640x64xbf16, #tpu.memory_space<vmem_shared>>)
      tpu.yield
    }) : () -> ()
    %barrier3A = arith.constant 0 : index
    tpu.barrier barrier_id(%barrier3A)
    %dma_start3A = arith.constant 0 : i32
    %dma_start3A_9 = arith.constant 0 : i32
    %dma_start3A_10 = tpu.memref_slice %arg7[%dma_start3A, %dma_start3A_9] : memref<158x128xi32, #tpu.memory_space<vmem>> -> memref<1x128xi32, #tpu.memory_space<vmem>>
    %dma_start3A_11 = tpu.memref_squeeze %dma_start3A_10 : memref<1x128xi32, #tpu.memory_space<vmem>> -> memref<128xi32, #tpu.memory_space<vmem>>
    %dma_start3A_12 = arith.constant 0 : i32
    %dma_start3A_13 = arith.constant 0 : i32
    %dma_start3A_14 = tpu.memref_slice %arg13[%dma_start3A_12, %dma_start3A_13] : memref<10240x64xbf16, #tpu.memory_space<vmem_shared>> -> memref<10240x64xbf16, #tpu.memory_space<vmem_shared>>
    tpu.enqueue_indirect_dma source(%dma_start3A_14 : memref<10240x64xbf16, #tpu.memory_space<vmem_shared>>) target(%arg9 : memref<128x64xbf16, #tpu.memory_space<vmem>>) offsets(%dma_start3A_11 : memref<128xi32, #tpu.memory_space<vmem>>) semaphore(%arg15 : memref<!tpu.dma_semaphore, #tpu.memory_space<semaphore_mem>>)
    %dma_start3A_15 = arith.constant 1 : i32
    %dma_start3A_16 = arith.constant 0 : i32
    %dma_start3A_17 = tpu.memref_slice %arg7[%dma_start3A_15, %dma_start3A_16] : memref<158x128xi32, #tpu.memory_space<vmem>> -> memref<1x128xi32, #tpu.memory_space<vmem>>
    %dma_start3A_18 = tpu.memref_squeeze %dma_start3A_17 : memref<1x128xi32, #tpu.memory_space<vmem>> -> memref<128xi32, #tpu.memory_space<vmem>>
    %dma_start3A_19 = arith.constant 0 : i32
    %dma_start3A_20 = arith.constant 0 : i32
    %dma_start3A_21 = tpu.memref_slice %arg13[%dma_start3A_19, %dma_start3A_20] : memref<10240x64xbf16, #tpu.memory_space<vmem_shared>> -> memref<10240x64xbf16, #tpu.memory_space<vmem_shared>>
    tpu.enqueue_indirect_dma source(%dma_start3A_21 : memref<10240x64xbf16, #tpu.memory_space<vmem_shared>>) target(%arg10 : memref<128x64xbf16, #tpu.memory_space<vmem>>) offsets(%dma_start3A_18 : memref<128xi32, #tpu.memory_space<vmem>>) semaphore(%arg16 : memref<!tpu.dma_semaphore, #tpu.memory_space<semaphore_mem>>)
    %scan3A = arith.constant 0 : i32
    %scan3A_22 = arith.constant 0 : i32
    %scan3A_23 = arith.constant 79 : i32
    %scan3A_24 = arith.addi %scan3A_22, %scan3A_23 : i32
    %scan3A_25 = arith.constant 1 : i32
    scf.for %scan3A_45 = %scan3A_22 to %scan3A_24 step %scan3A_25  : i32 {
      %mul3A_46 = arith.constant 2 : i32
      %mul3A_47 = arith.muli %scan3A_45, %mul3A_46 : i32
      %dma_wait3A_48 = arith.constant 0 : i32
      %dma_wait3A_49 = tpu.memref_slice %arg7[%mul3A_47, %dma_wait3A_48] : memref<158x128xi32, #tpu.memory_space<vmem>> -> memref<1x128xi32, #tpu.memory_space<vmem>>
      %dma_wait3A_50 = tpu.memref_squeeze %dma_wait3A_49 : memref<1x128xi32, #tpu.memory_space<vmem>> -> memref<128xi32, #tpu.memory_space<vmem>>
      %dma_wait3A_51 = arith.constant 0 : i32
      %dma_wait3A_52 = arith.constant 0 : i32
      %dma_wait3A_53 = tpu.memref_slice %arg13[%dma_wait3A_51, %dma_wait3A_52] : memref<10240x64xbf16, #tpu.memory_space<vmem_shared>> -> memref<10240x64xbf16, #tpu.memory_space<vmem_shared>>
      tpu.wait_indirect_dma semaphore(%arg15 : memref<!tpu.dma_semaphore, #tpu.memory_space<semaphore_mem>>) src(%dma_wait3A_53 : memref<10240x64xbf16, #tpu.memory_space<vmem_shared>>) dst(%arg9 : memref<128x64xbf16, #tpu.memory_space<vmem>>)
      %ge3A = arith.constant 2 : i32
      %ge3A_54 = arith.cmpi sge, %mul3A_47, %ge3A : i32
      %convert_element_type3A = arith.extui %ge3A_54 : i1 to i32
      %cond3A = arith.constant 0 : i32
      %cond3A_55 = arith.cmpi ne, %convert_element_type3A, %cond3A : i32
      scf.if %cond3A_55 {
        %sub3A = arith.constant 2 : i32
        %sub3A_106 = arith.subi %mul3A_47, %sub3A : i32
        %dma_wait3A_107 = arith.constant 0 : i32
        %dma_wait3A_108 = tpu.memref_slice %arg8[%sub3A_106, %dma_wait3A_107] : memref<158x128xi32, #tpu.memory_space<vmem>> -> memref<1x128xi32, #tpu.memory_space<vmem>>
        %dma_wait3A_109 = tpu.memref_squeeze %dma_wait3A_108 : memref<1x128xi32, #tpu.memory_space<vmem>> -> memref<128xi32, #tpu.memory_space<vmem>>
        %dma_wait3A_110 = arith.constant 0 : i32
        %dma_wait3A_111 = arith.constant 0 : i32
        %dma_wait3A_112 = tpu.memref_slice %arg14[%dma_wait3A_110, %dma_wait3A_111] : memref<10240x64xf32, #tpu.memory_space<vmem_shared>> -> memref<10240x64xf32, #tpu.memory_space<vmem_shared>>
        tpu.wait_indirect_dma semaphore(%arg17 : memref<!tpu.dma_semaphore, #tpu.memory_space<semaphore_mem>>) src(%arg11 : memref<128x64xf32, #tpu.memory_space<vmem>>) dst(%dma_wait3A_112 : memref<10240x64xf32, #tpu.memory_space<vmem_shared>>)
      } else {
      }
      %scan3A_56 = arith.constant 0 : i32
      %scan3A_57 = arith.constant 0 : i32
      %scan3A_58 = arith.constant 128 : i32
      %scan3A_59 = arith.addi %scan3A_57, %scan3A_58 : i32
      %scan3A_60 = arith.constant 8 : i32
      scf.for %scan3A_106 = %scan3A_57 to %scan3A_59 step %scan3A_60  : i32 {
        %get3A = arith.index_cast %scan3A_106 : i32 to index
        %get3A_107 = arith.constant 0 : index
        %get3A_108 = tpu.vector_load %arg9[%get3A, %get3A_107] {strides = array<i32>} : memref<128x64xbf16, #tpu.memory_space<vmem>>, vector<32xbf16>,
        %unpack3A = tpu.unpack_subelements %get3A_108, 0 {pack_format = #tpu.pack_format<interleaved>} : vector<32xbf16> -> vector<16xf32>
        %unpack3A_109 = tpu.unpack_subelements %get3A_108, 1 {pack_format = #tpu.pack_format<interleaved>} : vector<32xbf16> -> vector<16xf32>
        %swap3A = arith.index_cast %scan3A_106 : i32 to index
        %swap3A_110 = arith.constant 0 : index
        %swap3A_111 = tpu.vector_load %arg11[%swap3A, %swap3A_110] {strides = array<i32>} : memref<128x64xf32, #tpu.memory_space<vmem>>, vector<16xf32>,
        tpu.vector_store %arg11[%swap3A, %swap3A_110], %unpack3A {strides = array<i32>} : memref<128x64xf32, #tpu.memory_space<vmem>>, vector<16xf32>,
        %swap3A_112 = arith.index_cast %scan3A_106 : i32 to index
        %swap3A_113 = arith.constant 16 : index
        %swap3A_114 = tpu.vector_load %arg11[%swap3A_112, %swap3A_113] {strides = array<i32>} : memref<128x64xf32, #tpu.memory_space<vmem>>, vector<16xf32>,
        tpu.vector_store %arg11[%swap3A_112, %swap3A_113], %unpack3A_109 {strides = array<i32>} : memref<128x64xf32, #tpu.memory_space<vmem>>, vector<16xf32>,
        %get3A_115 = arith.index_cast %scan3A_106 : i32 to index
        %get3A_116 = arith.constant 32 : index
        %get3A_117 = tpu.vector_load %arg9[%get3A_115, %get3A_116] {strides = array<i32>} : memref<128x64xbf16, #tpu.memory_space<vmem>>, vector<32xbf16>,
        %unpack3A_118 = tpu.unpack_subelements %get3A_117, 0 {pack_format = #tpu.pack_format<interleaved>} : vector<32xbf16> -> vector<16xf32>
        %unpack3A_119 = tpu.unpack_subelements %get3A_117, 1 {pack_format = #tpu.pack_format<interleaved>} : vector<32xbf16> -> vector<16xf32>
        %swap3A_120 = arith.index_cast %scan3A_106 : i32 to index
        %swap3A_121 = arith.constant 32 : index
        %swap3A_122 = tpu.vector_load %arg11[%swap3A_120, %swap3A_121] {strides = array<i32>} : memref<128x64xf32, #tpu.memory_space<vmem>>, vector<16xf32>,
        tpu.vector_store %arg11[%swap3A_120, %swap3A_121], %unpack3A_118 {strides = array<i32>} : memref<128x64xf32, #tpu.memory_space<vmem>>, vector<16xf32>,
        %swap3A_123 = arith.index_cast %scan3A_106 : i32 to index
        %swap3A_124 = arith.constant 48 : index
        %swap3A_125 = tpu.vector_load %arg11[%swap3A_123, %swap3A_124] {strides = array<i32>} : memref<128x64xf32, #tpu.memory_space<vmem>>, vector<16xf32>,
        tpu.vector_store %arg11[%swap3A_123, %swap3A_124], %unpack3A_119 {strides = array<i32>} : memref<128x64xf32, #tpu.memory_space<vmem>>, vector<16xf32>,
        %scan3A_126 = arith.constant 1 : i32
        %scan3A_127 = arith.addi %scan3A_106, %scan3A_126 : i32
        %get3A_128 = arith.index_cast %scan3A_127 : i32 to index
        %get3A_129 = arith.constant 0 : index
        %get3A_130 = tpu.vector_load %arg9[%get3A_128, %get3A_129] {strides = array<i32>} : memref<128x64xbf16, #tpu.memory_space<vmem>>, vector<32xbf16>,
        %unpack3A_131 = tpu.unpack_subelements %get3A_130, 0 {pack_format = #tpu.pack_format<interleaved>} : vector<32xbf16> -> vector<16xf32>
        %unpack3A_132 = tpu.unpack_subelements %get3A_130, 1 {pack_format = #tpu.pack_format<interleaved>} : vector<32xbf16> -> vector<16xf32>
        %swap3A_133 = arith.index_cast %scan3A_127 : i32 to index
        %swap3A_134 = arith.constant 0 : index
        %swap3A_135 = tpu.vector_load %arg11[%swap3A_133, %swap3A_134] {strides = array<i32>} : memref<128x64xf32, #tpu.memory_space<vmem>>, vector<16xf32>,
        tpu.vector_store %arg11[%swap3A_133, %swap3A_134], %unpack3A_131 {strides = array<i32>} : memref<128x64xf32, #tpu.memory_space<vmem>>, vector<16xf32>,
        %swap3A_136 = arith.index_cast %scan3A_127 : i32 to index
        %swap3A_137 = arith.constant 16 : index
        %swap3A_138 = tpu.vector_load %arg11[%swap3A_136, %swap3A_137] {strides = array<i32>} : memref<128x64xf32, #tpu.memory_space<vmem>>, vector<16xf32>,
        tpu.vector_store %arg11[%swap3A_136, %swap3A_137], %unpack3A_132 {strides = array<i32>} : memref<128x64xf32, #tpu.memory_space<vmem>>, vector<16xf32>,
        %get3A_139 = arith.index_cast %scan3A_127 : i32 to index
        %get3A_140 = arith.constant 32 : index
        %get3A_141 = tpu.vector_load %arg9[%get3A_139, %get3A_140] {strides = array<i32>} : memref<128x64xbf16, #tpu.memory_space<vmem>>, vector<32xbf16>,
        %unpack3A_142 = tpu.unpack_subelements %get3A_141, 0 {pack_format = #tpu.pack_format<interleaved>} : vector<32xbf16> -> vector<16xf32>
        %unpack3A_143 = tpu.unpack_subelements %get3A_141, 1 {pack_format = #tpu.pack_format<interleaved>} : vector<32xbf16> -> vector<16xf32>
        %swap3A_144 = arith.index_cast %scan3A_127 : i32 to index
        %swap3A_145 = arith.constant 32 : index
        %swap3A_146 = tpu.vector_load %arg11[%swap3A_144, %swap3A_145] {strides = array<i32>} : memref<128x64xf32, #tpu.memory_space<vmem>>, vector<16xf32>,
        tpu.vector_store %arg11[%swap3A_144, %swap3A_145], %unpack3A_142 {strides = array<i32>} : memref<128x64xf32, #tpu.memory_space<vmem>>, vector<16xf32>,
        %swap3A_147 = arith.index_cast %scan3A_127 : i32 to index
        %swap3A_148 = arith.constant 48 : index
        %swap3A_149 = tpu.vector_load %arg11[%swap3A_147, %swap3A_148] {strides = array<i32>} : memref<128x64xf32, #tpu.memory_space<vmem>>, vector<16xf32>,
        tpu.vector_store %arg11[%swap3A_147, %swap3A_148], %unpack3A_143 {strides = array<i32>} : memref<128x64xf32, #tpu.memory_space<vmem>>, vector<16xf32>,
        %scan3A_150 = arith.constant 2 : i32
        %scan3A_151 = arith.addi %scan3A_106, %scan3A_150 : i32
        %get3A_152 = arith.index_cast %scan3A_151 : i32 to index
        %get3A_153 = arith.constant 0 : index
        %get3A_154 = tpu.vector_load %arg9[%get3A_152, %get3A_153] {strides = array<i32>} : memref<128x64xbf16, #tpu.memory_space<vmem>>, vector<32xbf16>,
        %unpack3A_155 = tpu.unpack_subelements %get3A_154, 0 {pack_format = #tpu.pack_format<interleaved>} : vector<32xbf16> -> vector<16xf32>
        %unpack3A_156 = tpu.unpack_subelements %get3A_154, 1 {pack_format = #tpu.pack_format<interleaved>} : vector<32xbf16> -> vector<16xf32>
        %swap3A_157 = arith.index_cast %scan3A_151 : i32 to index
        %swap3A_158 = arith.constant 0 : index
        %swap3A_159 = tpu.vector_load %arg11[%swap3A_157, %swap3A_158] {strides = array<i32>} : memref<128x64xf32, #tpu.memory_space<vmem>>, vector<16xf32>,
        tpu.vector_store %arg11[%swap3A_157, %swap3A_158], %unpack3A_155 {strides = array<i32>} : memref<128x64xf32, #tpu.memory_space<vmem>>, vector<16xf32>,
        %swap3A_160 = arith.index_cast %scan3A_151 : i32 to index
        %swap3A_161 = arith.constant 16 : index
        %swap3A_162 = tpu.vector_load %arg11[%swap3A_160, %swap3A_161] {strides = array<i32>} : memref<128x64xf32, #tpu.memory_space<vmem>>, vector<16xf32>,
        tpu.vector_store %arg11[%swap3A_160, %swap3A_161], %unpack3A_156 {strides = array<i32>} : memref<128x64xf32, #tpu.memory_space<vmem>>, vector<16xf32>,
        %get3A_163 = arith.index_cast %scan3A_151 : i32 to index
        %get3A_164 = arith.constant 32 : index
        %get3A_165 = tpu.vector_load %arg9[%get3A_163, %get3A_164] {strides = array<i32>} : memref<128x64xbf16, #tpu.memory_space<vmem>>, vector<32xbf16>,
        %unpack3A_166 = tpu.unpack_subelements %get3A_165, 0 {pack_format = #tpu.pack_format<interleaved>} : vector<32xbf16> -> vector<16xf32>
        %unpack3A_167 = tpu.unpack_subelements %get3A_165, 1 {pack_format = #tpu.pack_format<interleaved>} : vector<32xbf16> -> vector<16xf32>
        %swap3A_168 = arith.index_cast %scan3A_151 : i32 to index
        %swap3A_169 = arith.constant 32 : index
        %swap3A_170 = tpu.vector_load %arg11[%swap3A_168, %swap3A_169] {strides = array<i32>} : memref<128x64xf32, #tpu.memory_space<vmem>>, vector<16xf32>,
        tpu.vector_store %arg11[%swap3A_168, %swap3A_169], %unpack3A_166 {strides = array<i32>} : memref<128x64xf32, #tpu.memory_space<vmem>>, vector<16xf32>,
        %swap3A_171 = arith.index_cast %scan3A_151 : i32 to index
        %swap3A_172 = arith.constant 48 : index
        %swap3A_173 = tpu.vector_load %arg11[%swap3A_171, %swap3A_172] {strides = array<i32>} : memref<128x64xf32, #tpu.memory_space<vmem>>, vector<16xf32>,
        tpu.vector_store %arg11[%swap3A_171, %swap3A_172], %unpack3A_167 {strides = array<i32>} : memref<128x64xf32, #tpu.memory_space<vmem>>, vector<16xf32>,
        %scan3A_174 = arith.constant 3 : i32
        %scan3A_175 = arith.addi %scan3A_106, %scan3A_174 : i32
        %get3A_176 = arith.index_cast %scan3A_175 : i32 to index
        %get3A_177 = arith.constant 0 : index
        %get3A_178 = tpu.vector_load %arg9[%get3A_176, %get3A_177] {strides = array<i32>} : memref<128x64xbf16, #tpu.memory_space<vmem>>, vector<32xbf16>,
        %unpack3A_179 = tpu.unpack_subelements %get3A_178, 0 {pack_format = #tpu.pack_format<interleaved>} : vector<32xbf16> -> vector<16xf32>
        %unpack3A_180 = tpu.unpack_subelements %get3A_178, 1 {pack_format = #tpu.pack_format<interleaved>} : vector<32xbf16> -> vector<16xf32>
        %swap3A_181 = arith.index_cast %scan3A_175 : i32 to index
        %swap3A_182 = arith.constant 0 : index
        %swap3A_183 = tpu.vector_load %arg11[%swap3A_181, %swap3A_182] {strides = array<i32>} : memref<128x64xf32, #tpu.memory_space<vmem>>, vector<16xf32>,
        tpu.vector_store %arg11[%swap3A_181, %swap3A_182], %unpack3A_179 {strides = array<i32>} : memref<128x64xf32, #tpu.memory_space<vmem>>, vector<16xf32>,
        %swap3A_184 = arith.index_cast %scan3A_175 : i32 to index
        %swap3A_185 = arith.constant 16 : index
        %swap3A_186 = tpu.vector_load %arg11[%swap3A_184, %swap3A_185] {strides = array<i32>} : memref<128x64xf32, #tpu.memory_space<vmem>>, vector<16xf32>,
        tpu.vector_store %arg11[%swap3A_184, %swap3A_185], %unpack3A_180 {strides = array<i32>} : memref<128x64xf32, #tpu.memory_space<vmem>>, vector<16xf32>,
        %get3A_187 = arith.index_cast %scan3A_175 : i32 to index
        %get3A_188 = arith.constant 32 : index
        %get3A_189 = tpu.vector_load %arg9[%get3A_187, %get3A_188] {strides = array<i32>} : memref<128x64xbf16, #tpu.memory_space<vmem>>, vector<32xbf16>,
        %unpack3A_190 = tpu.unpack_subelements %get3A_189, 0 {pack_format = #tpu.pack_format<interleaved>} : vector<32xbf16> -> vector<16xf32>
        %unpack3A_191 = tpu.unpack_subelements %get3A_189, 1 {pack_format = #tpu.pack_format<interleaved>} : vector<32xbf16> -> vector<16xf32>
        %swap3A_192 = arith.index_cast %scan3A_175 : i32 to index
        %swap3A_193 = arith.constant 32 : index
        %swap3A_194 = tpu.vector_load %arg11[%swap3A_192, %swap3A_193] {strides = array<i32>} : memref<128x64xf32, #tpu.memory_space<vmem>>, vector<16xf32>,
        tpu.vector_store %arg11[%swap3A_192, %swap3A_193], %unpack3A_190 {strides = array<i32>} : memref<128x64xf32, #tpu.memory_space<vmem>>, vector<16xf32>,
        %swap3A_195 = arith.index_cast %scan3A_175 : i32 to index
        %swap3A_196 = arith.constant 48 : index
        %swap3A_197 = tpu.vector_load %arg11[%swap3A_195, %swap3A_196] {strides = array<i32>} : memref<128x64xf32, #tpu.memory_space<vmem>>, vector<16xf32>,
        tpu.vector_store %arg11[%swap3A_195, %swap3A_196], %unpack3A_191 {strides = array<i32>} : memref<128x64xf32, #tpu.memory_space<vmem>>, vector<16xf32>,
        %scan3A_198 = arith.constant 4 : i32
        %scan3A_199 = arith.addi %scan3A_106, %scan3A_198 : i32
        %get3A_200 = arith.index_cast %scan3A_199 : i32 to index
        %get3A_201 = arith.constant 0 : index
        %get3A_202 = tpu.vector_load %arg9[%get3A_200, %get3A_201] {strides = array<i32>} : memref<128x64xbf16, #tpu.memory_space<vmem>>, vector<32xbf16>,
        %unpack3A_203 = tpu.unpack_subelements %get3A_202, 0 {pack_format = #tpu.pack_format<interleaved>} : vector<32xbf16> -> vector<16xf32>
        %unpack3A_204 = tpu.unpack_subelements %get3A_202, 1 {pack_format = #tpu.pack_format<interleaved>} : vector<32xbf16> -> vector<16xf32>
        %swap3A_205 = arith.index_cast %scan3A_199 : i32 to index
        %swap3A_206 = arith.constant 0 : index
        %swap3A_207 = tpu.vector_load %arg11[%swap3A_205, %swap3A_206] {strides = array<i32>} : memref<128x64xf32, #tpu.memory_space<vmem>>, vector<16xf32>,
        tpu.vector_store %arg11[%swap3A_205, %swap3A_206], %unpack3A_203 {strides = array<i32>} : memref<128x64xf32, #tpu.memory_space<vmem>>, vector<16xf32>,
        %swap3A_208 = arith.index_cast %scan3A_199 : i32 to index
        %swap3A_209 = arith.constant 16 : index
        %swap3A_210 = tpu.vector_load %arg11[%swap3A_208, %swap3A_209] {strides = array<i32>} : memref<128x64xf32, #tpu.memory_space<vmem>>, vector<16xf32>,
        tpu.vector_store %arg11[%swap3A_208, %swap3A_209], %unpack3A_204 {strides = array<i32>} : memref<128x64xf32, #tpu.memory_space<vmem>>, vector<16xf32>,
        %get3A_211 = arith.index_cast %scan3A_199 : i32 to index
        %get3A_212 = arith.constant 32 : index
        %get3A_213 = tpu.vector_load %arg9[%get3A_211, %get3A_212] {strides = array<i32>} : memref<128x64xbf16, #tpu.memory_space<vmem>>, vector<32xbf16>,
        %unpack3A_214 = tpu.unpack_subelements %get3A_213, 0 {pack_format = #tpu.pack_format<interleaved>} : vector<32xbf16> -> vector<16xf32>
        %unpack3A_215 = tpu.unpack_subelements %get3A_213, 1 {pack_format = #tpu.pack_format<interleaved>} : vector<32xbf16> -> vector<16xf32>
        %swap3A_216 = arith.index_cast %scan3A_199 : i32 to index
        %swap3A_217 = arith.constant 32 : index
        %swap3A_218 = tpu.vector_load %arg11[%swap3A_216, %swap3A_217] {strides = array<i32>} : memref<128x64xf32, #tpu.memory_space<vmem>>, vector<16xf32>,
        tpu.vector_store %arg11[%swap3A_216, %swap3A_217], %unpack3A_214 {strides = array<i32>} : memref<128x64xf32, #tpu.memory_space<vmem>>, vector<16xf32>,
        %swap3A_219 = arith.index_cast %scan3A_199 : i32 to index
        %swap3A_220 = arith.constant 48 : index
        %swap3A_221 = tpu.vector_load %arg11[%swap3A_219, %swap3A_220] {strides = array<i32>} : memref<128x64xf32, #tpu.memory_space<vmem>>, vector<16xf32>,
        tpu.vector_store %arg11[%swap3A_219, %swap3A_220], %unpack3A_215 {strides = array<i32>} : memref<128x64xf32, #tpu.memory_space<vmem>>, vector<16xf32>,
        %scan3A_222 = arith.constant 5 : i32
        %scan3A_223 = arith.addi %scan3A_106, %scan3A_222 : i32
        %get3A_224 = arith.index_cast %scan3A_223 : i32 to index
        %get3A_225 = arith.constant 0 : index
        %get3A_226 = tpu.vector_load %arg9[%get3A_224, %get3A_225] {strides = array<i32>} : memref<128x64xbf16, #tpu.memory_space<vmem>>, vector<32xbf16>,
        %unpack3A_227 = tpu.unpack_subelements %get3A_226, 0 {pack_format = #tpu.pack_format<interleaved>} : vector<32xbf16> -> vector<16xf32>
        %unpack3A_228 = tpu.unpack_subelements %get3A_226, 1 {pack_format = #tpu.pack_format<interleaved>} : vector<32xbf16> -> vector<16xf32>
        %swap3A_229 = arith.index_cast %scan3A_223 : i32 to index
        %swap3A_230 = arith.constant 0 : index
        %swap3A_231 = tpu.vector_load %arg11[%swap3A_229, %swap3A_230] {strides = array<i32>} : memref<128x64xf32, #tpu.memory_space<vmem>>, vector<16xf32>,
        tpu.vector_store %arg11[%swap3A_229, %swap3A_230], %unpack3A_227 {strides = array<i32>} : memref<128x64xf32, #tpu.memory_space<vmem>>, vector<16xf32>,
        %swap3A_232 = arith.index_cast %scan3A_223 : i32 to index
        %swap3A_233 = arith.constant 16 : index
        %swap3A_234 = tpu.vector_load %arg11[%swap3A_232, %swap3A_233] {strides = array<i32>} : memref<128x64xf32, #tpu.memory_space<vmem>>, vector<16xf32>,
        tpu.vector_store %arg11[%swap3A_232, %swap3A_233], %unpack3A_228 {strides = array<i32>} : memref<128x64xf32, #tpu.memory_space<vmem>>, vector<16xf32>,
        %get3A_235 = arith.index_cast %scan3A_223 : i32 to index
        %get3A_236 = arith.constant 32 : index
        %get3A_237 = tpu.vector_load %arg9[%get3A_235, %get3A_236] {strides = array<i32>} : memref<128x64xbf16, #tpu.memory_space<vmem>>, vector<32xbf16>,
        %unpack3A_238 = tpu.unpack_subelements %get3A_237, 0 {pack_format = #tpu.pack_format<interleaved>} : vector<32xbf16> -> vector<16xf32>
        %unpack3A_239 = tpu.unpack_subelements %get3A_237, 1 {pack_format = #tpu.pack_format<interleaved>} : vector<32xbf16> -> vector<16xf32>
        %swap3A_240 = arith.index_cast %scan3A_223 : i32 to index
        %swap3A_241 = arith.constant 32 : index
        %swap3A_242 = tpu.vector_load %arg11[%swap3A_240, %swap3A_241] {strides = array<i32>} : memref<128x64xf32, #tpu.memory_space<vmem>>, vector<16xf32>,
        tpu.vector_store %arg11[%swap3A_240, %swap3A_241], %unpack3A_238 {strides = array<i32>} : memref<128x64xf32, #tpu.memory_space<vmem>>, vector<16xf32>,
        %swap3A_243 = arith.index_cast %scan3A_223 : i32 to index
        %swap3A_244 = arith.constant 48 : index
        %swap3A_245 = tpu.vector_load %arg11[%swap3A_243, %swap3A_244] {strides = array<i32>} : memref<128x64xf32, #tpu.memory_space<vmem>>, vector<16xf32>,
        tpu.vector_store %arg11[%swap3A_243, %swap3A_244], %unpack3A_239 {strides = array<i32>} : memref<128x64xf32, #tpu.memory_space<vmem>>, vector<16xf32>,
        %scan3A_246 = arith.constant 6 : i32
        %scan3A_247 = arith.addi %scan3A_106, %scan3A_246 : i32
        %get3A_248 = arith.index_cast %scan3A_247 : i32 to index
        %get3A_249 = arith.constant 0 : index
        %get3A_250 = tpu.vector_load %arg9[%get3A_248, %get3A_249] {strides = array<i32>} : memref<128x64xbf16, #tpu.memory_space<vmem>>, vector<32xbf16>,
        %unpack3A_251 = tpu.unpack_subelements %get3A_250, 0 {pack_format = #tpu.pack_format<interleaved>} : vector<32xbf16> -> vector<16xf32>
        %unpack3A_252 = tpu.unpack_subelements %get3A_250, 1 {pack_format = #tpu.pack_format<interleaved>} : vector<32xbf16> -> vector<16xf32>
        %swap3A_253 = arith.index_cast %scan3A_247 : i32 to index
        %swap3A_254 = arith.constant 0 : index
        %swap3A_255 = tpu.vector_load %arg11[%swap3A_253, %swap3A_254] {strides = array<i32>} : memref<128x64xf32, #tpu.memory_space<vmem>>, vector<16xf32>,
        tpu.vector_store %arg11[%swap3A_253, %swap3A_254], %unpack3A_251 {strides = array<i32>} : memref<128x64xf32, #tpu.memory_space<vmem>>, vector<16xf32>,
        %swap3A_256 = arith.index_cast %scan3A_247 : i32 to index
        %swap3A_257 = arith.constant 16 : index
        %swap3A_258 = tpu.vector_load %arg11[%swap3A_256, %swap3A_257] {strides = array<i32>} : memref<128x64xf32, #tpu.memory_space<vmem>>, vector<16xf32>,
        tpu.vector_store %arg11[%swap3A_256, %swap3A_257], %unpack3A_252 {strides = array<i32>} : memref<128x64xf32, #tpu.memory_space<vmem>>, vector<16xf32>,
        %get3A_259 = arith.index_cast %scan3A_247 : i32 to index
        %get3A_260 = arith.constant 32 : index
        %get3A_261 = tpu.vector_load %arg9[%get3A_259, %get3A_260] {strides = array<i32>} : memref<128x64xbf16, #tpu.memory_space<vmem>>, vector<32xbf16>,
        %unpack3A_262 = tpu.unpack_subelements %get3A_261, 0 {pack_format = #tpu.pack_format<interleaved>} : vector<32xbf16> -> vector<16xf32>
        %unpack3A_263 = tpu.unpack_subelements %get3A_261, 1 {pack_format = #tpu.pack_format<interleaved>} : vector<32xbf16> -> vector<16xf32>
        %swap3A_264 = arith.index_cast %scan3A_247 : i32 to index
        %swap3A_265 = arith.constant 32 : index
        %swap3A_266 = tpu.vector_load %arg11[%swap3A_264, %swap3A_265] {strides = array<i32>} : memref<128x64xf32, #tpu.memory_space<vmem>>, vector<16xf32>,
        tpu.vector_store %arg11[%swap3A_264, %swap3A_265], %unpack3A_262 {strides = array<i32>} : memref<128x64xf32, #tpu.memory_space<vmem>>, vector<16xf32>,
        %swap3A_267 = arith.index_cast %scan3A_247 : i32 to index
        %swap3A_268 = arith.constant 48 : index
        %swap3A_269 = tpu.vector_load %arg11[%swap3A_267, %swap3A_268] {strides = array<i32>} : memref<128x64xf32, #tpu.memory_space<vmem>>, vector<16xf32>,
        tpu.vector_store %arg11[%swap3A_267, %swap3A_268], %unpack3A_263 {strides = array<i32>} : memref<128x64xf32, #tpu.memory_space<vmem>>, vector<16xf32>,
        %scan3A_270 = arith.constant 7 : i32
        %scan3A_271 = arith.addi %scan3A_106, %scan3A_270 : i32
        %get3A_272 = arith.index_cast %scan3A_271 : i32 to index
        %get3A_273 = arith.constant 0 : index
        %get3A_274 = tpu.vector_load %arg9[%get3A_272, %get3A_273] {strides = array<i32>} : memref<128x64xbf16, #tpu.memory_space<vmem>>, vector<32xbf16>,
        %unpack3A_275 = tpu.unpack_subelements %get3A_274, 0 {pack_format = #tpu.pack_format<interleaved>} : vector<32xbf16> -> vector<16xf32>
        %unpack3A_276 = tpu.unpack_subelements %get3A_274, 1 {pack_format = #tpu.pack_format<interleaved>} : vector<32xbf16> -> vector<16xf32>
        %swap3A_277 = arith.index_cast %scan3A_271 : i32 to index
        %swap3A_278 = arith.constant 0 : index
        %swap3A_279 = tpu.vector_load %arg11[%swap3A_277, %swap3A_278] {strides = array<i32>} : memref<128x64xf32, #tpu.memory_space<vmem>>, vector<16xf32>,
        tpu.vector_store %arg11[%swap3A_277, %swap3A_278], %unpack3A_275 {strides = array<i32>} : memref<128x64xf32, #tpu.memory_space<vmem>>, vector<16xf32>,
        %swap3A_280 = arith.index_cast %scan3A_271 : i32 to index
        %swap3A_281 = arith.constant 16 : index
        %swap3A_282 = tpu.vector_load %arg11[%swap3A_280, %swap3A_281] {strides = array<i32>} : memref<128x64xf32, #tpu.memory_space<vmem>>, vector<16xf32>,
        tpu.vector_store %arg11[%swap3A_280, %swap3A_281], %unpack3A_276 {strides = array<i32>} : memref<128x64xf32, #tpu.memory_space<vmem>>, vector<16xf32>,
        %get3A_283 = arith.index_cast %scan3A_271 : i32 to index
        %get3A_284 = arith.constant 32 : index
        %get3A_285 = tpu.vector_load %arg9[%get3A_283, %get3A_284] {strides = array<i32>} : memref<128x64xbf16, #tpu.memory_space<vmem>>, vector<32xbf16>,
        %unpack3A_286 = tpu.unpack_subelements %get3A_285, 0 {pack_format = #tpu.pack_format<interleaved>} : vector<32xbf16> -> vector<16xf32>
        %unpack3A_287 = tpu.unpack_subelements %get3A_285, 1 {pack_format = #tpu.pack_format<interleaved>} : vector<32xbf16> -> vector<16xf32>
        %swap3A_288 = arith.index_cast %scan3A_271 : i32 to index
        %swap3A_289 = arith.constant 32 : index
        %swap3A_290 = tpu.vector_load %arg11[%swap3A_288, %swap3A_289] {strides = array<i32>} : memref<128x64xf32, #tpu.memory_space<vmem>>, vector<16xf32>,
        tpu.vector_store %arg11[%swap3A_288, %swap3A_289], %unpack3A_286 {strides = array<i32>} : memref<128x64xf32, #tpu.memory_space<vmem>>, vector<16xf32>,
        %swap3A_291 = arith.index_cast %scan3A_271 : i32 to index
        %swap3A_292 = arith.constant 48 : index
        %swap3A_293 = tpu.vector_load %arg11[%swap3A_291, %swap3A_292] {strides = array<i32>} : memref<128x64xf32, #tpu.memory_space<vmem>>, vector<16xf32>,
        tpu.vector_store %arg11[%swap3A_291, %swap3A_292], %unpack3A_287 {strides = array<i32>} : memref<128x64xf32, #tpu.memory_space<vmem>>, vector<16xf32>,
      }
      %scan3A_61 = arith.constant 128 : i32
      %add3A_62 = arith.constant 2 : i32
      %add3A_63 = arith.addi %mul3A_47, %add3A_62 : i32
      %lt3A = arith.constant 158 : i32
      %lt3A_64 = arith.cmpi slt, %add3A_63, %lt3A : i32
      %convert_element_type3A_65 = arith.extui %lt3A_64 : i1 to i32
      %cond3A_66 = arith.constant 0 : i32
      %cond3A_67 = arith.cmpi ne, %convert_element_type3A_65, %cond3A_66 : i32
      scf.if %cond3A_67 {
        %add3A_106 = arith.constant 2 : i32
        %add3A_107 = arith.addi %mul3A_47, %add3A_106 : i32
        %dma_start3A_108 = arith.constant 0 : i32
        %dma_start3A_109 = tpu.memref_slice %arg7[%add3A_107, %dma_start3A_108] : memref<158x128xi32, #tpu.memory_space<vmem>> -> memref<1x128xi32, #tpu.memory_space<vmem>>
        %dma_start3A_110 = tpu.memref_squeeze %dma_start3A_109 : memref<1x128xi32, #tpu.memory_space<vmem>> -> memref<128xi32, #tpu.memory_space<vmem>>
        %dma_start3A_111 = arith.constant 0 : i32
        %dma_start3A_112 = arith.constant 0 : i32
        %dma_start3A_113 = tpu.memref_slice %arg13[%dma_start3A_111, %dma_start3A_112] : memref<10240x64xbf16, #tpu.memory_space<vmem_shared>> -> memref<10240x64xbf16, #tpu.memory_space<vmem_shared>>
        tpu.enqueue_indirect_dma source(%dma_start3A_113 : memref<10240x64xbf16, #tpu.memory_space<vmem_shared>>) target(%arg9 : memref<128x64xbf16, #tpu.memory_space<vmem>>) offsets(%dma_start3A_110 : memref<128xi32, #tpu.memory_space<vmem>>) semaphore(%arg15 : memref<!tpu.dma_semaphore, #tpu.memory_space<semaphore_mem>>)
      } else {
      }
      %dma_start3A_68 = arith.constant 0 : i32
      %dma_start3A_69 = tpu.memref_slice %arg8[%mul3A_47, %dma_start3A_68] : memref<158x128xi32, #tpu.memory_space<vmem>> -> memref<1x128xi32, #tpu.memory_space<vmem>>
      %dma_start3A_70 = tpu.memref_squeeze %dma_start3A_69 : memref<1x128xi32, #tpu.memory_space<vmem>> -> memref<128xi32, #tpu.memory_space<vmem>>
      %dma_start3A_71 = arith.constant 0 : i32
      %dma_start3A_72 = arith.constant 0 : i32
      %dma_start3A_73 = tpu.memref_slice %arg14[%dma_start3A_71, %dma_start3A_72] : memref<10240x64xf32, #tpu.memory_space<vmem_shared>> -> memref<10240x64xf32, #tpu.memory_space<vmem_shared>>
      tpu.enqueue_indirect_dma source(%arg11 : memref<128x64xf32, #tpu.memory_space<vmem>>) target(%dma_start3A_73 : memref<10240x64xf32, #tpu.memory_space<vmem_shared>>) offsets(%dma_start3A_70 : memref<128xi32, #tpu.memory_space<vmem>>) semaphore(%arg17 : memref<!tpu.dma_semaphore, #tpu.memory_space<semaphore_mem>>) {add = true}
      %add3A_74 = arith.constant 1 : i32
      %add3A_75 = arith.addi %mul3A_47, %add3A_74 : i32
      %dma_wait3A_76 = arith.constant 0 : i32
      %dma_wait3A_77 = tpu.memref_slice %arg7[%add3A_75, %dma_wait3A_76] : memref<158x128xi32, #tpu.memory_space<vmem>> -> memref<1x128xi32, #tpu.memory_space<vmem>>
      %dma_wait3A_78 = tpu.memref_squeeze %dma_wait3A_77 : memref<1x128xi32, #tpu.memory_space<vmem>> -> memref<128xi32, #tpu.memory_space<vmem>>
      %dma_wait3A_79 = arith.constant 0 : i32
      %dma_wait3A_80 = arith.constant 0 : i32
      %dma_wait3A_81 = tpu.memref_slice %arg13[%dma_wait3A_79, %dma_wait3A_80] : memref<10240x64xbf16, #tpu.memory_space<vmem_shared>> -> memref<10240x64xbf16, #tpu.memory_space<vmem_shared>>
      tpu.wait_indirect_dma semaphore(%arg16 : memref<!tpu.dma_semaphore, #tpu.memory_space<semaphore_mem>>) src(%dma_wait3A_81 : memref<10240x64xbf16, #tpu.memory_space<vmem_shared>>) dst(%arg10 : memref<128x64xbf16, #tpu.memory_space<vmem>>)
      %ge3A_82 = arith.constant 2 : i32
      %ge3A_83 = arith.cmpi sge, %add3A_75, %ge3A_82 : i32
      %convert_element_type3A_84 = arith.extui %ge3A_83 : i1 to i32
      %cond3A_85 = arith.constant 0 : i32
      %cond3A_86 = arith.cmpi ne, %convert_element_type3A_84, %cond3A_85 : i32
      scf.if %cond3A_86 {
        %sub3A = arith.constant 2 : i32
        %sub3A_106 = arith.subi %add3A_75, %sub3A : i32
        %dma_wait3A_107 = arith.constant 0 : i32
        %dma_wait3A_108 = tpu.memref_slice %arg8[%sub3A_106, %dma_wait3A_107] : memref<158x128xi32, #tpu.memory_space<vmem>> -> memref<1x128xi32, #tpu.memory_space<vmem>>
        %dma_wait3A_109 = tpu.memref_squeeze %dma_wait3A_108 : memref<1x128xi32, #tpu.memory_space<vmem>> -> memref<128xi32, #tpu.memory_space<vmem>>
        %dma_wait3A_110 = arith.constant 0 : i32
        %dma_wait3A_111 = arith.constant 0 : i32
        %dma_wait3A_112 = tpu.memref_slice %arg14[%dma_wait3A_110, %dma_wait3A_111] : memref<10240x64xf32, #tpu.memory_space<vmem_shared>> -> memref<10240x64xf32, #tpu.memory_space<vmem_shared>>
        tpu.wait_indirect_dma semaphore(%arg18 : memref<!tpu.dma_semaphore, #tpu.memory_space<semaphore_mem>>) src(%arg12 : memref<128x64xf32, #tpu.memory_space<vmem>>) dst(%dma_wait3A_112 : memref<10240x64xf32, #tpu.memory_space<vmem_shared>>)
      } else {
      }
      %scan3A_87 = arith.constant 0 : i32
      %scan3A_88 = arith.constant 0 : i32
      %scan3A_89 = arith.constant 128 : i32
      %scan3A_90 = arith.addi %scan3A_88, %scan3A_89 : i32
      %scan3A_91 = arith.constant 8 : i32
      scf.for %scan3A_106 = %scan3A_88 to %scan3A_90 step %scan3A_91  : i32 {
        %get3A = arith.index_cast %scan3A_106 : i32 to index
        %get3A_107 = arith.constant 0 : index
        %get3A_108 = tpu.vector_load %arg10[%get3A, %get3A_107] {strides = array<i32>} : memref<128x64xbf16, #tpu.memory_space<vmem>>, vector<32xbf16>,
        %unpack3A = tpu.unpack_subelements %get3A_108, 0 {pack_format = #tpu.pack_format<interleaved>} : vector<32xbf16> -> vector<16xf32>
        %unpack3A_109 = tpu.unpack_subelements %get3A_108, 1 {pack_format = #tpu.pack_format<interleaved>} : vector<32xbf16> -> vector<16xf32>
        %swap3A = arith.index_cast %scan3A_106 : i32 to index
        %swap3A_110 = arith.constant 0 : index
        %swap3A_111 = tpu.vector_load %arg12[%swap3A, %swap3A_110] {strides = array<i32>} : memref<128x64xf32, #tpu.memory_space<vmem>>, vector<16xf32>,
        tpu.vector_store %arg12[%swap3A, %swap3A_110], %unpack3A {strides = array<i32>} : memref<128x64xf32, #tpu.memory_space<vmem>>, vector<16xf32>,
        %swap3A_112 = arith.index_cast %scan3A_106 : i32 to index
        %swap3A_113 = arith.constant 16 : index
        %swap3A_114 = tpu.vector_load %arg12[%swap3A_112, %swap3A_113] {strides = array<i32>} : memref<128x64xf32, #tpu.memory_space<vmem>>, vector<16xf32>,
        tpu.vector_store %arg12[%swap3A_112, %swap3A_113], %unpack3A_109 {strides = array<i32>} : memref<128x64xf32, #tpu.memory_space<vmem>>, vector<16xf32>,
        %get3A_115 = arith.index_cast %scan3A_106 : i32 to index
        %get3A_116 = arith.constant 32 : index
        %get3A_117 = tpu.vector_load %arg10[%get3A_115, %get3A_116] {strides = array<i32>} : memref<128x64xbf16, #tpu.memory_space<vmem>>, vector<32xbf16>,
        %unpack3A_118 = tpu.unpack_subelements %get3A_117, 0 {pack_format = #tpu.pack_format<interleaved>} : vector<32xbf16> -> vector<16xf32>
        %unpack3A_119 = tpu.unpack_subelements %get3A_117, 1 {pack_format = #tpu.pack_format<interleaved>} : vector<32xbf16> -> vector<16xf32>
        %swap3A_120 = arith.index_cast %scan3A_106 : i32 to index
        %swap3A_121 = arith.constant 32 : index
        %swap3A_122 = tpu.vector_load %arg12[%swap3A_120, %swap3A_121] {strides = array<i32>} : memref<128x64xf32, #tpu.memory_space<vmem>>, vector<16xf32>,
        tpu.vector_store %arg12[%swap3A_120, %swap3A_121], %unpack3A_118 {strides = array<i32>} : memref<128x64xf32, #tpu.memory_space<vmem>>, vector<16xf32>,
        %swap3A_123 = arith.index_cast %scan3A_106 : i32 to index
        %swap3A_124 = arith.constant 48 : index
        %swap3A_125 = tpu.vector_load %arg12[%swap3A_123, %swap3A_124] {strides = array<i32>} : memref<128x64xf32, #tpu.memory_space<vmem>>, vector<16xf32>,
        tpu.vector_store %arg12[%swap3A_123, %swap3A_124], %unpack3A_119 {strides = array<i32>} : memref<128x64xf32, #tpu.memory_space<vmem>>, vector<16xf32>,
        %scan3A_126 = arith.constant 1 : i32
        %scan3A_127 = arith.addi %scan3A_106, %scan3A_126 : i32
        %get3A_128 = arith.index_cast %scan3A_127 : i32 to index
        %get3A_129 = arith.constant 0 : index
        %get3A_130 = tpu.vector_load %arg10[%get3A_128, %get3A_129] {strides = array<i32>} : memref<128x64xbf16, #tpu.memory_space<vmem>>, vector<32xbf16>,
        %unpack3A_131 = tpu.unpack_subelements %get3A_130, 0 {pack_format = #tpu.pack_format<interleaved>} : vector<32xbf16> -> vector<16xf32>
        %unpack3A_132 = tpu.unpack_subelements %get3A_130, 1 {pack_format = #tpu.pack_format<interleaved>} : vector<32xbf16> -> vector<16xf32>
        %swap3A_133 = arith.index_cast %scan3A_127 : i32 to index
        %swap3A_134 = arith.constant 0 : index
        %swap3A_135 = tpu.vector_load %arg12[%swap3A_133, %swap3A_134] {strides = array<i32>} : memref<128x64xf32, #tpu.memory_space<vmem>>, vector<16xf32>,
        tpu.vector_store %arg12[%swap3A_133, %swap3A_134], %unpack3A_131 {strides = array<i32>} : memref<128x64xf32, #tpu.memory_space<vmem>>, vector<16xf32>,
        %swap3A_136 = arith.index_cast %scan3A_127 : i32 to index
        %swap3A_137 = arith.constant 16 : index
        %swap3A_138 = tpu.vector_load %arg12[%swap3A_136, %swap3A_137] {strides = array<i32>} : memref<128x64xf32, #tpu.memory_space<vmem>>, vector<16xf32>,
        tpu.vector_store %arg12[%swap3A_136, %swap3A_137], %unpack3A_132 {strides = array<i32>} : memref<128x64xf32, #tpu.memory_space<vmem>>, vector<16xf32>,
        %get3A_139 = arith.index_cast %scan3A_127 : i32 to index
        %get3A_140 = arith.constant 32 : index
        %get3A_141 = tpu.vector_load %arg10[%get3A_139, %get3A_140] {strides = array<i32>} : memref<128x64xbf16, #tpu.memory_space<vmem>>, vector<32xbf16>,
        %unpack3A_142 = tpu.unpack_subelements %get3A_141, 0 {pack_format = #tpu.pack_format<interleaved>} : vector<32xbf16> -> vector<16xf32>
        %unpack3A_143 = tpu.unpack_subelements %get3A_141, 1 {pack_format = #tpu.pack_format<interleaved>} : vector<32xbf16> -> vector<16xf32>
        %swap3A_144 = arith.index_cast %scan3A_127 : i32 to index
        %swap3A_145 = arith.constant 32 : index
        %swap3A_146 = tpu.vector_load %arg12[%swap3A_144, %swap3A_145] {strides = array<i32>} : memref<128x64xf32, #tpu.memory_space<vmem>>, vector<16xf32>,
        tpu.vector_store %arg12[%swap3A_144, %swap3A_145], %unpack3A_142 {strides = array<i32>} : memref<128x64xf32, #tpu.memory_space<vmem>>, vector<16xf32>,
        %swap3A_147 = arith.index_cast %scan3A_127 : i32 to index
        %swap3A_148 = arith.constant 48 : index
        %swap3A_149 = tpu.vector_load %arg12[%swap3A_147, %swap3A_148] {strides = array<i32>} : memref<128x64xf32, #tpu.memory_space<vmem>>, vector<16xf32>,
        tpu.vector_store %arg12[%swap3A_147, %swap3A_148], %unpack3A_143 {strides = array<i32>} : memref<128x64xf32, #tpu.memory_space<vmem>>, vector<16xf32>,
        %scan3A_150 = arith.constant 2 : i32
        %scan3A_151 = arith.addi %scan3A_106, %scan3A_150 : i32
        %get3A_152 = arith.index_cast %scan3A_151 : i32 to index
        %get3A_153 = arith.constant 0 : index
        %get3A_154 = tpu.vector_load %arg10[%get3A_152, %get3A_153] {strides = array<i32>} : memref<128x64xbf16, #tpu.memory_space<vmem>>, vector<32xbf16>,
        %unpack3A_155 = tpu.unpack_subelements %get3A_154, 0 {pack_format = #tpu.pack_format<interleaved>} : vector<32xbf16> -> vector<16xf32>
        %unpack3A_156 = tpu.unpack_subelements %get3A_154, 1 {pack_format = #tpu.pack_format<interleaved>} : vector<32xbf16> -> vector<16xf32>
        %swap3A_157 = arith.index_cast %scan3A_151 : i32 to index
        %swap3A_158 = arith.constant 0 : index
        %swap3A_159 = tpu.vector_load %arg12[%swap3A_157, %swap3A_158] {strides = array<i32>} : memref<128x64xf32, #tpu.memory_space<vmem>>, vector<16xf32>,
        tpu.vector_store %arg12[%swap3A_157, %swap3A_158], %unpack3A_155 {strides = array<i32>} : memref<128x64xf32, #tpu.memory_space<vmem>>, vector<16xf32>,
        %swap3A_160 = arith.index_cast %scan3A_151 : i32 to index
        %swap3A_161 = arith.constant 16 : index
        %swap3A_162 = tpu.vector_load %arg12[%swap3A_160, %swap3A_161] {strides = array<i32>} : memref<128x64xf32, #tpu.memory_space<vmem>>, vector<16xf32>,
        tpu.vector_store %arg12[%swap3A_160, %swap3A_161], %unpack3A_156 {strides = array<i32>} : memref<128x64xf32, #tpu.memory_space<vmem>>, vector<16xf32>,
        %get3A_163 = arith.index_cast %scan3A_151 : i32 to index
        %get3A_164 = arith.constant 32 : index
        %get3A_165 = tpu.vector_load %arg10[%get3A_163, %get3A_164] {strides = array<i32>} : memref<128x64xbf16, #tpu.memory_space<vmem>>, vector<32xbf16>,
        %unpack3A_166 = tpu.unpack_subelements %get3A_165, 0 {pack_format = #tpu.pack_format<interleaved>} : vector<32xbf16> -> vector<16xf32>
        %unpack3A_167 = tpu.unpack_subelements %get3A_165, 1 {pack_format = #tpu.pack_format<interleaved>} : vector<32xbf16> -> vector<16xf32>
        %swap3A_168 = arith.index_cast %scan3A_151 : i32 to index
        %swap3A_169 = arith.constant 32 : index
        %swap3A_170 = tpu.vector_load %arg12[%swap3A_168, %swap3A_169] {strides = array<i32>} : memref<128x64xf32, #tpu.memory_space<vmem>>, vector<16xf32>,
        tpu.vector_store %arg12[%swap3A_168, %swap3A_169], %unpack3A_166 {strides = array<i32>} : memref<128x64xf32, #tpu.memory_space<vmem>>, vector<16xf32>,
        %swap3A_171 = arith.index_cast %scan3A_151 : i32 to index
        %swap3A_172 = arith.constant 48 : index
        %swap3A_173 = tpu.vector_load %arg12[%swap3A_171, %swap3A_172] {strides = array<i32>} : memref<128x64xf32, #tpu.memory_space<vmem>>, vector<16xf32>,
        tpu.vector_store %arg12[%swap3A_171, %swap3A_172], %unpack3A_167 {strides = array<i32>} : memref<128x64xf32, #tpu.memory_space<vmem>>, vector<16xf32>,
        %scan3A_174 = arith.constant 3 : i32
        %scan3A_175 = arith.addi %scan3A_106, %scan3A_174 : i32
        %get3A_176 = arith.index_cast %scan3A_175 : i32 to index
        %get3A_177 = arith.constant 0 : index
        %get3A_178 = tpu.vector_load %arg10[%get3A_176, %get3A_177] {strides = array<i32>} : memref<128x64xbf16, #tpu.memory_space<vmem>>, vector<32xbf16>,
        %unpack3A_179 = tpu.unpack_subelements %get3A_178, 0 {pack_format = #tpu.pack_format<interleaved>} : vector<32xbf16> -> vector<16xf32>
        %unpack3A_180 = tpu.unpack_subelements %get3A_178, 1 {pack_format = #tpu.pack_format<interleaved>} : vector<32xbf16> -> vector<16xf32>
        %swap3A_181 = arith.index_cast %scan3A_175 : i32 to index
        %swap3A_182 = arith.constant 0 : index
        %swap3A_183 = tpu.vector_load %arg12[%swap3A_181, %swap3A_182] {strides = array<i32>} : memref<128x64xf32, #tpu.memory_space<vmem>>, vector<16xf32>,
        tpu.vector_store %arg12[%swap3A_181, %swap3A_182], %unpack3A_179 {strides = array<i32>} : memref<128x64xf32, #tpu.memory_space<vmem>>, vector<16xf32>,
        %swap3A_184 = arith.index_cast %scan3A_175 : i32 to index
        %swap3A_185 = arith.constant 16 : index
        %swap3A_186 = tpu.vector_load %arg12[%swap3A_184, %swap3A_185] {strides = array<i32>} : memref<128x64xf32, #tpu.memory_space<vmem>>, vector<16xf32>,
        tpu.vector_store %arg12[%swap3A_184, %swap3A_185], %unpack3A_180 {strides = array<i32>} : memref<128x64xf32, #tpu.memory_space<vmem>>, vector<16xf32>,
        %get3A_187 = arith.index_cast %scan3A_175 : i32 to index
        %get3A_188 = arith.constant 32 : index
        %get3A_189 = tpu.vector_load %arg10[%get3A_187, %get3A_188] {strides = array<i32>} : memref<128x64xbf16, #tpu.memory_space<vmem>>, vector<32xbf16>,
        %unpack3A_190 = tpu.unpack_subelements %get3A_189, 0 {pack_format = #tpu.pack_format<interleaved>} : vector<32xbf16> -> vector<16xf32>
        %unpack3A_191 = tpu.unpack_subelements %get3A_189, 1 {pack_format = #tpu.pack_format<interleaved>} : vector<32xbf16> -> vector<16xf32>
        %swap3A_192 = arith.index_cast %scan3A_175 : i32 to index
        %swap3A_193 = arith.constant 32 : index
        %swap3A_194 = tpu.vector_load %arg12[%swap3A_192, %swap3A_193] {strides = array<i32>} : memref<128x64xf32, #tpu.memory_space<vmem>>, vector<16xf32>,
        tpu.vector_store %arg12[%swap3A_192, %swap3A_193], %unpack3A_190 {strides = array<i32>} : memref<128x64xf32, #tpu.memory_space<vmem>>, vector<16xf32>,
        %swap3A_195 = arith.index_cast %scan3A_175 : i32 to index
        %swap3A_196 = arith.constant 48 : index
        %swap3A_197 = tpu.vector_load %arg12[%swap3A_195, %swap3A_196] {strides = array<i32>} : memref<128x64xf32, #tpu.memory_space<vmem>>, vector<16xf32>,
        tpu.vector_store %arg12[%swap3A_195, %swap3A_196], %unpack3A_191 {strides = array<i32>} : memref<128x64xf32, #tpu.memory_space<vmem>>, vector<16xf32>,
        %scan3A_198 = arith.constant 4 : i32
        %scan3A_199 = arith.addi %scan3A_106, %scan3A_198 : i32
        %get3A_200 = arith.index_cast %scan3A_199 : i32 to index
        %get3A_201 = arith.constant 0 : index
        %get3A_202 = tpu.vector_load %arg10[%get3A_200, %get3A_201] {strides = array<i32>} : memref<128x64xbf16, #tpu.memory_space<vmem>>, vector<32xbf16>,
        %unpack3A_203 = tpu.unpack_subelements %get3A_202, 0 {pack_format = #tpu.pack_format<interleaved>} : vector<32xbf16> -> vector<16xf32>
        %unpack3A_204 = tpu.unpack_subelements %get3A_202, 1 {pack_format = #tpu.pack_format<interleaved>} : vector<32xbf16> -> vector<16xf32>
        %swap3A_205 = arith.index_cast %scan3A_199 : i32 to index
        %swap3A_206 = arith.constant 0 : index
        %swap3A_207 = tpu.vector_load %arg12[%swap3A_205, %swap3A_206] {strides = array<i32>} : memref<128x64xf32, #tpu.memory_space<vmem>>, vector<16xf32>,
        tpu.vector_store %arg12[%swap3A_205, %swap3A_206], %unpack3A_203 {strides = array<i32>} : memref<128x64xf32, #tpu.memory_space<vmem>>, vector<16xf32>,
        %swap3A_208 = arith.index_cast %scan3A_199 : i32 to index
        %swap3A_209 = arith.constant 16 : index
        %swap3A_210 = tpu.vector_load %arg12[%swap3A_208, %swap3A_209] {strides = array<i32>} : memref<128x64xf32, #tpu.memory_space<vmem>>, vector<16xf32>,
        tpu.vector_store %arg12[%swap3A_208, %swap3A_209], %unpack3A_204 {strides = array<i32>} : memref<128x64xf32, #tpu.memory_space<vmem>>, vector<16xf32>,
        %get3A_211 = arith.index_cast %scan3A_199 : i32 to index
        %get3A_212 = arith.constant 32 : index
        %get3A_213 = tpu.vector_load %arg10[%get3A_211, %get3A_212] {strides = array<i32>} : memref<128x64xbf16, #tpu.memory_space<vmem>>, vector<32xbf16>,
        %unpack3A_214 = tpu.unpack_subelements %get3A_213, 0 {pack_format = #tpu.pack_format<interleaved>} : vector<32xbf16> -> vector<16xf32>
        %unpack3A_215 = tpu.unpack_subelements %get3A_213, 1 {pack_format = #tpu.pack_format<interleaved>} : vector<32xbf16> -> vector<16xf32>
        %swap3A_216 = arith.index_cast %scan3A_199 : i32 to index
        %swap3A_217 = arith.constant 32 : index
        %swap3A_218 = tpu.vector_load %arg12[%swap3A_216, %swap3A_217] {strides = array<i32>} : memref<128x64xf32, #tpu.memory_space<vmem>>, vector<16xf32>,
        tpu.vector_store %arg12[%swap3A_216, %swap3A_217], %unpack3A_214 {strides = array<i32>} : memref<128x64xf32, #tpu.memory_space<vmem>>, vector<16xf32>,
        %swap3A_219 = arith.index_cast %scan3A_199 : i32 to index
        %swap3A_220 = arith.constant 48 : index
        %swap3A_221 = tpu.vector_load %arg12[%swap3A_219, %swap3A_220] {strides = array<i32>} : memref<128x64xf32, #tpu.memory_space<vmem>>, vector<16xf32>,
        tpu.vector_store %arg12[%swap3A_219, %swap3A_220], %unpack3A_215 {strides = array<i32>} : memref<128x64xf32, #tpu.memory_space<vmem>>, vector<16xf32>,
        %scan3A_222 = arith.constant 5 : i32
        %scan3A_223 = arith.addi %scan3A_106, %scan3A_222 : i32
        %get3A_224 = arith.index_cast %scan3A_223 : i32 to index
        %get3A_225 = arith.constant 0 : index
        %get3A_226 = tpu.vector_load %arg10[%get3A_224, %get3A_225] {strides = array<i32>} : memref<128x64xbf16, #tpu.memory_space<vmem>>, vector<32xbf16>,
        %unpack3A_227 = tpu.unpack_subelements %get3A_226, 0 {pack_format = #tpu.pack_format<interleaved>} : vector<32xbf16> -> vector<16xf32>
        %unpack3A_228 = tpu.unpack_subelements %get3A_226, 1 {pack_format = #tpu.pack_format<interleaved>} : vector<32xbf16> -> vector<16xf32>
        %swap3A_229 = arith.index_cast %scan3A_223 : i32 to index
        %swap3A_230 = arith.constant 0 : index
        %swap3A_231 = tpu.vector_load %arg12[%swap3A_229, %swap3A_230] {strides = array<i32>} : memref<128x64xf32, #tpu.memory_space<vmem>>, vector<16xf32>,
        tpu.vector_store %arg12[%swap3A_229, %swap3A_230], %unpack3A_227 {strides = array<i32>} : memref<128x64xf32, #tpu.memory_space<vmem>>, vector<16xf32>,
        %swap3A_232 = arith.index_cast %scan3A_223 : i32 to index
        %swap3A_233 = arith.constant 16 : index
        %swap3A_234 = tpu.vector_load %arg12[%swap3A_232, %swap3A_233] {strides = array<i32>} : memref<128x64xf32, #tpu.memory_space<vmem>>, vector<16xf32>,
        tpu.vector_store %arg12[%swap3A_232, %swap3A_233], %unpack3A_228 {strides = array<i32>} : memref<128x64xf32, #tpu.memory_space<vmem>>, vector<16xf32>,
        %get3A_235 = arith.index_cast %scan3A_223 : i32 to index
        %get3A_236 = arith.constant 32 : index
        %get3A_237 = tpu.vector_load %arg10[%get3A_235, %get3A_236] {strides = array<i32>} : memref<128x64xbf16, #tpu.memory_space<vmem>>, vector<32xbf16>,
        %unpack3A_238 = tpu.unpack_subelements %get3A_237, 0 {pack_format = #tpu.pack_format<interleaved>} : vector<32xbf16> -> vector<16xf32>
        %unpack3A_239 = tpu.unpack_subelements %get3A_237, 1 {pack_format = #tpu.pack_format<interleaved>} : vector<32xbf16> -> vector<16xf32>
        %swap3A_240 = arith.index_cast %scan3A_223 : i32 to index
        %swap3A_241 = arith.constant 32 : index
        %swap3A_242 = tpu.vector_load %arg12[%swap3A_240, %swap3A_241] {strides = array<i32>} : memref<128x64xf32, #tpu.memory_space<vmem>>, vector<16xf32>,
        tpu.vector_store %arg12[%swap3A_240, %swap3A_241], %unpack3A_238 {strides = array<i32>} : memref<128x64xf32, #tpu.memory_space<vmem>>, vector<16xf32>,
        %swap3A_243 = arith.index_cast %scan3A_223 : i32 to index
        %swap3A_244 = arith.constant 48 : index
        %swap3A_245 = tpu.vector_load %arg12[%swap3A_243, %swap3A_244] {strides = array<i32>} : memref<128x64xf32, #tpu.memory_space<vmem>>, vector<16xf32>,
        tpu.vector_store %arg12[%swap3A_243, %swap3A_244], %unpack3A_239 {strides = array<i32>} : memref<128x64xf32, #tpu.memory_space<vmem>>, vector<16xf32>,
        %scan3A_246 = arith.constant 6 : i32
        %scan3A_247 = arith.addi %scan3A_106, %scan3A_246 : i32
        %get3A_248 = arith.index_cast %scan3A_247 : i32 to index
        %get3A_249 = arith.constant 0 : index
        %get3A_250 = tpu.vector_load %arg10[%get3A_248, %get3A_249] {strides = array<i32>} : memref<128x64xbf16, #tpu.memory_space<vmem>>, vector<32xbf16>,
        %unpack3A_251 = tpu.unpack_subelements %get3A_250, 0 {pack_format = #tpu.pack_format<interleaved>} : vector<32xbf16> -> vector<16xf32>
        %unpack3A_252 = tpu.unpack_subelements %get3A_250, 1 {pack_format = #tpu.pack_format<interleaved>} : vector<32xbf16> -> vector<16xf32>
        %swap3A_253 = arith.index_cast %scan3A_247 : i32 to index
        %swap3A_254 = arith.constant 0 : index
        %swap3A_255 = tpu.vector_load %arg12[%swap3A_253, %swap3A_254] {strides = array<i32>} : memref<128x64xf32, #tpu.memory_space<vmem>>, vector<16xf32>,
        tpu.vector_store %arg12[%swap3A_253, %swap3A_254], %unpack3A_251 {strides = array<i32>} : memref<128x64xf32, #tpu.memory_space<vmem>>, vector<16xf32>,
        %swap3A_256 = arith.index_cast %scan3A_247 : i32 to index
        %swap3A_257 = arith.constant 16 : index
        %swap3A_258 = tpu.vector_load %arg12[%swap3A_256, %swap3A_257] {strides = array<i32>} : memref<128x64xf32, #tpu.memory_space<vmem>>, vector<16xf32>,
        tpu.vector_store %arg12[%swap3A_256, %swap3A_257], %unpack3A_252 {strides = array<i32>} : memref<128x64xf32, #tpu.memory_space<vmem>>, vector<16xf32>,
        %get3A_259 = arith.index_cast %scan3A_247 : i32 to index
        %get3A_260 = arith.constant 32 : index
        %get3A_261 = tpu.vector_load %arg10[%get3A_259, %get3A_260] {strides = array<i32>} : memref<128x64xbf16, #tpu.memory_space<vmem>>, vector<32xbf16>,
        %unpack3A_262 = tpu.unpack_subelements %get3A_261, 0 {pack_format = #tpu.pack_format<interleaved>} : vector<32xbf16> -> vector<16xf32>
        %unpack3A_263 = tpu.unpack_subelements %get3A_261, 1 {pack_format = #tpu.pack_format<interleaved>} : vector<32xbf16> -> vector<16xf32>
        %swap3A_264 = arith.index_cast %scan3A_247 : i32 to index
        %swap3A_265 = arith.constant 32 : index
        %swap3A_266 = tpu.vector_load %arg12[%swap3A_264, %swap3A_265] {strides = array<i32>} : memref<128x64xf32, #tpu.memory_space<vmem>>, vector<16xf32>,
        tpu.vector_store %arg12[%swap3A_264, %swap3A_265], %unpack3A_262 {strides = array<i32>} : memref<128x64xf32, #tpu.memory_space<vmem>>, vector<16xf32>,
        %swap3A_267 = arith.index_cast %scan3A_247 : i32 to index
        %swap3A_268 = arith.constant 48 : index
        %swap3A_269 = tpu.vector_load %arg12[%swap3A_267, %swap3A_268] {strides = array<i32>} : memref<128x64xf32, #tpu.memory_space<vmem>>, vector<16xf32>,
        tpu.vector_store %arg12[%swap3A_267, %swap3A_268], %unpack3A_263 {strides = array<i32>} : memref<128x64xf32, #tpu.memory_space<vmem>>, vector<16xf32>,
        %scan3A_270 = arith.constant 7 : i32
        %scan3A_271 = arith.addi %scan3A_106, %scan3A_270 : i32
        %get3A_272 = arith.index_cast %scan3A_271 : i32 to index
        %get3A_273 = arith.constant 0 : index
        %get3A_274 = tpu.vector_load %arg10[%get3A_272, %get3A_273] {strides = array<i32>} : memref<128x64xbf16, #tpu.memory_space<vmem>>, vector<32xbf16>,
        %unpack3A_275 = tpu.unpack_subelements %get3A_274, 0 {pack_format = #tpu.pack_format<interleaved>} : vector<32xbf16> -> vector<16xf32>
        %unpack3A_276 = tpu.unpack_subelements %get3A_274, 1 {pack_format = #tpu.pack_format<interleaved>} : vector<32xbf16> -> vector<16xf32>
        %swap3A_277 = arith.index_cast %scan3A_271 : i32 to index
        %swap3A_278 = arith.constant 0 : index
        %swap3A_279 = tpu.vector_load %arg12[%swap3A_277, %swap3A_278] {strides = array<i32>} : memref<128x64xf32, #tpu.memory_space<vmem>>, vector<16xf32>,
        tpu.vector_store %arg12[%swap3A_277, %swap3A_278], %unpack3A_275 {strides = array<i32>} : memref<128x64xf32, #tpu.memory_space<vmem>>, vector<16xf32>,
        %swap3A_280 = arith.index_cast %scan3A_271 : i32 to index
        %swap3A_281 = arith.constant 16 : index
        %swap3A_282 = tpu.vector_load %arg12[%swap3A_280, %swap3A_281] {strides = array<i32>} : memref<128x64xf32, #tpu.memory_space<vmem>>, vector<16xf32>,
        tpu.vector_store %arg12[%swap3A_280, %swap3A_281], %unpack3A_276 {strides = array<i32>} : memref<128x64xf32, #tpu.memory_space<vmem>>, vector<16xf32>,
        %get3A_283 = arith.index_cast %scan3A_271 : i32 to index
        %get3A_284 = arith.constant 32 : index
        %get3A_285 = tpu.vector_load %arg10[%get3A_283, %get3A_284] {strides = array<i32>} : memref<128x64xbf16, #tpu.memory_space<vmem>>, vector<32xbf16>,
        %unpack3A_286 = tpu.unpack_subelements %get3A_285, 0 {pack_format = #tpu.pack_format<interleaved>} : vector<32xbf16> -> vector<16xf32>
        %unpack3A_287 = tpu.unpack_subelements %get3A_285, 1 {pack_format = #tpu.pack_format<interleaved>} : vector<32xbf16> -> vector<16xf32>
        %swap3A_288 = arith.index_cast %scan3A_271 : i32 to index
        %swap3A_289 = arith.constant 32 : index
        %swap3A_290 = tpu.vector_load %arg12[%swap3A_288, %swap3A_289] {strides = array<i32>} : memref<128x64xf32, #tpu.memory_space<vmem>>, vector<16xf32>,
        tpu.vector_store %arg12[%swap3A_288, %swap3A_289], %unpack3A_286 {strides = array<i32>} : memref<128x64xf32, #tpu.memory_space<vmem>>, vector<16xf32>,
        %swap3A_291 = arith.index_cast %scan3A_271 : i32 to index
        %swap3A_292 = arith.constant 48 : index
        %swap3A_293 = tpu.vector_load %arg12[%swap3A_291, %swap3A_292] {strides = array<i32>} : memref<128x64xf32, #tpu.memory_space<vmem>>, vector<16xf32>,
        tpu.vector_store %arg12[%swap3A_291, %swap3A_292], %unpack3A_287 {strides = array<i32>} : memref<128x64xf32, #tpu.memory_space<vmem>>, vector<16xf32>,
      }
      %scan3A_92 = arith.constant 128 : i32
      %add3A_93 = arith.constant 2 : i32
      %add3A_94 = arith.addi %add3A_75, %add3A_93 : i32
      %lt3A_95 = arith.constant 158 : i32
      %lt3A_96 = arith.cmpi slt, %add3A_94, %lt3A_95 : i32
      %convert_element_type3A_97 = arith.extui %lt3A_96 : i1 to i32
      %cond3A_98 = arith.constant 0 : i32
      %cond3A_99 = arith.cmpi ne, %convert_element_type3A_97, %cond3A_98 : i32
      scf.if %cond3A_99 {
        %add3A_106 = arith.constant 2 : i32
        %add3A_107 = arith.addi %add3A_75, %add3A_106 : i32
        %dma_start3A_108 = arith.constant 0 : i32
        %dma_start3A_109 = tpu.memref_slice %arg7[%add3A_107, %dma_start3A_108] : memref<158x128xi32, #tpu.memory_space<vmem>> -> memref<1x128xi32, #tpu.memory_space<vmem>>
        %dma_start3A_110 = tpu.memref_squeeze %dma_start3A_109 : memref<1x128xi32, #tpu.memory_space<vmem>> -> memref<128xi32, #tpu.memory_space<vmem>>
        %dma_start3A_111 = arith.constant 0 : i32
        %dma_start3A_112 = arith.constant 0 : i32
        %dma_start3A_113 = tpu.memref_slice %arg13[%dma_start3A_111, %dma_start3A_112] : memref<10240x64xbf16, #tpu.memory_space<vmem_shared>> -> memref<10240x64xbf16, #tpu.memory_space<vmem_shared>>
        tpu.enqueue_indirect_dma source(%dma_start3A_113 : memref<10240x64xbf16, #tpu.memory_space<vmem_shared>>) target(%arg10 : memref<128x64xbf16, #tpu.memory_space<vmem>>) offsets(%dma_start3A_110 : memref<128xi32, #tpu.memory_space<vmem>>) semaphore(%arg16 : memref<!tpu.dma_semaphore, #tpu.memory_space<semaphore_mem>>)
      } else {
      }
      %dma_start3A_100 = arith.constant 0 : i32
      %dma_start3A_101 = tpu.memref_slice %arg8[%add3A_75, %dma_start3A_100] : memref<158x128xi32, #tpu.memory_space<vmem>> -> memref<1x128xi32, #tpu.memory_space<vmem>>
      %dma_start3A_102 = tpu.memref_squeeze %dma_start3A_101 : memref<1x128xi32, #tpu.memory_space<vmem>> -> memref<128xi32, #tpu.memory_space<vmem>>
      %dma_start3A_103 = arith.constant 0 : i32
      %dma_start3A_104 = arith.constant 0 : i32
      %dma_start3A_105 = tpu.memref_slice %arg14[%dma_start3A_103, %dma_start3A_104] : memref<10240x64xf32, #tpu.memory_space<vmem_shared>> -> memref<10240x64xf32, #tpu.memory_space<vmem_shared>>
      tpu.enqueue_indirect_dma source(%arg12 : memref<128x64xf32, #tpu.memory_space<vmem>>) target(%dma_start3A_105 : memref<10240x64xf32, #tpu.memory_space<vmem_shared>>) offsets(%dma_start3A_102 : memref<128xi32, #tpu.memory_space<vmem>>) semaphore(%arg18 : memref<!tpu.dma_semaphore, #tpu.memory_space<semaphore_mem>>) {add = true}
    }
    %scan3A_26 = arith.constant 79 : i32
    %dma_wait3A = arith.constant 156 : i32
    %dma_wait3A_27 = arith.constant 0 : i32
    %dma_wait3A_28 = tpu.memref_slice %arg8[%dma_wait3A, %dma_wait3A_27] : memref<158x128xi32, #tpu.memory_space<vmem>> -> memref<1x128xi32, #tpu.memory_space<vmem>>
    %dma_wait3A_29 = tpu.memref_squeeze %dma_wait3A_28 : memref<1x128xi32, #tpu.memory_space<vmem>> -> memref<128xi32, #tpu.memory_space<vmem>>
    %dma_wait3A_30 = arith.constant 0 : i32
    %dma_wait3A_31 = arith.constant 0 : i32
    %dma_wait3A_32 = tpu.memref_slice %arg14[%dma_wait3A_30, %dma_wait3A_31] : memref<10240x64xf32, #tpu.memory_space<vmem_shared>> -> memref<10240x64xf32, #tpu.memory_space<vmem_shared>>
    tpu.wait_indirect_dma semaphore(%arg17 : memref<!tpu.dma_semaphore, #tpu.memory_space<semaphore_mem>>) src(%arg11 : memref<128x64xf32, #tpu.memory_space<vmem>>) dst(%dma_wait3A_32 : memref<10240x64xf32, #tpu.memory_space<vmem_shared>>)
    %dma_wait3A_33 = arith.constant 157 : i32
    %dma_wait3A_34 = arith.constant 0 : i32
    %dma_wait3A_35 = tpu.memref_slice %arg8[%dma_wait3A_33, %dma_wait3A_34] : memref<158x128xi32, #tpu.memory_space<vmem>> -> memref<1x128xi32, #tpu.memory_space<vmem>>
    %dma_wait3A_36 = tpu.memref_squeeze %dma_wait3A_35 : memref<1x128xi32, #tpu.memory_space<vmem>> -> memref<128xi32, #tpu.memory_space<vmem>>
    %dma_wait3A_37 = arith.constant 0 : i32
    %dma_wait3A_38 = arith.constant 0 : i32
    %dma_wait3A_39 = tpu.memref_slice %arg14[%dma_wait3A_37, %dma_wait3A_38] : memref<10240x64xf32, #tpu.memory_space<vmem_shared>> -> memref<10240x64xf32, #tpu.memory_space<vmem_shared>>
    tpu.wait_indirect_dma semaphore(%arg18 : memref<!tpu.dma_semaphore, #tpu.memory_space<semaphore_mem>>) src(%arg12 : memref<128x64xf32, #tpu.memory_space<vmem>>) dst(%dma_wait3A_39 : memref<10240x64xf32, #tpu.memory_space<vmem_shared>>)
    %barrier3A_40 = arith.constant 0 : index
    tpu.barrier barrier_id(%barrier3A_40)
    %mul3A_41 = arith.constant 640 : i32
    %mul3A_42 = arith.muli %arg1, %mul3A_41 : i32
    %mul3A_43 = arith.constant 640 : i32
    %mul3A_44 = arith.muli %arg1, %mul3A_43 : i32
    "tpu.region"() ({
      %run_scoped3A = tpu.sem_alloc : memref<!tpu.dma_semaphore, #tpu.memory_space<semaphore_mem>>
      %dma_start3A_45 = arith.constant 0 : i32
      %dma_start3A_46 = tpu.memref_slice %arg6[%arg0, %mul3A_44, %dma_start3A_45] : memref<2x10240x64xf32, #tpu.memory_space<hbm>> -> memref<1x640x64xf32, #tpu.memory_space<hbm>>
      %dma_start3A_47 = tpu.memref_squeeze %dma_start3A_46 : memref<1x640x64xf32, #tpu.memory_space<hbm>> -> memref<640x64xf32, #tpu.memory_space<hbm>>
      %dma_start3A_48 = arith.constant 0 : i32
      %dma_start3A_49 = tpu.memref_slice %arg14[%mul3A_42, %dma_start3A_48] : memref<10240x64xf32, #tpu.memory_space<vmem_shared>> -> memref<640x64xf32, #tpu.memory_space<vmem_shared>>
      tpu.enqueue_dma source(%dma_start3A_49 : memref<640x64xf32, #tpu.memory_space<vmem_shared>>) target(%dma_start3A_47 : memref<640x64xf32, #tpu.memory_space<hbm>>) target_semaphore(%run_scoped3A : memref<!tpu.dma_semaphore, #tpu.memory_space<semaphore_mem>>)
      %dma_wait3A_50 = arith.constant 0 : i32
      %dma_wait3A_51 = tpu.memref_slice %arg6[%arg0, %mul3A_44, %dma_wait3A_50] : memref<2x10240x64xf32, #tpu.memory_space<hbm>> -> memref<1x640x64xf32, #tpu.memory_space<hbm>>
      %dma_wait3A_52 = tpu.memref_squeeze %dma_wait3A_51 : memref<1x640x64xf32, #tpu.memory_space<hbm>> -> memref<640x64xf32, #tpu.memory_space<hbm>>
      %dma_wait3A_53 = arith.constant 0 : i32
      %dma_wait3A_54 = tpu.memref_slice %arg14[%mul3A_42, %dma_wait3A_53] : memref<10240x64xf32, #tpu.memory_space<vmem_shared>> -> memref<640x64xf32, #tpu.memory_space<vmem_shared>>
      tpu.wait_dma2 semaphore(%run_scoped3A : memref<!tpu.dma_semaphore, #tpu.memory_space<semaphore_mem>>) src(%dma_wait3A_54 : memref<640x64xf32, #tpu.memory_space<vmem_shared>>) dst(%dma_wait3A_52 : memref<640x64xf32, #tpu.memory_space<hbm>>)
      tpu.yield
    }) : () -> ()
    return
  }
}

#map = affine_map<(d0, d1) -> (0, 0, 0)>
#map1 = affine_map<(d0, d1) -> (0, 0)>
module attributes {stable_mosaic.version = 14 : i64} {
  func.func @_deg_body(%arg0: i32, %arg1: i32, %arg2: memref<32x158x128xi32, #tpu.memory_space<hbm>>, %arg3: memref<10240x16xf32, #tpu.memory_space<hbm>>, %arg4: memref<128x16xf32, #tpu.memory_space<hbm>>, %arg5: memref<2x10240x16xf32, #tpu.memory_space<hbm>>, %arg6: memref<158x128xi32, #tpu.memory_space<vmem>>, %arg7: memref<128x16xf32, #tpu.memory_space<vmem>>, %arg8: memref<10240x16xf32, #tpu.memory_space<vmem_shared>>) attributes {dimension_semantics = [#tpu.dimension_semantics<core_parallel>, #tpu.dimension_semantics<subcore_parallel>], iteration_bounds = array<i64: 2, 16>, scalar_prefetch = 0 : i64, scratch_operands = 3 : i64, tpu.core_type = #tpu.core_type<sc_vector_subcore>, window_params = [{transform_indices = #map}, {transform_indices = #map1}, {transform_indices = #map1}, {transform_indices = #map}]} {
    %mul3A = arith.constant 16 : i32
    %mul3A_0 = arith.muli %arg0, %mul3A : i32
    %add3A = arith.addi %mul3A_0, %arg1 : i32
    "tpu.region"() ({
      %run_scoped3A = tpu.sem_alloc : memref<!tpu.dma_semaphore, #tpu.memory_space<semaphore_mem>>
      %dma_start3A = arith.constant 0 : i32
      %dma_start3A_15 = arith.constant 0 : i32
      %dma_start3A_16 = tpu.memref_slice %arg2[%add3A, %dma_start3A, %dma_start3A_15] : memref<32x158x128xi32, #tpu.memory_space<hbm>> -> memref<1x158x128xi32, #tpu.memory_space<hbm>>
      %dma_start3A_17 = tpu.memref_squeeze %dma_start3A_16 : memref<1x158x128xi32, #tpu.memory_space<hbm>> -> memref<158x128xi32, #tpu.memory_space<hbm>>
      %dma_start3A_18 = arith.constant 0 : i32
      %dma_start3A_19 = arith.constant 0 : i32
      %dma_start3A_20 = tpu.memref_slice %arg2[%add3A, %dma_start3A_18, %dma_start3A_19] : memref<32x158x128xi32, #tpu.memory_space<hbm>> -> memref<1x158x128xi32, #tpu.memory_space<hbm>>
      %dma_start3A_21 = tpu.memref_squeeze %dma_start3A_20 : memref<1x158x128xi32, #tpu.memory_space<hbm>> -> memref<158x128xi32, #tpu.memory_space<hbm>>
      tpu.enqueue_dma source(%dma_start3A_21 : memref<158x128xi32, #tpu.memory_space<hbm>>) target(%arg6 : memref<158x128xi32, #tpu.memory_space<vmem>>) target_semaphore(%run_scoped3A : memref<!tpu.dma_semaphore, #tpu.memory_space<semaphore_mem>>)
      %dma_wait3A = arith.constant 0 : i32
      %dma_wait3A_22 = arith.constant 0 : i32
      %dma_wait3A_23 = tpu.memref_slice %arg2[%add3A, %dma_wait3A, %dma_wait3A_22] : memref<32x158x128xi32, #tpu.memory_space<hbm>> -> memref<1x158x128xi32, #tpu.memory_space<hbm>>
      %dma_wait3A_24 = tpu.memref_squeeze %dma_wait3A_23 : memref<1x158x128xi32, #tpu.memory_space<hbm>> -> memref<158x128xi32, #tpu.memory_space<hbm>>
      %dma_wait3A_25 = arith.constant 0 : i32
      %dma_wait3A_26 = arith.constant 0 : i32
      %dma_wait3A_27 = tpu.memref_slice %arg2[%add3A, %dma_wait3A_25, %dma_wait3A_26] : memref<32x158x128xi32, #tpu.memory_space<hbm>> -> memref<1x158x128xi32, #tpu.memory_space<hbm>>
      %dma_wait3A_28 = tpu.memref_squeeze %dma_wait3A_27 : memref<1x158x128xi32, #tpu.memory_space<hbm>> -> memref<158x128xi32, #tpu.memory_space<hbm>>
      tpu.wait_dma2 semaphore(%run_scoped3A : memref<!tpu.dma_semaphore, #tpu.memory_space<semaphore_mem>>) src(%dma_wait3A_28 : memref<158x128xi32, #tpu.memory_space<hbm>>) dst(%arg6 : memref<158x128xi32, #tpu.memory_space<vmem>>)
      tpu.yield
    }) : () -> ()
    "tpu.region"() ({
      %run_scoped3A = tpu.sem_alloc : memref<!tpu.dma_semaphore, #tpu.memory_space<semaphore_mem>>
      tpu.enqueue_dma source(%arg4 : memref<128x16xf32, #tpu.memory_space<hbm>>) target(%arg7 : memref<128x16xf32, #tpu.memory_space<vmem>>) target_semaphore(%run_scoped3A : memref<!tpu.dma_semaphore, #tpu.memory_space<semaphore_mem>>)
      tpu.wait_dma2 semaphore(%run_scoped3A : memref<!tpu.dma_semaphore, #tpu.memory_space<semaphore_mem>>) src(%arg4 : memref<128x16xf32, #tpu.memory_space<hbm>>) dst(%arg7 : memref<128x16xf32, #tpu.memory_space<vmem>>)
      tpu.yield
    }) : () -> ()
    %mul3A_1 = arith.constant 640 : i32
    %mul3A_2 = arith.muli %arg1, %mul3A_1 : i32
    %mul3A_3 = arith.constant 640 : i32
    %mul3A_4 = arith.muli %arg1, %mul3A_3 : i32
    "tpu.region"() ({
      %run_scoped3A = tpu.sem_alloc : memref<!tpu.dma_semaphore, #tpu.memory_space<semaphore_mem>>
      %dma_start3A = arith.constant 0 : i32
      %dma_start3A_15 = tpu.memref_slice %arg8[%mul3A_4, %dma_start3A] : memref<10240x16xf32, #tpu.memory_space<vmem_shared>> -> memref<640x16xf32, #tpu.memory_space<vmem_shared>>
      %dma_start3A_16 = arith.constant 0 : i32
      %dma_start3A_17 = tpu.memref_slice %arg3[%mul3A_2, %dma_start3A_16] : memref<10240x16xf32, #tpu.memory_space<hbm>> -> memref<640x16xf32, #tpu.memory_space<hbm>>
      tpu.enqueue_dma source(%dma_start3A_17 : memref<640x16xf32, #tpu.memory_space<hbm>>) target(%dma_start3A_15 : memref<640x16xf32, #tpu.memory_space<vmem_shared>>) target_semaphore(%run_scoped3A : memref<!tpu.dma_semaphore, #tpu.memory_space<semaphore_mem>>)
      %dma_wait3A = arith.constant 0 : i32
      %dma_wait3A_18 = tpu.memref_slice %arg8[%mul3A_4, %dma_wait3A] : memref<10240x16xf32, #tpu.memory_space<vmem_shared>> -> memref<640x16xf32, #tpu.memory_space<vmem_shared>>
      %dma_wait3A_19 = arith.constant 0 : i32
      %dma_wait3A_20 = tpu.memref_slice %arg3[%mul3A_2, %dma_wait3A_19] : memref<10240x16xf32, #tpu.memory_space<hbm>> -> memref<640x16xf32, #tpu.memory_space<hbm>>
      tpu.wait_dma2 semaphore(%run_scoped3A : memref<!tpu.dma_semaphore, #tpu.memory_space<semaphore_mem>>) src(%dma_wait3A_20 : memref<640x16xf32, #tpu.memory_space<hbm>>) dst(%dma_wait3A_18 : memref<640x16xf32, #tpu.memory_space<vmem_shared>>)
      tpu.yield
    }) : () -> ()
    %barrier3A = arith.constant 0 : index
    tpu.barrier barrier_id(%barrier3A)
    %scan3A = arith.constant 0 : i32
    %scan3A_5 = arith.constant 0 : i32
    %scan3A_6 = arith.constant 158 : i32
    %scan3A_7 = arith.addi %scan3A_5, %scan3A_6 : i32
    %scan3A_8 = arith.constant 1 : i32
    scf.for %scan3A_15 = %scan3A_5 to %scan3A_7 step %scan3A_8  : i32 {
      "tpu.region"() ({
        %run_scoped3A = tpu.sem_alloc : memref<!tpu.dma_semaphore, #tpu.memory_space<semaphore_mem>>
        %dma_start3A = arith.constant 0 : i32
        %dma_start3A_16 = tpu.memref_slice %arg6[%scan3A_15, %dma_start3A] : memref<158x128xi32, #tpu.memory_space<vmem>> -> memref<1x128xi32, #tpu.memory_space<vmem>>
        %dma_start3A_17 = tpu.memref_squeeze %dma_start3A_16 : memref<1x128xi32, #tpu.memory_space<vmem>> -> memref<128xi32, #tpu.memory_space<vmem>>
        %dma_start3A_18 = arith.constant 0 : i32
        %dma_start3A_19 = arith.constant 0 : i32
        %dma_start3A_20 = tpu.memref_slice %arg8[%dma_start3A_18, %dma_start3A_19] : memref<10240x16xf32, #tpu.memory_space<vmem_shared>> -> memref<10240x16xf32, #tpu.memory_space<vmem_shared>>
        tpu.enqueue_indirect_dma source(%arg7 : memref<128x16xf32, #tpu.memory_space<vmem>>) target(%dma_start3A_20 : memref<10240x16xf32, #tpu.memory_space<vmem_shared>>) offsets(%dma_start3A_17 : memref<128xi32, #tpu.memory_space<vmem>>) semaphore(%run_scoped3A : memref<!tpu.dma_semaphore, #tpu.memory_space<semaphore_mem>>) {add = true}
        %dma_wait3A = arith.constant 0 : i32
        %dma_wait3A_21 = tpu.memref_slice %arg6[%scan3A_15, %dma_wait3A] : memref<158x128xi32, #tpu.memory_space<vmem>> -> memref<1x128xi32, #tpu.memory_space<vmem>>
        %dma_wait3A_22 = tpu.memref_squeeze %dma_wait3A_21 : memref<1x128xi32, #tpu.memory_space<vmem>> -> memref<128xi32, #tpu.memory_space<vmem>>
        %dma_wait3A_23 = arith.constant 0 : i32
        %dma_wait3A_24 = arith.constant 0 : i32
        %dma_wait3A_25 = tpu.memref_slice %arg8[%dma_wait3A_23, %dma_wait3A_24] : memref<10240x16xf32, #tpu.memory_space<vmem_shared>> -> memref<10240x16xf32, #tpu.memory_space<vmem_shared>>
        tpu.wait_indirect_dma semaphore(%run_scoped3A : memref<!tpu.dma_semaphore, #tpu.memory_space<semaphore_mem>>) src(%arg7 : memref<128x16xf32, #tpu.memory_space<vmem>>) dst(%dma_wait3A_25 : memref<10240x16xf32, #tpu.memory_space<vmem_shared>>)
        tpu.yield
      }) : () -> ()
    }
    %scan3A_9 = arith.constant 158 : i32
    %barrier3A_10 = arith.constant 0 : index
    tpu.barrier barrier_id(%barrier3A_10)
    %mul3A_11 = arith.constant 640 : i32
    %mul3A_12 = arith.muli %arg1, %mul3A_11 : i32
    %mul3A_13 = arith.constant 640 : i32
    %mul3A_14 = arith.muli %arg1, %mul3A_13 : i32
    "tpu.region"() ({
      %run_scoped3A = tpu.sem_alloc : memref<!tpu.dma_semaphore, #tpu.memory_space<semaphore_mem>>
      %dma_start3A = arith.constant 0 : i32
      %dma_start3A_15 = tpu.memref_slice %arg5[%arg0, %mul3A_14, %dma_start3A] : memref<2x10240x16xf32, #tpu.memory_space<hbm>> -> memref<1x640x16xf32, #tpu.memory_space<hbm>>
      %dma_start3A_16 = tpu.memref_squeeze %dma_start3A_15 : memref<1x640x16xf32, #tpu.memory_space<hbm>> -> memref<640x16xf32, #tpu.memory_space<hbm>>
      %dma_start3A_17 = arith.constant 0 : i32
      %dma_start3A_18 = tpu.memref_slice %arg8[%mul3A_12, %dma_start3A_17] : memref<10240x16xf32, #tpu.memory_space<vmem_shared>> -> memref<640x16xf32, #tpu.memory_space<vmem_shared>>
      tpu.enqueue_dma source(%dma_start3A_18 : memref<640x16xf32, #tpu.memory_space<vmem_shared>>) target(%dma_start3A_16 : memref<640x16xf32, #tpu.memory_space<hbm>>) target_semaphore(%run_scoped3A : memref<!tpu.dma_semaphore, #tpu.memory_space<semaphore_mem>>)
      %dma_wait3A = arith.constant 0 : i32
      %dma_wait3A_19 = tpu.memref_slice %arg5[%arg0, %mul3A_14, %dma_wait3A] : memref<2x10240x16xf32, #tpu.memory_space<hbm>> -> memref<1x640x16xf32, #tpu.memory_space<hbm>>
      %dma_wait3A_20 = tpu.memref_squeeze %dma_wait3A_19 : memref<1x640x16xf32, #tpu.memory_space<hbm>> -> memref<640x16xf32, #tpu.memory_space<hbm>>
      %dma_wait3A_21 = arith.constant 0 : i32
      %dma_wait3A_22 = tpu.memref_slice %arg8[%mul3A_12, %dma_wait3A_21] : memref<10240x16xf32, #tpu.memory_space<vmem_shared>> -> memref<640x16xf32, #tpu.memory_space<vmem_shared>>
      tpu.wait_dma2 semaphore(%run_scoped3A : memref<!tpu.dma_semaphore, #tpu.memory_space<semaphore_mem>>) src(%dma_wait3A_22 : memref<640x16xf32, #tpu.memory_space<vmem_shared>>) dst(%dma_wait3A_20 : memref<640x16xf32, #tpu.memory_space<hbm>>)
      tpu.yield
    }) : () -> ()
    return
  }
}

#map = affine_map<(d0, d1) -> (0, 0)>
#map1 = affine_map<(d0, d1) -> (0, 0, 0)>
module attributes {stable_mosaic.version = 14 : i64} {
  func.func @_agg_body(%arg0: i32, %arg1: i32, %arg2: memref<10240x64xbf16, #tpu.memory_space<hbm>>, %arg3: memref<32x158x128xi32, #tpu.memory_space<hbm>>, %arg4: memref<32x158x128xi32, #tpu.memory_space<hbm>>, %arg5: memref<10240x64xf32, #tpu.memory_space<hbm>>, %arg6: memref<2x10240x64xf32, #tpu.memory_space<hbm>>, %arg7: memref<158x128xi32, #tpu.memory_space<vmem>>, %arg8: memref<158x128xi32, #tpu.memory_space<vmem>>, %arg9: memref<128x64xbf16, #tpu.memory_space<vmem>>, %arg10: memref<128x64xbf16, #tpu.memory_space<vmem>>, %arg11: memref<128x64xf32, #tpu.memory_space<vmem>>, %arg12: memref<128x64xf32, #tpu.memory_space<vmem>>, %arg13: memref<10240x64xbf16, #tpu.memory_space<vmem_shared>>, %arg14: memref<10240x64xf32, #tpu.memory_space<vmem_shared>>, %arg15: memref<!tpu.dma_semaphore, #tpu.memory_space<semaphore_mem>>, %arg16: memref<!tpu.dma_semaphore, #tpu.memory_space<semaphore_mem>>, %arg17: memref<!tpu.dma_semaphore, #tpu.memory_space<semaphore_mem>>, %arg18: memref<!tpu.dma_semaphore, #tpu.memory_space<semaphore_mem>>) attributes {dimension_semantics = [#tpu.dimension_semantics<core_parallel>, #tpu.dimension_semantics<subcore_parallel>], iteration_bounds = array<i64: 2, 16>, scalar_prefetch = 0 : i64, scratch_operands = 12 : i64, tpu.core_type = #tpu.core_type<sc_vector_subcore>, window_params = [{transform_indices = #map}, {transform_indices = #map1}, {transform_indices = #map1}, {transform_indices = #map}, {transform_indices = #map1}]} {
    %mul3A = arith.constant 16 : i32
    %mul3A_0 = arith.muli %arg0, %mul3A : i32
    %add3A = arith.addi %mul3A_0, %arg1 : i32
    "tpu.region"() ({
      %run_scoped3A = tpu.sem_alloc : memref<!tpu.dma_semaphore, #tpu.memory_space<semaphore_mem>>
      %dma_start3A_45 = arith.constant 0 : i32
      %dma_start3A_46 = arith.constant 0 : i32
      %dma_start3A_47 = tpu.memref_slice %arg3[%add3A, %dma_start3A_45, %dma_start3A_46] : memref<32x158x128xi32, #tpu.memory_space<hbm>> -> memref<1x158x128xi32, #tpu.memory_space<hbm>>
      %dma_start3A_48 = tpu.memref_squeeze %dma_start3A_47 : memref<1x158x128xi32, #tpu.memory_space<hbm>> -> memref<158x128xi32, #tpu.memory_space<hbm>>
      %dma_start3A_49 = arith.constant 0 : i32
      %dma_start3A_50 = arith.constant 0 : i32
      %dma_start3A_51 = tpu.memref_slice %arg3[%add3A, %dma_start3A_49, %dma_start3A_50] : memref<32x158x128xi32, #tpu.memory_space<hbm>> -> memref<1x158x128xi32, #tpu.memory_space<hbm>>
      %dma_start3A_52 = tpu.memref_squeeze %dma_start3A_51 : memref<1x158x128xi32, #tpu.memory_space<hbm>> -> memref<158x128xi32, #tpu.memory_space<hbm>>
      tpu.enqueue_dma source(%dma_start3A_52 : memref<158x128xi32, #tpu.memory_space<hbm>>) target(%arg7 : memref<158x128xi32, #tpu.memory_space<vmem>>) target_semaphore(%run_scoped3A : memref<!tpu.dma_semaphore, #tpu.memory_space<semaphore_mem>>)
      %dma_wait3A_53 = arith.constant 0 : i32
      %dma_wait3A_54 = arith.constant 0 : i32
      %dma_wait3A_55 = tpu.memref_slice %arg3[%add3A, %dma_wait3A_53, %dma_wait3A_54] : memref<32x158x128xi32, #tpu.memory_space<hbm>> -> memref<1x158x128xi32, #tpu.memory_space<hbm>>
      %dma_wait3A_56 = tpu.memref_squeeze %dma_wait3A_55 : memref<1x158x128xi32, #tpu.memory_space<hbm>> -> memref<158x128xi32, #tpu.memory_space<hbm>>
      %dma_wait3A_57 = arith.constant 0 : i32
      %dma_wait3A_58 = arith.constant 0 : i32
      %dma_wait3A_59 = tpu.memref_slice %arg3[%add3A, %dma_wait3A_57, %dma_wait3A_58] : memref<32x158x128xi32, #tpu.memory_space<hbm>> -> memref<1x158x128xi32, #tpu.memory_space<hbm>>
      %dma_wait3A_60 = tpu.memref_squeeze %dma_wait3A_59 : memref<1x158x128xi32, #tpu.memory_space<hbm>> -> memref<158x128xi32, #tpu.memory_space<hbm>>
      tpu.wait_dma2 semaphore(%run_scoped3A : memref<!tpu.dma_semaphore, #tpu.memory_space<semaphore_mem>>) src(%dma_wait3A_60 : memref<158x128xi32, #tpu.memory_space<hbm>>) dst(%arg7 : memref<158x128xi32, #tpu.memory_space<vmem>>)
      tpu.yield
    }) : () -> ()
    "tpu.region"() ({
      %run_scoped3A = tpu.sem_alloc : memref<!tpu.dma_semaphore, #tpu.memory_space<semaphore_mem>>
      %dma_start3A_45 = arith.constant 0 : i32
      %dma_start3A_46 = arith.constant 0 : i32
      %dma_start3A_47 = tpu.memref_slice %arg4[%add3A, %dma_start3A_45, %dma_start3A_46] : memref<32x158x128xi32, #tpu.memory_space<hbm>> -> memref<1x158x128xi32, #tpu.memory_space<hbm>>
      %dma_start3A_48 = tpu.memref_squeeze %dma_start3A_47 : memref<1x158x128xi32, #tpu.memory_space<hbm>> -> memref<158x128xi32, #tpu.memory_space<hbm>>
      %dma_start3A_49 = arith.constant 0 : i32
      %dma_start3A_50 = arith.constant 0 : i32
      %dma_start3A_51 = tpu.memref_slice %arg4[%add3A, %dma_start3A_49, %dma_start3A_50] : memref<32x158x128xi32, #tpu.memory_space<hbm>> -> memref<1x158x128xi32, #tpu.memory_space<hbm>>
      %dma_start3A_52 = tpu.memref_squeeze %dma_start3A_51 : memref<1x158x128xi32, #tpu.memory_space<hbm>> -> memref<158x128xi32, #tpu.memory_space<hbm>>
      tpu.enqueue_dma source(%dma_start3A_52 : memref<158x128xi32, #tpu.memory_space<hbm>>) target(%arg8 : memref<158x128xi32, #tpu.memory_space<vmem>>) target_semaphore(%run_scoped3A : memref<!tpu.dma_semaphore, #tpu.memory_space<semaphore_mem>>)
      %dma_wait3A_53 = arith.constant 0 : i32
      %dma_wait3A_54 = arith.constant 0 : i32
      %dma_wait3A_55 = tpu.memref_slice %arg4[%add3A, %dma_wait3A_53, %dma_wait3A_54] : memref<32x158x128xi32, #tpu.memory_space<hbm>> -> memref<1x158x128xi32, #tpu.memory_space<hbm>>
      %dma_wait3A_56 = tpu.memref_squeeze %dma_wait3A_55 : memref<1x158x128xi32, #tpu.memory_space<hbm>> -> memref<158x128xi32, #tpu.memory_space<hbm>>
      %dma_wait3A_57 = arith.constant 0 : i32
      %dma_wait3A_58 = arith.constant 0 : i32
      %dma_wait3A_59 = tpu.memref_slice %arg4[%add3A, %dma_wait3A_57, %dma_wait3A_58] : memref<32x158x128xi32, #tpu.memory_space<hbm>> -> memref<1x158x128xi32, #tpu.memory_space<hbm>>
      %dma_wait3A_60 = tpu.memref_squeeze %dma_wait3A_59 : memref<1x158x128xi32, #tpu.memory_space<hbm>> -> memref<158x128xi32, #tpu.memory_space<hbm>>
      tpu.wait_dma2 semaphore(%run_scoped3A : memref<!tpu.dma_semaphore, #tpu.memory_space<semaphore_mem>>) src(%dma_wait3A_60 : memref<158x128xi32, #tpu.memory_space<hbm>>) dst(%arg8 : memref<158x128xi32, #tpu.memory_space<vmem>>)
      tpu.yield
    }) : () -> ()
    %mul3A_1 = arith.constant 640 : i32
    %mul3A_2 = arith.muli %arg1, %mul3A_1 : i32
    %mul3A_3 = arith.constant 640 : i32
    %mul3A_4 = arith.muli %arg1, %mul3A_3 : i32
    "tpu.region"() ({
      %run_scoped3A = tpu.sem_alloc : memref<!tpu.dma_semaphore, #tpu.memory_space<semaphore_mem>>
      %dma_start3A_45 = arith.constant 0 : i32
      %dma_start3A_46 = tpu.memref_slice %arg14[%mul3A_4, %dma_start3A_45] : memref<10240x64xf32, #tpu.memory_space<vmem_shared>> -> memref<640x64xf32, #tpu.memory_space<vmem_shared>>
      %dma_start3A_47 = arith.constant 0 : i32
      %dma_start3A_48 = tpu.memref_slice %arg5[%mul3A_2, %dma_start3A_47] : memref<10240x64xf32, #tpu.memory_space<hbm>> -> memref<640x64xf32, #tpu.memory_space<hbm>>
      tpu.enqueue_dma source(%dma_start3A_48 : memref<640x64xf32, #tpu.memory_space<hbm>>) target(%dma_start3A_46 : memref<640x64xf32, #tpu.memory_space<vmem_shared>>) target_semaphore(%run_scoped3A : memref<!tpu.dma_semaphore, #tpu.memory_space<semaphore_mem>>)
      %dma_wait3A_49 = arith.constant 0 : i32
      %dma_wait3A_50 = tpu.memref_slice %arg14[%mul3A_4, %dma_wait3A_49] : memref<10240x64xf32, #tpu.memory_space<vmem_shared>> -> memref<640x64xf32, #tpu.memory_space<vmem_shared>>
      %dma_wait3A_51 = arith.constant 0 : i32
      %dma_wait3A_52 = tpu.memref_slice %arg5[%mul3A_2, %dma_wait3A_51] : memref<10240x64xf32, #tpu.memory_space<hbm>> -> memref<640x64xf32, #tpu.memory_space<hbm>>
      tpu.wait_dma2 semaphore(%run_scoped3A : memref<!tpu.dma_semaphore, #tpu.memory_space<semaphore_mem>>) src(%dma_wait3A_52 : memref<640x64xf32, #tpu.memory_space<hbm>>) dst(%dma_wait3A_50 : memref<640x64xf32, #tpu.memory_space<vmem_shared>>)
      tpu.yield
    }) : () -> ()
    %mul3A_5 = arith.constant 640 : i32
    %mul3A_6 = arith.muli %arg1, %mul3A_5 : i32
    %mul3A_7 = arith.constant 640 : i32
    %mul3A_8 = arith.muli %arg1, %mul3A_7 : i32
    "tpu.region"() ({
      %run_scoped3A = tpu.sem_alloc : memref<!tpu.dma_semaphore, #tpu.memory_space<semaphore_mem>>
      %dma_start3A_45 = arith.constant 0 : i32
      %dma_start3A_46 = tpu.memref_slice %arg13[%mul3A_8, %dma_start3A_45] : memref<10240x64xbf16, #tpu.memory_space<vmem_shared>> -> memref<640x64xbf16, #tpu.memory_space<vmem_shared>>
      %dma_start3A_47 = arith.constant 0 : i32
      %dma_start3A_48 = tpu.memref_slice %arg2[%mul3A_6, %dma_start3A_47] : memref<10240x64xbf16, #tpu.memory_space<hbm>> -> memref<640x64xbf16, #tpu.memory_space<hbm>>
      tpu.enqueue_dma source(%dma_start3A_48 : memref<640x64xbf16, #tpu.memory_space<hbm>>) target(%dma_start3A_46 : memref<640x64xbf16, #tpu.memory_space<vmem_shared>>) target_semaphore(%run_scoped3A : memref<!tpu.dma_semaphore, #tpu.memory_space<semaphore_mem>>)
      %dma_wait3A_49 = arith.constant 0 : i32
      %dma_wait3A_50 = tpu.memref_slice %arg13[%mul3A_8, %dma_wait3A_49] : memref<10240x64xbf16, #tpu.memory_space<vmem_shared>> -> memref<640x64xbf16, #tpu.memory_space<vmem_shared>>
      %dma_wait3A_51 = arith.constant 0 : i32
      %dma_wait3A_52 = tpu.memref_slice %arg2[%mul3A_6, %dma_wait3A_51] : memref<10240x64xbf16, #tpu.memory_space<hbm>> -> memref<640x64xbf16, #tpu.memory_space<hbm>>
      tpu.wait_dma2 semaphore(%run_scoped3A : memref<!tpu.dma_semaphore, #tpu.memory_space<semaphore_mem>>) src(%dma_wait3A_52 : memref<640x64xbf16, #tpu.memory_space<hbm>>) dst(%dma_wait3A_50 : memref<640x64xbf16, #tpu.memory_space<vmem_shared>>)
      tpu.yield
    }) : () -> ()
    %barrier3A = arith.constant 0 : index
    tpu.barrier barrier_id(%barrier3A)
    %dma_start3A = arith.constant 0 : i32
    %dma_start3A_9 = arith.constant 0 : i32
    %dma_start3A_10 = tpu.memref_slice %arg7[%dma_start3A, %dma_start3A_9] : memref<158x128xi32, #tpu.memory_space<vmem>> -> memref<1x128xi32, #tpu.memory_space<vmem>>
    %dma_start3A_11 = tpu.memref_squeeze %dma_start3A_10 : memref<1x128xi32, #tpu.memory_space<vmem>> -> memref<128xi32, #tpu.memory_space<vmem>>
    %dma_start3A_12 = arith.constant 0 : i32
    %dma_start3A_13 = arith.constant 0 : i32
    %dma_start3A_14 = tpu.memref_slice %arg13[%dma_start3A_12, %dma_start3A_13] : memref<10240x64xbf16, #tpu.memory_space<vmem_shared>> -> memref<10240x64xbf16, #tpu.memory_space<vmem_shared>>
    tpu.enqueue_indirect_dma source(%dma_start3A_14 : memref<10240x64xbf16, #tpu.memory_space<vmem_shared>>) target(%arg9 : memref<128x64xbf16, #tpu.memory_space<vmem>>) offsets(%dma_start3A_11 : memref<128xi32, #tpu.memory_space<vmem>>) semaphore(%arg15 : memref<!tpu.dma_semaphore, #tpu.memory_space<semaphore_mem>>)
    %dma_start3A_15 = arith.constant 1 : i32
    %dma_start3A_16 = arith.constant 0 : i32
    %dma_start3A_17 = tpu.memref_slice %arg7[%dma_start3A_15, %dma_start3A_16] : memref<158x128xi32, #tpu.memory_space<vmem>> -> memref<1x128xi32, #tpu.memory_space<vmem>>
    %dma_start3A_18 = tpu.memref_squeeze %dma_start3A_17 : memref<1x128xi32, #tpu.memory_space<vmem>> -> memref<128xi32, #tpu.memory_space<vmem>>
    %dma_start3A_19 = arith.constant 0 : i32
    %dma_start3A_20 = arith.constant 0 : i32
    %dma_start3A_21 = tpu.memref_slice %arg13[%dma_start3A_19, %dma_start3A_20] : memref<10240x64xbf16, #tpu.memory_space<vmem_shared>> -> memref<10240x64xbf16, #tpu.memory_space<vmem_shared>>
    tpu.enqueue_indirect_dma source(%dma_start3A_21 : memref<10240x64xbf16, #tpu.memory_space<vmem_shared>>) target(%arg10 : memref<128x64xbf16, #tpu.memory_space<vmem>>) offsets(%dma_start3A_18 : memref<128xi32, #tpu.memory_space<vmem>>) semaphore(%arg16 : memref<!tpu.dma_semaphore, #tpu.memory_space<semaphore_mem>>)
    %scan3A = arith.constant 0 : i32
    %scan3A_22 = arith.constant 0 : i32
    %scan3A_23 = arith.constant 79 : i32
    %scan3A_24 = arith.addi %scan3A_22, %scan3A_23 : i32
    %scan3A_25 = arith.constant 1 : i32
    scf.for %scan3A_45 = %scan3A_22 to %scan3A_24 step %scan3A_25  : i32 {
      %mul3A_46 = arith.constant 2 : i32
      %mul3A_47 = arith.muli %scan3A_45, %mul3A_46 : i32
      %dma_wait3A_48 = arith.constant 0 : i32
      %dma_wait3A_49 = tpu.memref_slice %arg7[%mul3A_47, %dma_wait3A_48] : memref<158x128xi32, #tpu.memory_space<vmem>> -> memref<1x128xi32, #tpu.memory_space<vmem>>
      %dma_wait3A_50 = tpu.memref_squeeze %dma_wait3A_49 : memref<1x128xi32, #tpu.memory_space<vmem>> -> memref<128xi32, #tpu.memory_space<vmem>>
      %dma_wait3A_51 = arith.constant 0 : i32
      %dma_wait3A_52 = arith.constant 0 : i32
      %dma_wait3A_53 = tpu.memref_slice %arg13[%dma_wait3A_51, %dma_wait3A_52] : memref<10240x64xbf16, #tpu.memory_space<vmem_shared>> -> memref<10240x64xbf16, #tpu.memory_space<vmem_shared>>
      tpu.wait_indirect_dma semaphore(%arg15 : memref<!tpu.dma_semaphore, #tpu.memory_space<semaphore_mem>>) src(%dma_wait3A_53 : memref<10240x64xbf16, #tpu.memory_space<vmem_shared>>) dst(%arg9 : memref<128x64xbf16, #tpu.memory_space<vmem>>)
      %ge3A = arith.constant 2 : i32
      %ge3A_54 = arith.cmpi sge, %mul3A_47, %ge3A : i32
      %convert_element_type3A = arith.extui %ge3A_54 : i1 to i32
      %cond3A = arith.constant 0 : i32
      %cond3A_55 = arith.cmpi ne, %convert_element_type3A, %cond3A : i32
      scf.if %cond3A_55 {
        %sub3A = arith.constant 2 : i32
        %sub3A_106 = arith.subi %mul3A_47, %sub3A : i32
        %dma_wait3A_107 = arith.constant 0 : i32
        %dma_wait3A_108 = tpu.memref_slice %arg8[%sub3A_106, %dma_wait3A_107] : memref<158x128xi32, #tpu.memory_space<vmem>> -> memref<1x128xi32, #tpu.memory_space<vmem>>
        %dma_wait3A_109 = tpu.memref_squeeze %dma_wait3A_108 : memref<1x128xi32, #tpu.memory_space<vmem>> -> memref<128xi32, #tpu.memory_space<vmem>>
        %dma_wait3A_110 = arith.constant 0 : i32
        %dma_wait3A_111 = arith.constant 0 : i32
        %dma_wait3A_112 = tpu.memref_slice %arg14[%dma_wait3A_110, %dma_wait3A_111] : memref<10240x64xf32, #tpu.memory_space<vmem_shared>> -> memref<10240x64xf32, #tpu.memory_space<vmem_shared>>
        tpu.wait_indirect_dma semaphore(%arg17 : memref<!tpu.dma_semaphore, #tpu.memory_space<semaphore_mem>>) src(%arg11 : memref<128x64xf32, #tpu.memory_space<vmem>>) dst(%dma_wait3A_112 : memref<10240x64xf32, #tpu.memory_space<vmem_shared>>)
      } else {
      }
      %scan3A_56 = arith.constant 0 : i32
      %scan3A_57 = arith.constant 0 : i32
      %scan3A_58 = arith.constant 128 : i32
      %scan3A_59 = arith.addi %scan3A_57, %scan3A_58 : i32
      %scan3A_60 = arith.constant 8 : i32
      scf.for %scan3A_106 = %scan3A_57 to %scan3A_59 step %scan3A_60  : i32 {
        %get3A = arith.index_cast %scan3A_106 : i32 to index
        %get3A_107 = arith.constant 0 : index
        %get3A_108 = tpu.vector_load %arg9[%get3A, %get3A_107] {strides = array<i32>} : memref<128x64xbf16, #tpu.memory_space<vmem>>, vector<32xbf16>,
        %unpack3A = tpu.unpack_subelements %get3A_108, 0 {pack_format = #tpu.pack_format<interleaved>} : vector<32xbf16> -> vector<16xf32>
        %unpack3A_109 = tpu.unpack_subelements %get3A_108, 1 {pack_format = #tpu.pack_format<interleaved>} : vector<32xbf16> -> vector<16xf32>
        %swap3A = arith.index_cast %scan3A_106 : i32 to index
        %swap3A_110 = arith.constant 0 : index
        %swap3A_111 = tpu.vector_load %arg11[%swap3A, %swap3A_110] {strides = array<i32>} : memref<128x64xf32, #tpu.memory_space<vmem>>, vector<16xf32>,
        tpu.vector_store %arg11[%swap3A, %swap3A_110], %unpack3A {strides = array<i32>} : memref<128x64xf32, #tpu.memory_space<vmem>>, vector<16xf32>,
        %swap3A_112 = arith.index_cast %scan3A_106 : i32 to index
        %swap3A_113 = arith.constant 16 : index
        %swap3A_114 = tpu.vector_load %arg11[%swap3A_112, %swap3A_113] {strides = array<i32>} : memref<128x64xf32, #tpu.memory_space<vmem>>, vector<16xf32>,
        tpu.vector_store %arg11[%swap3A_112, %swap3A_113], %unpack3A_109 {strides = array<i32>} : memref<128x64xf32, #tpu.memory_space<vmem>>, vector<16xf32>,
        %get3A_115 = arith.index_cast %scan3A_106 : i32 to index
        %get3A_116 = arith.constant 32 : index
        %get3A_117 = tpu.vector_load %arg9[%get3A_115, %get3A_116] {strides = array<i32>} : memref<128x64xbf16, #tpu.memory_space<vmem>>, vector<32xbf16>,
        %unpack3A_118 = tpu.unpack_subelements %get3A_117, 0 {pack_format = #tpu.pack_format<interleaved>} : vector<32xbf16> -> vector<16xf32>
        %unpack3A_119 = tpu.unpack_subelements %get3A_117, 1 {pack_format = #tpu.pack_format<interleaved>} : vector<32xbf16> -> vector<16xf32>
        %swap3A_120 = arith.index_cast %scan3A_106 : i32 to index
        %swap3A_121 = arith.constant 32 : index
        %swap3A_122 = tpu.vector_load %arg11[%swap3A_120, %swap3A_121] {strides = array<i32>} : memref<128x64xf32, #tpu.memory_space<vmem>>, vector<16xf32>,
        tpu.vector_store %arg11[%swap3A_120, %swap3A_121], %unpack3A_118 {strides = array<i32>} : memref<128x64xf32, #tpu.memory_space<vmem>>, vector<16xf32>,
        %swap3A_123 = arith.index_cast %scan3A_106 : i32 to index
        %swap3A_124 = arith.constant 48 : index
        %swap3A_125 = tpu.vector_load %arg11[%swap3A_123, %swap3A_124] {strides = array<i32>} : memref<128x64xf32, #tpu.memory_space<vmem>>, vector<16xf32>,
        tpu.vector_store %arg11[%swap3A_123, %swap3A_124], %unpack3A_119 {strides = array<i32>} : memref<128x64xf32, #tpu.memory_space<vmem>>, vector<16xf32>,
        %scan3A_126 = arith.constant 1 : i32
        %scan3A_127 = arith.addi %scan3A_106, %scan3A_126 : i32
        %get3A_128 = arith.index_cast %scan3A_127 : i32 to index
        %get3A_129 = arith.constant 0 : index
        %get3A_130 = tpu.vector_load %arg9[%get3A_128, %get3A_129] {strides = array<i32>} : memref<128x64xbf16, #tpu.memory_space<vmem>>, vector<32xbf16>,
        %unpack3A_131 = tpu.unpack_subelements %get3A_130, 0 {pack_format = #tpu.pack_format<interleaved>} : vector<32xbf16> -> vector<16xf32>
        %unpack3A_132 = tpu.unpack_subelements %get3A_130, 1 {pack_format = #tpu.pack_format<interleaved>} : vector<32xbf16> -> vector<16xf32>
        %swap3A_133 = arith.index_cast %scan3A_127 : i32 to index
        %swap3A_134 = arith.constant 0 : index
        %swap3A_135 = tpu.vector_load %arg11[%swap3A_133, %swap3A_134] {strides = array<i32>} : memref<128x64xf32, #tpu.memory_space<vmem>>, vector<16xf32>,
        tpu.vector_store %arg11[%swap3A_133, %swap3A_134], %unpack3A_131 {strides = array<i32>} : memref<128x64xf32, #tpu.memory_space<vmem>>, vector<16xf32>,
        %swap3A_136 = arith.index_cast %scan3A_127 : i32 to index
        %swap3A_137 = arith.constant 16 : index
        %swap3A_138 = tpu.vector_load %arg11[%swap3A_136, %swap3A_137] {strides = array<i32>} : memref<128x64xf32, #tpu.memory_space<vmem>>, vector<16xf32>,
        tpu.vector_store %arg11[%swap3A_136, %swap3A_137], %unpack3A_132 {strides = array<i32>} : memref<128x64xf32, #tpu.memory_space<vmem>>, vector<16xf32>,
        %get3A_139 = arith.index_cast %scan3A_127 : i32 to index
        %get3A_140 = arith.constant 32 : index
        %get3A_141 = tpu.vector_load %arg9[%get3A_139, %get3A_140] {strides = array<i32>} : memref<128x64xbf16, #tpu.memory_space<vmem>>, vector<32xbf16>,
        %unpack3A_142 = tpu.unpack_subelements %get3A_141, 0 {pack_format = #tpu.pack_format<interleaved>} : vector<32xbf16> -> vector<16xf32>
        %unpack3A_143 = tpu.unpack_subelements %get3A_141, 1 {pack_format = #tpu.pack_format<interleaved>} : vector<32xbf16> -> vector<16xf32>
        %swap3A_144 = arith.index_cast %scan3A_127 : i32 to index
        %swap3A_145 = arith.constant 32 : index
        %swap3A_146 = tpu.vector_load %arg11[%swap3A_144, %swap3A_145] {strides = array<i32>} : memref<128x64xf32, #tpu.memory_space<vmem>>, vector<16xf32>,
        tpu.vector_store %arg11[%swap3A_144, %swap3A_145], %unpack3A_142 {strides = array<i32>} : memref<128x64xf32, #tpu.memory_space<vmem>>, vector<16xf32>,
        %swap3A_147 = arith.index_cast %scan3A_127 : i32 to index
        %swap3A_148 = arith.constant 48 : index
        %swap3A_149 = tpu.vector_load %arg11[%swap3A_147, %swap3A_148] {strides = array<i32>} : memref<128x64xf32, #tpu.memory_space<vmem>>, vector<16xf32>,
        tpu.vector_store %arg11[%swap3A_147, %swap3A_148], %unpack3A_143 {strides = array<i32>} : memref<128x64xf32, #tpu.memory_space<vmem>>, vector<16xf32>,
        %scan3A_150 = arith.constant 2 : i32
        %scan3A_151 = arith.addi %scan3A_106, %scan3A_150 : i32
        %get3A_152 = arith.index_cast %scan3A_151 : i32 to index
        %get3A_153 = arith.constant 0 : index
        %get3A_154 = tpu.vector_load %arg9[%get3A_152, %get3A_153] {strides = array<i32>} : memref<128x64xbf16, #tpu.memory_space<vmem>>, vector<32xbf16>,
        %unpack3A_155 = tpu.unpack_subelements %get3A_154, 0 {pack_format = #tpu.pack_format<interleaved>} : vector<32xbf16> -> vector<16xf32>
        %unpack3A_156 = tpu.unpack_subelements %get3A_154, 1 {pack_format = #tpu.pack_format<interleaved>} : vector<32xbf16> -> vector<16xf32>
        %swap3A_157 = arith.index_cast %scan3A_151 : i32 to index
        %swap3A_158 = arith.constant 0 : index
        %swap3A_159 = tpu.vector_load %arg11[%swap3A_157, %swap3A_158] {strides = array<i32>} : memref<128x64xf32, #tpu.memory_space<vmem>>, vector<16xf32>,
        tpu.vector_store %arg11[%swap3A_157, %swap3A_158], %unpack3A_155 {strides = array<i32>} : memref<128x64xf32, #tpu.memory_space<vmem>>, vector<16xf32>,
        %swap3A_160 = arith.index_cast %scan3A_151 : i32 to index
        %swap3A_161 = arith.constant 16 : index
        %swap3A_162 = tpu.vector_load %arg11[%swap3A_160, %swap3A_161] {strides = array<i32>} : memref<128x64xf32, #tpu.memory_space<vmem>>, vector<16xf32>,
        tpu.vector_store %arg11[%swap3A_160, %swap3A_161], %unpack3A_156 {strides = array<i32>} : memref<128x64xf32, #tpu.memory_space<vmem>>, vector<16xf32>,
        %get3A_163 = arith.index_cast %scan3A_151 : i32 to index
        %get3A_164 = arith.constant 32 : index
        %get3A_165 = tpu.vector_load %arg9[%get3A_163, %get3A_164] {strides = array<i32>} : memref<128x64xbf16, #tpu.memory_space<vmem>>, vector<32xbf16>,
        %unpack3A_166 = tpu.unpack_subelements %get3A_165, 0 {pack_format = #tpu.pack_format<interleaved>} : vector<32xbf16> -> vector<16xf32>
        %unpack3A_167 = tpu.unpack_subelements %get3A_165, 1 {pack_format = #tpu.pack_format<interleaved>} : vector<32xbf16> -> vector<16xf32>
        %swap3A_168 = arith.index_cast %scan3A_151 : i32 to index
        %swap3A_169 = arith.constant 32 : index
        %swap3A_170 = tpu.vector_load %arg11[%swap3A_168, %swap3A_169] {strides = array<i32>} : memref<128x64xf32, #tpu.memory_space<vmem>>, vector<16xf32>,
        tpu.vector_store %arg11[%swap3A_168, %swap3A_169], %unpack3A_166 {strides = array<i32>} : memref<128x64xf32, #tpu.memory_space<vmem>>, vector<16xf32>,
        %swap3A_171 = arith.index_cast %scan3A_151 : i32 to index
        %swap3A_172 = arith.constant 48 : index
        %swap3A_173 = tpu.vector_load %arg11[%swap3A_171, %swap3A_172] {strides = array<i32>} : memref<128x64xf32, #tpu.memory_space<vmem>>, vector<16xf32>,
        tpu.vector_store %arg11[%swap3A_171, %swap3A_172], %unpack3A_167 {strides = array<i32>} : memref<128x64xf32, #tpu.memory_space<vmem>>, vector<16xf32>,
        %scan3A_174 = arith.constant 3 : i32
        %scan3A_175 = arith.addi %scan3A_106, %scan3A_174 : i32
        %get3A_176 = arith.index_cast %scan3A_175 : i32 to index
        %get3A_177 = arith.constant 0 : index
        %get3A_178 = tpu.vector_load %arg9[%get3A_176, %get3A_177] {strides = array<i32>} : memref<128x64xbf16, #tpu.memory_space<vmem>>, vector<32xbf16>,
        %unpack3A_179 = tpu.unpack_subelements %get3A_178, 0 {pack_format = #tpu.pack_format<interleaved>} : vector<32xbf16> -> vector<16xf32>
        %unpack3A_180 = tpu.unpack_subelements %get3A_178, 1 {pack_format = #tpu.pack_format<interleaved>} : vector<32xbf16> -> vector<16xf32>
        %swap3A_181 = arith.index_cast %scan3A_175 : i32 to index
        %swap3A_182 = arith.constant 0 : index
        %swap3A_183 = tpu.vector_load %arg11[%swap3A_181, %swap3A_182] {strides = array<i32>} : memref<128x64xf32, #tpu.memory_space<vmem>>, vector<16xf32>,
        tpu.vector_store %arg11[%swap3A_181, %swap3A_182], %unpack3A_179 {strides = array<i32>} : memref<128x64xf32, #tpu.memory_space<vmem>>, vector<16xf32>,
        %swap3A_184 = arith.index_cast %scan3A_175 : i32 to index
        %swap3A_185 = arith.constant 16 : index
        %swap3A_186 = tpu.vector_load %arg11[%swap3A_184, %swap3A_185] {strides = array<i32>} : memref<128x64xf32, #tpu.memory_space<vmem>>, vector<16xf32>,
        tpu.vector_store %arg11[%swap3A_184, %swap3A_185], %unpack3A_180 {strides = array<i32>} : memref<128x64xf32, #tpu.memory_space<vmem>>, vector<16xf32>,
        %get3A_187 = arith.index_cast %scan3A_175 : i32 to index
        %get3A_188 = arith.constant 32 : index
        %get3A_189 = tpu.vector_load %arg9[%get3A_187, %get3A_188] {strides = array<i32>} : memref<128x64xbf16, #tpu.memory_space<vmem>>, vector<32xbf16>,
        %unpack3A_190 = tpu.unpack_subelements %get3A_189, 0 {pack_format = #tpu.pack_format<interleaved>} : vector<32xbf16> -> vector<16xf32>
        %unpack3A_191 = tpu.unpack_subelements %get3A_189, 1 {pack_format = #tpu.pack_format<interleaved>} : vector<32xbf16> -> vector<16xf32>
        %swap3A_192 = arith.index_cast %scan3A_175 : i32 to index
        %swap3A_193 = arith.constant 32 : index
        %swap3A_194 = tpu.vector_load %arg11[%swap3A_192, %swap3A_193] {strides = array<i32>} : memref<128x64xf32, #tpu.memory_space<vmem>>, vector<16xf32>,
        tpu.vector_store %arg11[%swap3A_192, %swap3A_193], %unpack3A_190 {strides = array<i32>} : memref<128x64xf32, #tpu.memory_space<vmem>>, vector<16xf32>,
        %swap3A_195 = arith.index_cast %scan3A_175 : i32 to index
        %swap3A_196 = arith.constant 48 : index
        %swap3A_197 = tpu.vector_load %arg11[%swap3A_195, %swap3A_196] {strides = array<i32>} : memref<128x64xf32, #tpu.memory_space<vmem>>, vector<16xf32>,
        tpu.vector_store %arg11[%swap3A_195, %swap3A_196], %unpack3A_191 {strides = array<i32>} : memref<128x64xf32, #tpu.memory_space<vmem>>, vector<16xf32>,
        %scan3A_198 = arith.constant 4 : i32
        %scan3A_199 = arith.addi %scan3A_106, %scan3A_198 : i32
        %get3A_200 = arith.index_cast %scan3A_199 : i32 to index
        %get3A_201 = arith.constant 0 : index
        %get3A_202 = tpu.vector_load %arg9[%get3A_200, %get3A_201] {strides = array<i32>} : memref<128x64xbf16, #tpu.memory_space<vmem>>, vector<32xbf16>,
        %unpack3A_203 = tpu.unpack_subelements %get3A_202, 0 {pack_format = #tpu.pack_format<interleaved>} : vector<32xbf16> -> vector<16xf32>
        %unpack3A_204 = tpu.unpack_subelements %get3A_202, 1 {pack_format = #tpu.pack_format<interleaved>} : vector<32xbf16> -> vector<16xf32>
        %swap3A_205 = arith.index_cast %scan3A_199 : i32 to index
        %swap3A_206 = arith.constant 0 : index
        %swap3A_207 = tpu.vector_load %arg11[%swap3A_205, %swap3A_206] {strides = array<i32>} : memref<128x64xf32, #tpu.memory_space<vmem>>, vector<16xf32>,
        tpu.vector_store %arg11[%swap3A_205, %swap3A_206], %unpack3A_203 {strides = array<i32>} : memref<128x64xf32, #tpu.memory_space<vmem>>, vector<16xf32>,
        %swap3A_208 = arith.index_cast %scan3A_199 : i32 to index
        %swap3A_209 = arith.constant 16 : index
        %swap3A_210 = tpu.vector_load %arg11[%swap3A_208, %swap3A_209] {strides = array<i32>} : memref<128x64xf32, #tpu.memory_space<vmem>>, vector<16xf32>,
        tpu.vector_store %arg11[%swap3A_208, %swap3A_209], %unpack3A_204 {strides = array<i32>} : memref<128x64xf32, #tpu.memory_space<vmem>>, vector<16xf32>,
        %get3A_211 = arith.index_cast %scan3A_199 : i32 to index
        %get3A_212 = arith.constant 32 : index
        %get3A_213 = tpu.vector_load %arg9[%get3A_211, %get3A_212] {strides = array<i32>} : memref<128x64xbf16, #tpu.memory_space<vmem>>, vector<32xbf16>,
        %unpack3A_214 = tpu.unpack_subelements %get3A_213, 0 {pack_format = #tpu.pack_format<interleaved>} : vector<32xbf16> -> vector<16xf32>
        %unpack3A_215 = tpu.unpack_subelements %get3A_213, 1 {pack_format = #tpu.pack_format<interleaved>} : vector<32xbf16> -> vector<16xf32>
        %swap3A_216 = arith.index_cast %scan3A_199 : i32 to index
        %swap3A_217 = arith.constant 32 : index
        %swap3A_218 = tpu.vector_load %arg11[%swap3A_216, %swap3A_217] {strides = array<i32>} : memref<128x64xf32, #tpu.memory_space<vmem>>, vector<16xf32>,
        tpu.vector_store %arg11[%swap3A_216, %swap3A_217], %unpack3A_214 {strides = array<i32>} : memref<128x64xf32, #tpu.memory_space<vmem>>, vector<16xf32>,
        %swap3A_219 = arith.index_cast %scan3A_199 : i32 to index
        %swap3A_220 = arith.constant 48 : index
        %swap3A_221 = tpu.vector_load %arg11[%swap3A_219, %swap3A_220] {strides = array<i32>} : memref<128x64xf32, #tpu.memory_space<vmem>>, vector<16xf32>,
        tpu.vector_store %arg11[%swap3A_219, %swap3A_220], %unpack3A_215 {strides = array<i32>} : memref<128x64xf32, #tpu.memory_space<vmem>>, vector<16xf32>,
        %scan3A_222 = arith.constant 5 : i32
        %scan3A_223 = arith.addi %scan3A_106, %scan3A_222 : i32
        %get3A_224 = arith.index_cast %scan3A_223 : i32 to index
        %get3A_225 = arith.constant 0 : index
        %get3A_226 = tpu.vector_load %arg9[%get3A_224, %get3A_225] {strides = array<i32>} : memref<128x64xbf16, #tpu.memory_space<vmem>>, vector<32xbf16>,
        %unpack3A_227 = tpu.unpack_subelements %get3A_226, 0 {pack_format = #tpu.pack_format<interleaved>} : vector<32xbf16> -> vector<16xf32>
        %unpack3A_228 = tpu.unpack_subelements %get3A_226, 1 {pack_format = #tpu.pack_format<interleaved>} : vector<32xbf16> -> vector<16xf32>
        %swap3A_229 = arith.index_cast %scan3A_223 : i32 to index
        %swap3A_230 = arith.constant 0 : index
        %swap3A_231 = tpu.vector_load %arg11[%swap3A_229, %swap3A_230] {strides = array<i32>} : memref<128x64xf32, #tpu.memory_space<vmem>>, vector<16xf32>,
        tpu.vector_store %arg11[%swap3A_229, %swap3A_230], %unpack3A_227 {strides = array<i32>} : memref<128x64xf32, #tpu.memory_space<vmem>>, vector<16xf32>,
        %swap3A_232 = arith.index_cast %scan3A_223 : i32 to index
        %swap3A_233 = arith.constant 16 : index
        %swap3A_234 = tpu.vector_load %arg11[%swap3A_232, %swap3A_233] {strides = array<i32>} : memref<128x64xf32, #tpu.memory_space<vmem>>, vector<16xf32>,
        tpu.vector_store %arg11[%swap3A_232, %swap3A_233], %unpack3A_228 {strides = array<i32>} : memref<128x64xf32, #tpu.memory_space<vmem>>, vector<16xf32>,
        %get3A_235 = arith.index_cast %scan3A_223 : i32 to index
        %get3A_236 = arith.constant 32 : index
        %get3A_237 = tpu.vector_load %arg9[%get3A_235, %get3A_236] {strides = array<i32>} : memref<128x64xbf16, #tpu.memory_space<vmem>>, vector<32xbf16>,
        %unpack3A_238 = tpu.unpack_subelements %get3A_237, 0 {pack_format = #tpu.pack_format<interleaved>} : vector<32xbf16> -> vector<16xf32>
        %unpack3A_239 = tpu.unpack_subelements %get3A_237, 1 {pack_format = #tpu.pack_format<interleaved>} : vector<32xbf16> -> vector<16xf32>
        %swap3A_240 = arith.index_cast %scan3A_223 : i32 to index
        %swap3A_241 = arith.constant 32 : index
        %swap3A_242 = tpu.vector_load %arg11[%swap3A_240, %swap3A_241] {strides = array<i32>} : memref<128x64xf32, #tpu.memory_space<vmem>>, vector<16xf32>,
        tpu.vector_store %arg11[%swap3A_240, %swap3A_241], %unpack3A_238 {strides = array<i32>} : memref<128x64xf32, #tpu.memory_space<vmem>>, vector<16xf32>,
        %swap3A_243 = arith.index_cast %scan3A_223 : i32 to index
        %swap3A_244 = arith.constant 48 : index
        %swap3A_245 = tpu.vector_load %arg11[%swap3A_243, %swap3A_244] {strides = array<i32>} : memref<128x64xf32, #tpu.memory_space<vmem>>, vector<16xf32>,
        tpu.vector_store %arg11[%swap3A_243, %swap3A_244], %unpack3A_239 {strides = array<i32>} : memref<128x64xf32, #tpu.memory_space<vmem>>, vector<16xf32>,
        %scan3A_246 = arith.constant 6 : i32
        %scan3A_247 = arith.addi %scan3A_106, %scan3A_246 : i32
        %get3A_248 = arith.index_cast %scan3A_247 : i32 to index
        %get3A_249 = arith.constant 0 : index
        %get3A_250 = tpu.vector_load %arg9[%get3A_248, %get3A_249] {strides = array<i32>} : memref<128x64xbf16, #tpu.memory_space<vmem>>, vector<32xbf16>,
        %unpack3A_251 = tpu.unpack_subelements %get3A_250, 0 {pack_format = #tpu.pack_format<interleaved>} : vector<32xbf16> -> vector<16xf32>
        %unpack3A_252 = tpu.unpack_subelements %get3A_250, 1 {pack_format = #tpu.pack_format<interleaved>} : vector<32xbf16> -> vector<16xf32>
        %swap3A_253 = arith.index_cast %scan3A_247 : i32 to index
        %swap3A_254 = arith.constant 0 : index
        %swap3A_255 = tpu.vector_load %arg11[%swap3A_253, %swap3A_254] {strides = array<i32>} : memref<128x64xf32, #tpu.memory_space<vmem>>, vector<16xf32>,
        tpu.vector_store %arg11[%swap3A_253, %swap3A_254], %unpack3A_251 {strides = array<i32>} : memref<128x64xf32, #tpu.memory_space<vmem>>, vector<16xf32>,
        %swap3A_256 = arith.index_cast %scan3A_247 : i32 to index
        %swap3A_257 = arith.constant 16 : index
        %swap3A_258 = tpu.vector_load %arg11[%swap3A_256, %swap3A_257] {strides = array<i32>} : memref<128x64xf32, #tpu.memory_space<vmem>>, vector<16xf32>,
        tpu.vector_store %arg11[%swap3A_256, %swap3A_257], %unpack3A_252 {strides = array<i32>} : memref<128x64xf32, #tpu.memory_space<vmem>>, vector<16xf32>,
        %get3A_259 = arith.index_cast %scan3A_247 : i32 to index
        %get3A_260 = arith.constant 32 : index
        %get3A_261 = tpu.vector_load %arg9[%get3A_259, %get3A_260] {strides = array<i32>} : memref<128x64xbf16, #tpu.memory_space<vmem>>, vector<32xbf16>,
        %unpack3A_262 = tpu.unpack_subelements %get3A_261, 0 {pack_format = #tpu.pack_format<interleaved>} : vector<32xbf16> -> vector<16xf32>
        %unpack3A_263 = tpu.unpack_subelements %get3A_261, 1 {pack_format = #tpu.pack_format<interleaved>} : vector<32xbf16> -> vector<16xf32>
        %swap3A_264 = arith.index_cast %scan3A_247 : i32 to index
        %swap3A_265 = arith.constant 32 : index
        %swap3A_266 = tpu.vector_load %arg11[%swap3A_264, %swap3A_265] {strides = array<i32>} : memref<128x64xf32, #tpu.memory_space<vmem>>, vector<16xf32>,
        tpu.vector_store %arg11[%swap3A_264, %swap3A_265], %unpack3A_262 {strides = array<i32>} : memref<128x64xf32, #tpu.memory_space<vmem>>, vector<16xf32>,
        %swap3A_267 = arith.index_cast %scan3A_247 : i32 to index
        %swap3A_268 = arith.constant 48 : index
        %swap3A_269 = tpu.vector_load %arg11[%swap3A_267, %swap3A_268] {strides = array<i32>} : memref<128x64xf32, #tpu.memory_space<vmem>>, vector<16xf32>,
        tpu.vector_store %arg11[%swap3A_267, %swap3A_268], %unpack3A_263 {strides = array<i32>} : memref<128x64xf32, #tpu.memory_space<vmem>>, vector<16xf32>,
        %scan3A_270 = arith.constant 7 : i32
        %scan3A_271 = arith.addi %scan3A_106, %scan3A_270 : i32
        %get3A_272 = arith.index_cast %scan3A_271 : i32 to index
        %get3A_273 = arith.constant 0 : index
        %get3A_274 = tpu.vector_load %arg9[%get3A_272, %get3A_273] {strides = array<i32>} : memref<128x64xbf16, #tpu.memory_space<vmem>>, vector<32xbf16>,
        %unpack3A_275 = tpu.unpack_subelements %get3A_274, 0 {pack_format = #tpu.pack_format<interleaved>} : vector<32xbf16> -> vector<16xf32>
        %unpack3A_276 = tpu.unpack_subelements %get3A_274, 1 {pack_format = #tpu.pack_format<interleaved>} : vector<32xbf16> -> vector<16xf32>
        %swap3A_277 = arith.index_cast %scan3A_271 : i32 to index
        %swap3A_278 = arith.constant 0 : index
        %swap3A_279 = tpu.vector_load %arg11[%swap3A_277, %swap3A_278] {strides = array<i32>} : memref<128x64xf32, #tpu.memory_space<vmem>>, vector<16xf32>,
        tpu.vector_store %arg11[%swap3A_277, %swap3A_278], %unpack3A_275 {strides = array<i32>} : memref<128x64xf32, #tpu.memory_space<vmem>>, vector<16xf32>,
        %swap3A_280 = arith.index_cast %scan3A_271 : i32 to index
        %swap3A_281 = arith.constant 16 : index
        %swap3A_282 = tpu.vector_load %arg11[%swap3A_280, %swap3A_281] {strides = array<i32>} : memref<128x64xf32, #tpu.memory_space<vmem>>, vector<16xf32>,
        tpu.vector_store %arg11[%swap3A_280, %swap3A_281], %unpack3A_276 {strides = array<i32>} : memref<128x64xf32, #tpu.memory_space<vmem>>, vector<16xf32>,
        %get3A_283 = arith.index_cast %scan3A_271 : i32 to index
        %get3A_284 = arith.constant 32 : index
        %get3A_285 = tpu.vector_load %arg9[%get3A_283, %get3A_284] {strides = array<i32>} : memref<128x64xbf16, #tpu.memory_space<vmem>>, vector<32xbf16>,
        %unpack3A_286 = tpu.unpack_subelements %get3A_285, 0 {pack_format = #tpu.pack_format<interleaved>} : vector<32xbf16> -> vector<16xf32>
        %unpack3A_287 = tpu.unpack_subelements %get3A_285, 1 {pack_format = #tpu.pack_format<interleaved>} : vector<32xbf16> -> vector<16xf32>
        %swap3A_288 = arith.index_cast %scan3A_271 : i32 to index
        %swap3A_289 = arith.constant 32 : index
        %swap3A_290 = tpu.vector_load %arg11[%swap3A_288, %swap3A_289] {strides = array<i32>} : memref<128x64xf32, #tpu.memory_space<vmem>>, vector<16xf32>,
        tpu.vector_store %arg11[%swap3A_288, %swap3A_289], %unpack3A_286 {strides = array<i32>} : memref<128x64xf32, #tpu.memory_space<vmem>>, vector<16xf32>,
        %swap3A_291 = arith.index_cast %scan3A_271 : i32 to index
        %swap3A_292 = arith.constant 48 : index
        %swap3A_293 = tpu.vector_load %arg11[%swap3A_291, %swap3A_292] {strides = array<i32>} : memref<128x64xf32, #tpu.memory_space<vmem>>, vector<16xf32>,
        tpu.vector_store %arg11[%swap3A_291, %swap3A_292], %unpack3A_287 {strides = array<i32>} : memref<128x64xf32, #tpu.memory_space<vmem>>, vector<16xf32>,
      }
      %scan3A_61 = arith.constant 128 : i32
      %add3A_62 = arith.constant 2 : i32
      %add3A_63 = arith.addi %mul3A_47, %add3A_62 : i32
      %lt3A = arith.constant 158 : i32
      %lt3A_64 = arith.cmpi slt, %add3A_63, %lt3A : i32
      %convert_element_type3A_65 = arith.extui %lt3A_64 : i1 to i32
      %cond3A_66 = arith.constant 0 : i32
      %cond3A_67 = arith.cmpi ne, %convert_element_type3A_65, %cond3A_66 : i32
      scf.if %cond3A_67 {
        %add3A_106 = arith.constant 2 : i32
        %add3A_107 = arith.addi %mul3A_47, %add3A_106 : i32
        %dma_start3A_108 = arith.constant 0 : i32
        %dma_start3A_109 = tpu.memref_slice %arg7[%add3A_107, %dma_start3A_108] : memref<158x128xi32, #tpu.memory_space<vmem>> -> memref<1x128xi32, #tpu.memory_space<vmem>>
        %dma_start3A_110 = tpu.memref_squeeze %dma_start3A_109 : memref<1x128xi32, #tpu.memory_space<vmem>> -> memref<128xi32, #tpu.memory_space<vmem>>
        %dma_start3A_111 = arith.constant 0 : i32
        %dma_start3A_112 = arith.constant 0 : i32
        %dma_start3A_113 = tpu.memref_slice %arg13[%dma_start3A_111, %dma_start3A_112] : memref<10240x64xbf16, #tpu.memory_space<vmem_shared>> -> memref<10240x64xbf16, #tpu.memory_space<vmem_shared>>
        tpu.enqueue_indirect_dma source(%dma_start3A_113 : memref<10240x64xbf16, #tpu.memory_space<vmem_shared>>) target(%arg9 : memref<128x64xbf16, #tpu.memory_space<vmem>>) offsets(%dma_start3A_110 : memref<128xi32, #tpu.memory_space<vmem>>) semaphore(%arg15 : memref<!tpu.dma_semaphore, #tpu.memory_space<semaphore_mem>>)
      } else {
      }
      %dma_start3A_68 = arith.constant 0 : i32
      %dma_start3A_69 = tpu.memref_slice %arg8[%mul3A_47, %dma_start3A_68] : memref<158x128xi32, #tpu.memory_space<vmem>> -> memref<1x128xi32, #tpu.memory_space<vmem>>
      %dma_start3A_70 = tpu.memref_squeeze %dma_start3A_69 : memref<1x128xi32, #tpu.memory_space<vmem>> -> memref<128xi32, #tpu.memory_space<vmem>>
      %dma_start3A_71 = arith.constant 0 : i32
      %dma_start3A_72 = arith.constant 0 : i32
      %dma_start3A_73 = tpu.memref_slice %arg14[%dma_start3A_71, %dma_start3A_72] : memref<10240x64xf32, #tpu.memory_space<vmem_shared>> -> memref<10240x64xf32, #tpu.memory_space<vmem_shared>>
      tpu.enqueue_indirect_dma source(%arg11 : memref<128x64xf32, #tpu.memory_space<vmem>>) target(%dma_start3A_73 : memref<10240x64xf32, #tpu.memory_space<vmem_shared>>) offsets(%dma_start3A_70 : memref<128xi32, #tpu.memory_space<vmem>>) semaphore(%arg17 : memref<!tpu.dma_semaphore, #tpu.memory_space<semaphore_mem>>) {add = true}
      %add3A_74 = arith.constant 1 : i32
      %add3A_75 = arith.addi %mul3A_47, %add3A_74 : i32
      %dma_wait3A_76 = arith.constant 0 : i32
      %dma_wait3A_77 = tpu.memref_slice %arg7[%add3A_75, %dma_wait3A_76] : memref<158x128xi32, #tpu.memory_space<vmem>> -> memref<1x128xi32, #tpu.memory_space<vmem>>
      %dma_wait3A_78 = tpu.memref_squeeze %dma_wait3A_77 : memref<1x128xi32, #tpu.memory_space<vmem>> -> memref<128xi32, #tpu.memory_space<vmem>>
      %dma_wait3A_79 = arith.constant 0 : i32
      %dma_wait3A_80 = arith.constant 0 : i32
      %dma_wait3A_81 = tpu.memref_slice %arg13[%dma_wait3A_79, %dma_wait3A_80] : memref<10240x64xbf16, #tpu.memory_space<vmem_shared>> -> memref<10240x64xbf16, #tpu.memory_space<vmem_shared>>
      tpu.wait_indirect_dma semaphore(%arg16 : memref<!tpu.dma_semaphore, #tpu.memory_space<semaphore_mem>>) src(%dma_wait3A_81 : memref<10240x64xbf16, #tpu.memory_space<vmem_shared>>) dst(%arg10 : memref<128x64xbf16, #tpu.memory_space<vmem>>)
      %ge3A_82 = arith.constant 2 : i32
      %ge3A_83 = arith.cmpi sge, %add3A_75, %ge3A_82 : i32
      %convert_element_type3A_84 = arith.extui %ge3A_83 : i1 to i32
      %cond3A_85 = arith.constant 0 : i32
      %cond3A_86 = arith.cmpi ne, %convert_element_type3A_84, %cond3A_85 : i32
      scf.if %cond3A_86 {
        %sub3A = arith.constant 2 : i32
        %sub3A_106 = arith.subi %add3A_75, %sub3A : i32
        %dma_wait3A_107 = arith.constant 0 : i32
        %dma_wait3A_108 = tpu.memref_slice %arg8[%sub3A_106, %dma_wait3A_107] : memref<158x128xi32, #tpu.memory_space<vmem>> -> memref<1x128xi32, #tpu.memory_space<vmem>>
        %dma_wait3A_109 = tpu.memref_squeeze %dma_wait3A_108 : memref<1x128xi32, #tpu.memory_space<vmem>> -> memref<128xi32, #tpu.memory_space<vmem>>
        %dma_wait3A_110 = arith.constant 0 : i32
        %dma_wait3A_111 = arith.constant 0 : i32
        %dma_wait3A_112 = tpu.memref_slice %arg14[%dma_wait3A_110, %dma_wait3A_111] : memref<10240x64xf32, #tpu.memory_space<vmem_shared>> -> memref<10240x64xf32, #tpu.memory_space<vmem_shared>>
        tpu.wait_indirect_dma semaphore(%arg18 : memref<!tpu.dma_semaphore, #tpu.memory_space<semaphore_mem>>) src(%arg12 : memref<128x64xf32, #tpu.memory_space<vmem>>) dst(%dma_wait3A_112 : memref<10240x64xf32, #tpu.memory_space<vmem_shared>>)
      } else {
      }
      %scan3A_87 = arith.constant 0 : i32
      %scan3A_88 = arith.constant 0 : i32
      %scan3A_89 = arith.constant 128 : i32
      %scan3A_90 = arith.addi %scan3A_88, %scan3A_89 : i32
      %scan3A_91 = arith.constant 8 : i32
      scf.for %scan3A_106 = %scan3A_88 to %scan3A_90 step %scan3A_91  : i32 {
        %get3A = arith.index_cast %scan3A_106 : i32 to index
        %get3A_107 = arith.constant 0 : index
        %get3A_108 = tpu.vector_load %arg10[%get3A, %get3A_107] {strides = array<i32>} : memref<128x64xbf16, #tpu.memory_space<vmem>>, vector<32xbf16>,
        %unpack3A = tpu.unpack_subelements %get3A_108, 0 {pack_format = #tpu.pack_format<interleaved>} : vector<32xbf16> -> vector<16xf32>
        %unpack3A_109 = tpu.unpack_subelements %get3A_108, 1 {pack_format = #tpu.pack_format<interleaved>} : vector<32xbf16> -> vector<16xf32>
        %swap3A = arith.index_cast %scan3A_106 : i32 to index
        %swap3A_110 = arith.constant 0 : index
        %swap3A_111 = tpu.vector_load %arg12[%swap3A, %swap3A_110] {strides = array<i32>} : memref<128x64xf32, #tpu.memory_space<vmem>>, vector<16xf32>,
        tpu.vector_store %arg12[%swap3A, %swap3A_110], %unpack3A {strides = array<i32>} : memref<128x64xf32, #tpu.memory_space<vmem>>, vector<16xf32>,
        %swap3A_112 = arith.index_cast %scan3A_106 : i32 to index
        %swap3A_113 = arith.constant 16 : index
        %swap3A_114 = tpu.vector_load %arg12[%swap3A_112, %swap3A_113] {strides = array<i32>} : memref<128x64xf32, #tpu.memory_space<vmem>>, vector<16xf32>,
        tpu.vector_store %arg12[%swap3A_112, %swap3A_113], %unpack3A_109 {strides = array<i32>} : memref<128x64xf32, #tpu.memory_space<vmem>>, vector<16xf32>,
        %get3A_115 = arith.index_cast %scan3A_106 : i32 to index
        %get3A_116 = arith.constant 32 : index
        %get3A_117 = tpu.vector_load %arg10[%get3A_115, %get3A_116] {strides = array<i32>} : memref<128x64xbf16, #tpu.memory_space<vmem>>, vector<32xbf16>,
        %unpack3A_118 = tpu.unpack_subelements %get3A_117, 0 {pack_format = #tpu.pack_format<interleaved>} : vector<32xbf16> -> vector<16xf32>
        %unpack3A_119 = tpu.unpack_subelements %get3A_117, 1 {pack_format = #tpu.pack_format<interleaved>} : vector<32xbf16> -> vector<16xf32>
        %swap3A_120 = arith.index_cast %scan3A_106 : i32 to index
        %swap3A_121 = arith.constant 32 : index
        %swap3A_122 = tpu.vector_load %arg12[%swap3A_120, %swap3A_121] {strides = array<i32>} : memref<128x64xf32, #tpu.memory_space<vmem>>, vector<16xf32>,
        tpu.vector_store %arg12[%swap3A_120, %swap3A_121], %unpack3A_118 {strides = array<i32>} : memref<128x64xf32, #tpu.memory_space<vmem>>, vector<16xf32>,
        %swap3A_123 = arith.index_cast %scan3A_106 : i32 to index
        %swap3A_124 = arith.constant 48 : index
        %swap3A_125 = tpu.vector_load %arg12[%swap3A_123, %swap3A_124] {strides = array<i32>} : memref<128x64xf32, #tpu.memory_space<vmem>>, vector<16xf32>,
        tpu.vector_store %arg12[%swap3A_123, %swap3A_124], %unpack3A_119 {strides = array<i32>} : memref<128x64xf32, #tpu.memory_space<vmem>>, vector<16xf32>,
        %scan3A_126 = arith.constant 1 : i32
        %scan3A_127 = arith.addi %scan3A_106, %scan3A_126 : i32
        %get3A_128 = arith.index_cast %scan3A_127 : i32 to index
        %get3A_129 = arith.constant 0 : index
        %get3A_130 = tpu.vector_load %arg10[%get3A_128, %get3A_129] {strides = array<i32>} : memref<128x64xbf16, #tpu.memory_space<vmem>>, vector<32xbf16>,
        %unpack3A_131 = tpu.unpack_subelements %get3A_130, 0 {pack_format = #tpu.pack_format<interleaved>} : vector<32xbf16> -> vector<16xf32>
        %unpack3A_132 = tpu.unpack_subelements %get3A_130, 1 {pack_format = #tpu.pack_format<interleaved>} : vector<32xbf16> -> vector<16xf32>
        %swap3A_133 = arith.index_cast %scan3A_127 : i32 to index
        %swap3A_134 = arith.constant 0 : index
        %swap3A_135 = tpu.vector_load %arg12[%swap3A_133, %swap3A_134] {strides = array<i32>} : memref<128x64xf32, #tpu.memory_space<vmem>>, vector<16xf32>,
        tpu.vector_store %arg12[%swap3A_133, %swap3A_134], %unpack3A_131 {strides = array<i32>} : memref<128x64xf32, #tpu.memory_space<vmem>>, vector<16xf32>,
        %swap3A_136 = arith.index_cast %scan3A_127 : i32 to index
        %swap3A_137 = arith.constant 16 : index
        %swap3A_138 = tpu.vector_load %arg12[%swap3A_136, %swap3A_137] {strides = array<i32>} : memref<128x64xf32, #tpu.memory_space<vmem>>, vector<16xf32>,
        tpu.vector_store %arg12[%swap3A_136, %swap3A_137], %unpack3A_132 {strides = array<i32>} : memref<128x64xf32, #tpu.memory_space<vmem>>, vector<16xf32>,
        %get3A_139 = arith.index_cast %scan3A_127 : i32 to index
        %get3A_140 = arith.constant 32 : index
        %get3A_141 = tpu.vector_load %arg10[%get3A_139, %get3A_140] {strides = array<i32>} : memref<128x64xbf16, #tpu.memory_space<vmem>>, vector<32xbf16>,
        %unpack3A_142 = tpu.unpack_subelements %get3A_141, 0 {pack_format = #tpu.pack_format<interleaved>} : vector<32xbf16> -> vector<16xf32>
        %unpack3A_143 = tpu.unpack_subelements %get3A_141, 1 {pack_format = #tpu.pack_format<interleaved>} : vector<32xbf16> -> vector<16xf32>
        %swap3A_144 = arith.index_cast %scan3A_127 : i32 to index
        %swap3A_145 = arith.constant 32 : index
        %swap3A_146 = tpu.vector_load %arg12[%swap3A_144, %swap3A_145] {strides = array<i32>} : memref<128x64xf32, #tpu.memory_space<vmem>>, vector<16xf32>,
        tpu.vector_store %arg12[%swap3A_144, %swap3A_145], %unpack3A_142 {strides = array<i32>} : memref<128x64xf32, #tpu.memory_space<vmem>>, vector<16xf32>,
        %swap3A_147 = arith.index_cast %scan3A_127 : i32 to index
        %swap3A_148 = arith.constant 48 : index
        %swap3A_149 = tpu.vector_load %arg12[%swap3A_147, %swap3A_148] {strides = array<i32>} : memref<128x64xf32, #tpu.memory_space<vmem>>, vector<16xf32>,
        tpu.vector_store %arg12[%swap3A_147, %swap3A_148], %unpack3A_143 {strides = array<i32>} : memref<128x64xf32, #tpu.memory_space<vmem>>, vector<16xf32>,
        %scan3A_150 = arith.constant 2 : i32
        %scan3A_151 = arith.addi %scan3A_106, %scan3A_150 : i32
        %get3A_152 = arith.index_cast %scan3A_151 : i32 to index
        %get3A_153 = arith.constant 0 : index
        %get3A_154 = tpu.vector_load %arg10[%get3A_152, %get3A_153] {strides = array<i32>} : memref<128x64xbf16, #tpu.memory_space<vmem>>, vector<32xbf16>,
        %unpack3A_155 = tpu.unpack_subelements %get3A_154, 0 {pack_format = #tpu.pack_format<interleaved>} : vector<32xbf16> -> vector<16xf32>
        %unpack3A_156 = tpu.unpack_subelements %get3A_154, 1 {pack_format = #tpu.pack_format<interleaved>} : vector<32xbf16> -> vector<16xf32>
        %swap3A_157 = arith.index_cast %scan3A_151 : i32 to index
        %swap3A_158 = arith.constant 0 : index
        %swap3A_159 = tpu.vector_load %arg12[%swap3A_157, %swap3A_158] {strides = array<i32>} : memref<128x64xf32, #tpu.memory_space<vmem>>, vector<16xf32>,
        tpu.vector_store %arg12[%swap3A_157, %swap3A_158], %unpack3A_155 {strides = array<i32>} : memref<128x64xf32, #tpu.memory_space<vmem>>, vector<16xf32>,
        %swap3A_160 = arith.index_cast %scan3A_151 : i32 to index
        %swap3A_161 = arith.constant 16 : index
        %swap3A_162 = tpu.vector_load %arg12[%swap3A_160, %swap3A_161] {strides = array<i32>} : memref<128x64xf32, #tpu.memory_space<vmem>>, vector<16xf32>,
        tpu.vector_store %arg12[%swap3A_160, %swap3A_161], %unpack3A_156 {strides = array<i32>} : memref<128x64xf32, #tpu.memory_space<vmem>>, vector<16xf32>,
        %get3A_163 = arith.index_cast %scan3A_151 : i32 to index
        %get3A_164 = arith.constant 32 : index
        %get3A_165 = tpu.vector_load %arg10[%get3A_163, %get3A_164] {strides = array<i32>} : memref<128x64xbf16, #tpu.memory_space<vmem>>, vector<32xbf16>,
        %unpack3A_166 = tpu.unpack_subelements %get3A_165, 0 {pack_format = #tpu.pack_format<interleaved>} : vector<32xbf16> -> vector<16xf32>
        %unpack3A_167 = tpu.unpack_subelements %get3A_165, 1 {pack_format = #tpu.pack_format<interleaved>} : vector<32xbf16> -> vector<16xf32>
        %swap3A_168 = arith.index_cast %scan3A_151 : i32 to index
        %swap3A_169 = arith.constant 32 : index
        %swap3A_170 = tpu.vector_load %arg12[%swap3A_168, %swap3A_169] {strides = array<i32>} : memref<128x64xf32, #tpu.memory_space<vmem>>, vector<16xf32>,
        tpu.vector_store %arg12[%swap3A_168, %swap3A_169], %unpack3A_166 {strides = array<i32>} : memref<128x64xf32, #tpu.memory_space<vmem>>, vector<16xf32>,
        %swap3A_171 = arith.index_cast %scan3A_151 : i32 to index
        %swap3A_172 = arith.constant 48 : index
        %swap3A_173 = tpu.vector_load %arg12[%swap3A_171, %swap3A_172] {strides = array<i32>} : memref<128x64xf32, #tpu.memory_space<vmem>>, vector<16xf32>,
        tpu.vector_store %arg12[%swap3A_171, %swap3A_172], %unpack3A_167 {strides = array<i32>} : memref<128x64xf32, #tpu.memory_space<vmem>>, vector<16xf32>,
        %scan3A_174 = arith.constant 3 : i32
        %scan3A_175 = arith.addi %scan3A_106, %scan3A_174 : i32
        %get3A_176 = arith.index_cast %scan3A_175 : i32 to index
        %get3A_177 = arith.constant 0 : index
        %get3A_178 = tpu.vector_load %arg10[%get3A_176, %get3A_177] {strides = array<i32>} : memref<128x64xbf16, #tpu.memory_space<vmem>>, vector<32xbf16>,
        %unpack3A_179 = tpu.unpack_subelements %get3A_178, 0 {pack_format = #tpu.pack_format<interleaved>} : vector<32xbf16> -> vector<16xf32>
        %unpack3A_180 = tpu.unpack_subelements %get3A_178, 1 {pack_format = #tpu.pack_format<interleaved>} : vector<32xbf16> -> vector<16xf32>
        %swap3A_181 = arith.index_cast %scan3A_175 : i32 to index
        %swap3A_182 = arith.constant 0 : index
        %swap3A_183 = tpu.vector_load %arg12[%swap3A_181, %swap3A_182] {strides = array<i32>} : memref<128x64xf32, #tpu.memory_space<vmem>>, vector<16xf32>,
        tpu.vector_store %arg12[%swap3A_181, %swap3A_182], %unpack3A_179 {strides = array<i32>} : memref<128x64xf32, #tpu.memory_space<vmem>>, vector<16xf32>,
        %swap3A_184 = arith.index_cast %scan3A_175 : i32 to index
        %swap3A_185 = arith.constant 16 : index
        %swap3A_186 = tpu.vector_load %arg12[%swap3A_184, %swap3A_185] {strides = array<i32>} : memref<128x64xf32, #tpu.memory_space<vmem>>, vector<16xf32>,
        tpu.vector_store %arg12[%swap3A_184, %swap3A_185], %unpack3A_180 {strides = array<i32>} : memref<128x64xf32, #tpu.memory_space<vmem>>, vector<16xf32>,
        %get3A_187 = arith.index_cast %scan3A_175 : i32 to index
        %get3A_188 = arith.constant 32 : index
        %get3A_189 = tpu.vector_load %arg10[%get3A_187, %get3A_188] {strides = array<i32>} : memref<128x64xbf16, #tpu.memory_space<vmem>>, vector<32xbf16>,
        %unpack3A_190 = tpu.unpack_subelements %get3A_189, 0 {pack_format = #tpu.pack_format<interleaved>} : vector<32xbf16> -> vector<16xf32>
        %unpack3A_191 = tpu.unpack_subelements %get3A_189, 1 {pack_format = #tpu.pack_format<interleaved>} : vector<32xbf16> -> vector<16xf32>
        %swap3A_192 = arith.index_cast %scan3A_175 : i32 to index
        %swap3A_193 = arith.constant 32 : index
        %swap3A_194 = tpu.vector_load %arg12[%swap3A_192, %swap3A_193] {strides = array<i32>} : memref<128x64xf32, #tpu.memory_space<vmem>>, vector<16xf32>,
        tpu.vector_store %arg12[%swap3A_192, %swap3A_193], %unpack3A_190 {strides = array<i32>} : memref<128x64xf32, #tpu.memory_space<vmem>>, vector<16xf32>,
        %swap3A_195 = arith.index_cast %scan3A_175 : i32 to index
        %swap3A_196 = arith.constant 48 : index
        %swap3A_197 = tpu.vector_load %arg12[%swap3A_195, %swap3A_196] {strides = array<i32>} : memref<128x64xf32, #tpu.memory_space<vmem>>, vector<16xf32>,
        tpu.vector_store %arg12[%swap3A_195, %swap3A_196], %unpack3A_191 {strides = array<i32>} : memref<128x64xf32, #tpu.memory_space<vmem>>, vector<16xf32>,
        %scan3A_198 = arith.constant 4 : i32
        %scan3A_199 = arith.addi %scan3A_106, %scan3A_198 : i32
        %get3A_200 = arith.index_cast %scan3A_199 : i32 to index
        %get3A_201 = arith.constant 0 : index
        %get3A_202 = tpu.vector_load %arg10[%get3A_200, %get3A_201] {strides = array<i32>} : memref<128x64xbf16, #tpu.memory_space<vmem>>, vector<32xbf16>,
        %unpack3A_203 = tpu.unpack_subelements %get3A_202, 0 {pack_format = #tpu.pack_format<interleaved>} : vector<32xbf16> -> vector<16xf32>
        %unpack3A_204 = tpu.unpack_subelements %get3A_202, 1 {pack_format = #tpu.pack_format<interleaved>} : vector<32xbf16> -> vector<16xf32>
        %swap3A_205 = arith.index_cast %scan3A_199 : i32 to index
        %swap3A_206 = arith.constant 0 : index
        %swap3A_207 = tpu.vector_load %arg12[%swap3A_205, %swap3A_206] {strides = array<i32>} : memref<128x64xf32, #tpu.memory_space<vmem>>, vector<16xf32>,
        tpu.vector_store %arg12[%swap3A_205, %swap3A_206], %unpack3A_203 {strides = array<i32>} : memref<128x64xf32, #tpu.memory_space<vmem>>, vector<16xf32>,
        %swap3A_208 = arith.index_cast %scan3A_199 : i32 to index
        %swap3A_209 = arith.constant 16 : index
        %swap3A_210 = tpu.vector_load %arg12[%swap3A_208, %swap3A_209] {strides = array<i32>} : memref<128x64xf32, #tpu.memory_space<vmem>>, vector<16xf32>,
        tpu.vector_store %arg12[%swap3A_208, %swap3A_209], %unpack3A_204 {strides = array<i32>} : memref<128x64xf32, #tpu.memory_space<vmem>>, vector<16xf32>,
        %get3A_211 = arith.index_cast %scan3A_199 : i32 to index
        %get3A_212 = arith.constant 32 : index
        %get3A_213 = tpu.vector_load %arg10[%get3A_211, %get3A_212] {strides = array<i32>} : memref<128x64xbf16, #tpu.memory_space<vmem>>, vector<32xbf16>,
        %unpack3A_214 = tpu.unpack_subelements %get3A_213, 0 {pack_format = #tpu.pack_format<interleaved>} : vector<32xbf16> -> vector<16xf32>
        %unpack3A_215 = tpu.unpack_subelements %get3A_213, 1 {pack_format = #tpu.pack_format<interleaved>} : vector<32xbf16> -> vector<16xf32>
        %swap3A_216 = arith.index_cast %scan3A_199 : i32 to index
        %swap3A_217 = arith.constant 32 : index
        %swap3A_218 = tpu.vector_load %arg12[%swap3A_216, %swap3A_217] {strides = array<i32>} : memref<128x64xf32, #tpu.memory_space<vmem>>, vector<16xf32>,
        tpu.vector_store %arg12[%swap3A_216, %swap3A_217], %unpack3A_214 {strides = array<i32>} : memref<128x64xf32, #tpu.memory_space<vmem>>, vector<16xf32>,
        %swap3A_219 = arith.index_cast %scan3A_199 : i32 to index
        %swap3A_220 = arith.constant 48 : index
        %swap3A_221 = tpu.vector_load %arg12[%swap3A_219, %swap3A_220] {strides = array<i32>} : memref<128x64xf32, #tpu.memory_space<vmem>>, vector<16xf32>,
        tpu.vector_store %arg12[%swap3A_219, %swap3A_220], %unpack3A_215 {strides = array<i32>} : memref<128x64xf32, #tpu.memory_space<vmem>>, vector<16xf32>,
        %scan3A_222 = arith.constant 5 : i32
        %scan3A_223 = arith.addi %scan3A_106, %scan3A_222 : i32
        %get3A_224 = arith.index_cast %scan3A_223 : i32 to index
        %get3A_225 = arith.constant 0 : index
        %get3A_226 = tpu.vector_load %arg10[%get3A_224, %get3A_225] {strides = array<i32>} : memref<128x64xbf16, #tpu.memory_space<vmem>>, vector<32xbf16>,
        %unpack3A_227 = tpu.unpack_subelements %get3A_226, 0 {pack_format = #tpu.pack_format<interleaved>} : vector<32xbf16> -> vector<16xf32>
        %unpack3A_228 = tpu.unpack_subelements %get3A_226, 1 {pack_format = #tpu.pack_format<interleaved>} : vector<32xbf16> -> vector<16xf32>
        %swap3A_229 = arith.index_cast %scan3A_223 : i32 to index
        %swap3A_230 = arith.constant 0 : index
        %swap3A_231 = tpu.vector_load %arg12[%swap3A_229, %swap3A_230] {strides = array<i32>} : memref<128x64xf32, #tpu.memory_space<vmem>>, vector<16xf32>,
        tpu.vector_store %arg12[%swap3A_229, %swap3A_230], %unpack3A_227 {strides = array<i32>} : memref<128x64xf32, #tpu.memory_space<vmem>>, vector<16xf32>,
        %swap3A_232 = arith.index_cast %scan3A_223 : i32 to index
        %swap3A_233 = arith.constant 16 : index
        %swap3A_234 = tpu.vector_load %arg12[%swap3A_232, %swap3A_233] {strides = array<i32>} : memref<128x64xf32, #tpu.memory_space<vmem>>, vector<16xf32>,
        tpu.vector_store %arg12[%swap3A_232, %swap3A_233], %unpack3A_228 {strides = array<i32>} : memref<128x64xf32, #tpu.memory_space<vmem>>, vector<16xf32>,
        %get3A_235 = arith.index_cast %scan3A_223 : i32 to index
        %get3A_236 = arith.constant 32 : index
        %get3A_237 = tpu.vector_load %arg10[%get3A_235, %get3A_236] {strides = array<i32>} : memref<128x64xbf16, #tpu.memory_space<vmem>>, vector<32xbf16>,
        %unpack3A_238 = tpu.unpack_subelements %get3A_237, 0 {pack_format = #tpu.pack_format<interleaved>} : vector<32xbf16> -> vector<16xf32>
        %unpack3A_239 = tpu.unpack_subelements %get3A_237, 1 {pack_format = #tpu.pack_format<interleaved>} : vector<32xbf16> -> vector<16xf32>
        %swap3A_240 = arith.index_cast %scan3A_223 : i32 to index
        %swap3A_241 = arith.constant 32 : index
        %swap3A_242 = tpu.vector_load %arg12[%swap3A_240, %swap3A_241] {strides = array<i32>} : memref<128x64xf32, #tpu.memory_space<vmem>>, vector<16xf32>,
        tpu.vector_store %arg12[%swap3A_240, %swap3A_241], %unpack3A_238 {strides = array<i32>} : memref<128x64xf32, #tpu.memory_space<vmem>>, vector<16xf32>,
        %swap3A_243 = arith.index_cast %scan3A_223 : i32 to index
        %swap3A_244 = arith.constant 48 : index
        %swap3A_245 = tpu.vector_load %arg12[%swap3A_243, %swap3A_244] {strides = array<i32>} : memref<128x64xf32, #tpu.memory_space<vmem>>, vector<16xf32>,
        tpu.vector_store %arg12[%swap3A_243, %swap3A_244], %unpack3A_239 {strides = array<i32>} : memref<128x64xf32, #tpu.memory_space<vmem>>, vector<16xf32>,
        %scan3A_246 = arith.constant 6 : i32
        %scan3A_247 = arith.addi %scan3A_106, %scan3A_246 : i32
        %get3A_248 = arith.index_cast %scan3A_247 : i32 to index
        %get3A_249 = arith.constant 0 : index
        %get3A_250 = tpu.vector_load %arg10[%get3A_248, %get3A_249] {strides = array<i32>} : memref<128x64xbf16, #tpu.memory_space<vmem>>, vector<32xbf16>,
        %unpack3A_251 = tpu.unpack_subelements %get3A_250, 0 {pack_format = #tpu.pack_format<interleaved>} : vector<32xbf16> -> vector<16xf32>
        %unpack3A_252 = tpu.unpack_subelements %get3A_250, 1 {pack_format = #tpu.pack_format<interleaved>} : vector<32xbf16> -> vector<16xf32>
        %swap3A_253 = arith.index_cast %scan3A_247 : i32 to index
        %swap3A_254 = arith.constant 0 : index
        %swap3A_255 = tpu.vector_load %arg12[%swap3A_253, %swap3A_254] {strides = array<i32>} : memref<128x64xf32, #tpu.memory_space<vmem>>, vector<16xf32>,
        tpu.vector_store %arg12[%swap3A_253, %swap3A_254], %unpack3A_251 {strides = array<i32>} : memref<128x64xf32, #tpu.memory_space<vmem>>, vector<16xf32>,
        %swap3A_256 = arith.index_cast %scan3A_247 : i32 to index
        %swap3A_257 = arith.constant 16 : index
        %swap3A_258 = tpu.vector_load %arg12[%swap3A_256, %swap3A_257] {strides = array<i32>} : memref<128x64xf32, #tpu.memory_space<vmem>>, vector<16xf32>,
        tpu.vector_store %arg12[%swap3A_256, %swap3A_257], %unpack3A_252 {strides = array<i32>} : memref<128x64xf32, #tpu.memory_space<vmem>>, vector<16xf32>,
        %get3A_259 = arith.index_cast %scan3A_247 : i32 to index
        %get3A_260 = arith.constant 32 : index
        %get3A_261 = tpu.vector_load %arg10[%get3A_259, %get3A_260] {strides = array<i32>} : memref<128x64xbf16, #tpu.memory_space<vmem>>, vector<32xbf16>,
        %unpack3A_262 = tpu.unpack_subelements %get3A_261, 0 {pack_format = #tpu.pack_format<interleaved>} : vector<32xbf16> -> vector<16xf32>
        %unpack3A_263 = tpu.unpack_subelements %get3A_261, 1 {pack_format = #tpu.pack_format<interleaved>} : vector<32xbf16> -> vector<16xf32>
        %swap3A_264 = arith.index_cast %scan3A_247 : i32 to index
        %swap3A_265 = arith.constant 32 : index
        %swap3A_266 = tpu.vector_load %arg12[%swap3A_264, %swap3A_265] {strides = array<i32>} : memref<128x64xf32, #tpu.memory_space<vmem>>, vector<16xf32>,
        tpu.vector_store %arg12[%swap3A_264, %swap3A_265], %unpack3A_262 {strides = array<i32>} : memref<128x64xf32, #tpu.memory_space<vmem>>, vector<16xf32>,
        %swap3A_267 = arith.index_cast %scan3A_247 : i32 to index
        %swap3A_268 = arith.constant 48 : index
        %swap3A_269 = tpu.vector_load %arg12[%swap3A_267, %swap3A_268] {strides = array<i32>} : memref<128x64xf32, #tpu.memory_space<vmem>>, vector<16xf32>,
        tpu.vector_store %arg12[%swap3A_267, %swap3A_268], %unpack3A_263 {strides = array<i32>} : memref<128x64xf32, #tpu.memory_space<vmem>>, vector<16xf32>,
        %scan3A_270 = arith.constant 7 : i32
        %scan3A_271 = arith.addi %scan3A_106, %scan3A_270 : i32
        %get3A_272 = arith.index_cast %scan3A_271 : i32 to index
        %get3A_273 = arith.constant 0 : index
        %get3A_274 = tpu.vector_load %arg10[%get3A_272, %get3A_273] {strides = array<i32>} : memref<128x64xbf16, #tpu.memory_space<vmem>>, vector<32xbf16>,
        %unpack3A_275 = tpu.unpack_subelements %get3A_274, 0 {pack_format = #tpu.pack_format<interleaved>} : vector<32xbf16> -> vector<16xf32>
        %unpack3A_276 = tpu.unpack_subelements %get3A_274, 1 {pack_format = #tpu.pack_format<interleaved>} : vector<32xbf16> -> vector<16xf32>
        %swap3A_277 = arith.index_cast %scan3A_271 : i32 to index
        %swap3A_278 = arith.constant 0 : index
        %swap3A_279 = tpu.vector_load %arg12[%swap3A_277, %swap3A_278] {strides = array<i32>} : memref<128x64xf32, #tpu.memory_space<vmem>>, vector<16xf32>,
        tpu.vector_store %arg12[%swap3A_277, %swap3A_278], %unpack3A_275 {strides = array<i32>} : memref<128x64xf32, #tpu.memory_space<vmem>>, vector<16xf32>,
        %swap3A_280 = arith.index_cast %scan3A_271 : i32 to index
        %swap3A_281 = arith.constant 16 : index
        %swap3A_282 = tpu.vector_load %arg12[%swap3A_280, %swap3A_281] {strides = array<i32>} : memref<128x64xf32, #tpu.memory_space<vmem>>, vector<16xf32>,
        tpu.vector_store %arg12[%swap3A_280, %swap3A_281], %unpack3A_276 {strides = array<i32>} : memref<128x64xf32, #tpu.memory_space<vmem>>, vector<16xf32>,
        %get3A_283 = arith.index_cast %scan3A_271 : i32 to index
        %get3A_284 = arith.constant 32 : index
        %get3A_285 = tpu.vector_load %arg10[%get3A_283, %get3A_284] {strides = array<i32>} : memref<128x64xbf16, #tpu.memory_space<vmem>>, vector<32xbf16>,
        %unpack3A_286 = tpu.unpack_subelements %get3A_285, 0 {pack_format = #tpu.pack_format<interleaved>} : vector<32xbf16> -> vector<16xf32>
        %unpack3A_287 = tpu.unpack_subelements %get3A_285, 1 {pack_format = #tpu.pack_format<interleaved>} : vector<32xbf16> -> vector<16xf32>
        %swap3A_288 = arith.index_cast %scan3A_271 : i32 to index
        %swap3A_289 = arith.constant 32 : index
        %swap3A_290 = tpu.vector_load %arg12[%swap3A_288, %swap3A_289] {strides = array<i32>} : memref<128x64xf32, #tpu.memory_space<vmem>>, vector<16xf32>,
        tpu.vector_store %arg12[%swap3A_288, %swap3A_289], %unpack3A_286 {strides = array<i32>} : memref<128x64xf32, #tpu.memory_space<vmem>>, vector<16xf32>,
        %swap3A_291 = arith.index_cast %scan3A_271 : i32 to index
        %swap3A_292 = arith.constant 48 : index
        %swap3A_293 = tpu.vector_load %arg12[%swap3A_291, %swap3A_292] {strides = array<i32>} : memref<128x64xf32, #tpu.memory_space<vmem>>, vector<16xf32>,
        tpu.vector_store %arg12[%swap3A_291, %swap3A_292], %unpack3A_287 {strides = array<i32>} : memref<128x64xf32, #tpu.memory_space<vmem>>, vector<16xf32>,
      }
      %scan3A_92 = arith.constant 128 : i32
      %add3A_93 = arith.constant 2 : i32
      %add3A_94 = arith.addi %add3A_75, %add3A_93 : i32
      %lt3A_95 = arith.constant 158 : i32
      %lt3A_96 = arith.cmpi slt, %add3A_94, %lt3A_95 : i32
      %convert_element_type3A_97 = arith.extui %lt3A_96 : i1 to i32
      %cond3A_98 = arith.constant 0 : i32
      %cond3A_99 = arith.cmpi ne, %convert_element_type3A_97, %cond3A_98 : i32
      scf.if %cond3A_99 {
        %add3A_106 = arith.constant 2 : i32
        %add3A_107 = arith.addi %add3A_75, %add3A_106 : i32
        %dma_start3A_108 = arith.constant 0 : i32
        %dma_start3A_109 = tpu.memref_slice %arg7[%add3A_107, %dma_start3A_108] : memref<158x128xi32, #tpu.memory_space<vmem>> -> memref<1x128xi32, #tpu.memory_space<vmem>>
        %dma_start3A_110 = tpu.memref_squeeze %dma_start3A_109 : memref<1x128xi32, #tpu.memory_space<vmem>> -> memref<128xi32, #tpu.memory_space<vmem>>
        %dma_start3A_111 = arith.constant 0 : i32
        %dma_start3A_112 = arith.constant 0 : i32
        %dma_start3A_113 = tpu.memref_slice %arg13[%dma_start3A_111, %dma_start3A_112] : memref<10240x64xbf16, #tpu.memory_space<vmem_shared>> -> memref<10240x64xbf16, #tpu.memory_space<vmem_shared>>
        tpu.enqueue_indirect_dma source(%dma_start3A_113 : memref<10240x64xbf16, #tpu.memory_space<vmem_shared>>) target(%arg10 : memref<128x64xbf16, #tpu.memory_space<vmem>>) offsets(%dma_start3A_110 : memref<128xi32, #tpu.memory_space<vmem>>) semaphore(%arg16 : memref<!tpu.dma_semaphore, #tpu.memory_space<semaphore_mem>>)
      } else {
      }
      %dma_start3A_100 = arith.constant 0 : i32
      %dma_start3A_101 = tpu.memref_slice %arg8[%add3A_75, %dma_start3A_100] : memref<158x128xi32, #tpu.memory_space<vmem>> -> memref<1x128xi32, #tpu.memory_space<vmem>>
      %dma_start3A_102 = tpu.memref_squeeze %dma_start3A_101 : memref<1x128xi32, #tpu.memory_space<vmem>> -> memref<128xi32, #tpu.memory_space<vmem>>
      %dma_start3A_103 = arith.constant 0 : i32
      %dma_start3A_104 = arith.constant 0 : i32
      %dma_start3A_105 = tpu.memref_slice %arg14[%dma_start3A_103, %dma_start3A_104] : memref<10240x64xf32, #tpu.memory_space<vmem_shared>> -> memref<10240x64xf32, #tpu.memory_space<vmem_shared>>
      tpu.enqueue_indirect_dma source(%arg12 : memref<128x64xf32, #tpu.memory_space<vmem>>) target(%dma_start3A_105 : memref<10240x64xf32, #tpu.memory_space<vmem_shared>>) offsets(%dma_start3A_102 : memref<128xi32, #tpu.memory_space<vmem>>) semaphore(%arg18 : memref<!tpu.dma_semaphore, #tpu.memory_space<semaphore_mem>>) {add = true}
    }
    %scan3A_26 = arith.constant 79 : i32
    %dma_wait3A = arith.constant 156 : i32
    %dma_wait3A_27 = arith.constant 0 : i32
    %dma_wait3A_28 = tpu.memref_slice %arg8[%dma_wait3A, %dma_wait3A_27] : memref<158x128xi32, #tpu.memory_space<vmem>> -> memref<1x128xi32, #tpu.memory_space<vmem>>
    %dma_wait3A_29 = tpu.memref_squeeze %dma_wait3A_28 : memref<1x128xi32, #tpu.memory_space<vmem>> -> memref<128xi32, #tpu.memory_space<vmem>>
    %dma_wait3A_30 = arith.constant 0 : i32
    %dma_wait3A_31 = arith.constant 0 : i32
    %dma_wait3A_32 = tpu.memref_slice %arg14[%dma_wait3A_30, %dma_wait3A_31] : memref<10240x64xf32, #tpu.memory_space<vmem_shared>> -> memref<10240x64xf32, #tpu.memory_space<vmem_shared>>
    tpu.wait_indirect_dma semaphore(%arg17 : memref<!tpu.dma_semaphore, #tpu.memory_space<semaphore_mem>>) src(%arg11 : memref<128x64xf32, #tpu.memory_space<vmem>>) dst(%dma_wait3A_32 : memref<10240x64xf32, #tpu.memory_space<vmem_shared>>)
    %dma_wait3A_33 = arith.constant 157 : i32
    %dma_wait3A_34 = arith.constant 0 : i32
    %dma_wait3A_35 = tpu.memref_slice %arg8[%dma_wait3A_33, %dma_wait3A_34] : memref<158x128xi32, #tpu.memory_space<vmem>> -> memref<1x128xi32, #tpu.memory_space<vmem>>
    %dma_wait3A_36 = tpu.memref_squeeze %dma_wait3A_35 : memref<1x128xi32, #tpu.memory_space<vmem>> -> memref<128xi32, #tpu.memory_space<vmem>>
    %dma_wait3A_37 = arith.constant 0 : i32
    %dma_wait3A_38 = arith.constant 0 : i32
    %dma_wait3A_39 = tpu.memref_slice %arg14[%dma_wait3A_37, %dma_wait3A_38] : memref<10240x64xf32, #tpu.memory_space<vmem_shared>> -> memref<10240x64xf32, #tpu.memory_space<vmem_shared>>
    tpu.wait_indirect_dma semaphore(%arg18 : memref<!tpu.dma_semaphore, #tpu.memory_space<semaphore_mem>>) src(%arg12 : memref<128x64xf32, #tpu.memory_space<vmem>>) dst(%dma_wait3A_39 : memref<10240x64xf32, #tpu.memory_space<vmem_shared>>)
    %barrier3A_40 = arith.constant 0 : index
    tpu.barrier barrier_id(%barrier3A_40)
    %mul3A_41 = arith.constant 640 : i32
    %mul3A_42 = arith.muli %arg1, %mul3A_41 : i32
    %mul3A_43 = arith.constant 640 : i32
    %mul3A_44 = arith.muli %arg1, %mul3A_43 : i32
    "tpu.region"() ({
      %run_scoped3A = tpu.sem_alloc : memref<!tpu.dma_semaphore, #tpu.memory_space<semaphore_mem>>
      %dma_start3A_45 = arith.constant 0 : i32
      %dma_start3A_46 = tpu.memref_slice %arg6[%arg0, %mul3A_44, %dma_start3A_45] : memref<2x10240x64xf32, #tpu.memory_space<hbm>> -> memref<1x640x64xf32, #tpu.memory_space<hbm>>
      %dma_start3A_47 = tpu.memref_squeeze %dma_start3A_46 : memref<1x640x64xf32, #tpu.memory_space<hbm>> -> memref<640x64xf32, #tpu.memory_space<hbm>>
      %dma_start3A_48 = arith.constant 0 : i32
      %dma_start3A_49 = tpu.memref_slice %arg14[%mul3A_42, %dma_start3A_48] : memref<10240x64xf32, #tpu.memory_space<vmem_shared>> -> memref<640x64xf32, #tpu.memory_space<vmem_shared>>
      tpu.enqueue_dma source(%dma_start3A_49 : memref<640x64xf32, #tpu.memory_space<vmem_shared>>) target(%dma_start3A_47 : memref<640x64xf32, #tpu.memory_space<hbm>>) target_semaphore(%run_scoped3A : memref<!tpu.dma_semaphore, #tpu.memory_space<semaphore_mem>>)
      %dma_wait3A_50 = arith.constant 0 : i32
      %dma_wait3A_51 = tpu.memref_slice %arg6[%arg0, %mul3A_44, %dma_wait3A_50] : memref<2x10240x64xf32, #tpu.memory_space<hbm>> -> memref<1x640x64xf32, #tpu.memory_space<hbm>>
      %dma_wait3A_52 = tpu.memref_squeeze %dma_wait3A_51 : memref<1x640x64xf32, #tpu.memory_space<hbm>> -> memref<640x64xf32, #tpu.memory_space<hbm>>
      %dma_wait3A_53 = arith.constant 0 : i32
      %dma_wait3A_54 = tpu.memref_slice %arg14[%mul3A_42, %dma_wait3A_53] : memref<10240x64xf32, #tpu.memory_space<vmem_shared>> -> memref<640x64xf32, #tpu.memory_space<vmem_shared>>
      tpu.wait_dma2 semaphore(%run_scoped3A : memref<!tpu.dma_semaphore, #tpu.memory_space<semaphore_mem>>) src(%dma_wait3A_54 : memref<640x64xf32, #tpu.memory_space<vmem_shared>>) dst(%dma_wait3A_52 : memref<640x64xf32, #tpu.memory_space<hbm>>)
      tpu.yield
    }) : () -> ()
    return
  }
}

#map = affine_map<(d0, d1) -> (0, 0)>
#map1 = affine_map<(d0, d1) -> (0, 0, 0)>
module attributes {stable_mosaic.version = 14 : i64} {
  func.func @_agg_body(%arg0: i32, %arg1: i32, %arg2: memref<10240x64xbf16, #tpu.memory_space<hbm>>, %arg3: memref<32x158x128xi32, #tpu.memory_space<hbm>>, %arg4: memref<32x158x128xi32, #tpu.memory_space<hbm>>, %arg5: memref<10240x64xf32, #tpu.memory_space<hbm>>, %arg6: memref<2x10240x64xf32, #tpu.memory_space<hbm>>, %arg7: memref<158x128xi32, #tpu.memory_space<vmem>>, %arg8: memref<158x128xi32, #tpu.memory_space<vmem>>, %arg9: memref<128x64xbf16, #tpu.memory_space<vmem>>, %arg10: memref<128x64xbf16, #tpu.memory_space<vmem>>, %arg11: memref<128x64xf32, #tpu.memory_space<vmem>>, %arg12: memref<128x64xf32, #tpu.memory_space<vmem>>, %arg13: memref<10240x64xbf16, #tpu.memory_space<vmem_shared>>, %arg14: memref<10240x64xf32, #tpu.memory_space<vmem_shared>>, %arg15: memref<!tpu.dma_semaphore, #tpu.memory_space<semaphore_mem>>, %arg16: memref<!tpu.dma_semaphore, #tpu.memory_space<semaphore_mem>>, %arg17: memref<!tpu.dma_semaphore, #tpu.memory_space<semaphore_mem>>, %arg18: memref<!tpu.dma_semaphore, #tpu.memory_space<semaphore_mem>>) attributes {dimension_semantics = [#tpu.dimension_semantics<core_parallel>, #tpu.dimension_semantics<subcore_parallel>], iteration_bounds = array<i64: 2, 16>, scalar_prefetch = 0 : i64, scratch_operands = 12 : i64, tpu.core_type = #tpu.core_type<sc_vector_subcore>, window_params = [{transform_indices = #map}, {transform_indices = #map1}, {transform_indices = #map1}, {transform_indices = #map}, {transform_indices = #map1}]} {
    %mul3A = arith.constant 16 : i32
    %mul3A_0 = arith.muli %arg0, %mul3A : i32
    %add3A = arith.addi %mul3A_0, %arg1 : i32
    "tpu.region"() ({
      %run_scoped3A = tpu.sem_alloc : memref<!tpu.dma_semaphore, #tpu.memory_space<semaphore_mem>>
      %dma_start3A_45 = arith.constant 0 : i32
      %dma_start3A_46 = arith.constant 0 : i32
      %dma_start3A_47 = tpu.memref_slice %arg3[%add3A, %dma_start3A_45, %dma_start3A_46] : memref<32x158x128xi32, #tpu.memory_space<hbm>> -> memref<1x158x128xi32, #tpu.memory_space<hbm>>
      %dma_start3A_48 = tpu.memref_squeeze %dma_start3A_47 : memref<1x158x128xi32, #tpu.memory_space<hbm>> -> memref<158x128xi32, #tpu.memory_space<hbm>>
      %dma_start3A_49 = arith.constant 0 : i32
      %dma_start3A_50 = arith.constant 0 : i32
      %dma_start3A_51 = tpu.memref_slice %arg3[%add3A, %dma_start3A_49, %dma_start3A_50] : memref<32x158x128xi32, #tpu.memory_space<hbm>> -> memref<1x158x128xi32, #tpu.memory_space<hbm>>
      %dma_start3A_52 = tpu.memref_squeeze %dma_start3A_51 : memref<1x158x128xi32, #tpu.memory_space<hbm>> -> memref<158x128xi32, #tpu.memory_space<hbm>>
      tpu.enqueue_dma source(%dma_start3A_52 : memref<158x128xi32, #tpu.memory_space<hbm>>) target(%arg7 : memref<158x128xi32, #tpu.memory_space<vmem>>) target_semaphore(%run_scoped3A : memref<!tpu.dma_semaphore, #tpu.memory_space<semaphore_mem>>)
      %dma_wait3A_53 = arith.constant 0 : i32
      %dma_wait3A_54 = arith.constant 0 : i32
      %dma_wait3A_55 = tpu.memref_slice %arg3[%add3A, %dma_wait3A_53, %dma_wait3A_54] : memref<32x158x128xi32, #tpu.memory_space<hbm>> -> memref<1x158x128xi32, #tpu.memory_space<hbm>>
      %dma_wait3A_56 = tpu.memref_squeeze %dma_wait3A_55 : memref<1x158x128xi32, #tpu.memory_space<hbm>> -> memref<158x128xi32, #tpu.memory_space<hbm>>
      %dma_wait3A_57 = arith.constant 0 : i32
      %dma_wait3A_58 = arith.constant 0 : i32
      %dma_wait3A_59 = tpu.memref_slice %arg3[%add3A, %dma_wait3A_57, %dma_wait3A_58] : memref<32x158x128xi32, #tpu.memory_space<hbm>> -> memref<1x158x128xi32, #tpu.memory_space<hbm>>
      %dma_wait3A_60 = tpu.memref_squeeze %dma_wait3A_59 : memref<1x158x128xi32, #tpu.memory_space<hbm>> -> memref<158x128xi32, #tpu.memory_space<hbm>>
      tpu.wait_dma2 semaphore(%run_scoped3A : memref<!tpu.dma_semaphore, #tpu.memory_space<semaphore_mem>>) src(%dma_wait3A_60 : memref<158x128xi32, #tpu.memory_space<hbm>>) dst(%arg7 : memref<158x128xi32, #tpu.memory_space<vmem>>)
      tpu.yield
    }) : () -> ()
    "tpu.region"() ({
      %run_scoped3A = tpu.sem_alloc : memref<!tpu.dma_semaphore, #tpu.memory_space<semaphore_mem>>
      %dma_start3A_45 = arith.constant 0 : i32
      %dma_start3A_46 = arith.constant 0 : i32
      %dma_start3A_47 = tpu.memref_slice %arg4[%add3A, %dma_start3A_45, %dma_start3A_46] : memref<32x158x128xi32, #tpu.memory_space<hbm>> -> memref<1x158x128xi32, #tpu.memory_space<hbm>>
      %dma_start3A_48 = tpu.memref_squeeze %dma_start3A_47 : memref<1x158x128xi32, #tpu.memory_space<hbm>> -> memref<158x128xi32, #tpu.memory_space<hbm>>
      %dma_start3A_49 = arith.constant 0 : i32
      %dma_start3A_50 = arith.constant 0 : i32
      %dma_start3A_51 = tpu.memref_slice %arg4[%add3A, %dma_start3A_49, %dma_start3A_50] : memref<32x158x128xi32, #tpu.memory_space<hbm>> -> memref<1x158x128xi32, #tpu.memory_space<hbm>>
      %dma_start3A_52 = tpu.memref_squeeze %dma_start3A_51 : memref<1x158x128xi32, #tpu.memory_space<hbm>> -> memref<158x128xi32, #tpu.memory_space<hbm>>
      tpu.enqueue_dma source(%dma_start3A_52 : memref<158x128xi32, #tpu.memory_space<hbm>>) target(%arg8 : memref<158x128xi32, #tpu.memory_space<vmem>>) target_semaphore(%run_scoped3A : memref<!tpu.dma_semaphore, #tpu.memory_space<semaphore_mem>>)
      %dma_wait3A_53 = arith.constant 0 : i32
      %dma_wait3A_54 = arith.constant 0 : i32
      %dma_wait3A_55 = tpu.memref_slice %arg4[%add3A, %dma_wait3A_53, %dma_wait3A_54] : memref<32x158x128xi32, #tpu.memory_space<hbm>> -> memref<1x158x128xi32, #tpu.memory_space<hbm>>
      %dma_wait3A_56 = tpu.memref_squeeze %dma_wait3A_55 : memref<1x158x128xi32, #tpu.memory_space<hbm>> -> memref<158x128xi32, #tpu.memory_space<hbm>>
      %dma_wait3A_57 = arith.constant 0 : i32
      %dma_wait3A_58 = arith.constant 0 : i32
      %dma_wait3A_59 = tpu.memref_slice %arg4[%add3A, %dma_wait3A_57, %dma_wait3A_58] : memref<32x158x128xi32, #tpu.memory_space<hbm>> -> memref<1x158x128xi32, #tpu.memory_space<hbm>>
      %dma_wait3A_60 = tpu.memref_squeeze %dma_wait3A_59 : memref<1x158x128xi32, #tpu.memory_space<hbm>> -> memref<158x128xi32, #tpu.memory_space<hbm>>
      tpu.wait_dma2 semaphore(%run_scoped3A : memref<!tpu.dma_semaphore, #tpu.memory_space<semaphore_mem>>) src(%dma_wait3A_60 : memref<158x128xi32, #tpu.memory_space<hbm>>) dst(%arg8 : memref<158x128xi32, #tpu.memory_space<vmem>>)
      tpu.yield
    }) : () -> ()
    %mul3A_1 = arith.constant 640 : i32
    %mul3A_2 = arith.muli %arg1, %mul3A_1 : i32
    %mul3A_3 = arith.constant 640 : i32
    %mul3A_4 = arith.muli %arg1, %mul3A_3 : i32
    "tpu.region"() ({
      %run_scoped3A = tpu.sem_alloc : memref<!tpu.dma_semaphore, #tpu.memory_space<semaphore_mem>>
      %dma_start3A_45 = arith.constant 0 : i32
      %dma_start3A_46 = tpu.memref_slice %arg14[%mul3A_4, %dma_start3A_45] : memref<10240x64xf32, #tpu.memory_space<vmem_shared>> -> memref<640x64xf32, #tpu.memory_space<vmem_shared>>
      %dma_start3A_47 = arith.constant 0 : i32
      %dma_start3A_48 = tpu.memref_slice %arg5[%mul3A_2, %dma_start3A_47] : memref<10240x64xf32, #tpu.memory_space<hbm>> -> memref<640x64xf32, #tpu.memory_space<hbm>>
      tpu.enqueue_dma source(%dma_start3A_48 : memref<640x64xf32, #tpu.memory_space<hbm>>) target(%dma_start3A_46 : memref<640x64xf32, #tpu.memory_space<vmem_shared>>) target_semaphore(%run_scoped3A : memref<!tpu.dma_semaphore, #tpu.memory_space<semaphore_mem>>)
      %dma_wait3A_49 = arith.constant 0 : i32
      %dma_wait3A_50 = tpu.memref_slice %arg14[%mul3A_4, %dma_wait3A_49] : memref<10240x64xf32, #tpu.memory_space<vmem_shared>> -> memref<640x64xf32, #tpu.memory_space<vmem_shared>>
      %dma_wait3A_51 = arith.constant 0 : i32
      %dma_wait3A_52 = tpu.memref_slice %arg5[%mul3A_2, %dma_wait3A_51] : memref<10240x64xf32, #tpu.memory_space<hbm>> -> memref<640x64xf32, #tpu.memory_space<hbm>>
      tpu.wait_dma2 semaphore(%run_scoped3A : memref<!tpu.dma_semaphore, #tpu.memory_space<semaphore_mem>>) src(%dma_wait3A_52 : memref<640x64xf32, #tpu.memory_space<hbm>>) dst(%dma_wait3A_50 : memref<640x64xf32, #tpu.memory_space<vmem_shared>>)
      tpu.yield
    }) : () -> ()
    %mul3A_5 = arith.constant 640 : i32
    %mul3A_6 = arith.muli %arg1, %mul3A_5 : i32
    %mul3A_7 = arith.constant 640 : i32
    %mul3A_8 = arith.muli %arg1, %mul3A_7 : i32
    "tpu.region"() ({
      %run_scoped3A = tpu.sem_alloc : memref<!tpu.dma_semaphore, #tpu.memory_space<semaphore_mem>>
      %dma_start3A_45 = arith.constant 0 : i32
      %dma_start3A_46 = tpu.memref_slice %arg13[%mul3A_8, %dma_start3A_45] : memref<10240x64xbf16, #tpu.memory_space<vmem_shared>> -> memref<640x64xbf16, #tpu.memory_space<vmem_shared>>
      %dma_start3A_47 = arith.constant 0 : i32
      %dma_start3A_48 = tpu.memref_slice %arg2[%mul3A_6, %dma_start3A_47] : memref<10240x64xbf16, #tpu.memory_space<hbm>> -> memref<640x64xbf16, #tpu.memory_space<hbm>>
      tpu.enqueue_dma source(%dma_start3A_48 : memref<640x64xbf16, #tpu.memory_space<hbm>>) target(%dma_start3A_46 : memref<640x64xbf16, #tpu.memory_space<vmem_shared>>) target_semaphore(%run_scoped3A : memref<!tpu.dma_semaphore, #tpu.memory_space<semaphore_mem>>)
      %dma_wait3A_49 = arith.constant 0 : i32
      %dma_wait3A_50 = tpu.memref_slice %arg13[%mul3A_8, %dma_wait3A_49] : memref<10240x64xbf16, #tpu.memory_space<vmem_shared>> -> memref<640x64xbf16, #tpu.memory_space<vmem_shared>>
      %dma_wait3A_51 = arith.constant 0 : i32
      %dma_wait3A_52 = tpu.memref_slice %arg2[%mul3A_6, %dma_wait3A_51] : memref<10240x64xbf16, #tpu.memory_space<hbm>> -> memref<640x64xbf16, #tpu.memory_space<hbm>>
      tpu.wait_dma2 semaphore(%run_scoped3A : memref<!tpu.dma_semaphore, #tpu.memory_space<semaphore_mem>>) src(%dma_wait3A_52 : memref<640x64xbf16, #tpu.memory_space<hbm>>) dst(%dma_wait3A_50 : memref<640x64xbf16, #tpu.memory_space<vmem_shared>>)
      tpu.yield
    }) : () -> ()
    %barrier3A = arith.constant 0 : index
    tpu.barrier barrier_id(%barrier3A)
    %dma_start3A = arith.constant 0 : i32
    %dma_start3A_9 = arith.constant 0 : i32
    %dma_start3A_10 = tpu.memref_slice %arg7[%dma_start3A, %dma_start3A_9] : memref<158x128xi32, #tpu.memory_space<vmem>> -> memref<1x128xi32, #tpu.memory_space<vmem>>
    %dma_start3A_11 = tpu.memref_squeeze %dma_start3A_10 : memref<1x128xi32, #tpu.memory_space<vmem>> -> memref<128xi32, #tpu.memory_space<vmem>>
    %dma_start3A_12 = arith.constant 0 : i32
    %dma_start3A_13 = arith.constant 0 : i32
    %dma_start3A_14 = tpu.memref_slice %arg13[%dma_start3A_12, %dma_start3A_13] : memref<10240x64xbf16, #tpu.memory_space<vmem_shared>> -> memref<10240x64xbf16, #tpu.memory_space<vmem_shared>>
    tpu.enqueue_indirect_dma source(%dma_start3A_14 : memref<10240x64xbf16, #tpu.memory_space<vmem_shared>>) target(%arg9 : memref<128x64xbf16, #tpu.memory_space<vmem>>) offsets(%dma_start3A_11 : memref<128xi32, #tpu.memory_space<vmem>>) semaphore(%arg15 : memref<!tpu.dma_semaphore, #tpu.memory_space<semaphore_mem>>)
    %dma_start3A_15 = arith.constant 1 : i32
    %dma_start3A_16 = arith.constant 0 : i32
    %dma_start3A_17 = tpu.memref_slice %arg7[%dma_start3A_15, %dma_start3A_16] : memref<158x128xi32, #tpu.memory_space<vmem>> -> memref<1x128xi32, #tpu.memory_space<vmem>>
    %dma_start3A_18 = tpu.memref_squeeze %dma_start3A_17 : memref<1x128xi32, #tpu.memory_space<vmem>> -> memref<128xi32, #tpu.memory_space<vmem>>
    %dma_start3A_19 = arith.constant 0 : i32
    %dma_start3A_20 = arith.constant 0 : i32
    %dma_start3A_21 = tpu.memref_slice %arg13[%dma_start3A_19, %dma_start3A_20] : memref<10240x64xbf16, #tpu.memory_space<vmem_shared>> -> memref<10240x64xbf16, #tpu.memory_space<vmem_shared>>
    tpu.enqueue_indirect_dma source(%dma_start3A_21 : memref<10240x64xbf16, #tpu.memory_space<vmem_shared>>) target(%arg10 : memref<128x64xbf16, #tpu.memory_space<vmem>>) offsets(%dma_start3A_18 : memref<128xi32, #tpu.memory_space<vmem>>) semaphore(%arg16 : memref<!tpu.dma_semaphore, #tpu.memory_space<semaphore_mem>>)
    %scan3A = arith.constant 0 : i32
    %scan3A_22 = arith.constant 0 : i32
    %scan3A_23 = arith.constant 79 : i32
    %scan3A_24 = arith.addi %scan3A_22, %scan3A_23 : i32
    %scan3A_25 = arith.constant 1 : i32
    scf.for %scan3A_45 = %scan3A_22 to %scan3A_24 step %scan3A_25  : i32 {
      %mul3A_46 = arith.constant 2 : i32
      %mul3A_47 = arith.muli %scan3A_45, %mul3A_46 : i32
      %dma_wait3A_48 = arith.constant 0 : i32
      %dma_wait3A_49 = tpu.memref_slice %arg7[%mul3A_47, %dma_wait3A_48] : memref<158x128xi32, #tpu.memory_space<vmem>> -> memref<1x128xi32, #tpu.memory_space<vmem>>
      %dma_wait3A_50 = tpu.memref_squeeze %dma_wait3A_49 : memref<1x128xi32, #tpu.memory_space<vmem>> -> memref<128xi32, #tpu.memory_space<vmem>>
      %dma_wait3A_51 = arith.constant 0 : i32
      %dma_wait3A_52 = arith.constant 0 : i32
      %dma_wait3A_53 = tpu.memref_slice %arg13[%dma_wait3A_51, %dma_wait3A_52] : memref<10240x64xbf16, #tpu.memory_space<vmem_shared>> -> memref<10240x64xbf16, #tpu.memory_space<vmem_shared>>
      tpu.wait_indirect_dma semaphore(%arg15 : memref<!tpu.dma_semaphore, #tpu.memory_space<semaphore_mem>>) src(%dma_wait3A_53 : memref<10240x64xbf16, #tpu.memory_space<vmem_shared>>) dst(%arg9 : memref<128x64xbf16, #tpu.memory_space<vmem>>)
      %ge3A = arith.constant 2 : i32
      %ge3A_54 = arith.cmpi sge, %mul3A_47, %ge3A : i32
      %convert_element_type3A = arith.extui %ge3A_54 : i1 to i32
      %cond3A = arith.constant 0 : i32
      %cond3A_55 = arith.cmpi ne, %convert_element_type3A, %cond3A : i32
      scf.if %cond3A_55 {
        %sub3A = arith.constant 2 : i32
        %sub3A_106 = arith.subi %mul3A_47, %sub3A : i32
        %dma_wait3A_107 = arith.constant 0 : i32
        %dma_wait3A_108 = tpu.memref_slice %arg8[%sub3A_106, %dma_wait3A_107] : memref<158x128xi32, #tpu.memory_space<vmem>> -> memref<1x128xi32, #tpu.memory_space<vmem>>
        %dma_wait3A_109 = tpu.memref_squeeze %dma_wait3A_108 : memref<1x128xi32, #tpu.memory_space<vmem>> -> memref<128xi32, #tpu.memory_space<vmem>>
        %dma_wait3A_110 = arith.constant 0 : i32
        %dma_wait3A_111 = arith.constant 0 : i32
        %dma_wait3A_112 = tpu.memref_slice %arg14[%dma_wait3A_110, %dma_wait3A_111] : memref<10240x64xf32, #tpu.memory_space<vmem_shared>> -> memref<10240x64xf32, #tpu.memory_space<vmem_shared>>
        tpu.wait_indirect_dma semaphore(%arg17 : memref<!tpu.dma_semaphore, #tpu.memory_space<semaphore_mem>>) src(%arg11 : memref<128x64xf32, #tpu.memory_space<vmem>>) dst(%dma_wait3A_112 : memref<10240x64xf32, #tpu.memory_space<vmem_shared>>)
      } else {
      }
      %scan3A_56 = arith.constant 0 : i32
      %scan3A_57 = arith.constant 0 : i32
      %scan3A_58 = arith.constant 128 : i32
      %scan3A_59 = arith.addi %scan3A_57, %scan3A_58 : i32
      %scan3A_60 = arith.constant 8 : i32
      scf.for %scan3A_106 = %scan3A_57 to %scan3A_59 step %scan3A_60  : i32 {
        %get3A = arith.index_cast %scan3A_106 : i32 to index
        %get3A_107 = arith.constant 0 : index
        %get3A_108 = tpu.vector_load %arg9[%get3A, %get3A_107] {strides = array<i32>} : memref<128x64xbf16, #tpu.memory_space<vmem>>, vector<32xbf16>,
        %unpack3A = tpu.unpack_subelements %get3A_108, 0 {pack_format = #tpu.pack_format<interleaved>} : vector<32xbf16> -> vector<16xf32>
        %unpack3A_109 = tpu.unpack_subelements %get3A_108, 1 {pack_format = #tpu.pack_format<interleaved>} : vector<32xbf16> -> vector<16xf32>
        %swap3A = arith.index_cast %scan3A_106 : i32 to index
        %swap3A_110 = arith.constant 0 : index
        %swap3A_111 = tpu.vector_load %arg11[%swap3A, %swap3A_110] {strides = array<i32>} : memref<128x64xf32, #tpu.memory_space<vmem>>, vector<16xf32>,
        tpu.vector_store %arg11[%swap3A, %swap3A_110], %unpack3A {strides = array<i32>} : memref<128x64xf32, #tpu.memory_space<vmem>>, vector<16xf32>,
        %swap3A_112 = arith.index_cast %scan3A_106 : i32 to index
        %swap3A_113 = arith.constant 16 : index
        %swap3A_114 = tpu.vector_load %arg11[%swap3A_112, %swap3A_113] {strides = array<i32>} : memref<128x64xf32, #tpu.memory_space<vmem>>, vector<16xf32>,
        tpu.vector_store %arg11[%swap3A_112, %swap3A_113], %unpack3A_109 {strides = array<i32>} : memref<128x64xf32, #tpu.memory_space<vmem>>, vector<16xf32>,
        %get3A_115 = arith.index_cast %scan3A_106 : i32 to index
        %get3A_116 = arith.constant 32 : index
        %get3A_117 = tpu.vector_load %arg9[%get3A_115, %get3A_116] {strides = array<i32>} : memref<128x64xbf16, #tpu.memory_space<vmem>>, vector<32xbf16>,
        %unpack3A_118 = tpu.unpack_subelements %get3A_117, 0 {pack_format = #tpu.pack_format<interleaved>} : vector<32xbf16> -> vector<16xf32>
        %unpack3A_119 = tpu.unpack_subelements %get3A_117, 1 {pack_format = #tpu.pack_format<interleaved>} : vector<32xbf16> -> vector<16xf32>
        %swap3A_120 = arith.index_cast %scan3A_106 : i32 to index
        %swap3A_121 = arith.constant 32 : index
        %swap3A_122 = tpu.vector_load %arg11[%swap3A_120, %swap3A_121] {strides = array<i32>} : memref<128x64xf32, #tpu.memory_space<vmem>>, vector<16xf32>,
        tpu.vector_store %arg11[%swap3A_120, %swap3A_121], %unpack3A_118 {strides = array<i32>} : memref<128x64xf32, #tpu.memory_space<vmem>>, vector<16xf32>,
        %swap3A_123 = arith.index_cast %scan3A_106 : i32 to index
        %swap3A_124 = arith.constant 48 : index
        %swap3A_125 = tpu.vector_load %arg11[%swap3A_123, %swap3A_124] {strides = array<i32>} : memref<128x64xf32, #tpu.memory_space<vmem>>, vector<16xf32>,
        tpu.vector_store %arg11[%swap3A_123, %swap3A_124], %unpack3A_119 {strides = array<i32>} : memref<128x64xf32, #tpu.memory_space<vmem>>, vector<16xf32>,
        %scan3A_126 = arith.constant 1 : i32
        %scan3A_127 = arith.addi %scan3A_106, %scan3A_126 : i32
        %get3A_128 = arith.index_cast %scan3A_127 : i32 to index
        %get3A_129 = arith.constant 0 : index
        %get3A_130 = tpu.vector_load %arg9[%get3A_128, %get3A_129] {strides = array<i32>} : memref<128x64xbf16, #tpu.memory_space<vmem>>, vector<32xbf16>,
        %unpack3A_131 = tpu.unpack_subelements %get3A_130, 0 {pack_format = #tpu.pack_format<interleaved>} : vector<32xbf16> -> vector<16xf32>
        %unpack3A_132 = tpu.unpack_subelements %get3A_130, 1 {pack_format = #tpu.pack_format<interleaved>} : vector<32xbf16> -> vector<16xf32>
        %swap3A_133 = arith.index_cast %scan3A_127 : i32 to index
        %swap3A_134 = arith.constant 0 : index
        %swap3A_135 = tpu.vector_load %arg11[%swap3A_133, %swap3A_134] {strides = array<i32>} : memref<128x64xf32, #tpu.memory_space<vmem>>, vector<16xf32>,
        tpu.vector_store %arg11[%swap3A_133, %swap3A_134], %unpack3A_131 {strides = array<i32>} : memref<128x64xf32, #tpu.memory_space<vmem>>, vector<16xf32>,
        %swap3A_136 = arith.index_cast %scan3A_127 : i32 to index
        %swap3A_137 = arith.constant 16 : index
        %swap3A_138 = tpu.vector_load %arg11[%swap3A_136, %swap3A_137] {strides = array<i32>} : memref<128x64xf32, #tpu.memory_space<vmem>>, vector<16xf32>,
        tpu.vector_store %arg11[%swap3A_136, %swap3A_137], %unpack3A_132 {strides = array<i32>} : memref<128x64xf32, #tpu.memory_space<vmem>>, vector<16xf32>,
        %get3A_139 = arith.index_cast %scan3A_127 : i32 to index
        %get3A_140 = arith.constant 32 : index
        %get3A_141 = tpu.vector_load %arg9[%get3A_139, %get3A_140] {strides = array<i32>} : memref<128x64xbf16, #tpu.memory_space<vmem>>, vector<32xbf16>,
        %unpack3A_142 = tpu.unpack_subelements %get3A_141, 0 {pack_format = #tpu.pack_format<interleaved>} : vector<32xbf16> -> vector<16xf32>
        %unpack3A_143 = tpu.unpack_subelements %get3A_141, 1 {pack_format = #tpu.pack_format<interleaved>} : vector<32xbf16> -> vector<16xf32>
        %swap3A_144 = arith.index_cast %scan3A_127 : i32 to index
        %swap3A_145 = arith.constant 32 : index
        %swap3A_146 = tpu.vector_load %arg11[%swap3A_144, %swap3A_145] {strides = array<i32>} : memref<128x64xf32, #tpu.memory_space<vmem>>, vector<16xf32>,
        tpu.vector_store %arg11[%swap3A_144, %swap3A_145], %unpack3A_142 {strides = array<i32>} : memref<128x64xf32, #tpu.memory_space<vmem>>, vector<16xf32>,
        %swap3A_147 = arith.index_cast %scan3A_127 : i32 to index
        %swap3A_148 = arith.constant 48 : index
        %swap3A_149 = tpu.vector_load %arg11[%swap3A_147, %swap3A_148] {strides = array<i32>} : memref<128x64xf32, #tpu.memory_space<vmem>>, vector<16xf32>,
        tpu.vector_store %arg11[%swap3A_147, %swap3A_148], %unpack3A_143 {strides = array<i32>} : memref<128x64xf32, #tpu.memory_space<vmem>>, vector<16xf32>,
        %scan3A_150 = arith.constant 2 : i32
        %scan3A_151 = arith.addi %scan3A_106, %scan3A_150 : i32
        %get3A_152 = arith.index_cast %scan3A_151 : i32 to index
        %get3A_153 = arith.constant 0 : index
        %get3A_154 = tpu.vector_load %arg9[%get3A_152, %get3A_153] {strides = array<i32>} : memref<128x64xbf16, #tpu.memory_space<vmem>>, vector<32xbf16>,
        %unpack3A_155 = tpu.unpack_subelements %get3A_154, 0 {pack_format = #tpu.pack_format<interleaved>} : vector<32xbf16> -> vector<16xf32>
        %unpack3A_156 = tpu.unpack_subelements %get3A_154, 1 {pack_format = #tpu.pack_format<interleaved>} : vector<32xbf16> -> vector<16xf32>
        %swap3A_157 = arith.index_cast %scan3A_151 : i32 to index
        %swap3A_158 = arith.constant 0 : index
        %swap3A_159 = tpu.vector_load %arg11[%swap3A_157, %swap3A_158] {strides = array<i32>} : memref<128x64xf32, #tpu.memory_space<vmem>>, vector<16xf32>,
        tpu.vector_store %arg11[%swap3A_157, %swap3A_158], %unpack3A_155 {strides = array<i32>} : memref<128x64xf32, #tpu.memory_space<vmem>>, vector<16xf32>,
        %swap3A_160 = arith.index_cast %scan3A_151 : i32 to index
        %swap3A_161 = arith.constant 16 : index
        %swap3A_162 = tpu.vector_load %arg11[%swap3A_160, %swap3A_161] {strides = array<i32>} : memref<128x64xf32, #tpu.memory_space<vmem>>, vector<16xf32>,
        tpu.vector_store %arg11[%swap3A_160, %swap3A_161], %unpack3A_156 {strides = array<i32>} : memref<128x64xf32, #tpu.memory_space<vmem>>, vector<16xf32>,
        %get3A_163 = arith.index_cast %scan3A_151 : i32 to index
        %get3A_164 = arith.constant 32 : index
        %get3A_165 = tpu.vector_load %arg9[%get3A_163, %get3A_164] {strides = array<i32>} : memref<128x64xbf16, #tpu.memory_space<vmem>>, vector<32xbf16>,
        %unpack3A_166 = tpu.unpack_subelements %get3A_165, 0 {pack_format = #tpu.pack_format<interleaved>} : vector<32xbf16> -> vector<16xf32>
        %unpack3A_167 = tpu.unpack_subelements %get3A_165, 1 {pack_format = #tpu.pack_format<interleaved>} : vector<32xbf16> -> vector<16xf32>
        %swap3A_168 = arith.index_cast %scan3A_151 : i32 to index
        %swap3A_169 = arith.constant 32 : index
        %swap3A_170 = tpu.vector_load %arg11[%swap3A_168, %swap3A_169] {strides = array<i32>} : memref<128x64xf32, #tpu.memory_space<vmem>>, vector<16xf32>,
        tpu.vector_store %arg11[%swap3A_168, %swap3A_169], %unpack3A_166 {strides = array<i32>} : memref<128x64xf32, #tpu.memory_space<vmem>>, vector<16xf32>,
        %swap3A_171 = arith.index_cast %scan3A_151 : i32 to index
        %swap3A_172 = arith.constant 48 : index
        %swap3A_173 = tpu.vector_load %arg11[%swap3A_171, %swap3A_172] {strides = array<i32>} : memref<128x64xf32, #tpu.memory_space<vmem>>, vector<16xf32>,
        tpu.vector_store %arg11[%swap3A_171, %swap3A_172], %unpack3A_167 {strides = array<i32>} : memref<128x64xf32, #tpu.memory_space<vmem>>, vector<16xf32>,
        %scan3A_174 = arith.constant 3 : i32
        %scan3A_175 = arith.addi %scan3A_106, %scan3A_174 : i32
        %get3A_176 = arith.index_cast %scan3A_175 : i32 to index
        %get3A_177 = arith.constant 0 : index
        %get3A_178 = tpu.vector_load %arg9[%get3A_176, %get3A_177] {strides = array<i32>} : memref<128x64xbf16, #tpu.memory_space<vmem>>, vector<32xbf16>,
        %unpack3A_179 = tpu.unpack_subelements %get3A_178, 0 {pack_format = #tpu.pack_format<interleaved>} : vector<32xbf16> -> vector<16xf32>
        %unpack3A_180 = tpu.unpack_subelements %get3A_178, 1 {pack_format = #tpu.pack_format<interleaved>} : vector<32xbf16> -> vector<16xf32>
        %swap3A_181 = arith.index_cast %scan3A_175 : i32 to index
        %swap3A_182 = arith.constant 0 : index
        %swap3A_183 = tpu.vector_load %arg11[%swap3A_181, %swap3A_182] {strides = array<i32>} : memref<128x64xf32, #tpu.memory_space<vmem>>, vector<16xf32>,
        tpu.vector_store %arg11[%swap3A_181, %swap3A_182], %unpack3A_179 {strides = array<i32>} : memref<128x64xf32, #tpu.memory_space<vmem>>, vector<16xf32>,
        %swap3A_184 = arith.index_cast %scan3A_175 : i32 to index
        %swap3A_185 = arith.constant 16 : index
        %swap3A_186 = tpu.vector_load %arg11[%swap3A_184, %swap3A_185] {strides = array<i32>} : memref<128x64xf32, #tpu.memory_space<vmem>>, vector<16xf32>,
        tpu.vector_store %arg11[%swap3A_184, %swap3A_185], %unpack3A_180 {strides = array<i32>} : memref<128x64xf32, #tpu.memory_space<vmem>>, vector<16xf32>,
        %get3A_187 = arith.index_cast %scan3A_175 : i32 to index
        %get3A_188 = arith.constant 32 : index
        %get3A_189 = tpu.vector_load %arg9[%get3A_187, %get3A_188] {strides = array<i32>} : memref<128x64xbf16, #tpu.memory_space<vmem>>, vector<32xbf16>,
        %unpack3A_190 = tpu.unpack_subelements %get3A_189, 0 {pack_format = #tpu.pack_format<interleaved>} : vector<32xbf16> -> vector<16xf32>
        %unpack3A_191 = tpu.unpack_subelements %get3A_189, 1 {pack_format = #tpu.pack_format<interleaved>} : vector<32xbf16> -> vector<16xf32>
        %swap3A_192 = arith.index_cast %scan3A_175 : i32 to index
        %swap3A_193 = arith.constant 32 : index
        %swap3A_194 = tpu.vector_load %arg11[%swap3A_192, %swap3A_193] {strides = array<i32>} : memref<128x64xf32, #tpu.memory_space<vmem>>, vector<16xf32>,
        tpu.vector_store %arg11[%swap3A_192, %swap3A_193], %unpack3A_190 {strides = array<i32>} : memref<128x64xf32, #tpu.memory_space<vmem>>, vector<16xf32>,
        %swap3A_195 = arith.index_cast %scan3A_175 : i32 to index
        %swap3A_196 = arith.constant 48 : index
        %swap3A_197 = tpu.vector_load %arg11[%swap3A_195, %swap3A_196] {strides = array<i32>} : memref<128x64xf32, #tpu.memory_space<vmem>>, vector<16xf32>,
        tpu.vector_store %arg11[%swap3A_195, %swap3A_196], %unpack3A_191 {strides = array<i32>} : memref<128x64xf32, #tpu.memory_space<vmem>>, vector<16xf32>,
        %scan3A_198 = arith.constant 4 : i32
        %scan3A_199 = arith.addi %scan3A_106, %scan3A_198 : i32
        %get3A_200 = arith.index_cast %scan3A_199 : i32 to index
        %get3A_201 = arith.constant 0 : index
        %get3A_202 = tpu.vector_load %arg9[%get3A_200, %get3A_201] {strides = array<i32>} : memref<128x64xbf16, #tpu.memory_space<vmem>>, vector<32xbf16>,
        %unpack3A_203 = tpu.unpack_subelements %get3A_202, 0 {pack_format = #tpu.pack_format<interleaved>} : vector<32xbf16> -> vector<16xf32>
        %unpack3A_204 = tpu.unpack_subelements %get3A_202, 1 {pack_format = #tpu.pack_format<interleaved>} : vector<32xbf16> -> vector<16xf32>
        %swap3A_205 = arith.index_cast %scan3A_199 : i32 to index
        %swap3A_206 = arith.constant 0 : index
        %swap3A_207 = tpu.vector_load %arg11[%swap3A_205, %swap3A_206] {strides = array<i32>} : memref<128x64xf32, #tpu.memory_space<vmem>>, vector<16xf32>,
        tpu.vector_store %arg11[%swap3A_205, %swap3A_206], %unpack3A_203 {strides = array<i32>} : memref<128x64xf32, #tpu.memory_space<vmem>>, vector<16xf32>,
        %swap3A_208 = arith.index_cast %scan3A_199 : i32 to index
        %swap3A_209 = arith.constant 16 : index
        %swap3A_210 = tpu.vector_load %arg11[%swap3A_208, %swap3A_209] {strides = array<i32>} : memref<128x64xf32, #tpu.memory_space<vmem>>, vector<16xf32>,
        tpu.vector_store %arg11[%swap3A_208, %swap3A_209], %unpack3A_204 {strides = array<i32>} : memref<128x64xf32, #tpu.memory_space<vmem>>, vector<16xf32>,
        %get3A_211 = arith.index_cast %scan3A_199 : i32 to index
        %get3A_212 = arith.constant 32 : index
        %get3A_213 = tpu.vector_load %arg9[%get3A_211, %get3A_212] {strides = array<i32>} : memref<128x64xbf16, #tpu.memory_space<vmem>>, vector<32xbf16>,
        %unpack3A_214 = tpu.unpack_subelements %get3A_213, 0 {pack_format = #tpu.pack_format<interleaved>} : vector<32xbf16> -> vector<16xf32>
        %unpack3A_215 = tpu.unpack_subelements %get3A_213, 1 {pack_format = #tpu.pack_format<interleaved>} : vector<32xbf16> -> vector<16xf32>
        %swap3A_216 = arith.index_cast %scan3A_199 : i32 to index
        %swap3A_217 = arith.constant 32 : index
        %swap3A_218 = tpu.vector_load %arg11[%swap3A_216, %swap3A_217] {strides = array<i32>} : memref<128x64xf32, #tpu.memory_space<vmem>>, vector<16xf32>,
        tpu.vector_store %arg11[%swap3A_216, %swap3A_217], %unpack3A_214 {strides = array<i32>} : memref<128x64xf32, #tpu.memory_space<vmem>>, vector<16xf32>,
        %swap3A_219 = arith.index_cast %scan3A_199 : i32 to index
        %swap3A_220 = arith.constant 48 : index
        %swap3A_221 = tpu.vector_load %arg11[%swap3A_219, %swap3A_220] {strides = array<i32>} : memref<128x64xf32, #tpu.memory_space<vmem>>, vector<16xf32>,
        tpu.vector_store %arg11[%swap3A_219, %swap3A_220], %unpack3A_215 {strides = array<i32>} : memref<128x64xf32, #tpu.memory_space<vmem>>, vector<16xf32>,
        %scan3A_222 = arith.constant 5 : i32
        %scan3A_223 = arith.addi %scan3A_106, %scan3A_222 : i32
        %get3A_224 = arith.index_cast %scan3A_223 : i32 to index
        %get3A_225 = arith.constant 0 : index
        %get3A_226 = tpu.vector_load %arg9[%get3A_224, %get3A_225] {strides = array<i32>} : memref<128x64xbf16, #tpu.memory_space<vmem>>, vector<32xbf16>,
        %unpack3A_227 = tpu.unpack_subelements %get3A_226, 0 {pack_format = #tpu.pack_format<interleaved>} : vector<32xbf16> -> vector<16xf32>
        %unpack3A_228 = tpu.unpack_subelements %get3A_226, 1 {pack_format = #tpu.pack_format<interleaved>} : vector<32xbf16> -> vector<16xf32>
        %swap3A_229 = arith.index_cast %scan3A_223 : i32 to index
        %swap3A_230 = arith.constant 0 : index
        %swap3A_231 = tpu.vector_load %arg11[%swap3A_229, %swap3A_230] {strides = array<i32>} : memref<128x64xf32, #tpu.memory_space<vmem>>, vector<16xf32>,
        tpu.vector_store %arg11[%swap3A_229, %swap3A_230], %unpack3A_227 {strides = array<i32>} : memref<128x64xf32, #tpu.memory_space<vmem>>, vector<16xf32>,
        %swap3A_232 = arith.index_cast %scan3A_223 : i32 to index
        %swap3A_233 = arith.constant 16 : index
        %swap3A_234 = tpu.vector_load %arg11[%swap3A_232, %swap3A_233] {strides = array<i32>} : memref<128x64xf32, #tpu.memory_space<vmem>>, vector<16xf32>,
        tpu.vector_store %arg11[%swap3A_232, %swap3A_233], %unpack3A_228 {strides = array<i32>} : memref<128x64xf32, #tpu.memory_space<vmem>>, vector<16xf32>,
        %get3A_235 = arith.index_cast %scan3A_223 : i32 to index
        %get3A_236 = arith.constant 32 : index
        %get3A_237 = tpu.vector_load %arg9[%get3A_235, %get3A_236] {strides = array<i32>} : memref<128x64xbf16, #tpu.memory_space<vmem>>, vector<32xbf16>,
        %unpack3A_238 = tpu.unpack_subelements %get3A_237, 0 {pack_format = #tpu.pack_format<interleaved>} : vector<32xbf16> -> vector<16xf32>
        %unpack3A_239 = tpu.unpack_subelements %get3A_237, 1 {pack_format = #tpu.pack_format<interleaved>} : vector<32xbf16> -> vector<16xf32>
        %swap3A_240 = arith.index_cast %scan3A_223 : i32 to index
        %swap3A_241 = arith.constant 32 : index
        %swap3A_242 = tpu.vector_load %arg11[%swap3A_240, %swap3A_241] {strides = array<i32>} : memref<128x64xf32, #tpu.memory_space<vmem>>, vector<16xf32>,
        tpu.vector_store %arg11[%swap3A_240, %swap3A_241], %unpack3A_238 {strides = array<i32>} : memref<128x64xf32, #tpu.memory_space<vmem>>, vector<16xf32>,
        %swap3A_243 = arith.index_cast %scan3A_223 : i32 to index
        %swap3A_244 = arith.constant 48 : index
        %swap3A_245 = tpu.vector_load %arg11[%swap3A_243, %swap3A_244] {strides = array<i32>} : memref<128x64xf32, #tpu.memory_space<vmem>>, vector<16xf32>,
        tpu.vector_store %arg11[%swap3A_243, %swap3A_244], %unpack3A_239 {strides = array<i32>} : memref<128x64xf32, #tpu.memory_space<vmem>>, vector<16xf32>,
        %scan3A_246 = arith.constant 6 : i32
        %scan3A_247 = arith.addi %scan3A_106, %scan3A_246 : i32
        %get3A_248 = arith.index_cast %scan3A_247 : i32 to index
        %get3A_249 = arith.constant 0 : index
        %get3A_250 = tpu.vector_load %arg9[%get3A_248, %get3A_249] {strides = array<i32>} : memref<128x64xbf16, #tpu.memory_space<vmem>>, vector<32xbf16>,
        %unpack3A_251 = tpu.unpack_subelements %get3A_250, 0 {pack_format = #tpu.pack_format<interleaved>} : vector<32xbf16> -> vector<16xf32>
        %unpack3A_252 = tpu.unpack_subelements %get3A_250, 1 {pack_format = #tpu.pack_format<interleaved>} : vector<32xbf16> -> vector<16xf32>
        %swap3A_253 = arith.index_cast %scan3A_247 : i32 to index
        %swap3A_254 = arith.constant 0 : index
        %swap3A_255 = tpu.vector_load %arg11[%swap3A_253, %swap3A_254] {strides = array<i32>} : memref<128x64xf32, #tpu.memory_space<vmem>>, vector<16xf32>,
        tpu.vector_store %arg11[%swap3A_253, %swap3A_254], %unpack3A_251 {strides = array<i32>} : memref<128x64xf32, #tpu.memory_space<vmem>>, vector<16xf32>,
        %swap3A_256 = arith.index_cast %scan3A_247 : i32 to index
        %swap3A_257 = arith.constant 16 : index
        %swap3A_258 = tpu.vector_load %arg11[%swap3A_256, %swap3A_257] {strides = array<i32>} : memref<128x64xf32, #tpu.memory_space<vmem>>, vector<16xf32>,
        tpu.vector_store %arg11[%swap3A_256, %swap3A_257], %unpack3A_252 {strides = array<i32>} : memref<128x64xf32, #tpu.memory_space<vmem>>, vector<16xf32>,
        %get3A_259 = arith.index_cast %scan3A_247 : i32 to index
        %get3A_260 = arith.constant 32 : index
        %get3A_261 = tpu.vector_load %arg9[%get3A_259, %get3A_260] {strides = array<i32>} : memref<128x64xbf16, #tpu.memory_space<vmem>>, vector<32xbf16>,
        %unpack3A_262 = tpu.unpack_subelements %get3A_261, 0 {pack_format = #tpu.pack_format<interleaved>} : vector<32xbf16> -> vector<16xf32>
        %unpack3A_263 = tpu.unpack_subelements %get3A_261, 1 {pack_format = #tpu.pack_format<interleaved>} : vector<32xbf16> -> vector<16xf32>
        %swap3A_264 = arith.index_cast %scan3A_247 : i32 to index
        %swap3A_265 = arith.constant 32 : index
        %swap3A_266 = tpu.vector_load %arg11[%swap3A_264, %swap3A_265] {strides = array<i32>} : memref<128x64xf32, #tpu.memory_space<vmem>>, vector<16xf32>,
        tpu.vector_store %arg11[%swap3A_264, %swap3A_265], %unpack3A_262 {strides = array<i32>} : memref<128x64xf32, #tpu.memory_space<vmem>>, vector<16xf32>,
        %swap3A_267 = arith.index_cast %scan3A_247 : i32 to index
        %swap3A_268 = arith.constant 48 : index
        %swap3A_269 = tpu.vector_load %arg11[%swap3A_267, %swap3A_268] {strides = array<i32>} : memref<128x64xf32, #tpu.memory_space<vmem>>, vector<16xf32>,
        tpu.vector_store %arg11[%swap3A_267, %swap3A_268], %unpack3A_263 {strides = array<i32>} : memref<128x64xf32, #tpu.memory_space<vmem>>, vector<16xf32>,
        %scan3A_270 = arith.constant 7 : i32
        %scan3A_271 = arith.addi %scan3A_106, %scan3A_270 : i32
        %get3A_272 = arith.index_cast %scan3A_271 : i32 to index
        %get3A_273 = arith.constant 0 : index
        %get3A_274 = tpu.vector_load %arg9[%get3A_272, %get3A_273] {strides = array<i32>} : memref<128x64xbf16, #tpu.memory_space<vmem>>, vector<32xbf16>,
        %unpack3A_275 = tpu.unpack_subelements %get3A_274, 0 {pack_format = #tpu.pack_format<interleaved>} : vector<32xbf16> -> vector<16xf32>
        %unpack3A_276 = tpu.unpack_subelements %get3A_274, 1 {pack_format = #tpu.pack_format<interleaved>} : vector<32xbf16> -> vector<16xf32>
        %swap3A_277 = arith.index_cast %scan3A_271 : i32 to index
        %swap3A_278 = arith.constant 0 : index
        %swap3A_279 = tpu.vector_load %arg11[%swap3A_277, %swap3A_278] {strides = array<i32>} : memref<128x64xf32, #tpu.memory_space<vmem>>, vector<16xf32>,
        tpu.vector_store %arg11[%swap3A_277, %swap3A_278], %unpack3A_275 {strides = array<i32>} : memref<128x64xf32, #tpu.memory_space<vmem>>, vector<16xf32>,
        %swap3A_280 = arith.index_cast %scan3A_271 : i32 to index
        %swap3A_281 = arith.constant 16 : index
        %swap3A_282 = tpu.vector_load %arg11[%swap3A_280, %swap3A_281] {strides = array<i32>} : memref<128x64xf32, #tpu.memory_space<vmem>>, vector<16xf32>,
        tpu.vector_store %arg11[%swap3A_280, %swap3A_281], %unpack3A_276 {strides = array<i32>} : memref<128x64xf32, #tpu.memory_space<vmem>>, vector<16xf32>,
        %get3A_283 = arith.index_cast %scan3A_271 : i32 to index
        %get3A_284 = arith.constant 32 : index
        %get3A_285 = tpu.vector_load %arg9[%get3A_283, %get3A_284] {strides = array<i32>} : memref<128x64xbf16, #tpu.memory_space<vmem>>, vector<32xbf16>,
        %unpack3A_286 = tpu.unpack_subelements %get3A_285, 0 {pack_format = #tpu.pack_format<interleaved>} : vector<32xbf16> -> vector<16xf32>
        %unpack3A_287 = tpu.unpack_subelements %get3A_285, 1 {pack_format = #tpu.pack_format<interleaved>} : vector<32xbf16> -> vector<16xf32>
        %swap3A_288 = arith.index_cast %scan3A_271 : i32 to index
        %swap3A_289 = arith.constant 32 : index
        %swap3A_290 = tpu.vector_load %arg11[%swap3A_288, %swap3A_289] {strides = array<i32>} : memref<128x64xf32, #tpu.memory_space<vmem>>, vector<16xf32>,
        tpu.vector_store %arg11[%swap3A_288, %swap3A_289], %unpack3A_286 {strides = array<i32>} : memref<128x64xf32, #tpu.memory_space<vmem>>, vector<16xf32>,
        %swap3A_291 = arith.index_cast %scan3A_271 : i32 to index
        %swap3A_292 = arith.constant 48 : index
        %swap3A_293 = tpu.vector_load %arg11[%swap3A_291, %swap3A_292] {strides = array<i32>} : memref<128x64xf32, #tpu.memory_space<vmem>>, vector<16xf32>,
        tpu.vector_store %arg11[%swap3A_291, %swap3A_292], %unpack3A_287 {strides = array<i32>} : memref<128x64xf32, #tpu.memory_space<vmem>>, vector<16xf32>,
      }
      %scan3A_61 = arith.constant 128 : i32
      %add3A_62 = arith.constant 2 : i32
      %add3A_63 = arith.addi %mul3A_47, %add3A_62 : i32
      %lt3A = arith.constant 158 : i32
      %lt3A_64 = arith.cmpi slt, %add3A_63, %lt3A : i32
      %convert_element_type3A_65 = arith.extui %lt3A_64 : i1 to i32
      %cond3A_66 = arith.constant 0 : i32
      %cond3A_67 = arith.cmpi ne, %convert_element_type3A_65, %cond3A_66 : i32
      scf.if %cond3A_67 {
        %add3A_106 = arith.constant 2 : i32
        %add3A_107 = arith.addi %mul3A_47, %add3A_106 : i32
        %dma_start3A_108 = arith.constant 0 : i32
        %dma_start3A_109 = tpu.memref_slice %arg7[%add3A_107, %dma_start3A_108] : memref<158x128xi32, #tpu.memory_space<vmem>> -> memref<1x128xi32, #tpu.memory_space<vmem>>
        %dma_start3A_110 = tpu.memref_squeeze %dma_start3A_109 : memref<1x128xi32, #tpu.memory_space<vmem>> -> memref<128xi32, #tpu.memory_space<vmem>>
        %dma_start3A_111 = arith.constant 0 : i32
        %dma_start3A_112 = arith.constant 0 : i32
        %dma_start3A_113 = tpu.memref_slice %arg13[%dma_start3A_111, %dma_start3A_112] : memref<10240x64xbf16, #tpu.memory_space<vmem_shared>> -> memref<10240x64xbf16, #tpu.memory_space<vmem_shared>>
        tpu.enqueue_indirect_dma source(%dma_start3A_113 : memref<10240x64xbf16, #tpu.memory_space<vmem_shared>>) target(%arg9 : memref<128x64xbf16, #tpu.memory_space<vmem>>) offsets(%dma_start3A_110 : memref<128xi32, #tpu.memory_space<vmem>>) semaphore(%arg15 : memref<!tpu.dma_semaphore, #tpu.memory_space<semaphore_mem>>)
      } else {
      }
      %dma_start3A_68 = arith.constant 0 : i32
      %dma_start3A_69 = tpu.memref_slice %arg8[%mul3A_47, %dma_start3A_68] : memref<158x128xi32, #tpu.memory_space<vmem>> -> memref<1x128xi32, #tpu.memory_space<vmem>>
      %dma_start3A_70 = tpu.memref_squeeze %dma_start3A_69 : memref<1x128xi32, #tpu.memory_space<vmem>> -> memref<128xi32, #tpu.memory_space<vmem>>
      %dma_start3A_71 = arith.constant 0 : i32
      %dma_start3A_72 = arith.constant 0 : i32
      %dma_start3A_73 = tpu.memref_slice %arg14[%dma_start3A_71, %dma_start3A_72] : memref<10240x64xf32, #tpu.memory_space<vmem_shared>> -> memref<10240x64xf32, #tpu.memory_space<vmem_shared>>
      tpu.enqueue_indirect_dma source(%arg11 : memref<128x64xf32, #tpu.memory_space<vmem>>) target(%dma_start3A_73 : memref<10240x64xf32, #tpu.memory_space<vmem_shared>>) offsets(%dma_start3A_70 : memref<128xi32, #tpu.memory_space<vmem>>) semaphore(%arg17 : memref<!tpu.dma_semaphore, #tpu.memory_space<semaphore_mem>>) {add = true}
      %add3A_74 = arith.constant 1 : i32
      %add3A_75 = arith.addi %mul3A_47, %add3A_74 : i32
      %dma_wait3A_76 = arith.constant 0 : i32
      %dma_wait3A_77 = tpu.memref_slice %arg7[%add3A_75, %dma_wait3A_76] : memref<158x128xi32, #tpu.memory_space<vmem>> -> memref<1x128xi32, #tpu.memory_space<vmem>>
      %dma_wait3A_78 = tpu.memref_squeeze %dma_wait3A_77 : memref<1x128xi32, #tpu.memory_space<vmem>> -> memref<128xi32, #tpu.memory_space<vmem>>
      %dma_wait3A_79 = arith.constant 0 : i32
      %dma_wait3A_80 = arith.constant 0 : i32
      %dma_wait3A_81 = tpu.memref_slice %arg13[%dma_wait3A_79, %dma_wait3A_80] : memref<10240x64xbf16, #tpu.memory_space<vmem_shared>> -> memref<10240x64xbf16, #tpu.memory_space<vmem_shared>>
      tpu.wait_indirect_dma semaphore(%arg16 : memref<!tpu.dma_semaphore, #tpu.memory_space<semaphore_mem>>) src(%dma_wait3A_81 : memref<10240x64xbf16, #tpu.memory_space<vmem_shared>>) dst(%arg10 : memref<128x64xbf16, #tpu.memory_space<vmem>>)
      %ge3A_82 = arith.constant 2 : i32
      %ge3A_83 = arith.cmpi sge, %add3A_75, %ge3A_82 : i32
      %convert_element_type3A_84 = arith.extui %ge3A_83 : i1 to i32
      %cond3A_85 = arith.constant 0 : i32
      %cond3A_86 = arith.cmpi ne, %convert_element_type3A_84, %cond3A_85 : i32
      scf.if %cond3A_86 {
        %sub3A = arith.constant 2 : i32
        %sub3A_106 = arith.subi %add3A_75, %sub3A : i32
        %dma_wait3A_107 = arith.constant 0 : i32
        %dma_wait3A_108 = tpu.memref_slice %arg8[%sub3A_106, %dma_wait3A_107] : memref<158x128xi32, #tpu.memory_space<vmem>> -> memref<1x128xi32, #tpu.memory_space<vmem>>
        %dma_wait3A_109 = tpu.memref_squeeze %dma_wait3A_108 : memref<1x128xi32, #tpu.memory_space<vmem>> -> memref<128xi32, #tpu.memory_space<vmem>>
        %dma_wait3A_110 = arith.constant 0 : i32
        %dma_wait3A_111 = arith.constant 0 : i32
        %dma_wait3A_112 = tpu.memref_slice %arg14[%dma_wait3A_110, %dma_wait3A_111] : memref<10240x64xf32, #tpu.memory_space<vmem_shared>> -> memref<10240x64xf32, #tpu.memory_space<vmem_shared>>
        tpu.wait_indirect_dma semaphore(%arg18 : memref<!tpu.dma_semaphore, #tpu.memory_space<semaphore_mem>>) src(%arg12 : memref<128x64xf32, #tpu.memory_space<vmem>>) dst(%dma_wait3A_112 : memref<10240x64xf32, #tpu.memory_space<vmem_shared>>)
      } else {
      }
      %scan3A_87 = arith.constant 0 : i32
      %scan3A_88 = arith.constant 0 : i32
      %scan3A_89 = arith.constant 128 : i32
      %scan3A_90 = arith.addi %scan3A_88, %scan3A_89 : i32
      %scan3A_91 = arith.constant 8 : i32
      scf.for %scan3A_106 = %scan3A_88 to %scan3A_90 step %scan3A_91  : i32 {
        %get3A = arith.index_cast %scan3A_106 : i32 to index
        %get3A_107 = arith.constant 0 : index
        %get3A_108 = tpu.vector_load %arg10[%get3A, %get3A_107] {strides = array<i32>} : memref<128x64xbf16, #tpu.memory_space<vmem>>, vector<32xbf16>,
        %unpack3A = tpu.unpack_subelements %get3A_108, 0 {pack_format = #tpu.pack_format<interleaved>} : vector<32xbf16> -> vector<16xf32>
        %unpack3A_109 = tpu.unpack_subelements %get3A_108, 1 {pack_format = #tpu.pack_format<interleaved>} : vector<32xbf16> -> vector<16xf32>
        %swap3A = arith.index_cast %scan3A_106 : i32 to index
        %swap3A_110 = arith.constant 0 : index
        %swap3A_111 = tpu.vector_load %arg12[%swap3A, %swap3A_110] {strides = array<i32>} : memref<128x64xf32, #tpu.memory_space<vmem>>, vector<16xf32>,
        tpu.vector_store %arg12[%swap3A, %swap3A_110], %unpack3A {strides = array<i32>} : memref<128x64xf32, #tpu.memory_space<vmem>>, vector<16xf32>,
        %swap3A_112 = arith.index_cast %scan3A_106 : i32 to index
        %swap3A_113 = arith.constant 16 : index
        %swap3A_114 = tpu.vector_load %arg12[%swap3A_112, %swap3A_113] {strides = array<i32>} : memref<128x64xf32, #tpu.memory_space<vmem>>, vector<16xf32>,
        tpu.vector_store %arg12[%swap3A_112, %swap3A_113], %unpack3A_109 {strides = array<i32>} : memref<128x64xf32, #tpu.memory_space<vmem>>, vector<16xf32>,
        %get3A_115 = arith.index_cast %scan3A_106 : i32 to index
        %get3A_116 = arith.constant 32 : index
        %get3A_117 = tpu.vector_load %arg10[%get3A_115, %get3A_116] {strides = array<i32>} : memref<128x64xbf16, #tpu.memory_space<vmem>>, vector<32xbf16>,
        %unpack3A_118 = tpu.unpack_subelements %get3A_117, 0 {pack_format = #tpu.pack_format<interleaved>} : vector<32xbf16> -> vector<16xf32>
        %unpack3A_119 = tpu.unpack_subelements %get3A_117, 1 {pack_format = #tpu.pack_format<interleaved>} : vector<32xbf16> -> vector<16xf32>
        %swap3A_120 = arith.index_cast %scan3A_106 : i32 to index
        %swap3A_121 = arith.constant 32 : index
        %swap3A_122 = tpu.vector_load %arg12[%swap3A_120, %swap3A_121] {strides = array<i32>} : memref<128x64xf32, #tpu.memory_space<vmem>>, vector<16xf32>,
        tpu.vector_store %arg12[%swap3A_120, %swap3A_121], %unpack3A_118 {strides = array<i32>} : memref<128x64xf32, #tpu.memory_space<vmem>>, vector<16xf32>,
        %swap3A_123 = arith.index_cast %scan3A_106 : i32 to index
        %swap3A_124 = arith.constant 48 : index
        %swap3A_125 = tpu.vector_load %arg12[%swap3A_123, %swap3A_124] {strides = array<i32>} : memref<128x64xf32, #tpu.memory_space<vmem>>, vector<16xf32>,
        tpu.vector_store %arg12[%swap3A_123, %swap3A_124], %unpack3A_119 {strides = array<i32>} : memref<128x64xf32, #tpu.memory_space<vmem>>, vector<16xf32>,
        %scan3A_126 = arith.constant 1 : i32
        %scan3A_127 = arith.addi %scan3A_106, %scan3A_126 : i32
        %get3A_128 = arith.index_cast %scan3A_127 : i32 to index
        %get3A_129 = arith.constant 0 : index
        %get3A_130 = tpu.vector_load %arg10[%get3A_128, %get3A_129] {strides = array<i32>} : memref<128x64xbf16, #tpu.memory_space<vmem>>, vector<32xbf16>,
        %unpack3A_131 = tpu.unpack_subelements %get3A_130, 0 {pack_format = #tpu.pack_format<interleaved>} : vector<32xbf16> -> vector<16xf32>
        %unpack3A_132 = tpu.unpack_subelements %get3A_130, 1 {pack_format = #tpu.pack_format<interleaved>} : vector<32xbf16> -> vector<16xf32>
        %swap3A_133 = arith.index_cast %scan3A_127 : i32 to index
        %swap3A_134 = arith.constant 0 : index
        %swap3A_135 = tpu.vector_load %arg12[%swap3A_133, %swap3A_134] {strides = array<i32>} : memref<128x64xf32, #tpu.memory_space<vmem>>, vector<16xf32>,
        tpu.vector_store %arg12[%swap3A_133, %swap3A_134], %unpack3A_131 {strides = array<i32>} : memref<128x64xf32, #tpu.memory_space<vmem>>, vector<16xf32>,
        %swap3A_136 = arith.index_cast %scan3A_127 : i32 to index
        %swap3A_137 = arith.constant 16 : index
        %swap3A_138 = tpu.vector_load %arg12[%swap3A_136, %swap3A_137] {strides = array<i32>} : memref<128x64xf32, #tpu.memory_space<vmem>>, vector<16xf32>,
        tpu.vector_store %arg12[%swap3A_136, %swap3A_137], %unpack3A_132 {strides = array<i32>} : memref<128x64xf32, #tpu.memory_space<vmem>>, vector<16xf32>,
        %get3A_139 = arith.index_cast %scan3A_127 : i32 to index
        %get3A_140 = arith.constant 32 : index
        %get3A_141 = tpu.vector_load %arg10[%get3A_139, %get3A_140] {strides = array<i32>} : memref<128x64xbf16, #tpu.memory_space<vmem>>, vector<32xbf16>,
        %unpack3A_142 = tpu.unpack_subelements %get3A_141, 0 {pack_format = #tpu.pack_format<interleaved>} : vector<32xbf16> -> vector<16xf32>
        %unpack3A_143 = tpu.unpack_subelements %get3A_141, 1 {pack_format = #tpu.pack_format<interleaved>} : vector<32xbf16> -> vector<16xf32>
        %swap3A_144 = arith.index_cast %scan3A_127 : i32 to index
        %swap3A_145 = arith.constant 32 : index
        %swap3A_146 = tpu.vector_load %arg12[%swap3A_144, %swap3A_145] {strides = array<i32>} : memref<128x64xf32, #tpu.memory_space<vmem>>, vector<16xf32>,
        tpu.vector_store %arg12[%swap3A_144, %swap3A_145], %unpack3A_142 {strides = array<i32>} : memref<128x64xf32, #tpu.memory_space<vmem>>, vector<16xf32>,
        %swap3A_147 = arith.index_cast %scan3A_127 : i32 to index
        %swap3A_148 = arith.constant 48 : index
        %swap3A_149 = tpu.vector_load %arg12[%swap3A_147, %swap3A_148] {strides = array<i32>} : memref<128x64xf32, #tpu.memory_space<vmem>>, vector<16xf32>,
        tpu.vector_store %arg12[%swap3A_147, %swap3A_148], %unpack3A_143 {strides = array<i32>} : memref<128x64xf32, #tpu.memory_space<vmem>>, vector<16xf32>,
        %scan3A_150 = arith.constant 2 : i32
        %scan3A_151 = arith.addi %scan3A_106, %scan3A_150 : i32
        %get3A_152 = arith.index_cast %scan3A_151 : i32 to index
        %get3A_153 = arith.constant 0 : index
        %get3A_154 = tpu.vector_load %arg10[%get3A_152, %get3A_153] {strides = array<i32>} : memref<128x64xbf16, #tpu.memory_space<vmem>>, vector<32xbf16>,
        %unpack3A_155 = tpu.unpack_subelements %get3A_154, 0 {pack_format = #tpu.pack_format<interleaved>} : vector<32xbf16> -> vector<16xf32>
        %unpack3A_156 = tpu.unpack_subelements %get3A_154, 1 {pack_format = #tpu.pack_format<interleaved>} : vector<32xbf16> -> vector<16xf32>
        %swap3A_157 = arith.index_cast %scan3A_151 : i32 to index
        %swap3A_158 = arith.constant 0 : index
        %swap3A_159 = tpu.vector_load %arg12[%swap3A_157, %swap3A_158] {strides = array<i32>} : memref<128x64xf32, #tpu.memory_space<vmem>>, vector<16xf32>,
        tpu.vector_store %arg12[%swap3A_157, %swap3A_158], %unpack3A_155 {strides = array<i32>} : memref<128x64xf32, #tpu.memory_space<vmem>>, vector<16xf32>,
        %swap3A_160 = arith.index_cast %scan3A_151 : i32 to index
        %swap3A_161 = arith.constant 16 : index
        %swap3A_162 = tpu.vector_load %arg12[%swap3A_160, %swap3A_161] {strides = array<i32>} : memref<128x64xf32, #tpu.memory_space<vmem>>, vector<16xf32>,
        tpu.vector_store %arg12[%swap3A_160, %swap3A_161], %unpack3A_156 {strides = array<i32>} : memref<128x64xf32, #tpu.memory_space<vmem>>, vector<16xf32>,
        %get3A_163 = arith.index_cast %scan3A_151 : i32 to index
        %get3A_164 = arith.constant 32 : index
        %get3A_165 = tpu.vector_load %arg10[%get3A_163, %get3A_164] {strides = array<i32>} : memref<128x64xbf16, #tpu.memory_space<vmem>>, vector<32xbf16>,
        %unpack3A_166 = tpu.unpack_subelements %get3A_165, 0 {pack_format = #tpu.pack_format<interleaved>} : vector<32xbf16> -> vector<16xf32>
        %unpack3A_167 = tpu.unpack_subelements %get3A_165, 1 {pack_format = #tpu.pack_format<interleaved>} : vector<32xbf16> -> vector<16xf32>
        %swap3A_168 = arith.index_cast %scan3A_151 : i32 to index
        %swap3A_169 = arith.constant 32 : index
        %swap3A_170 = tpu.vector_load %arg12[%swap3A_168, %swap3A_169] {strides = array<i32>} : memref<128x64xf32, #tpu.memory_space<vmem>>, vector<16xf32>,
        tpu.vector_store %arg12[%swap3A_168, %swap3A_169], %unpack3A_166 {strides = array<i32>} : memref<128x64xf32, #tpu.memory_space<vmem>>, vector<16xf32>,
        %swap3A_171 = arith.index_cast %scan3A_151 : i32 to index
        %swap3A_172 = arith.constant 48 : index
        %swap3A_173 = tpu.vector_load %arg12[%swap3A_171, %swap3A_172] {strides = array<i32>} : memref<128x64xf32, #tpu.memory_space<vmem>>, vector<16xf32>,
        tpu.vector_store %arg12[%swap3A_171, %swap3A_172], %unpack3A_167 {strides = array<i32>} : memref<128x64xf32, #tpu.memory_space<vmem>>, vector<16xf32>,
        %scan3A_174 = arith.constant 3 : i32
        %scan3A_175 = arith.addi %scan3A_106, %scan3A_174 : i32
        %get3A_176 = arith.index_cast %scan3A_175 : i32 to index
        %get3A_177 = arith.constant 0 : index
        %get3A_178 = tpu.vector_load %arg10[%get3A_176, %get3A_177] {strides = array<i32>} : memref<128x64xbf16, #tpu.memory_space<vmem>>, vector<32xbf16>,
        %unpack3A_179 = tpu.unpack_subelements %get3A_178, 0 {pack_format = #tpu.pack_format<interleaved>} : vector<32xbf16> -> vector<16xf32>
        %unpack3A_180 = tpu.unpack_subelements %get3A_178, 1 {pack_format = #tpu.pack_format<interleaved>} : vector<32xbf16> -> vector<16xf32>
        %swap3A_181 = arith.index_cast %scan3A_175 : i32 to index
        %swap3A_182 = arith.constant 0 : index
        %swap3A_183 = tpu.vector_load %arg12[%swap3A_181, %swap3A_182] {strides = array<i32>} : memref<128x64xf32, #tpu.memory_space<vmem>>, vector<16xf32>,
        tpu.vector_store %arg12[%swap3A_181, %swap3A_182], %unpack3A_179 {strides = array<i32>} : memref<128x64xf32, #tpu.memory_space<vmem>>, vector<16xf32>,
        %swap3A_184 = arith.index_cast %scan3A_175 : i32 to index
        %swap3A_185 = arith.constant 16 : index
        %swap3A_186 = tpu.vector_load %arg12[%swap3A_184, %swap3A_185] {strides = array<i32>} : memref<128x64xf32, #tpu.memory_space<vmem>>, vector<16xf32>,
        tpu.vector_store %arg12[%swap3A_184, %swap3A_185], %unpack3A_180 {strides = array<i32>} : memref<128x64xf32, #tpu.memory_space<vmem>>, vector<16xf32>,
        %get3A_187 = arith.index_cast %scan3A_175 : i32 to index
        %get3A_188 = arith.constant 32 : index
        %get3A_189 = tpu.vector_load %arg10[%get3A_187, %get3A_188] {strides = array<i32>} : memref<128x64xbf16, #tpu.memory_space<vmem>>, vector<32xbf16>,
        %unpack3A_190 = tpu.unpack_subelements %get3A_189, 0 {pack_format = #tpu.pack_format<interleaved>} : vector<32xbf16> -> vector<16xf32>
        %unpack3A_191 = tpu.unpack_subelements %get3A_189, 1 {pack_format = #tpu.pack_format<interleaved>} : vector<32xbf16> -> vector<16xf32>
        %swap3A_192 = arith.index_cast %scan3A_175 : i32 to index
        %swap3A_193 = arith.constant 32 : index
        %swap3A_194 = tpu.vector_load %arg12[%swap3A_192, %swap3A_193] {strides = array<i32>} : memref<128x64xf32, #tpu.memory_space<vmem>>, vector<16xf32>,
        tpu.vector_store %arg12[%swap3A_192, %swap3A_193], %unpack3A_190 {strides = array<i32>} : memref<128x64xf32, #tpu.memory_space<vmem>>, vector<16xf32>,
        %swap3A_195 = arith.index_cast %scan3A_175 : i32 to index
        %swap3A_196 = arith.constant 48 : index
        %swap3A_197 = tpu.vector_load %arg12[%swap3A_195, %swap3A_196] {strides = array<i32>} : memref<128x64xf32, #tpu.memory_space<vmem>>, vector<16xf32>,
        tpu.vector_store %arg12[%swap3A_195, %swap3A_196], %unpack3A_191 {strides = array<i32>} : memref<128x64xf32, #tpu.memory_space<vmem>>, vector<16xf32>,
        %scan3A_198 = arith.constant 4 : i32
        %scan3A_199 = arith.addi %scan3A_106, %scan3A_198 : i32
        %get3A_200 = arith.index_cast %scan3A_199 : i32 to index
        %get3A_201 = arith.constant 0 : index
        %get3A_202 = tpu.vector_load %arg10[%get3A_200, %get3A_201] {strides = array<i32>} : memref<128x64xbf16, #tpu.memory_space<vmem>>, vector<32xbf16>,
        %unpack3A_203 = tpu.unpack_subelements %get3A_202, 0 {pack_format = #tpu.pack_format<interleaved>} : vector<32xbf16> -> vector<16xf32>
        %unpack3A_204 = tpu.unpack_subelements %get3A_202, 1 {pack_format = #tpu.pack_format<interleaved>} : vector<32xbf16> -> vector<16xf32>
        %swap3A_205 = arith.index_cast %scan3A_199 : i32 to index
        %swap3A_206 = arith.constant 0 : index
        %swap3A_207 = tpu.vector_load %arg12[%swap3A_205, %swap3A_206] {strides = array<i32>} : memref<128x64xf32, #tpu.memory_space<vmem>>, vector<16xf32>,
        tpu.vector_store %arg12[%swap3A_205, %swap3A_206], %unpack3A_203 {strides = array<i32>} : memref<128x64xf32, #tpu.memory_space<vmem>>, vector<16xf32>,
        %swap3A_208 = arith.index_cast %scan3A_199 : i32 to index
        %swap3A_209 = arith.constant 16 : index
        %swap3A_210 = tpu.vector_load %arg12[%swap3A_208, %swap3A_209] {strides = array<i32>} : memref<128x64xf32, #tpu.memory_space<vmem>>, vector<16xf32>,
        tpu.vector_store %arg12[%swap3A_208, %swap3A_209], %unpack3A_204 {strides = array<i32>} : memref<128x64xf32, #tpu.memory_space<vmem>>, vector<16xf32>,
        %get3A_211 = arith.index_cast %scan3A_199 : i32 to index
        %get3A_212 = arith.constant 32 : index
        %get3A_213 = tpu.vector_load %arg10[%get3A_211, %get3A_212] {strides = array<i32>} : memref<128x64xbf16, #tpu.memory_space<vmem>>, vector<32xbf16>,
        %unpack3A_214 = tpu.unpack_subelements %get3A_213, 0 {pack_format = #tpu.pack_format<interleaved>} : vector<32xbf16> -> vector<16xf32>
        %unpack3A_215 = tpu.unpack_subelements %get3A_213, 1 {pack_format = #tpu.pack_format<interleaved>} : vector<32xbf16> -> vector<16xf32>
        %swap3A_216 = arith.index_cast %scan3A_199 : i32 to index
        %swap3A_217 = arith.constant 32 : index
        %swap3A_218 = tpu.vector_load %arg12[%swap3A_216, %swap3A_217] {strides = array<i32>} : memref<128x64xf32, #tpu.memory_space<vmem>>, vector<16xf32>,
        tpu.vector_store %arg12[%swap3A_216, %swap3A_217], %unpack3A_214 {strides = array<i32>} : memref<128x64xf32, #tpu.memory_space<vmem>>, vector<16xf32>,
        %swap3A_219 = arith.index_cast %scan3A_199 : i32 to index
        %swap3A_220 = arith.constant 48 : index
        %swap3A_221 = tpu.vector_load %arg12[%swap3A_219, %swap3A_220] {strides = array<i32>} : memref<128x64xf32, #tpu.memory_space<vmem>>, vector<16xf32>,
        tpu.vector_store %arg12[%swap3A_219, %swap3A_220], %unpack3A_215 {strides = array<i32>} : memref<128x64xf32, #tpu.memory_space<vmem>>, vector<16xf32>,
        %scan3A_222 = arith.constant 5 : i32
        %scan3A_223 = arith.addi %scan3A_106, %scan3A_222 : i32
        %get3A_224 = arith.index_cast %scan3A_223 : i32 to index
        %get3A_225 = arith.constant 0 : index
        %get3A_226 = tpu.vector_load %arg10[%get3A_224, %get3A_225] {strides = array<i32>} : memref<128x64xbf16, #tpu.memory_space<vmem>>, vector<32xbf16>,
        %unpack3A_227 = tpu.unpack_subelements %get3A_226, 0 {pack_format = #tpu.pack_format<interleaved>} : vector<32xbf16> -> vector<16xf32>
        %unpack3A_228 = tpu.unpack_subelements %get3A_226, 1 {pack_format = #tpu.pack_format<interleaved>} : vector<32xbf16> -> vector<16xf32>
        %swap3A_229 = arith.index_cast %scan3A_223 : i32 to index
        %swap3A_230 = arith.constant 0 : index
        %swap3A_231 = tpu.vector_load %arg12[%swap3A_229, %swap3A_230] {strides = array<i32>} : memref<128x64xf32, #tpu.memory_space<vmem>>, vector<16xf32>,
        tpu.vector_store %arg12[%swap3A_229, %swap3A_230], %unpack3A_227 {strides = array<i32>} : memref<128x64xf32, #tpu.memory_space<vmem>>, vector<16xf32>,
        %swap3A_232 = arith.index_cast %scan3A_223 : i32 to index
        %swap3A_233 = arith.constant 16 : index
        %swap3A_234 = tpu.vector_load %arg12[%swap3A_232, %swap3A_233] {strides = array<i32>} : memref<128x64xf32, #tpu.memory_space<vmem>>, vector<16xf32>,
        tpu.vector_store %arg12[%swap3A_232, %swap3A_233], %unpack3A_228 {strides = array<i32>} : memref<128x64xf32, #tpu.memory_space<vmem>>, vector<16xf32>,
        %get3A_235 = arith.index_cast %scan3A_223 : i32 to index
        %get3A_236 = arith.constant 32 : index
        %get3A_237 = tpu.vector_load %arg10[%get3A_235, %get3A_236] {strides = array<i32>} : memref<128x64xbf16, #tpu.memory_space<vmem>>, vector<32xbf16>,
        %unpack3A_238 = tpu.unpack_subelements %get3A_237, 0 {pack_format = #tpu.pack_format<interleaved>} : vector<32xbf16> -> vector<16xf32>
        %unpack3A_239 = tpu.unpack_subelements %get3A_237, 1 {pack_format = #tpu.pack_format<interleaved>} : vector<32xbf16> -> vector<16xf32>
        %swap3A_240 = arith.index_cast %scan3A_223 : i32 to index
        %swap3A_241 = arith.constant 32 : index
        %swap3A_242 = tpu.vector_load %arg12[%swap3A_240, %swap3A_241] {strides = array<i32>} : memref<128x64xf32, #tpu.memory_space<vmem>>, vector<16xf32>,
        tpu.vector_store %arg12[%swap3A_240, %swap3A_241], %unpack3A_238 {strides = array<i32>} : memref<128x64xf32, #tpu.memory_space<vmem>>, vector<16xf32>,
        %swap3A_243 = arith.index_cast %scan3A_223 : i32 to index
        %swap3A_244 = arith.constant 48 : index
        %swap3A_245 = tpu.vector_load %arg12[%swap3A_243, %swap3A_244] {strides = array<i32>} : memref<128x64xf32, #tpu.memory_space<vmem>>, vector<16xf32>,
        tpu.vector_store %arg12[%swap3A_243, %swap3A_244], %unpack3A_239 {strides = array<i32>} : memref<128x64xf32, #tpu.memory_space<vmem>>, vector<16xf32>,
        %scan3A_246 = arith.constant 6 : i32
        %scan3A_247 = arith.addi %scan3A_106, %scan3A_246 : i32
        %get3A_248 = arith.index_cast %scan3A_247 : i32 to index
        %get3A_249 = arith.constant 0 : index
        %get3A_250 = tpu.vector_load %arg10[%get3A_248, %get3A_249] {strides = array<i32>} : memref<128x64xbf16, #tpu.memory_space<vmem>>, vector<32xbf16>,
        %unpack3A_251 = tpu.unpack_subelements %get3A_250, 0 {pack_format = #tpu.pack_format<interleaved>} : vector<32xbf16> -> vector<16xf32>
        %unpack3A_252 = tpu.unpack_subelements %get3A_250, 1 {pack_format = #tpu.pack_format<interleaved>} : vector<32xbf16> -> vector<16xf32>
        %swap3A_253 = arith.index_cast %scan3A_247 : i32 to index
        %swap3A_254 = arith.constant 0 : index
        %swap3A_255 = tpu.vector_load %arg12[%swap3A_253, %swap3A_254] {strides = array<i32>} : memref<128x64xf32, #tpu.memory_space<vmem>>, vector<16xf32>,
        tpu.vector_store %arg12[%swap3A_253, %swap3A_254], %unpack3A_251 {strides = array<i32>} : memref<128x64xf32, #tpu.memory_space<vmem>>, vector<16xf32>,
        %swap3A_256 = arith.index_cast %scan3A_247 : i32 to index
        %swap3A_257 = arith.constant 16 : index
        %swap3A_258 = tpu.vector_load %arg12[%swap3A_256, %swap3A_257] {strides = array<i32>} : memref<128x64xf32, #tpu.memory_space<vmem>>, vector<16xf32>,
        tpu.vector_store %arg12[%swap3A_256, %swap3A_257], %unpack3A_252 {strides = array<i32>} : memref<128x64xf32, #tpu.memory_space<vmem>>, vector<16xf32>,
        %get3A_259 = arith.index_cast %scan3A_247 : i32 to index
        %get3A_260 = arith.constant 32 : index
        %get3A_261 = tpu.vector_load %arg10[%get3A_259, %get3A_260] {strides = array<i32>} : memref<128x64xbf16, #tpu.memory_space<vmem>>, vector<32xbf16>,
        %unpack3A_262 = tpu.unpack_subelements %get3A_261, 0 {pack_format = #tpu.pack_format<interleaved>} : vector<32xbf16> -> vector<16xf32>
        %unpack3A_263 = tpu.unpack_subelements %get3A_261, 1 {pack_format = #tpu.pack_format<interleaved>} : vector<32xbf16> -> vector<16xf32>
        %swap3A_264 = arith.index_cast %scan3A_247 : i32 to index
        %swap3A_265 = arith.constant 32 : index
        %swap3A_266 = tpu.vector_load %arg12[%swap3A_264, %swap3A_265] {strides = array<i32>} : memref<128x64xf32, #tpu.memory_space<vmem>>, vector<16xf32>,
        tpu.vector_store %arg12[%swap3A_264, %swap3A_265], %unpack3A_262 {strides = array<i32>} : memref<128x64xf32, #tpu.memory_space<vmem>>, vector<16xf32>,
        %swap3A_267 = arith.index_cast %scan3A_247 : i32 to index
        %swap3A_268 = arith.constant 48 : index
        %swap3A_269 = tpu.vector_load %arg12[%swap3A_267, %swap3A_268] {strides = array<i32>} : memref<128x64xf32, #tpu.memory_space<vmem>>, vector<16xf32>,
        tpu.vector_store %arg12[%swap3A_267, %swap3A_268], %unpack3A_263 {strides = array<i32>} : memref<128x64xf32, #tpu.memory_space<vmem>>, vector<16xf32>,
        %scan3A_270 = arith.constant 7 : i32
        %scan3A_271 = arith.addi %scan3A_106, %scan3A_270 : i32
        %get3A_272 = arith.index_cast %scan3A_271 : i32 to index
        %get3A_273 = arith.constant 0 : index
        %get3A_274 = tpu.vector_load %arg10[%get3A_272, %get3A_273] {strides = array<i32>} : memref<128x64xbf16, #tpu.memory_space<vmem>>, vector<32xbf16>,
        %unpack3A_275 = tpu.unpack_subelements %get3A_274, 0 {pack_format = #tpu.pack_format<interleaved>} : vector<32xbf16> -> vector<16xf32>
        %unpack3A_276 = tpu.unpack_subelements %get3A_274, 1 {pack_format = #tpu.pack_format<interleaved>} : vector<32xbf16> -> vector<16xf32>
        %swap3A_277 = arith.index_cast %scan3A_271 : i32 to index
        %swap3A_278 = arith.constant 0 : index
        %swap3A_279 = tpu.vector_load %arg12[%swap3A_277, %swap3A_278] {strides = array<i32>} : memref<128x64xf32, #tpu.memory_space<vmem>>, vector<16xf32>,
        tpu.vector_store %arg12[%swap3A_277, %swap3A_278], %unpack3A_275 {strides = array<i32>} : memref<128x64xf32, #tpu.memory_space<vmem>>, vector<16xf32>,
        %swap3A_280 = arith.index_cast %scan3A_271 : i32 to index
        %swap3A_281 = arith.constant 16 : index
        %swap3A_282 = tpu.vector_load %arg12[%swap3A_280, %swap3A_281] {strides = array<i32>} : memref<128x64xf32, #tpu.memory_space<vmem>>, vector<16xf32>,
        tpu.vector_store %arg12[%swap3A_280, %swap3A_281], %unpack3A_276 {strides = array<i32>} : memref<128x64xf32, #tpu.memory_space<vmem>>, vector<16xf32>,
        %get3A_283 = arith.index_cast %scan3A_271 : i32 to index
        %get3A_284 = arith.constant 32 : index
        %get3A_285 = tpu.vector_load %arg10[%get3A_283, %get3A_284] {strides = array<i32>} : memref<128x64xbf16, #tpu.memory_space<vmem>>, vector<32xbf16>,
        %unpack3A_286 = tpu.unpack_subelements %get3A_285, 0 {pack_format = #tpu.pack_format<interleaved>} : vector<32xbf16> -> vector<16xf32>
        %unpack3A_287 = tpu.unpack_subelements %get3A_285, 1 {pack_format = #tpu.pack_format<interleaved>} : vector<32xbf16> -> vector<16xf32>
        %swap3A_288 = arith.index_cast %scan3A_271 : i32 to index
        %swap3A_289 = arith.constant 32 : index
        %swap3A_290 = tpu.vector_load %arg12[%swap3A_288, %swap3A_289] {strides = array<i32>} : memref<128x64xf32, #tpu.memory_space<vmem>>, vector<16xf32>,
        tpu.vector_store %arg12[%swap3A_288, %swap3A_289], %unpack3A_286 {strides = array<i32>} : memref<128x64xf32, #tpu.memory_space<vmem>>, vector<16xf32>,
        %swap3A_291 = arith.index_cast %scan3A_271 : i32 to index
        %swap3A_292 = arith.constant 48 : index
        %swap3A_293 = tpu.vector_load %arg12[%swap3A_291, %swap3A_292] {strides = array<i32>} : memref<128x64xf32, #tpu.memory_space<vmem>>, vector<16xf32>,
        tpu.vector_store %arg12[%swap3A_291, %swap3A_292], %unpack3A_287 {strides = array<i32>} : memref<128x64xf32, #tpu.memory_space<vmem>>, vector<16xf32>,
      }
      %scan3A_92 = arith.constant 128 : i32
      %add3A_93 = arith.constant 2 : i32
      %add3A_94 = arith.addi %add3A_75, %add3A_93 : i32
      %lt3A_95 = arith.constant 158 : i32
      %lt3A_96 = arith.cmpi slt, %add3A_94, %lt3A_95 : i32
      %convert_element_type3A_97 = arith.extui %lt3A_96 : i1 to i32
      %cond3A_98 = arith.constant 0 : i32
      %cond3A_99 = arith.cmpi ne, %convert_element_type3A_97, %cond3A_98 : i32
      scf.if %cond3A_99 {
        %add3A_106 = arith.constant 2 : i32
        %add3A_107 = arith.addi %add3A_75, %add3A_106 : i32
        %dma_start3A_108 = arith.constant 0 : i32
        %dma_start3A_109 = tpu.memref_slice %arg7[%add3A_107, %dma_start3A_108] : memref<158x128xi32, #tpu.memory_space<vmem>> -> memref<1x128xi32, #tpu.memory_space<vmem>>
        %dma_start3A_110 = tpu.memref_squeeze %dma_start3A_109 : memref<1x128xi32, #tpu.memory_space<vmem>> -> memref<128xi32, #tpu.memory_space<vmem>>
        %dma_start3A_111 = arith.constant 0 : i32
        %dma_start3A_112 = arith.constant 0 : i32
        %dma_start3A_113 = tpu.memref_slice %arg13[%dma_start3A_111, %dma_start3A_112] : memref<10240x64xbf16, #tpu.memory_space<vmem_shared>> -> memref<10240x64xbf16, #tpu.memory_space<vmem_shared>>
        tpu.enqueue_indirect_dma source(%dma_start3A_113 : memref<10240x64xbf16, #tpu.memory_space<vmem_shared>>) target(%arg10 : memref<128x64xbf16, #tpu.memory_space<vmem>>) offsets(%dma_start3A_110 : memref<128xi32, #tpu.memory_space<vmem>>) semaphore(%arg16 : memref<!tpu.dma_semaphore, #tpu.memory_space<semaphore_mem>>)
      } else {
      }
      %dma_start3A_100 = arith.constant 0 : i32
      %dma_start3A_101 = tpu.memref_slice %arg8[%add3A_75, %dma_start3A_100] : memref<158x128xi32, #tpu.memory_space<vmem>> -> memref<1x128xi32, #tpu.memory_space<vmem>>
      %dma_start3A_102 = tpu.memref_squeeze %dma_start3A_101 : memref<1x128xi32, #tpu.memory_space<vmem>> -> memref<128xi32, #tpu.memory_space<vmem>>
      %dma_start3A_103 = arith.constant 0 : i32
      %dma_start3A_104 = arith.constant 0 : i32
      %dma_start3A_105 = tpu.memref_slice %arg14[%dma_start3A_103, %dma_start3A_104] : memref<10240x64xf32, #tpu.memory_space<vmem_shared>> -> memref<10240x64xf32, #tpu.memory_space<vmem_shared>>
      tpu.enqueue_indirect_dma source(%arg12 : memref<128x64xf32, #tpu.memory_space<vmem>>) target(%dma_start3A_105 : memref<10240x64xf32, #tpu.memory_space<vmem_shared>>) offsets(%dma_start3A_102 : memref<128xi32, #tpu.memory_space<vmem>>) semaphore(%arg18 : memref<!tpu.dma_semaphore, #tpu.memory_space<semaphore_mem>>) {add = true}
    }
    %scan3A_26 = arith.constant 79 : i32
    %dma_wait3A = arith.constant 156 : i32
    %dma_wait3A_27 = arith.constant 0 : i32
    %dma_wait3A_28 = tpu.memref_slice %arg8[%dma_wait3A, %dma_wait3A_27] : memref<158x128xi32, #tpu.memory_space<vmem>> -> memref<1x128xi32, #tpu.memory_space<vmem>>
    %dma_wait3A_29 = tpu.memref_squeeze %dma_wait3A_28 : memref<1x128xi32, #tpu.memory_space<vmem>> -> memref<128xi32, #tpu.memory_space<vmem>>
    %dma_wait3A_30 = arith.constant 0 : i32
    %dma_wait3A_31 = arith.constant 0 : i32
    %dma_wait3A_32 = tpu.memref_slice %arg14[%dma_wait3A_30, %dma_wait3A_31] : memref<10240x64xf32, #tpu.memory_space<vmem_shared>> -> memref<10240x64xf32, #tpu.memory_space<vmem_shared>>
    tpu.wait_indirect_dma semaphore(%arg17 : memref<!tpu.dma_semaphore, #tpu.memory_space<semaphore_mem>>) src(%arg11 : memref<128x64xf32, #tpu.memory_space<vmem>>) dst(%dma_wait3A_32 : memref<10240x64xf32, #tpu.memory_space<vmem_shared>>)
    %dma_wait3A_33 = arith.constant 157 : i32
    %dma_wait3A_34 = arith.constant 0 : i32
    %dma_wait3A_35 = tpu.memref_slice %arg8[%dma_wait3A_33, %dma_wait3A_34] : memref<158x128xi32, #tpu.memory_space<vmem>> -> memref<1x128xi32, #tpu.memory_space<vmem>>
    %dma_wait3A_36 = tpu.memref_squeeze %dma_wait3A_35 : memref<1x128xi32, #tpu.memory_space<vmem>> -> memref<128xi32, #tpu.memory_space<vmem>>
    %dma_wait3A_37 = arith.constant 0 : i32
    %dma_wait3A_38 = arith.constant 0 : i32
    %dma_wait3A_39 = tpu.memref_slice %arg14[%dma_wait3A_37, %dma_wait3A_38] : memref<10240x64xf32, #tpu.memory_space<vmem_shared>> -> memref<10240x64xf32, #tpu.memory_space<vmem_shared>>
    tpu.wait_indirect_dma semaphore(%arg18 : memref<!tpu.dma_semaphore, #tpu.memory_space<semaphore_mem>>) src(%arg12 : memref<128x64xf32, #tpu.memory_space<vmem>>) dst(%dma_wait3A_39 : memref<10240x64xf32, #tpu.memory_space<vmem_shared>>)
    %barrier3A_40 = arith.constant 0 : index
    tpu.barrier barrier_id(%barrier3A_40)
    %mul3A_41 = arith.constant 640 : i32
    %mul3A_42 = arith.muli %arg1, %mul3A_41 : i32
    %mul3A_43 = arith.constant 640 : i32
    %mul3A_44 = arith.muli %arg1, %mul3A_43 : i32
    "tpu.region"() ({
      %run_scoped3A = tpu.sem_alloc : memref<!tpu.dma_semaphore, #tpu.memory_space<semaphore_mem>>
      %dma_start3A_45 = arith.constant 0 : i32
      %dma_start3A_46 = tpu.memref_slice %arg6[%arg0, %mul3A_44, %dma_start3A_45] : memref<2x10240x64xf32, #tpu.memory_space<hbm>> -> memref<1x640x64xf32, #tpu.memory_space<hbm>>
      %dma_start3A_47 = tpu.memref_squeeze %dma_start3A_46 : memref<1x640x64xf32, #tpu.memory_space<hbm>> -> memref<640x64xf32, #tpu.memory_space<hbm>>
      %dma_start3A_48 = arith.constant 0 : i32
      %dma_start3A_49 = tpu.memref_slice %arg14[%mul3A_42, %dma_start3A_48] : memref<10240x64xf32, #tpu.memory_space<vmem_shared>> -> memref<640x64xf32, #tpu.memory_space<vmem_shared>>
      tpu.enqueue_dma source(%dma_start3A_49 : memref<640x64xf32, #tpu.memory_space<vmem_shared>>) target(%dma_start3A_47 : memref<640x64xf32, #tpu.memory_space<hbm>>) target_semaphore(%run_scoped3A : memref<!tpu.dma_semaphore, #tpu.memory_space<semaphore_mem>>)
      %dma_wait3A_50 = arith.constant 0 : i32
      %dma_wait3A_51 = tpu.memref_slice %arg6[%arg0, %mul3A_44, %dma_wait3A_50] : memref<2x10240x64xf32, #tpu.memory_space<hbm>> -> memref<1x640x64xf32, #tpu.memory_space<hbm>>
      %dma_wait3A_52 = tpu.memref_squeeze %dma_wait3A_51 : memref<1x640x64xf32, #tpu.memory_space<hbm>> -> memref<640x64xf32, #tpu.memory_space<hbm>>
      %dma_wait3A_53 = arith.constant 0 : i32
      %dma_wait3A_54 = tpu.memref_slice %arg14[%mul3A_42, %dma_wait3A_53] : memref<10240x64xf32, #tpu.memory_space<vmem_shared>> -> memref<640x64xf32, #tpu.memory_space<vmem_shared>>
      tpu.wait_dma2 semaphore(%run_scoped3A : memref<!tpu.dma_semaphore, #tpu.memory_space<semaphore_mem>>) src(%dma_wait3A_54 : memref<640x64xf32, #tpu.memory_space<vmem_shared>>) dst(%dma_wait3A_52 : memref<640x64xf32, #tpu.memory_space<hbm>>)
      tpu.yield
    }) : () -> ()
    return
  }
}

module attributes {stable_mosaic.version = 14 : i64} {
  func.func @_prep_body(%arg0: i32, %arg1: memref<1024x128xf32, #tpu.memory_space<vmem>>, %arg2: memref<128x64xf32, #tpu.memory_space<vmem>>, %arg3: memref<128x64xf32, #tpu.memory_space<vmem>>, %arg4: memref<1024x16xf32, #tpu.memory_space<vmem>>, %arg5: memref<1024x16xf32, #tpu.memory_space<vmem>>, %arg6: memref<1024x64xf32, #tpu.memory_space<vmem>>, %arg7: memref<1024x64xbf16, #tpu.memory_space<vmem>>, %arg8: memref<1024x1xf32, #tpu.memory_space<vmem>>) attributes {dimension_semantics = [#tpu.dimension_semantics<arbitrary>], iteration_bounds = array<i64: 10>, scalar_prefetch = 0 : i64, scratch_operands = 0 : i64, tpu.core_type = #tpu.core_type<tc>, window_params = [{transform_indices = @transform_0, window_bounds = array<i64: 1024, 128>}, {pipeline_mode = #tpu.pipeline_mode<synchronous>, transform_indices = @transform_1, window_bounds = array<i64: 128, 64>}, {pipeline_mode = #tpu.pipeline_mode<synchronous>, transform_indices = @transform_2, window_bounds = array<i64: 128, 64>}, {transform_indices = @transform_3, window_bounds = array<i64: 1024, 16>}, {transform_indices = @transform_4, window_bounds = array<i64: 1024, 16>}, {transform_indices = @transform_5, window_bounds = array<i64: 1024, 64>}, {transform_indices = @transform_6, window_bounds = array<i64: 1024, 64>}, {transform_indices = @transform_7, window_bounds = array<i64: 1024, 1>}]} {
    %get3A = arith.constant 0 : index
    %get3A_0 = arith.constant 0 : index
    %get3A_1 = vector.load %arg4[%get3A, %get3A_0] : memref<1024x16xf32, #tpu.memory_space<vmem>>, vector<1024x1xf32>
    %get3A_2 = arith.constant 0 : index
    %get3A_3 = arith.constant 0 : index
    %get3A_4 = vector.load %arg5[%get3A_2, %get3A_3] : memref<1024x16xf32, #tpu.memory_space<vmem>>, vector<1024x1xf32>
    %add3A = arith.addf %get3A_1, %get3A_4 : vector<1024x1xf32>
    %add3A_5 = arith.constant 1.000000e+00 : f32
    %add3A_6 = vector.broadcast %add3A_5 : f32 to vector<1024x1xf32>
    %add3A_7 = arith.addf %add3A, %add3A_6 : vector<1024x1xf32>
    %rsqrt3A = math.rsqrt %add3A_7 : vector<1024x1xf32>
    %get3A_8 = arith.constant 0 : index
    %get3A_9 = arith.constant 0 : index
    %get3A_10 = vector.load %arg1[%get3A_8, %get3A_9] : memref<1024x128xf32, #tpu.memory_space<vmem>>, vector<1024x128xf32>
    %get3A_11 = arith.constant 0 : index
    %get3A_12 = arith.constant 0 : index
    %get3A_13 = vector.load %arg2[%get3A_11, %get3A_12] : memref<128x64xf32, #tpu.memory_space<vmem>>, vector<128x64xf32>
    %dot_general3A = arith.constant dense<0.000000e+00> : vector<1024x64xf32>
    %dot_general3A_14 = tpu.matmul %get3A_10, %get3A_13, %dot_general3A {dimension_numbers = #tpu.dot_dimension_numbers<[1], [0], [0], [1], [0, 0, 1, 1], [], []>, transpose_lhs_hint = false} : vector<1024x128xf32>, vector<128x64xf32>, vector<1024x64xf32> -> vector<1024x64xf32>
    %mul3A = vector.broadcast %rsqrt3A : vector<1024x1xf32> to vector<1024x64xf32>
    %mul3A_15 = arith.mulf %dot_general3A_14, %mul3A : vector<1024x64xf32>
    %swap3A = arith.constant 0 : index
    %swap3A_16 = arith.constant 0 : index
    %swap3A_17 = vector.load %arg6[%swap3A, %swap3A_16] : memref<1024x64xf32, #tpu.memory_space<vmem>>, vector<1024x64xf32>
    tpu.vector_store %arg6[%swap3A, %swap3A_16], %mul3A_15 {strides = array<i32>} : memref<1024x64xf32, #tpu.memory_space<vmem>>, vector<1024x64xf32>,
    %get3A_18 = arith.constant 0 : index
    %get3A_19 = arith.constant 0 : index
    %get3A_20 = vector.load %arg3[%get3A_18, %get3A_19] : memref<128x64xf32, #tpu.memory_space<vmem>>, vector<128x64xf32>
    %dot_general3A_21 = arith.constant dense<0.000000e+00> : vector<1024x64xf32>
    %dot_general3A_22 = tpu.matmul %get3A_10, %get3A_20, %dot_general3A_21 {dimension_numbers = #tpu.dot_dimension_numbers<[1], [0], [0], [1], [0, 0, 1, 1], [], []>, transpose_lhs_hint = false} : vector<1024x128xf32>, vector<128x64xf32>, vector<1024x64xf32> -> vector<1024x64xf32>
    %mul3A_23 = vector.broadcast %rsqrt3A : vector<1024x1xf32> to vector<1024x64xf32>
    %mul3A_24 = arith.mulf %dot_general3A_22, %mul3A_23 : vector<1024x64xf32>
    %convert_element_type3A = arith.truncf %mul3A_24 : vector<1024x64xf32> to vector<1024x64xbf16>
    %swap3A_25 = arith.constant 0 : index
    %swap3A_26 = arith.constant 0 : index
    %swap3A_27 = vector.load %arg7[%swap3A_25, %swap3A_26] : memref<1024x64xbf16, #tpu.memory_space<vmem>>, vector<1024x64xbf16>
    tpu.vector_store %arg7[%swap3A_25, %swap3A_26], %convert_element_type3A {strides = array<i32>} : memref<1024x64xbf16, #tpu.memory_space<vmem>>, vector<1024x64xbf16>,
    %swap3A_28 = arith.constant 0 : index
    %swap3A_29 = arith.constant 0 : index
    %swap3A_30 = vector.load %arg8[%swap3A_28, %swap3A_29] : memref<1024x1xf32, #tpu.memory_space<vmem>>, vector<1024x1xf32>
    tpu.vector_store %arg8[%swap3A_28, %swap3A_29], %rsqrt3A {strides = array<i32>} : memref<1024x1xf32, #tpu.memory_space<vmem>>, vector<1024x1xf32>,
    return
  }
  func.func @transform_0(%arg0: i32) -> (i32, i32) {
    %c0_i32 = arith.constant 0 : i32
    %c0_i32_0 = arith.constant 0 : i32
    return %arg0, %c0_i32 : i32, i32
  }
  func.func @transform_1(%arg0: i32) -> (i32, i32) {
    %c0_i32 = arith.constant 0 : i32
    %c0_i32_0 = arith.constant 0 : i32
    %c0_i32_1 = arith.constant 0 : i32
    return %c0_i32, %c0_i32_0 : i32, i32
  }
  func.func @transform_2(%arg0: i32) -> (i32, i32) {
    %c0_i32 = arith.constant 0 : i32
    %c0_i32_0 = arith.constant 0 : i32
    %c0_i32_1 = arith.constant 0 : i32
    return %c0_i32, %c0_i32_0 : i32, i32
  }
  func.func @transform_3(%arg0: i32) -> (i32, i32) {
    %c0_i32 = arith.constant 0 : i32
    %c0_i32_0 = arith.constant 0 : i32
    return %arg0, %c0_i32 : i32, i32
  }
  func.func @transform_4(%arg0: i32) -> (i32, i32) {
    %c0_i32 = arith.constant 0 : i32
    %c0_i32_0 = arith.constant 0 : i32
    return %arg0, %c0_i32 : i32, i32
  }
  func.func @transform_5(%arg0: i32) -> (i32, i32) {
    %c0_i32 = arith.constant 0 : i32
    %c0_i32_0 = arith.constant 0 : i32
    return %arg0, %c0_i32 : i32, i32
  }
  func.func @transform_6(%arg0: i32) -> (i32, i32) {
    %c0_i32 = arith.constant 0 : i32
    %c0_i32_0 = arith.constant 0 : i32
    return %arg0, %c0_i32 : i32, i32
  }
  func.func @transform_7(%arg0: i32) -> (i32, i32) {
    %c0_i32 = arith.constant 0 : i32
    %c0_i32_0 = arith.constant 0 : i32
    return %arg0, %c0_i32 : i32, i32
  }
}

module attributes {stable_mosaic.version = 14 : i64} {
  func.func @_combine_body(%arg0: i32, %arg1: memref<1024x64xf32, #tpu.memory_space<vmem>>, %arg2: memref<1024x64xf32, #tpu.memory_space<vmem>>, %arg3: memref<1024x64xf32, #tpu.memory_space<vmem>>, %arg4: memref<1024x1xf32, #tpu.memory_space<vmem>>, %arg5: memref<1x64xf32, #tpu.memory_space<vmem>>, %arg6: memref<64x64xf32, #tpu.memory_space<vmem>>, %arg7: memref<64x64xf32, #tpu.memory_space<vmem>>, %arg8: memref<1024x64xf32, #tpu.memory_space<vmem>>, %arg9: memref<1024x64xbf16, #tpu.memory_space<vmem>>) attributes {dimension_semantics = [#tpu.dimension_semantics<arbitrary>], iteration_bounds = array<i64: 10>, scalar_prefetch = 0 : i64, scratch_operands = 0 : i64, tpu.core_type = #tpu.core_type<tc>, window_params = [{transform_indices = @transform_0, window_bounds = array<i64: 1024, 64>}, {transform_indices = @transform_1, window_bounds = array<i64: 1024, 64>}, {transform_indices = @transform_2, window_bounds = array<i64: 1024, 64>}, {transform_indices = @transform_3, window_bounds = array<i64: 1024, 1>}, {pipeline_mode = #tpu.pipeline_mode<synchronous>, transform_indices = @transform_4, window_bounds = array<i64: 1, 64>}, {pipeline_mode = #tpu.pipeline_mode<synchronous>, transform_indices = @transform_5, window_bounds = array<i64: 64, 64>}, {pipeline_mode = #tpu.pipeline_mode<synchronous>, transform_indices = @transform_6, window_bounds = array<i64: 64, 64>}, {transform_indices = @transform_7, window_bounds = array<i64: 1024, 64>}, {transform_indices = @transform_8, window_bounds = array<i64: 1024, 64>}]} {
    %get3A = arith.constant 0 : index
    %get3A_0 = arith.constant 0 : index
    %get3A_1 = vector.load %arg4[%get3A, %get3A_0] : memref<1024x1xf32, #tpu.memory_space<vmem>>, vector<1024x1xf32>
    %get3A_2 = arith.constant 0 : index
    %get3A_3 = arith.constant 0 : index
    %get3A_4 = vector.load %arg1[%get3A_2, %get3A_3] : memref<1024x64xf32, #tpu.memory_space<vmem>>, vector<1024x64xf32>
    %get3A_5 = arith.constant 0 : index
    %get3A_6 = arith.constant 0 : index
    %get3A_7 = vector.load %arg2[%get3A_5, %get3A_6] : memref<1024x64xf32, #tpu.memory_space<vmem>>, vector<1024x64xf32>
    %add3A = arith.addf %get3A_4, %get3A_7 : vector<1024x64xf32>
    %get3A_8 = arith.constant 0 : index
    %get3A_9 = arith.constant 0 : index
    %get3A_10 = vector.load %arg3[%get3A_8, %get3A_9] : memref<1024x64xf32, #tpu.memory_space<vmem>>, vector<1024x64xf32>
    %add3A_11 = arith.addf %add3A, %get3A_10 : vector<1024x64xf32>
    %mul3A = vector.broadcast %get3A_1 : vector<1024x1xf32> to vector<1024x64xf32>
    %mul3A_12 = arith.mulf %add3A_11, %mul3A : vector<1024x64xf32>
    %get3A_13 = arith.constant 0 : index
    %get3A_14 = arith.constant 0 : index
    %get3A_15 = vector.load %arg5[%get3A_13, %get3A_14] : memref<1x64xf32, #tpu.memory_space<vmem>>, vector<1x64xf32>
    %add3A_16 = vector.broadcast %get3A_15 : vector<1x64xf32> to vector<1024x64xf32>
    %add3A_17 = arith.addf %mul3A_12, %add3A_16 : vector<1024x64xf32>
    %integer_pow3A = arith.mulf %add3A_17, %add3A_17 : vector<1024x64xf32>
    %integer_pow3A_18 = arith.mulf %add3A_17, %integer_pow3A : vector<1024x64xf32>
    %mul3A_19 = arith.constant 4.471500e-02 : f32
    %mul3A_20 = vector.broadcast %mul3A_19 : f32 to vector<1024x64xf32>
    %mul3A_21 = arith.mulf %mul3A_20, %integer_pow3A_18 : vector<1024x64xf32>
    %add3A_22 = arith.addf %add3A_17, %mul3A_21 : vector<1024x64xf32>
    %mul3A_23 = arith.constant 0.797884583 : f32
    %mul3A_24 = vector.broadcast %mul3A_23 : f32 to vector<1024x64xf32>
    %mul3A_25 = arith.mulf %mul3A_24, %add3A_22 : vector<1024x64xf32>
    %tanh3A = math.tanh %mul3A_25 : vector<1024x64xf32>
    %add3A_26 = arith.constant 1.000000e+00 : f32
    %add3A_27 = vector.broadcast %add3A_26 : f32 to vector<1024x64xf32>
    %add3A_28 = arith.addf %add3A_27, %tanh3A : vector<1024x64xf32>
    %mul3A_29 = arith.constant 5.000000e-01 : f32
    %mul3A_30 = vector.broadcast %mul3A_29 : f32 to vector<1024x64xf32>
    %mul3A_31 = arith.mulf %mul3A_30, %add3A_28 : vector<1024x64xf32>
    %mul3A_32 = arith.mulf %add3A_17, %mul3A_31 : vector<1024x64xf32>
    %get3A_33 = arith.constant 0 : index
    %get3A_34 = arith.constant 0 : index
    %get3A_35 = vector.load %arg6[%get3A_33, %get3A_34] : memref<64x64xf32, #tpu.memory_space<vmem>>, vector<64x64xf32>
    %dot_general3A = arith.constant dense<0.000000e+00> : vector<1024x64xf32>
    %dot_general3A_36 = tpu.matmul %mul3A_32, %get3A_35, %dot_general3A {dimension_numbers = #tpu.dot_dimension_numbers<[1], [0], [0], [1], [0, 0, 1, 1], [], []>, transpose_lhs_hint = false} : vector<1024x64xf32>, vector<64x64xf32>, vector<1024x64xf32> -> vector<1024x64xf32>
    %mul3A_37 = vector.broadcast %get3A_1 : vector<1024x1xf32> to vector<1024x64xf32>
    %mul3A_38 = arith.mulf %dot_general3A_36, %mul3A_37 : vector<1024x64xf32>
    %swap3A = arith.constant 0 : index
    %swap3A_39 = arith.constant 0 : index
    %swap3A_40 = vector.load %arg8[%swap3A, %swap3A_39] : memref<1024x64xf32, #tpu.memory_space<vmem>>, vector<1024x64xf32>
    tpu.vector_store %arg8[%swap3A, %swap3A_39], %mul3A_38 {strides = array<i32>} : memref<1024x64xf32, #tpu.memory_space<vmem>>, vector<1024x64xf32>,
    %get3A_41 = arith.constant 0 : index
    %get3A_42 = arith.constant 0 : index
    %get3A_43 = vector.load %arg7[%get3A_41, %get3A_42] : memref<64x64xf32, #tpu.memory_space<vmem>>, vector<64x64xf32>
    %dot_general3A_44 = arith.constant dense<0.000000e+00> : vector<1024x64xf32>
    %dot_general3A_45 = tpu.matmul %mul3A_32, %get3A_43, %dot_general3A_44 {dimension_numbers = #tpu.dot_dimension_numbers<[1], [0], [0], [1], [0, 0, 1, 1], [], []>, transpose_lhs_hint = false} : vector<1024x64xf32>, vector<64x64xf32>, vector<1024x64xf32> -> vector<1024x64xf32>
    %mul3A_46 = vector.broadcast %get3A_1 : vector<1024x1xf32> to vector<1024x64xf32>
    %mul3A_47 = arith.mulf %dot_general3A_45, %mul3A_46 : vector<1024x64xf32>
    %convert_element_type3A = arith.truncf %mul3A_47 : vector<1024x64xf32> to vector<1024x64xbf16>
    %swap3A_48 = arith.constant 0 : index
    %swap3A_49 = arith.constant 0 : index
    %swap3A_50 = vector.load %arg9[%swap3A_48, %swap3A_49] : memref<1024x64xbf16, #tpu.memory_space<vmem>>, vector<1024x64xbf16>
    tpu.vector_store %arg9[%swap3A_48, %swap3A_49], %convert_element_type3A {strides = array<i32>} : memref<1024x64xbf16, #tpu.memory_space<vmem>>, vector<1024x64xbf16>,
    return
  }
  func.func @transform_0(%arg0: i32) -> (i32, i32) {
    %c0_i32 = arith.constant 0 : i32
    %c0_i32_0 = arith.constant 0 : i32
    return %arg0, %c0_i32 : i32, i32
  }
  func.func @transform_1(%arg0: i32) -> (i32, i32) {
    %c0_i32 = arith.constant 0 : i32
    %c0_i32_0 = arith.constant 0 : i32
    return %arg0, %c0_i32 : i32, i32
  }
  func.func @transform_2(%arg0: i32) -> (i32, i32) {
    %c0_i32 = arith.constant 0 : i32
    %c0_i32_0 = arith.constant 0 : i32
    return %arg0, %c0_i32 : i32, i32
  }
  func.func @transform_3(%arg0: i32) -> (i32, i32) {
    %c0_i32 = arith.constant 0 : i32
    %c0_i32_0 = arith.constant 0 : i32
    return %arg0, %c0_i32 : i32, i32
  }
  func.func @transform_4(%arg0: i32) -> (i32, i32) {
    %c0_i32 = arith.constant 0 : i32
    %c0_i32_0 = arith.constant 0 : i32
    %c0_i32_1 = arith.constant 0 : i32
    return %c0_i32, %c0_i32_0 : i32, i32
  }
  func.func @transform_5(%arg0: i32) -> (i32, i32) {
    %c0_i32 = arith.constant 0 : i32
    %c0_i32_0 = arith.constant 0 : i32
    %c0_i32_1 = arith.constant 0 : i32
    return %c0_i32, %c0_i32_0 : i32, i32
  }
  func.func @transform_6(%arg0: i32) -> (i32, i32) {
    %c0_i32 = arith.constant 0 : i32
    %c0_i32_0 = arith.constant 0 : i32
    %c0_i32_1 = arith.constant 0 : i32
    return %c0_i32, %c0_i32_0 : i32, i32
  }
  func.func @transform_7(%arg0: i32) -> (i32, i32) {
    %c0_i32 = arith.constant 0 : i32
    %c0_i32_0 = arith.constant 0 : i32
    return %arg0, %c0_i32 : i32, i32
  }
  func.func @transform_8(%arg0: i32) -> (i32, i32) {
    %c0_i32 = arith.constant 0 : i32
    %c0_i32_0 = arith.constant 0 : i32
    return %arg0, %c0_i32 : i32, i32
  }
}

module attributes {stable_mosaic.version = 14 : i64} {
  func.func @_final_body(%arg0: i32, %arg1: memref<1024x64xf32, #tpu.memory_space<vmem>>, %arg2: memref<1024x64xf32, #tpu.memory_space<vmem>>, %arg3: memref<1024x64xf32, #tpu.memory_space<vmem>>, %arg4: memref<1024x1xf32, #tpu.memory_space<vmem>>, %arg5: memref<1x64xf32, #tpu.memory_space<vmem>>, %arg6: memref<1x1x1024xi32, #tpu.memory_space<vmem>>, %arg7: memref<64x64xf32, #tpu.memory_space<vmem>>, %arg8: memref<64x64xf32, #tpu.memory_space<vmem>>, %arg9: memref<64x1xf32, #tpu.memory_space<vmem>>) attributes {dimension_semantics = [#tpu.dimension_semantics<arbitrary>], iteration_bounds = array<i64: 10>, scalar_prefetch = 0 : i64, scratch_operands = 2 : i64, tpu.core_type = #tpu.core_type<tc>, window_params = [{transform_indices = @transform_0, window_bounds = array<i64: 1024, 64>}, {transform_indices = @transform_1, window_bounds = array<i64: 1024, 64>}, {transform_indices = @transform_2, window_bounds = array<i64: 1024, 64>}, {transform_indices = @transform_3, window_bounds = array<i64: 1024, 1>}, {pipeline_mode = #tpu.pipeline_mode<synchronous>, transform_indices = @transform_4, window_bounds = array<i64: 1, 64>}, {transform_indices = @transform_5, window_bounds = array<i64: 1, 1, 1024>}, {pipeline_mode = #tpu.pipeline_mode<synchronous>, transform_indices = @transform_6, window_bounds = array<i64: 64, 64>}]} {
    %get3A = arith.constant 0 : index
    %get3A_0 = arith.constant 0 : index
    %get3A_1 = vector.load %arg1[%get3A, %get3A_0] : memref<1024x64xf32, #tpu.memory_space<vmem>>, vector<1024x64xf32>
    %get3A_2 = arith.constant 0 : index
    %get3A_3 = arith.constant 0 : index
    %get3A_4 = vector.load %arg2[%get3A_2, %get3A_3] : memref<1024x64xf32, #tpu.memory_space<vmem>>, vector<1024x64xf32>
    %add3A = arith.addf %get3A_1, %get3A_4 : vector<1024x64xf32>
    %get3A_5 = arith.constant 0 : index
    %get3A_6 = arith.constant 0 : index
    %get3A_7 = vector.load %arg3[%get3A_5, %get3A_6] : memref<1024x64xf32, #tpu.memory_space<vmem>>, vector<1024x64xf32>
    %add3A_8 = arith.addf %add3A, %get3A_7 : vector<1024x64xf32>
    %get3A_9 = arith.constant 0 : index
    %get3A_10 = arith.constant 0 : index
    %get3A_11 = vector.load %arg4[%get3A_9, %get3A_10] : memref<1024x1xf32, #tpu.memory_space<vmem>>, vector<1024x1xf32>
    %mul3A = vector.broadcast %get3A_11 : vector<1024x1xf32> to vector<1024x64xf32>
    %mul3A_12 = arith.mulf %add3A_8, %mul3A : vector<1024x64xf32>
    %get3A_13 = arith.constant 0 : index
    %get3A_14 = arith.constant 0 : index
    %get3A_15 = vector.load %arg5[%get3A_13, %get3A_14] : memref<1x64xf32, #tpu.memory_space<vmem>>, vector<1x64xf32>
    %add3A_16 = vector.broadcast %get3A_15 : vector<1x64xf32> to vector<1024x64xf32>
    %add3A_17 = arith.addf %mul3A_12, %add3A_16 : vector<1024x64xf32>
    %get3A_18 = arith.constant 0 : index
    %get3A_19 = arith.constant 0 : index
    %get3A_20 = arith.constant 0 : index
    %get3A_21 = vector.load %arg6[%get3A_18, %get3A_19, %get3A_20] : memref<1x1x1024xi32, #tpu.memory_space<vmem>>, vector<1x1x1024xi32>
    %get3A_22 = vector.shape_cast %get3A_21 : vector<1x1x1024xi32> to vector<1x1024xi32>
    %iota3A = tpu.iota {dimensions = array<i32: 0>} : vector<64x1024xi32>
    %eq3A = vector.broadcast %get3A_22 : vector<1x1024xi32> to vector<64x1024xi32>
    %eq3A_23 = arith.cmpi eq, %iota3A, %eq3A : vector<64x1024xi32>
    %convert_element_type3A = arith.extui %eq3A_23 : vector<64x1024xi1> to vector<64x1024xi32>
    %convert_element_type3A_24 = arith.sitofp %convert_element_type3A : vector<64x1024xi32> to vector<64x1024xf32>
    %eq3A_25 = arith.constant 0 : i32
    %eq3A_26 = arith.cmpi eq, %arg0, %eq3A_25 : i32
    %convert_element_type3A_27 = arith.extui %eq3A_26 : i1 to i32
    %cond3A = arith.constant 0 : i32
    %cond3A_28 = arith.cmpi ne, %convert_element_type3A_27, %cond3A : i32
    scf.if %cond3A_28 {
      %broadcast_in_dim3A_49 = arith.constant 0.000000e+00 : f32
      %broadcast_in_dim3A_50 = vector.broadcast %broadcast_in_dim3A_49 : f32 to vector<64x64xf32>
      %swap3A_51 = arith.constant 0 : index
      %swap3A_52 = arith.constant 0 : index
      %swap3A_53 = vector.load %arg8[%swap3A_51, %swap3A_52] : memref<64x64xf32, #tpu.memory_space<vmem>>, vector<64x64xf32>
      tpu.vector_store %arg8[%swap3A_51, %swap3A_52], %broadcast_in_dim3A_50 {strides = array<i32>} : memref<64x64xf32, #tpu.memory_space<vmem>>, vector<64x64xf32>,
      %broadcast_in_dim3A_54 = arith.constant 0.000000e+00 : f32
      %broadcast_in_dim3A_55 = vector.broadcast %broadcast_in_dim3A_54 : f32 to vector<64x1xf32>
      %swap3A_56 = arith.constant 0 : index
      %swap3A_57 = arith.constant 0 : index
      %swap3A_58 = vector.load %arg9[%swap3A_56, %swap3A_57] : memref<64x1xf32, #tpu.memory_space<vmem>>, vector<64x1xf32>
      tpu.vector_store %arg9[%swap3A_56, %swap3A_57], %broadcast_in_dim3A_55 {strides = array<i32>} : memref<64x1xf32, #tpu.memory_space<vmem>>, vector<64x1xf32>,
    } else {
    }
    %get3A_29 = arith.constant 0 : index
    %get3A_30 = arith.constant 0 : index
    %get3A_31 = vector.load %arg8[%get3A_29, %get3A_30] : memref<64x64xf32, #tpu.memory_space<vmem>>, vector<64x64xf32>
    %dot_general3A = arith.constant dense<0.000000e+00> : vector<64x64xf32>
    %dot_general3A_32 = tpu.matmul %convert_element_type3A_24, %add3A_17, %dot_general3A {dimension_numbers = #tpu.dot_dimension_numbers<[1], [0], [0], [1], [0, 0, 1, 1], [], []>, transpose_lhs_hint = false} : vector<64x1024xf32>, vector<1024x64xf32>, vector<64x64xf32> -> vector<64x64xf32>
    %add3A_33 = arith.addf %get3A_31, %dot_general3A_32 : vector<64x64xf32>
    %swap3A = arith.constant 0 : index
    %swap3A_34 = arith.constant 0 : index
    %swap3A_35 = vector.load %arg8[%swap3A, %swap3A_34] : memref<64x64xf32, #tpu.memory_space<vmem>>, vector<64x64xf32>
    tpu.vector_store %arg8[%swap3A, %swap3A_34], %add3A_33 {strides = array<i32>} : memref<64x64xf32, #tpu.memory_space<vmem>>, vector<64x64xf32>,
    %get3A_36 = arith.constant 0 : index
    %get3A_37 = arith.constant 0 : index
    %get3A_38 = vector.load %arg9[%get3A_36, %get3A_37] : memref<64x1xf32, #tpu.memory_space<vmem>>, vector<64x1xf32>
    %reduce_sum3A = arith.constant dense<0.000000e+00> : vector<64xf32>
    %reduce_sum3A_39 = vector.multi_reduction <add>, %convert_element_type3A_24, %reduce_sum3A [1] : vector<64x1024xf32> to vector<64xf32>
    %broadcast_in_dim3A = vector.shape_cast %reduce_sum3A_39 : vector<64xf32> to vector<64x1xf32>
    %add3A_40 = arith.addf %get3A_38, %broadcast_in_dim3A : vector<64x1xf32>
    %swap3A_41 = arith.constant 0 : index
    %swap3A_42 = arith.constant 0 : index
    %swap3A_43 = vector.load %arg9[%swap3A_41, %swap3A_42] : memref<64x1xf32, #tpu.memory_space<vmem>>, vector<64x1xf32>
    tpu.vector_store %arg9[%swap3A_41, %swap3A_42], %add3A_40 {strides = array<i32>} : memref<64x1xf32, #tpu.memory_space<vmem>>, vector<64x1xf32>,
    %eq3A_44 = arith.constant 9 : i32
    %eq3A_45 = arith.cmpi eq, %arg0, %eq3A_44 : i32
    %convert_element_type3A_46 = arith.extui %eq3A_45 : i1 to i32
    %cond3A_47 = arith.constant 0 : i32
    %cond3A_48 = arith.cmpi ne, %convert_element_type3A_46, %cond3A_47 : i32
    scf.if %cond3A_48 {
      %get3A_49 = arith.constant 0 : index
      %get3A_50 = arith.constant 0 : index
      %get3A_51 = vector.load %arg8[%get3A_49, %get3A_50] : memref<64x64xf32, #tpu.memory_space<vmem>>, vector<64x64xf32>
      %get3A_52 = arith.constant 0 : index
      %get3A_53 = arith.constant 0 : index
      %get3A_54 = vector.load %arg9[%get3A_52, %get3A_53] : memref<64x1xf32, #tpu.memory_space<vmem>>, vector<64x1xf32>
      %max3A = arith.constant 1.000000e+00 : f32
      %max3A_55 = vector.broadcast %max3A : f32 to vector<64x1xf32>
      %max3A_56 = arith.maximumf %get3A_54, %max3A_55 : vector<64x1xf32>
      %div3A = vector.broadcast %max3A_56 : vector<64x1xf32> to vector<64x64xf32>
      %div3A_57 = arith.divf %get3A_51, %div3A : vector<64x64xf32>
      %swap3A_58 = arith.constant 0 : index
      %swap3A_59 = arith.constant 0 : index
      %swap3A_60 = vector.load %arg7[%swap3A_58, %swap3A_59] : memref<64x64xf32, #tpu.memory_space<vmem>>, vector<64x64xf32>
      tpu.vector_store %arg7[%swap3A_58, %swap3A_59], %div3A_57 {strides = array<i32>} : memref<64x64xf32, #tpu.memory_space<vmem>>, vector<64x64xf32>,
    } else {
    }
    return
  }
  func.func @transform_0(%arg0: i32) -> (i32, i32) {
    %c0_i32 = arith.constant 0 : i32
    %c0_i32_0 = arith.constant 0 : i32
    return %arg0, %c0_i32 : i32, i32
  }
  func.func @transform_1(%arg0: i32) -> (i32, i32) {
    %c0_i32 = arith.constant 0 : i32
    %c0_i32_0 = arith.constant 0 : i32
    return %arg0, %c0_i32 : i32, i32
  }
  func.func @transform_2(%arg0: i32) -> (i32, i32) {
    %c0_i32 = arith.constant 0 : i32
    %c0_i32_0 = arith.constant 0 : i32
    return %arg0, %c0_i32 : i32, i32
  }
  func.func @transform_3(%arg0: i32) -> (i32, i32) {
    %c0_i32 = arith.constant 0 : i32
    %c0_i32_0 = arith.constant 0 : i32
    return %arg0, %c0_i32 : i32, i32
  }
  func.func @transform_4(%arg0: i32) -> (i32, i32) {
    %c0_i32 = arith.constant 0 : i32
    %c0_i32_0 = arith.constant 0 : i32
    %c0_i32_1 = arith.constant 0 : i32
    return %c0_i32, %c0_i32_0 : i32, i32
  }
  func.func @transform_5(%arg0: i32) -> (i32, i32, i32) {
    %c0_i32 = arith.constant 0 : i32
    %c0_i32_0 = arith.constant 0 : i32
    %c0_i32_1 = arith.constant 0 : i32
    return %arg0, %c0_i32, %c0_i32_0 : i32, i32, i32
  }
  func.func @transform_6(%arg0: i32) -> (i32, i32) {
    %c0_i32 = arith.constant 0 : i32
    %c0_i32_0 = arith.constant 0 : i32
    %c0_i32_1 = arith.constant 0 : i32
    return %c0_i32, %c0_i32_0 : i32, i32
  }
}

</mosaic_0001>

<sc_bundles>
// kernel: kernel.10.cloned.1.call-start
scs
__scs_entry_jumppad:
0x0: {  	(pc) =	sbr.rel $0x88, $3  }
0x1: {  	(tag) =	ssettag $0x0;
	lr =	simm.s32 $0x1  }
0x2: {  	[smem:$0x3F98] =	sst lr;
	_ =	strace $0xD0000000  }
0x3: {  	_ = 	snop  }
0x4: {  	_ = 	snop  }
0x5: {  	_ = 	snop  }
0x6: {  	_ = 	snop  }
0x7: {  	_ = 	snop  }
__scs_overlays_trampoline_lowered:
0x8: {  	[smem:$0x3FA7] =	sst s0  }
0x9: {  	[smem:$0x3FA8] =	sst s1  }
0xa: {  	[smem:$0x3FA9] =	sst s2  }
0xb: {  	[smem:$0x3FAA] =	sst s3  }
0xc: {  	[smem:$0x3FAB] =	sst s4  }
0xd: {  	[smem:$0x3FAC] =	sst s5  }
0xe: {  	[smem:$0x3FAD] =	sst s6  }
0xf: {  	[smem:$0x3FAE] =	sst s7  }
0x10: {  	[smem:$0x3FAF] =	sst s8  }
0x11: {  	[smem:$0x3FB0] =	sst s9;
	s0 =	simm.s32 @!p0 $0x0  }
0x12: {  	s1 =	sld [smem:$0x3F96];
	s0 =	simm.s32 @p0 $0x1  }
0x13: {  	[smem:$0x3FB1] =	sst s0;
	s0 =	simm.s32 @!p1 $0x0  }
0x14: {  	s2 =	sld [smem:$0x3F95];
	s0 =	simm.s32 @p1 $0x1  }
0x15: {  	[smem:$0x3FB2] =	sst s0;
	s0 =	simm.s32 @!p2 $0x0  }
0x16: {  	s3 =	sld [smem:$0x3FDB];
	s0 =	simm.s32 @p2 $0x1  }
0x17: {  	s4 =	simm.s32 $0x1BF5;
	[smem:$0x3FB4] =	sst s0  }
0x18: {  	s0 =	sld [smem:$0x3F97];
	_ =	swait.ge [sflag:s4], $0x0  }
0x19: {  	s7 =	sld [smem:$0x3F98]  }
0x1a: {  	s8 =	sadd.s32 $0xFFFFE003, lr  }
0x1b: {  	s9 =	sadd.s32 $0xFFFFFEF7, lr;
	s5 =	simm.s32 $0xFFFFFFFF;
	p2 =	slt.u32 s8, $0xFFFFF086  }
0x1c: {  	p1 =	slt.u32 s9, $0xF7A;
	s5 =	simm.s32 @!p2 $0x0  }
0x1d: {  	s5 =	simm.s32 @p1 $0x1;
	p0 =	seq.s32 s7, s2  }
0x1e: {  	s7 =	smul.u32 @!p0 $0xF7A, s2;
	p2 =	seq.s32 @!p0 s5, $0x0  }
0x1f: {  	s9 =	smul.u32 $0xF7A, s1;
	s8 =	simm.s32 @!p0 $0x1BF5;
	p2 =	por !p2, p0  }
0x20: {  	[sflag:s8] =	ssyncset.s32 @!p0 $0xFFFFF086;
	s6 =	sadd.s32 @!p0 s3, s7;
	s7 =	simm.s32 @!p0 $0x108  }
0x21: {  	s3 =	sadd.s32 s3, s9;
	s6 =	sadd.s32 @!p0 $0x88, s6;
	s7 =	simm.s32 @p2 $0x1082  }
0x22: {  	[simem:s7], [sflag:s8] =	dma.local @!p0 [hbm:s6], $0xF7A  }
0x23: {  	s9 =	sor.u32 $0xD0000000, s2;
	s6 =	simm.s32 $0x108;
	_ =	swait.ge @!p0 [sflag:s8], $0x0  }
0x24: {  	s3 =	sadd.s32 $0x88, s3;
	s6 =	simm.s32 @!p1 $0x1082;
	[sflag:s4] =	ssyncset.s32 $0xFFFFF086  }
0x25: {  	[simem:s6], [sflag:s4] =	dma.local [hbm:s3], $0xF7A  }
0x26: {  	[smem:$0x3F98] =	sst s1;
	(tag) =	ssettag s2;
	_ =	strace s9  }
0x27: {  	s1 =	sld [smem:$0x3FA8]  }
0x28: {  	s2 =	sld [smem:$0x3FA9]  }
0x29: {  	s4 =	sld [smem:$0x3FAB]  }
0x2a: {  	p0 =	seq.s32 s5, $0x0;
	s5 =	sld [smem:$0x3FAC]  }
0x2b: {  	s6 =	sld [smem:$0x3FAD]  }
0x2c: {  	s7 =	sld [smem:$0x3FAE]  }
0x2d: {  	s3 =	simm.s32 $0x108;
	s8 =	sld [smem:$0x3FAF]  }
0x2e: {  	s3 =	simm.s32 @!p0 $0x1082;
	s9 =	sld [smem:$0x3FB0]  }
0x2f: {  	lr =	sadd.s32 s0, s3;
	s0 =	sld [smem:$0x3FA7]  }
0x30: {  	s3 =	sld [smem:$0x3FAA]  }
0x31: {  	[smem:$0x3FB3] =	sst s10  }
0x32: {  	s10 =	sld [smem:$0x3FB1];
	_ =	sdelay $0x3  }
0x33: {  	p0 =	seq.s32 s10, $0x1;
	s10 =	sld [smem:$0x3FB3];
	_ =	sdelay $0x3  }
0x34: {  	[smem:$0x3FB3] =	sst s10  }
0x35: {  	s10 =	sld [smem:$0x3FB2];
	_ =	sdelay $0x3  }
0x36: {  	p1 =	seq.s32 s10, $0x1;
	s10 =	sld [smem:$0x3FB3];
	_ =	sdelay $0x3  }
0x37: {  	[smem:$0x3FB3] =	sst s10  }
0x38: {  	s10 =	sld [smem:$0x3FB4]  }
0x39: {  	_ = 	snop;
	(pc) =	sbr.ind lr, $3  }
0x3a: {  	_ = 	snop  }
0x3b: {  	_ = 	snop  }
0x3c: {  	p2 =	seq.s32 s10, $0x1;
	s10 =	sld [smem:$0x3FB3]  }
0x3d: {  	_ =	shalt  }
0x3e: {  	_ =	shalt  }
0x3f: {  	_ =	shalt  }
0x40: {  	_ =	shalt  }
0x41: {  	_ =	shalt  }
0x42: {  	_ =	shalt  }
0x43: {  	_ =	shalt  }
0x44: {  	_ =	shalt  }
0x45: {  	_ =	shalt  }
0x46: {  	_ =	shalt  }
0x47: {  	_ =	shalt  }
0x48: {  	_ =	shalt  }
0x49: {  	_ =	shalt  }
0x4a: {  	_ =	shalt  }
0x4b: {  	_ =	shalt  }
0x4c: {  	_ =	shalt  }
0x4d: {  	_ =	shalt  }
0x4e: {  	_ =	shalt  }
0x4f: {  	_ =	shalt  }
0x50: {  	_ =	shalt  }
0x51: {  	_ =	shalt  }
0x52: {  	_ =	shalt  }
0x53: {  	_ =	shalt  }
0x54: {  	_ =	shalt  }
0x55: {  	_ =	shalt  }
0x56: {  	_ =	shalt  }
0x57: {  	_ =	shalt  }
0x58: {  	_ =	shalt  }
0x59: {  	_ =	shalt  }
0x5a: {  	_ =	shalt  }
0x5b: {  	_ =	shalt  }
0x5c: {  	_ =	shalt  }
0x5d: {  	_ =	shalt  }
0x5e: {  	_ =	shalt  }
0x5f: {  	_ =	shalt  }
0x60: {  	_ =	shalt  }
0x61: {  	_ =	shalt  }
0x62: {  	_ =	shalt  }
0x63: {  	_ =	shalt  }
0x64: {  	_ =	shalt  }
0x65: {  	_ =	shalt  }
0x66: {  	_ =	shalt  }
0x67: {  	_ =	shalt  }
0x68: {  	_ =	shalt  }
0x69: {  	_ =	shalt  }
0x6a: {  	_ =	shalt  }
0x6b: {  	_ =	shalt  }
0x6c: {  	_ =	shalt  }
0x6d: {  	_ =	shalt  }
0x6e: {  	_ =	shalt  }
0x6f: {  	_ =	shalt  }
0x70: {  	_ =	shalt  }
0x71: {  	_ =	shalt  }
0x72: {  	_ =	shalt  }
0x73: {  	_ =	shalt  }
0x74: {  	_ =	shalt  }
0x75: {  	_ =	shalt  }
0x76: {  	_ =	shalt  }
0x77: {  	_ =	shalt  }
0x78: {  	_ =	shalt  }
0x79: {  	_ =	shalt  }
0x7a: {  	_ =	shalt  }
0x7b: {  	_ =	shalt  }
0x7c: {  	_ =	shalt  }
0x7d: {  	_ =	shalt  }
0x7e: {  	_ =	shalt  }
0x7f: {  	_ =	shalt  }
0x80: {  	_ =	shalt  }
0x81: {  	_ =	shalt  }
0x82: {  	_ =	shalt  }
0x83: {  	_ =	shalt  }
0x84: {  	_ =	shalt  }
0x85: {  	_ =	shalt  }
0x86: {  	_ =	shalt  }
0x87: {  	_ =	shalt  }
.Lfunc_end0:
.L_simem_size_0:
called_computation_lowered:
.L_overlay_start_0:
0x88: {  	s2 =	sld [smem:$0x3FD9]  }
0x89: {  	s3 =	sld [smem:$0x3FFE];
	_ =	sdelay $0x1  }
0x8a: {  	s1 =	srdreg.scid  }
0x8b: {  	s0 =	sand.u32 $0x1, s1  }
0x8c: {  	s17 =	sshll.u32 s0, $0xA;
	s2 =	sadd.s32 s3, s2  }
0x8d: {  	s2 =	sadd.s32 s2, s17  }
0x8e: {  	[smem:$0x3FBF] =	sst s2  }
0x8f: {  	_ = 	snop  }
0x90: {  	s2 =	sld [smem:$0x3FD0];
	(tm) =	ssettm $0x1  }
0x91: {  	s18 =	sld [smem:$0x3FFB];
	_ =	sdelay $0x3  }
0x92: {  	_ =	strace s18  }
0x93: {  	s3 =	sld [smem:$0x3FFC];
	_ =	sdelay $0x3  }
0x94: {  	_ =	strace s3  }
0x95: {  	s3 =	sld [smem:$0x3FFD];
	_ =	sdelay $0x3  }
0x96: {  	_ =	strace s3  }
0x97: {  	_ =	strace $0x8FFFFFFF  }
0x98: {  	s19 =	sld [smem:$0x3FDB];
	_ =	sdelay $0x1  }
0x99: {  	s4 =	simm.s32 $_scs_section_size  }
0x9a: {  	s5 =	simm.s32 $_size__tile_overlayer_lowered;
	s6 =	simm.s32 $_tile_overlayer_lowered  }
0x9b: {  	s22 =	simm.s32 $0x1BFF;
	s21 =	sshll.u32 s6, $0x1;
	s3 =	sadd.s32 s4, s19  }
0x9c: {  	s7 =	simm.s32 $0x0;
	s20 =	sshll.u32 s5, $0x1;
	s5 =	sadd.s32 s21, s3  }
0x9d: {  	[timem:s7], [sflag:s22] =	dma.local [hbm:s5], s20  }
0x9e: {  	_ =	swait.ge [sflag:s22], s20  }
0x9f: {  	s4 =	ssub.s32 $0x0, s20;
	[sflag:s22] =	ssyncset.done $0x0  }
0xa0: {  	[sflag:s22] =	ssyncadd.s32 s4;
	_ =	sdelay $0x1  }
0xa1: {  	s23 =	simm.s32 $0x1B8B  }
0xa2: {  	_ =	swait.ge [sflag:s23], $0x1  }
0xa3: {  	[sflag:s23] =	ssyncset.done $0x0  }
0xa4: {  	s25 =	simm.s32 $0x1B8E;
	s24 =	sld [smem:$0x3FFE];
	[sflag:s23] =	ssyncadd.s32 $0xFFFFFFFF  }
0xa5: {  	s26 =	simm.s32 $execute0_lowered;
	[smem:$0x3FD2] =	sst s25  }
0xa6: {  	s5 =	sshll.u32 s26, $0x1;
	_ =	strace $0x80000046;
	[dreg:$0x1] =	wrdreg $0xFFFFFFFF  }
0xa7: {  	s28 =	simm.s32 $_size_execute0_lowered;
	s3 =	sadd.s32 s3, s5;
	[dreg:$0x0] =	wrdreg $0x0  }
0xa8: {  	s5 =	sshll.u32 s28, $0x1;
	[dreg:$0x2] =	wrdreg s3  }
0xa9: {  	[dreg:$0x3] =	wrdreg s5  }
0xaa: {  	[dreg:$0x4] =	wrdreg $0xC0  }
0xab: {  	_ =	task [dreg:s7], $0x5FFFF  }
0xac: {  	[dreg:$0x1] =	wrdreg $0xFFFFFFFF  }
0xad: {  	[dreg:$0x0] =	wrdreg $0x60  }
0xae: {  	[dreg:$0x2] =	wrdreg s24  }
0xaf: {  	[dreg:$0x3] =	wrdreg s2  }
0xb0: {  	[dreg:$0x4] =	wrdreg $0x57000  }
0xb1: {  	[dreg:$0x5] =	wrdreg $0x9  }
0xb2: {  	_ =	task.clear_ibuf [dreg:s7], $0x6FFFF;
	_ =	strace $0x90000046  }
0xb3: {  	s29 =	simm.s32 $0x9;
	_ =	strace $0x80000048  }
0xb4: {  	_ =	swait.ge [sflag:s29], $0x1  }
0xb5: {  	[sflag:s29] =	ssyncadd.s32 $0xFFFFFFFF  }
0xb6: {  	_ =	strace $0x90000048  }
0xb7: {  	_ =	sfence  }
0xb8: {  	s30 =	sld [smem:$0x0];
	_ =	sdelay $0x2  }
0xb9: {  	s31 =	sshll.u32 s1, $0xD;
	s1 =	sshrl.u32 s1, $0x2  }
0xba: {  	s3 =	sand.u32 $0x4000, s31;
	s1 =	sadd.s32 s1, s30  }
0xbb: {  	s0 =	sor.u32 s3, s0;
	s1 =	sshll.u32 s1, $0x11  }
0xbc: {  	s0 =	sor.u32 s1, s0  }
0xbd: {  	s0 =	sadd.s32 $0x8F2B, s0  }
0xbe: {  	[sflag:s0] =	ssyncadd.remote.s32 $0x1  }
0xbf: {  	_ =	sfence.sel $0xFFFF  }
0xc0: {  	[dreg:$0x0] =	wrdreg $0xFFFFFFFF;
	(pc) =	sbr.abs _section_cstart, $3  }
0xc1: {  	[dreg:$0x1] =	wrdreg $0xFFFFFFFF  }
0xc2: {  	_ =	task.clear_ibuf [dreg:s7], $0x2FFFF;
	_ =	strace $0x9FFFFFFF  }
0xc3: {  	(tm) =	ssettm $0x7FFFFFFF  }
tec
execute0_lowered:
.L_overlay_start_1:
0x0: {  	(tag) =	ssettag $0x1  }
0x1: {  	s6 =	rddreg [dreg:$0x0]  }
0x2: {  	s0 =	srdreg.scid;
	s2 =	rddreg [dreg:$0x1]  }
0x3: {  	s3 =	rddreg [dreg:$0x2];
	s4 =	simm.s32 $0x0;
	s13 =	simm.s32 $0x80  }
0x4: {  	s14 =	simm.s32 $0x0;
	s5 =	sand.u32 $0x1, s0;
	s0 =	stileid.u32  }
0x5: {  	[smem:$0x7FF] =	sst s4;
	s1 =	sshll.u32 s5, $0x4;
	s8 =	smul.u32 $0x2800, s0  }
0x6: {  	s9 =	smul.u32 $0x28000, s5;
	s5 =	ssub.s32 $0x2, s5;
	s1 =	sor.u32 s0, s1  }
0x7: {  	s31 =	sshll.u32 s0, $0x6;
	s11 =	sshrl.u32 s5, $0x1;
	s7 =	smul.u32 $0x9E0, s1  }
0x8: {  	s1 =	rddreg [dreg:$0x3];
	_ =	strace $0x80000047;
	s9 =	sadd.s32 s8, s9  }
0x9: {  	s10 =	sshrl.u32 s8, $0x3;
	s11 =	ssub.s32 s5, s11;
	s12 =	sadd.s32 s8, s3  }
0xa: {  	s9 =	sshrl.u32 s9, $0x3;
	s10 =	sadd.s32 s10, s6;
	s8 =	smax.u32 s11, $0x1  }
0xb: {  	s11 =	sor.u32 $0x1C01, s31;
	s12 =	sshrl.u32 s12, $0x3;
	s7 =	sadd.s32 s7, s6  }
0xc: {  	s9 =	sadd.s32 s9, s6;
	s6 =	sadd.s32 $0x18200, s10;
	s10 =	simm.s32 $0x4F00  }
0xd: {  	s5 =	sadd.s32 $0x4600, s7;
	s7 =	sadd.s32 $0x1D200, s9;
	s9 =	simm.s32 $0x1  }
.LBB2_1:
0xe: {  	[tilespmem:s4], [sflag:$0x1] =	stream.linear.gather [hbm4b:s5+s4], $0x4F00, $0x38;
	[tilespmem:$0x7F00] =	vst v63  }
0xf: {  	_ =	swait.ge [sflag:s9], $0x4F00  }
0x10: {  	[sflag:s9] =	ssyncset.done $0x0  }
0x11: {  	[sflag:s9] =	ssyncadd.s32 $0xFFFFB100  }
0x12: {  	[tilespmem:s10], [sflag:$0x1] =	stream.linear.gather [hbm4b:s2+s4], $0x800, $0x38;
	[tilespmem:$0x7F00] =	vst v63  }
0x13: {  	_ =	swait.ge [sflag:s9], $0x800  }
0x14: {  	[sflag:s9] =	ssyncset.done $0x0  }
0x15: {  	[sflag:s9] =	ssyncadd.s32 $0xFFFFF800  }
0x16: {  	[spmem:s12], [sflag:s11] =	dma.local [hbm:s6], $0x500  }
0x17: {  	_ =	swait.ge [sflag:s9], $0x500  }
0x18: {  	[sflag:s9] =	ssyncset.done $0x0  }
0x19: {  	[sflag:s9] =	ssyncadd.s32 $0xFFFFFB00  }
0x1a: {  	s15 =	simm.s32 $0x0;
	[bflag:$0x0] =	sbarrier.arrive $0xFFFF  }
0x1b: {  	[spmem:s3] =	stream.indirect.scatter.add.f32 [tilespmem:s10], [sflag:$0x1], $0x10, s15, s13, $0xb8;
	[tilespmem:$0x7F00] =	vst v63  }
0x1c: {  	_ =	swait.ge [sflag:s9], $0x800  }
0x1d: {  	s15 =	simm.s32 $0x200;
	[sflag:s9] =	ssyncset.done $0x0  }
.LBB2_2:
0x1e: {  	s16 =	sshra.s32 s15, $0x2;
	[sflag:s9] =	ssyncadd.s32 $0xFFFFF800;
	p0 =	sne.s32 s15, $0x13A00  }
0x1f: {  	[spmem:s3] =	stream.indirect.scatter.add.f32 [tilespmem:s10], [sflag:$0x1], $0x10, s16, s13, $0xb8;
	[tilespmem:$0x7F00] =	vst v63  }
.Ltmp0:
0x20: {  	_ = 	snop;
	(pc) =	sbr.rel @p0 .LBB2_2-.Ltmp0, $4  }
0x21: {  	_ = 	snop  }
0x22: {  	s15 =	sadd.s32 $0x200, s15  }
0x23: {  	_ =	swait.ge [sflag:s9], $0x800  }
0x24: {  	[sflag:s9] =	ssyncset.done $0x0  }
0x25: {  	s14 =	sadd.s32 $0x1, s14  }
0x26: {  	[sflag:s9] =	ssyncadd.s32 $0xFFFFF800;
	p0 =	sne.s32 s14, s8  }
.Ltmp1:
0x27: {  	[bflag:$0x0] =	sbarrier.arrive $0xFFFF;
	(pc) =	sbr.rel @p0 .LBB2_1-.Ltmp1, $4  }
0x28: {  	[hbm:s7], [sflag:s11] =	dma.local [spmem:s12], $0x500  }
0x29: {  	_ =	swait.ge [sflag:s9], $0x500  }
0x2a: {  	[sflag:s9] =	ssyncset.done $0x0  }
0x2b: {  	[sflag:s9] =	ssyncadd.s32 $0xFFFFFB00  }
0x2c: {  	_ =	sfence.sel $0x180000  }
0x2d: {  	[bflag:$0x0] =	sbarrier.arrive $0xFFFF  }
0x2e: {  	p0 =	sne.s32 s0, $0x0;
	_ =	strace $0x90000047  }
0x2f: {  	s0 =	sadd.s32 @!p0 $0x100000, s1;
	[bflag:$0x2] =	sbarrier.arrive $0xFFFF  }
0x30: {  	[sflag:s0] =	ssyncadd.tile.s32 @!p0 $0x1;
	_ =	shalt  }
.Lfunc_end2:
_tile_overlayer_lowered:
.L_overlay_start_2:
0x31: {  	(tag) =	ssettag $0x2  }
0x32: {  	s0 =	rddreg [dreg:$0x0];
	s2 =	stileid.u32  }
0x33: {  	s1 =	rddreg [dreg:$0x1];
	p0 =	sne.s32 s2, $0x0  }
0x34: {  	s3 =	rddreg [dreg:$0x2];
	[bflag:$0x3] =	sbarrier.arrive $0xFFFF;
	s2 =	simm.s32 @!p0 $0x1C01  }
0x35: {  	[timem:s3], [sflag:s2] =	dma.local @!p0 [hbm:s0], s1  }
0x36: {  	s0 =	simm.s32 @!p0 $0x1  }
0x37: {  	_ =	swait.ge @!p0 [sflag:s0], s1  }
0x38: {  	s1 =	ssub.s32 @!p0 $0x0, s1;
	[sflag:s0] =	ssyncset.done @!p0 $0x0  }
0x39: {  	[sflag:s0] =	ssyncadd.s32 @!p0 s1  }
0x3a: {  	[bflag:$0x3] =	sbarrier.arrive $0xFFFF  }
0x3b: {  	_ =	shalt  }

// kernel: kernel.13.cloned.1.call-start
scs
__scs_entry_jumppad:
0x0: {  	(pc) =	sbr.rel $0x88, $3  }
0x1: {  	(tag) =	ssettag $0x0;
	lr =	simm.s32 $0x1  }
0x2: {  	[smem:$0x3F98] =	sst lr;
	_ =	strace $0xD0000000  }
0x3: {  	_ = 	snop  }
0x4: {  	_ = 	snop  }
0x5: {  	_ = 	snop  }
0x6: {  	_ = 	snop  }
0x7: {  	_ = 	snop  }
__scs_overlays_trampoline_lowered:
0x8: {  	[smem:$0x3FA7] =	sst s0  }
0x9: {  	[smem:$0x3FA8] =	sst s1  }
0xa: {  	[smem:$0x3FA9] =	sst s2  }
0xb: {  	[smem:$0x3FAA] =	sst s3  }
0xc: {  	[smem:$0x3FAB] =	sst s4  }
0xd: {  	[smem:$0x3FAC] =	sst s5  }
0xe: {  	[smem:$0x3FAD] =	sst s6  }
0xf: {  	[smem:$0x3FAE] =	sst s7  }
0x10: {  	[smem:$0x3FAF] =	sst s8  }
0x11: {  	[smem:$0x3FB0] =	sst s9;
	s0 =	simm.s32 @!p0 $0x0  }
0x12: {  	s1 =	sld [smem:$0x3F96];
	s0 =	simm.s32 @p0 $0x1  }
0x13: {  	[smem:$0x3FB1] =	sst s0;
	s0 =	simm.s32 @!p1 $0x0  }
0x14: {  	s2 =	sld [smem:$0x3F95];
	s0 =	simm.s32 @p1 $0x1  }
0x15: {  	[smem:$0x3FB2] =	sst s0;
	s0 =	simm.s32 @!p2 $0x0  }
0x16: {  	s3 =	sld [smem:$0x3FDB];
	s0 =	simm.s32 @p2 $0x1  }
0x17: {  	s4 =	simm.s32 $0x1BF5;
	[smem:$0x3FB4] =	sst s0  }
0x18: {  	s0 =	sld [smem:$0x3F97];
	_ =	swait.ge [sflag:s4], $0x0  }
0x19: {  	s7 =	sld [smem:$0x3F98]  }
0x1a: {  	s8 =	sadd.s32 $0xFFFFE003, lr  }
0x1b: {  	s9 =	sadd.s32 $0xFFFFFEF7, lr;
	s5 =	simm.s32 $0xFFFFFFFF;
	p2 =	slt.u32 s8, $0xFFFFF086  }
0x1c: {  	p1 =	slt.u32 s9, $0xF7A;
	s5 =	simm.s32 @!p2 $0x0  }
0x1d: {  	s5 =	simm.s32 @p1 $0x1;
	p0 =	seq.s32 s7, s2  }
0x1e: {  	s7 =	smul.u32 @!p0 $0xF7A, s2;
	p2 =	seq.s32 @!p0 s5, $0x0  }
0x1f: {  	s9 =	smul.u32 $0xF7A, s1;
	s8 =	simm.s32 @!p0 $0x1BF5;
	p2 =	por !p2, p0  }
0x20: {  	[sflag:s8] =	ssyncset.s32 @!p0 $0xFFFFF086;
	s6 =	sadd.s32 @!p0 s3, s7;
	s7 =	simm.s32 @!p0 $0x108  }
0x21: {  	s3 =	sadd.s32 s3, s9;
	s6 =	sadd.s32 @!p0 $0x88, s6;
	s7 =	simm.s32 @p2 $0x1082  }
0x22: {  	[simem:s7], [sflag:s8] =	dma.local @!p0 [hbm:s6], $0xF7A  }
0x23: {  	s9 =	sor.u32 $0xD0000000, s2;
	s6 =	simm.s32 $0x108;
	_ =	swait.ge @!p0 [sflag:s8], $0x0  }
0x24: {  	s3 =	sadd.s32 $0x88, s3;
	s6 =	simm.s32 @!p1 $0x1082;
	[sflag:s4] =	ssyncset.s32 $0xFFFFF086  }
0x25: {  	[simem:s6], [sflag:s4] =	dma.local [hbm:s3], $0xF7A  }
0x26: {  	[smem:$0x3F98] =	sst s1;
	(tag) =	ssettag s2;
	_ =	strace s9  }
0x27: {  	s1 =	sld [smem:$0x3FA8]  }
0x28: {  	s2 =	sld [smem:$0x3FA9]  }
0x29: {  	s4 =	sld [smem:$0x3FAB]  }
0x2a: {  	p0 =	seq.s32 s5, $0x0;
	s5 =	sld [smem:$0x3FAC]  }
0x2b: {  	s6 =	sld [smem:$0x3FAD]  }
0x2c: {  	s7 =	sld [smem:$0x3FAE]  }
0x2d: {  	s3 =	simm.s32 $0x108;
	s8 =	sld [smem:$0x3FAF]  }
0x2e: {  	s3 =	simm.s32 @!p0 $0x1082;
	s9 =	sld [smem:$0x3FB0]  }
0x2f: {  	lr =	sadd.s32 s0, s3;
	s0 =	sld [smem:$0x3FA7]  }
0x30: {  	s3 =	sld [smem:$0x3FAA]  }
0x31: {  	[smem:$0x3FB3] =	sst s10  }
0x32: {  	s10 =	sld [smem:$0x3FB1];
	_ =	sdelay $0x3  }
0x33: {  	p0 =	seq.s32 s10, $0x1;
	s10 =	sld [smem:$0x3FB3];
	_ =	sdelay $0x3  }
0x34: {  	[smem:$0x3FB3] =	sst s10  }
0x35: {  	s10 =	sld [smem:$0x3FB2];
	_ =	sdelay $0x3  }
0x36: {  	p1 =	seq.s32 s10, $0x1;
	s10 =	sld [smem:$0x3FB3];
	_ =	sdelay $0x3  }
0x37: {  	[smem:$0x3FB3] =	sst s10  }
0x38: {  	s10 =	sld [smem:$0x3FB4]  }
0x39: {  	_ = 	snop;
	(pc) =	sbr.ind lr, $3  }
0x3a: {  	_ = 	snop  }
0x3b: {  	_ = 	snop  }
0x3c: {  	p2 =	seq.s32 s10, $0x1;
	s10 =	sld [smem:$0x3FB3]  }
0x3d: {  	_ =	shalt  }
0x3e: {  	_ =	shalt  }
0x3f: {  	_ =	shalt  }
0x40: {  	_ =	shalt  }
0x41: {  	_ =	shalt  }
0x42: {  	_ =	shalt  }
0x43: {  	_ =	shalt  }
0x44: {  	_ =	shalt  }
0x45: {  	_ =	shalt  }
0x46: {  	_ =	shalt  }
0x47: {  	_ =	shalt  }
0x48: {  	_ =	shalt  }
0x49: {  	_ =	shalt  }
0x4a: {  	_ =	shalt  }
0x4b: {  	_ =	shalt  }
0x4c: {  	_ =	shalt  }
0x4d: {  	_ =	shalt  }
0x4e: {  	_ =	shalt  }
0x4f: {  	_ =	shalt  }
0x50: {  	_ =	shalt  }
0x51: {  	_ =	shalt  }
0x52: {  	_ =	shalt  }
0x53: {  	_ =	shalt  }
0x54: {  	_ =	shalt  }
0x55: {  	_ =	shalt  }
0x56: {  	_ =	shalt  }
0x57: {  	_ =	shalt  }
0x58: {  	_ =	shalt  }
0x59: {  	_ =	shalt  }
0x5a: {  	_ =	shalt  }
0x5b: {  	_ =	shalt  }
0x5c: {  	_ =	shalt  }
0x5d: {  	_ =	shalt  }
0x5e: {  	_ =	shalt  }
0x5f: {  	_ =	shalt  }
0x60: {  	_ =	shalt  }
0x61: {  	_ =	shalt  }
0x62: {  	_ =	shalt  }
0x63: {  	_ =	shalt  }
0x64: {  	_ =	shalt  }
0x65: {  	_ =	shalt  }
0x66: {  	_ =	shalt  }
0x67: {  	_ =	shalt  }
0x68: {  	_ =	shalt  }
0x69: {  	_ =	shalt  }
0x6a: {  	_ =	shalt  }
0x6b: {  	_ =	shalt  }
0x6c: {  	_ =	shalt  }
0x6d: {  	_ =	shalt  }
0x6e: {  	_ =	shalt  }
0x6f: {  	_ =	shalt  }
0x70: {  	_ =	shalt  }
0x71: {  	_ =	shalt  }
0x72: {  	_ =	shalt  }
0x73: {  	_ =	shalt  }
0x74: {  	_ =	shalt  }
0x75: {  	_ =	shalt  }
0x76: {  	_ =	shalt  }
0x77: {  	_ =	shalt  }
0x78: {  	_ =	shalt  }
0x79: {  	_ =	shalt  }
0x7a: {  	_ =	shalt  }
0x7b: {  	_ =	shalt  }
0x7c: {  	_ =	shalt  }
0x7d: {  	_ =	shalt  }
0x7e: {  	_ =	shalt  }
0x7f: {  	_ =	shalt  }
0x80: {  	_ =	shalt  }
0x81: {  	_ =	shalt  }
0x82: {  	_ =	shalt  }
0x83: {  	_ =	shalt  }
0x84: {  	_ =	shalt  }
0x85: {  	_ =	shalt  }
0x86: {  	_ =	shalt  }
0x87: {  	_ =	shalt  }
.Lfunc_end0:
.L_simem_size_0:
called_computation.1_lowered:
.L_overlay_start_0:
0x88: {  	s2 =	sld [smem:$0x3FD9]  }
0x89: {  	s3 =	sld [smem:$0x3FFE];
	_ =	sdelay $0x1  }
0x8a: {  	s1 =	srdreg.scid  }
0x8b: {  	s0 =	sand.u32 $0x1, s1  }
0x8c: {  	s16 =	sshll.u32 s0, $0xA;
	s2 =	sadd.s32 s3, s2  }
0x8d: {  	s2 =	sadd.s32 s2, s16  }
0x8e: {  	[smem:$0x3FBF] =	sst s2  }
0x8f: {  	_ = 	snop  }
0x90: {  	(tm) =	ssettm $0x1  }
0x91: {  	s17 =	sld [smem:$0x3FFB];
	_ =	sdelay $0x3  }
0x92: {  	_ =	strace s17  }
0x93: {  	s2 =	sld [smem:$0x3FFC];
	_ =	sdelay $0x3  }
0x94: {  	_ =	strace s2  }
0x95: {  	s2 =	sld [smem:$0x3FFD];
	_ =	sdelay $0x3  }
0x96: {  	_ =	strace s2  }
0x97: {  	_ =	strace $0x8FFFFFFF  }
0x98: {  	s18 =	sld [smem:$0x3FDB];
	_ =	sdelay $0x1  }
0x99: {  	s19 =	simm.s32 $_scs_section_size  }
0x9a: {  	s4 =	simm.s32 $_size__tile_overlayer_lowered;
	s5 =	simm.s32 $_tile_overlayer_lowered  }
0x9b: {  	s22 =	simm.s32 $0x1BFF;
	s21 =	sshll.u32 s5, $0x1;
	s2 =	sadd.s32 s19, s18  }
0x9c: {  	s6 =	simm.s32 $0x0;
	s20 =	sshll.u32 s4, $0x1;
	s4 =	sadd.s32 s21, s2  }
0x9d: {  	[timem:s6], [sflag:s22] =	dma.local [hbm:s4], s20  }
0x9e: {  	_ =	swait.ge [sflag:s22], s20  }
0x9f: {  	s3 =	ssub.s32 $0x0, s20;
	[sflag:s22] =	ssyncset.done $0x0  }
0xa0: {  	[sflag:s22] =	ssyncadd.s32 s3;
	_ =	sdelay $0x1  }
0xa1: {  	s23 =	simm.s32 $0x1B8B  }
0xa2: {  	_ =	swait.ge [sflag:s23], $0x1  }
0xa3: {  	[sflag:s23] =	ssyncset.done $0x0  }
0xa4: {  	s25 =	simm.s32 $0x1B8E;
	s24 =	sld [smem:$0x3FFE];
	[sflag:s23] =	ssyncadd.s32 $0xFFFFFFFF  }
0xa5: {  	s26 =	simm.s32 $execute0_lowered;
	[smem:$0x3FD2] =	sst s25  }
0xa6: {  	s4 =	sshll.u32 s26, $0x1;
	_ =	strace $0x80000049;
	[dreg:$0x1] =	wrdreg $0xFFFFFFFF  }
0xa7: {  	s28 =	simm.s32 $_size_execute0_lowered;
	s2 =	sadd.s32 s2, s4;
	[dreg:$0x0] =	wrdreg $0x0  }
0xa8: {  	s4 =	sshll.u32 s28, $0x1;
	[dreg:$0x2] =	wrdreg s2  }
0xa9: {  	[dreg:$0x3] =	wrdreg s4  }
0xaa: {  	[dreg:$0x4] =	wrdreg $0xC0  }
0xab: {  	_ =	task [dreg:s6], $0x5FFFF  }
0xac: {  	[dreg:$0x1] =	wrdreg $0xFFFFFFFF  }
0xad: {  	[dreg:$0x0] =	wrdreg $0x60  }
0xae: {  	[dreg:$0x2] =	wrdreg s24  }
0xaf: {  	[dreg:$0x3] =	wrdreg $0x14E000  }
0xb0: {  	[dreg:$0x4] =	wrdreg $0xFE000  }
0xb1: {  	[dreg:$0x5] =	wrdreg $0x9  }
0xb2: {  	_ =	task.clear_ibuf [dreg:s6], $0x6FFFF;
	_ =	strace $0x90000049  }
0xb3: {  	s29 =	simm.s32 $0x9;
	_ =	strace $0x8000004B  }
0xb4: {  	_ =	swait.ge [sflag:s29], $0x1  }
0xb5: {  	[sflag:s29] =	ssyncadd.s32 $0xFFFFFFFF  }
0xb6: {  	_ =	strace $0x9000004B  }
0xb7: {  	_ =	sfence  }
0xb8: {  	s30 =	sld [smem:$0x0];
	_ =	sdelay $0x2  }
0xb9: {  	s31 =	sshll.u32 s1, $0xD;
	s1 =	sshrl.u32 s1, $0x2  }
0xba: {  	s3 =	sand.u32 $0x4000, s31;
	s1 =	sadd.s32 s1, s30  }
0xbb: {  	s0 =	sor.u32 s3, s0;
	s1 =	sshll.u32 s1, $0x11  }
0xbc: {  	s0 =	sor.u32 s1, s0  }
0xbd: {  	s0 =	sadd.s32 $0x8F2B, s0  }
0xbe: {  	[sflag:s0] =	ssyncadd.remote.s32 $0x1  }
0xbf: {  	_ =	sfence.sel $0xFFFF  }
0xc0: {  	[dreg:$0x0] =	wrdreg $0xFFFFFFFF;
	(pc) =	sbr.abs _section_cstart, $3  }
0xc1: {  	[dreg:$0x1] =	wrdreg $0xFFFFFFFF  }
0xc2: {  	_ =	task.clear_ibuf [dreg:s6], $0x2FFFF;
	_ =	strace $0x9FFFFFFF  }
0xc3: {  	(tm) =	ssettm $0x7FFFFFFF  }
tec
execute0_lowered:
.L_overlay_start_1:
0x0: {  	(tag) =	ssettag $0x1  }
0x1: {  	s1 =	rddreg [dreg:$0x0]  }
0x2: {  	s0 =	srdreg.scid;
	s2 =	rddreg [dreg:$0x1]  }
0x3: {  	s11 =	stileid.u32;
	s3 =	rddreg [dreg:$0x2];
	s12 =	simm.s32 $0x4F00  }
0x4: {  	s16 =	simm.s32 $0x80;
	s17 =	simm.s32 $0x9E00;
	s18 =	simm.s32 $0xAE00  }
0x5: {  	s19 =	simm.s32 $0x1;
	s20 =	simm.s32 $0xBE00;
	s21 =	simm.s32 $0x2  }
0x6: {  	s22 =	simm.s32 $0xDE00;
	s23 =	simm.s32 $0x3;
	s24 =	simm.s32 $0x4  }
0x7: {  	s0 =	sand.u32 $0x1, s0;
	s7 =	smul.u32 $0xA000, s11;
	s31 =	sshll.u32 s11, $0x6  }
0x8: {  	s4 =	sshll.u32 s0, $0x4;
	s8 =	smul.u32 $0xA0000, s0;
	s0 =	ssub.s32 $0x2, s0  }
0x9: {  	s13 =	sor.u32 $0x1C05, s31;
	s5 =	sor.u32 s11, s4;
	s4 =	simm.s32 $0x0  }
0xa: {  	s6 =	sshrl.u32 s7, $0x4;
	s26 =	sshrl.u32 s7, $0x3;
	s29 =	sshrl.u32 s0, $0x1  }
0xb: {  	s14 =	sadd.s32 s7, s2;
	s30 =	sshrl.u32 s7, $0x1;
	s11 =	simm.s32 $0x5  }
0xc: {  	s5 =	smul.u32 $0x9E0, s5;
	[smem:$0x7FF] =	sst s4;
	s9 =	sadd.s32 s6, s1  }
0xd: {  	s8 =	sadd.s32 s7, s8;
	s10 =	sadd.s32 s26, s1;
	s0 =	ssub.s32 s0, s29  }
.Ltmp0:
0xe: {  	s15 =	sadd.s32 s30, s3;
	s14 =	sshrl.u32 s14, $0x3;
	(pc) =	sbr.rel .LBB2_1-.Ltmp0, $4  }
0xf: {  	_ =	strace $0x8000004A;
	s28 =	sshrl.u32 s8, $0x3;
	s7 =	sadd.s32 $0x8AE00, s10  }
0x10: {  	s8 =	sadd.s32 $0x18200, s9;
	s10 =	smax.u32 s0, $0x1;
	s25 =	sadd.s32 s5, s1  }
0x11: {  	s15 =	sshrl.u32 s15, $0x3;
	s1 =	sadd.s32 s28, s1;
	s5 =	sadd.s32 $0x27200, s25  }
0x12: {  	s6 =	sadd.s32 $0x4600, s25;
	s9 =	sadd.s32 $0x9EE00, s1;
	s25 =	simm.s32 $0x0  }
.LBB2_8:
0x13: {  	[spmem:s2] =	stream.indirect.scatter.add.f32 [tilespmem:s22], [sflag:$0x4], $0x40, s0, s16, $0xb8;
	[tilespmem:$0x1EE00] =	vst v63  }
0x14: {  	_ =	swait.ge [sflag:s23], $0x2000  }
0x15: {  	[sflag:s23] =	ssyncset.done $0x0  }
0x16: {  	[sflag:s23] =	ssyncadd.s32 $0xFFFFE000  }
0x17: {  	_ =	swait.ge [sflag:s24], $0x2000  }
0x18: {  	s25 =	sadd.s32 $0x1, s25;
	[sflag:s24] =	ssyncset.done $0x0  }
0x19: {  	p0 =	sne.s32 s25, s10;
	[sflag:s24] =	ssyncadd.s32 $0xFFFFE000  }
.Ltmp1:
0x1a: {  	[bflag:$0x0] =	sbarrier.arrive $0xFFFF;
	(pc) =	sbr.rel @!p0 .LBB2_9-.Ltmp1, $4  }
0x1b: {  	[hbm:s9], [sflag:s13] =	dma.local [spmem:s14], $0x1400  }
0x1c: {  	_ =	swait.ge [sflag:s11], $0x1400  }
0x1d: {  	[sflag:s11] =	ssyncset.done $0x0  }
0x1e: {  	[sflag:s11] =	ssyncadd.s32 $0xFFFFEC00  }
.LBB2_1:
0x1f: {  	[tilespmem:s4], [sflag:$0x5] =	stream.linear.gather [hbm4b:s5+s4], $0x4F00, $0x38;
	[tilespmem:$0x1EE00] =	vst v63  }
0x20: {  	_ =	swait.ge [sflag:s11], $0x4F00  }
0x21: {  	[sflag:s11] =	ssyncset.done $0x0  }
0x22: {  	[sflag:s11] =	ssyncadd.s32 $0xFFFFB100  }
0x23: {  	[tilespmem:s12], [sflag:$0x5] =	stream.linear.gather [hbm4b:s6+s4], $0x4F00, $0x38;
	[tilespmem:$0x1EE00] =	vst v63  }
0x24: {  	_ =	swait.ge [sflag:s11], $0x4F00  }
0x25: {  	[sflag:s11] =	ssyncset.done $0x0  }
0x26: {  	[sflag:s11] =	ssyncadd.s32 $0xFFFFB100  }
0x27: {  	[spmem:s14], [sflag:s13] =	dma.local [hbm:s7], $0x1400  }
0x28: {  	_ =	swait.ge [sflag:s11], $0x1400  }
0x29: {  	[sflag:s11] =	ssyncset.done $0x0  }
0x2a: {  	[sflag:s11] =	ssyncadd.s32 $0xFFFFEC00  }
0x2b: {  	[spmem:s15], [sflag:s13] =	dma.local [hbm:s8], $0xA00  }
0x2c: {  	_ =	swait.ge [sflag:s11], $0xA00  }
0x2d: {  	[sflag:s11] =	ssyncset.done $0x0  }
0x2e: {  	[sflag:s11] =	ssyncadd.s32 $0xFFFFF600  }
0x2f: {  	[bflag:$0x0] =	sbarrier.arrive $0xFFFF  }
0x30: {  	[tilespmem:s17], [sflag:$0x1] =	stream.indirect.gather [spmem:s3], $0x20, s4, s16, $0xb8;
	[tilespmem:$0x1EE00] =	vst v63  }
0x31: {  	s26 =	simm.s32 $0x0  }
0x32: {  	[tilespmem:s18], [sflag:$0x2] =	stream.indirect.gather [spmem:s3], $0x20, s16, s16, $0xb8;
	[tilespmem:$0x1EE00] =	vst v63  }
.LBB2_2:
0x33: {  	_ =	swait.ge [sflag:s19], $0x1000  }
0x34: {  	p0 =	seq.s32 s26, $0x0;
	[sflag:s19] =	ssyncset.done $0x0  }
0x35: {  	s0 =	simm.s32 @!p0 $0x3;
	[sflag:s19] =	ssyncadd.s32 $0xFFFFF000  }
0x36: {  	_ =	swait.ge @!p0 [sflag:s0], $0x2000  }
0x37: {  	[sflag:s0] =	ssyncset.done @!p0 $0x0  }
0x38: {  	s29 =	simm.s32 $0x9E80;
	[sflag:s0] =	ssyncadd.s32 @!p0 $0xFFFFE000  }
0x39: {  	v0 =	vld [tilespmem:s29+$0xFFFFFF80];
	_ =	sdelay $0x4  }
0x3a: {  	s28 =	simm.s32 $0xBF00;
	v1 =	vunpack.i.l.bf16.f32 v0  }
0x3b: {  	v0 =	vunpack.i.u.bf16.f32 v0;
	[tilespmem:s28+$0xFFFFFF00] =	vst v1  }
0x3c: {  	[tilespmem:s28+$0xFFFFFF10] =	vst v0  }
0x3d: {  	v0 =	vld [tilespmem:s29+$0xFFFFFF90];
	_ =	sdelay $0x4  }
0x3e: {  	v1 =	vunpack.i.l.bf16.f32 v0  }
0x3f: {  	v0 =	vunpack.i.u.bf16.f32 v0;
	[tilespmem:s28+$0xFFFFFF20] =	vst v1  }
0x40: {  	[tilespmem:s28+$0xFFFFFF30] =	vst v0  }
0x41: {  	v0 =	vld [tilespmem:s29+$0xFFFFFFA0];
	_ =	sdelay $0x4  }
0x42: {  	v1 =	vunpack.i.l.bf16.f32 v0  }
0x43: {  	v0 =	vunpack.i.u.bf16.f32 v0;
	[tilespmem:s28+$0xFFFFFF40] =	vst v1  }
0x44: {  	[tilespmem:s28+$0xFFFFFF50] =	vst v0  }
0x45: {  	v0 =	vld [tilespmem:s29+$0xFFFFFFB0];
	_ =	sdelay $0x4  }
0x46: {  	v1 =	vunpack.i.l.bf16.f32 v0  }
0x47: {  	v0 =	vunpack.i.u.bf16.f32 v0;
	[tilespmem:s28+$0xFFFFFF60] =	vst v1  }
0x48: {  	[tilespmem:s28+$0xFFFFFF70] =	vst v0  }
0x49: {  	v0 =	vld [tilespmem:s29+$0xFFFFFFC0];
	_ =	sdelay $0x4  }
0x4a: {  	v1 =	vunpack.i.l.bf16.f32 v0  }
0x4b: {  	v0 =	vunpack.i.u.bf16.f32 v0;
	[tilespmem:s28+$0xFFFFFF80] =	vst v1  }
0x4c: {  	[tilespmem:s28+$0xFFFFFF90] =	vst v0  }
0x4d: {  	v0 =	vld [tilespmem:s29+$0xFFFFFFD0];
	_ =	sdelay $0x4  }
0x4e: {  	v1 =	vunpack.i.l.bf16.f32 v0  }
0x4f: {  	v0 =	vunpack.i.u.bf16.f32 v0;
	[tilespmem:s28+$0xFFFFFFA0] =	vst v1  }
0x50: {  	[tilespmem:s28+$0xFFFFFFB0] =	vst v0  }
0x51: {  	v0 =	vld [tilespmem:s29+$0xFFFFFFE0];
	_ =	sdelay $0x4  }
0x52: {  	v1 =	vunpack.i.l.bf16.f32 v0  }
0x53: {  	v0 =	vunpack.i.u.bf16.f32 v0;
	[tilespmem:s28+$0xFFFFFFC0] =	vst v1  }
0x54: {  	[tilespmem:s28+$0xFFFFFFD0] =	vst v0  }
0x55: {  	v0 =	vld [tilespmem:s29+$0xFFFFFFF0];
	_ =	sdelay $0x4  }
0x56: {  	v1 =	vunpack.i.l.bf16.f32 v0  }
0x57: {  	v0 =	vunpack.i.u.bf16.f32 v0;
	[tilespmem:s28+$0xFFFFFFE0] =	vst v1  }
0x58: {  	[tilespmem:s28+$0xFFFFFFF0] =	vst v0  }
0x59: {  	v0 =	vld [tilespmem:s29+$0x0];
	_ =	sdelay $0x4  }
0x5a: {  	v1 =	vunpack.i.l.bf16.f32 v0  }
0x5b: {  	v0 =	vunpack.i.u.bf16.f32 v0;
	[tilespmem:s28+$0x0] =	vst v1  }
0x5c: {  	[tilespmem:s28+$0x10] =	vst v0  }
0x5d: {  	v0 =	vld [tilespmem:s29+$0x10];
	_ =	sdelay $0x4  }
0x5e: {  	v1 =	vunpack.i.l.bf16.f32 v0  }
0x5f: {  	v0 =	vunpack.i.u.bf16.f32 v0;
	[tilespmem:s28+$0x20] =	vst v1  }
0x60: {  	[tilespmem:s28+$0x30] =	vst v0  }
0x61: {  	v0 =	vld [tilespmem:s29+$0x20];
	_ =	sdelay $0x4  }
0x62: {  	v1 =	vunpack.i.l.bf16.f32 v0  }
0x63: {  	v0 =	vunpack.i.u.bf16.f32 v0;
	[tilespmem:s28+$0x40] =	vst v1  }
0x64: {  	[tilespmem:s28+$0x50] =	vst v0  }
0x65: {  	v0 =	vld [tilespmem:s29+$0x30];
	_ =	sdelay $0x4  }
0x66: {  	v1 =	vunpack.i.l.bf16.f32 v0  }
0x67: {  	v0 =	vunpack.i.u.bf16.f32 v0;
	[tilespmem:s28+$0x60] =	vst v1  }
0x68: {  	[tilespmem:s28+$0x70] =	vst v0  }
0x69: {  	v0 =	vld [tilespmem:s29+$0x40];
	_ =	sdelay $0x4  }
0x6a: {  	v1 =	vunpack.i.l.bf16.f32 v0  }
0x6b: {  	v0 =	vunpack.i.u.bf16.f32 v0;
	[tilespmem:s28+$0x80] =	vst v1  }
0x6c: {  	[tilespmem:s28+$0x90] =	vst v0  }
0x6d: {  	v0 =	vld [tilespmem:s29+$0x50];
	_ =	sdelay $0x4  }
0x6e: {  	s30 =	sshll.u32 s26, $0xA;
	v1 =	vunpack.i.l.bf16.f32 v0  }
0x6f: {  	s1 =	simm.s32 $0x0;
	s31 =	simm.s32 $0x9E80;
	s0 =	simm.s32 $0xBF00;
	v0 =	vunpack.i.u.bf16.f32 v0;
	[tilespmem:s28+$0xA0] =	vst v1  }
.LBB2_3:
0x70: {  	s1 =	sadd.s32 $0x8, s1;
	[tilespmem:s28+$0xB0] =	vst v0;
	s0 =	sadd.s32 $0x200, s0;
	s29 =	sadd.s32 $0x100, s29  }
0x71: {  	p1 =	slt.u32 s1, $0x78;
	v0 =	vld [tilespmem:s31+$0x60];
	_ =	sdelay $0x4  }
0x72: {  	v1 =	vunpack.i.u.bf16.f32 v0;
	v0 =	vunpack.i.l.bf16.f32 v0  }
0x73: {  	[tilespmem:s28+$0xC0] =	vst v0  }
0x74: {  	[tilespmem:s28+$0xD0] =	vst v1  }
0x75: {  	v0 =	vld [tilespmem:s31+$0x70];
	s31 =	smov.u32 s29;
	_ =	sdelay $0x4  }
0x76: {  	v1 =	vunpack.i.u.bf16.f32 v0;
	v0 =	vunpack.i.l.bf16.f32 v0  }
0x77: {  	[tilespmem:s28+$0xE0] =	vst v0  }
0x78: {  	[tilespmem:s28+$0xF0] =	vst v1;
	s28 =	smov.u32 s0  }
0x79: {  	v0 =	vld [tilespmem:s29+$0xFFFFFF80];
	_ =	sdelay $0x4  }
0x7a: {  	v1 =	vunpack.i.u.bf16.f32 v0;
	v0 =	vunpack.i.l.bf16.f32 v0  }
0x7b: {  	[tilespmem:s0+$0xFFFFFF00] =	vst v0  }
0x7c: {  	[tilespmem:s0+$0xFFFFFF10] =	vst v1  }
0x7d: {  	v0 =	vld [tilespmem:s29+$0xFFFFFF90];
	_ =	sdelay $0x4  }
0x7e: {  	v1 =	vunpack.i.u.bf16.f32 v0;
	v0 =	vunpack.i.l.bf16.f32 v0  }
0x7f: {  	[tilespmem:s0+$0xFFFFFF20] =	vst v0  }
0x80: {  	[tilespmem:s0+$0xFFFFFF30] =	vst v1  }
0x81: {  	v0 =	vld [tilespmem:s29+$0xFFFFFFA0];
	_ =	sdelay $0x4  }
0x82: {  	v1 =	vunpack.i.u.bf16.f32 v0;
	v0 =	vunpack.i.l.bf16.f32 v0  }
0x83: {  	[tilespmem:s0+$0xFFFFFF40] =	vst v0  }
0x84: {  	[tilespmem:s0+$0xFFFFFF50] =	vst v1  }
0x85: {  	v0 =	vld [tilespmem:s29+$0xFFFFFFB0];
	_ =	sdelay $0x4  }
0x86: {  	v1 =	vunpack.i.u.bf16.f32 v0;
	v0 =	vunpack.i.l.bf16.f32 v0  }
0x87: {  	[tilespmem:s0+$0xFFFFFF60] =	vst v0  }
0x88: {  	[tilespmem:s0+$0xFFFFFF70] =	vst v1  }
0x89: {  	v0 =	vld [tilespmem:s29+$0xFFFFFFC0];
	_ =	sdelay $0x4  }
0x8a: {  	v1 =	vunpack.i.u.bf16.f32 v0;
	v0 =	vunpack.i.l.bf16.f32 v0  }
0x8b: {  	[tilespmem:s0+$0xFFFFFF80] =	vst v0  }
0x8c: {  	[tilespmem:s0+$0xFFFFFF90] =	vst v1  }
0x8d: {  	v0 =	vld [tilespmem:s29+$0xFFFFFFD0];
	_ =	sdelay $0x4  }
0x8e: {  	v1 =	vunpack.i.u.bf16.f32 v0;
	v0 =	vunpack.i.l.bf16.f32 v0  }
0x8f: {  	[tilespmem:s0+$0xFFFFFFA0] =	vst v0  }
0x90: {  	[tilespmem:s0+$0xFFFFFFB0] =	vst v1  }
0x91: {  	v0 =	vld [tilespmem:s29+$0xFFFFFFE0];
	_ =	sdelay $0x4  }
0x92: {  	v1 =	vunpack.i.u.bf16.f32 v0;
	v0 =	vunpack.i.l.bf16.f32 v0  }
0x93: {  	[tilespmem:s0+$0xFFFFFFC0] =	vst v0  }
0x94: {  	[tilespmem:s0+$0xFFFFFFD0] =	vst v1  }
0x95: {  	v0 =	vld [tilespmem:s29+$0xFFFFFFF0];
	_ =	sdelay $0x4  }
0x96: {  	v1 =	vunpack.i.u.bf16.f32 v0;
	v0 =	vunpack.i.l.bf16.f32 v0  }
0x97: {  	[tilespmem:s0+$0xFFFFFFE0] =	vst v0  }
0x98: {  	[tilespmem:s0+$0xFFFFFFF0] =	vst v1  }
0x99: {  	v0 =	vld [tilespmem:s29+$0x0];
	_ =	sdelay $0x4  }
0x9a: {  	v1 =	vunpack.i.u.bf16.f32 v0;
	v0 =	vunpack.i.l.bf16.f32 v0  }
0x9b: {  	[tilespmem:s0+$0x0] =	vst v0  }
0x9c: {  	[tilespmem:s0+$0x10] =	vst v1  }
0x9d: {  	v0 =	vld [tilespmem:s29+$0x10];
	_ =	sdelay $0x4  }
0x9e: {  	v1 =	vunpack.i.u.bf16.f32 v0;
	v0 =	vunpack.i.l.bf16.f32 v0  }
0x9f: {  	[tilespmem:s0+$0x20] =	vst v0  }
0xa0: {  	[tilespmem:s0+$0x30] =	vst v1  }
0xa1: {  	v0 =	vld [tilespmem:s29+$0x20];
	_ =	sdelay $0x4  }
0xa2: {  	v1 =	vunpack.i.u.bf16.f32 v0;
	v0 =	vunpack.i.l.bf16.f32 v0  }
0xa3: {  	[tilespmem:s0+$0x40] =	vst v0  }
0xa4: {  	[tilespmem:s0+$0x50] =	vst v1  }
0xa5: {  	v0 =	vld [tilespmem:s29+$0x30];
	_ =	sdelay $0x4  }
0xa6: {  	v1 =	vunpack.i.u.bf16.f32 v0;
	v0 =	vunpack.i.l.bf16.f32 v0  }
0xa7: {  	[tilespmem:s0+$0x60] =	vst v0  }
0xa8: {  	[tilespmem:s0+$0x70] =	vst v1  }
0xa9: {  	v0 =	vld [tilespmem:s29+$0x40];
	_ =	sdelay $0x4  }
0xaa: {  	v1 =	vunpack.i.u.bf16.f32 v0;
	v0 =	vunpack.i.l.bf16.f32 v0  }
0xab: {  	[tilespmem:s0+$0x80] =	vst v0  }
0xac: {  	[tilespmem:s0+$0x90] =	vst v1  }
0xad: {  	v1 =	vld [tilespmem:s29+$0x50];
	_ =	sdelay $0x1  }
.Ltmp2:
0xae: {  	(pc) =	sbr.rel @p1 .LBB2_3-.Ltmp2, $3  }
0xaf: {  	_ =	sdelay $0x1  }
0xb0: {  	v0 =	vunpack.i.u.bf16.f32 v1;
	v1 =	vunpack.i.l.bf16.f32 v1  }
0xb1: {  	[tilespmem:s0+$0xA0] =	vst v1  }
0xb2: {  	[tilespmem:s28+$0xB0] =	vst v0  }
0xb3: {  	v0 =	vld [tilespmem:s31+$0x60];
	_ =	sdelay $0x4  }
0xb4: {  	v1 =	vunpack.i.l.bf16.f32 v0  }
0xb5: {  	v0 =	vunpack.i.u.bf16.f32 v0;
	[tilespmem:s28+$0xC0] =	vst v1  }
0xb6: {  	[tilespmem:s28+$0xD0] =	vst v0  }
0xb7: {  	v0 =	vld [tilespmem:s31+$0x70];
	_ =	sdelay $0x4  }
0xb8: {  	p1 =	seq.s32 s26, $0x4E;
	v1 =	vunpack.i.l.bf16.f32 v0  }
0xb9: {  	s0 =	sshrl.u32 @!p1 s30, $0x2;
	v0 =	vunpack.i.u.bf16.f32 v0;
	[tilespmem:s28+$0xE0] =	vst v1  }
0xba: {  	s1 =	simm.s32 @!p1 $0x80;
	s0 =	sadd.s32 @!p1 $0x100, s0;
	[tilespmem:s28+$0xF0] =	vst v0;
	s28 =	simm.s32 @!p1 $0x9E00  }
0xbb: {  	[tilespmem:s28], [sflag:$0x1] =	stream.indirect.gather @!p1 [spmem:s3], $0x20, s0, s1, $0xb8;
	[tilespmem:$0x1EE00] =	vst v63  }
0xbc: {  	s28 =	sshrl.u32 s30, $0x2  }
0xbd: {  	s1 =	sadd.s32 $0x4F00, s28  }
0xbe: {  	[spmem:s2] =	stream.indirect.scatter.add.f32 [tilespmem:s20], [sflag:$0x3], $0x40, s1, s16, $0xb8;
	[tilespmem:$0x1EE00] =	vst v63  }
0xbf: {  	_ =	swait.ge [sflag:s21], $0x1000  }
0xc0: {  	[sflag:s21] =	ssyncset.done $0x0  }
0xc1: {  	s0 =	simm.s32 @!p0 $0x4;
	[sflag:s21] =	ssyncadd.s32 $0xFFFFF000  }
0xc2: {  	_ =	swait.ge @!p0 [sflag:s0], $0x2000  }
0xc3: {  	[sflag:s0] =	ssyncset.done @!p0 $0x0  }
0xc4: {  	s30 =	simm.s32 $0xAE80;
	[sflag:s0] =	ssyncadd.s32 @!p0 $0xFFFFE000  }
0xc5: {  	v0 =	vld [tilespmem:s30+$0xFFFFFF80];
	_ =	sdelay $0x4  }
0xc6: {  	s29 =	simm.s32 $0xDF00;
	v1 =	vunpack.i.l.bf16.f32 v0  }
0xc7: {  	v0 =	vunpack.i.u.bf16.f32 v0;
	[tilespmem:s29+$0xFFFFFF00] =	vst v1  }
0xc8: {  	[tilespmem:s29+$0xFFFFFF10] =	vst v0  }
0xc9: {  	v0 =	vld [tilespmem:s30+$0xFFFFFF90];
	_ =	sdelay $0x4  }
0xca: {  	v1 =	vunpack.i.l.bf16.f32 v0  }
0xcb: {  	v0 =	vunpack.i.u.bf16.f32 v0;
	[tilespmem:s29+$0xFFFFFF20] =	vst v1  }
0xcc: {  	[tilespmem:s29+$0xFFFFFF30] =	vst v0  }
0xcd: {  	v0 =	vld [tilespmem:s30+$0xFFFFFFA0];
	_ =	sdelay $0x4  }
0xce: {  	v1 =	vunpack.i.l.bf16.f32 v0  }
0xcf: {  	v0 =	vunpack.i.u.bf16.f32 v0;
	[tilespmem:s29+$0xFFFFFF40] =	vst v1  }
0xd0: {  	[tilespmem:s29+$0xFFFFFF50] =	vst v0  }
0xd1: {  	v0 =	vld [tilespmem:s30+$0xFFFFFFB0];
	_ =	sdelay $0x4  }
0xd2: {  	v1 =	vunpack.i.l.bf16.f32 v0  }
0xd3: {  	v0 =	vunpack.i.u.bf16.f32 v0;
	[tilespmem:s29+$0xFFFFFF60] =	vst v1  }
0xd4: {  	[tilespmem:s29+$0xFFFFFF70] =	vst v0  }
0xd5: {  	v0 =	vld [tilespmem:s30+$0xFFFFFFC0];
	_ =	sdelay $0x4  }
0xd6: {  	v1 =	vunpack.i.l.bf16.f32 v0  }
0xd7: {  	v0 =	vunpack.i.u.bf16.f32 v0;
	[tilespmem:s29+$0xFFFFFF80] =	vst v1  }
0xd8: {  	[tilespmem:s29+$0xFFFFFF90] =	vst v0  }
0xd9: {  	v0 =	vld [tilespmem:s30+$0xFFFFFFD0];
	_ =	sdelay $0x4  }
0xda: {  	v1 =	vunpack.i.l.bf16.f32 v0  }
0xdb: {  	v0 =	vunpack.i.u.bf16.f32 v0;
	[tilespmem:s29+$0xFFFFFFA0] =	vst v1  }
0xdc: {  	[tilespmem:s29+$0xFFFFFFB0] =	vst v0  }
0xdd: {  	v0 =	vld [tilespmem:s30+$0xFFFFFFE0];
	_ =	sdelay $0x4  }
0xde: {  	v1 =	vunpack.i.l.bf16.f32 v0  }
0xdf: {  	v0 =	vunpack.i.u.bf16.f32 v0;
	[tilespmem:s29+$0xFFFFFFC0] =	vst v1  }
0xe0: {  	[tilespmem:s29+$0xFFFFFFD0] =	vst v0  }
0xe1: {  	v0 =	vld [tilespmem:s30+$0xFFFFFFF0];
	_ =	sdelay $0x4  }
0xe2: {  	v1 =	vunpack.i.l.bf16.f32 v0  }
0xe3: {  	v0 =	vunpack.i.u.bf16.f32 v0;
	[tilespmem:s29+$0xFFFFFFE0] =	vst v1  }
0xe4: {  	[tilespmem:s29+$0xFFFFFFF0] =	vst v0  }
0xe5: {  	v0 =	vld [tilespmem:s30+$0x0];
	_ =	sdelay $0x4  }
0xe6: {  	v1 =	vunpack.i.l.bf16.f32 v0  }
0xe7: {  	v0 =	vunpack.i.u.bf16.f32 v0;
	[tilespmem:s29+$0x0] =	vst v1  }
0xe8: {  	[tilespmem:s29+$0x10] =	vst v0  }
0xe9: {  	v0 =	vld [tilespmem:s30+$0x10];
	_ =	sdelay $0x4  }
0xea: {  	v1 =	vunpack.i.l.bf16.f32 v0  }
0xeb: {  	v0 =	vunpack.i.u.bf16.f32 v0;
	[tilespmem:s29+$0x20] =	vst v1  }
0xec: {  	[tilespmem:s29+$0x30] =	vst v0  }
0xed: {  	v0 =	vld [tilespmem:s30+$0x20];
	_ =	sdelay $0x4  }
0xee: {  	v1 =	vunpack.i.l.bf16.f32 v0  }
0xef: {  	v0 =	vunpack.i.u.bf16.f32 v0;
	[tilespmem:s29+$0x40] =	vst v1  }
0xf0: {  	[tilespmem:s29+$0x50] =	vst v0  }
0xf1: {  	v0 =	vld [tilespmem:s30+$0x30];
	_ =	sdelay $0x4  }
0xf2: {  	v1 =	vunpack.i.l.bf16.f32 v0  }
0xf3: {  	v0 =	vunpack.i.u.bf16.f32 v0;
	[tilespmem:s29+$0x60] =	vst v1  }
0xf4: {  	[tilespmem:s29+$0x70] =	vst v0  }
0xf5: {  	v0 =	vld [tilespmem:s30+$0x40];
	_ =	sdelay $0x4  }
0xf6: {  	v1 =	vunpack.i.l.bf16.f32 v0  }
0xf7: {  	v0 =	vunpack.i.u.bf16.f32 v0;
	[tilespmem:s29+$0x80] =	vst v1  }
0xf8: {  	[tilespmem:s29+$0x90] =	vst v0  }
0xf9: {  	v0 =	vld [tilespmem:s30+$0x50];
	_ =	sdelay $0x4  }
0xfa: {  	v1 =	vunpack.i.l.bf16.f32 v0  }
0xfb: {  	s31 =	simm.s32 $0xAE80;
	s1 =	simm.s32 $0x0;
	s0 =	simm.s32 $0xDF00;
	v0 =	vunpack.i.u.bf16.f32 v0;
	[tilespmem:s29+$0xA0] =	vst v1  }
.LBB2_5:
0xfc: {  	s1 =	sadd.s32 $0x8, s1;
	[tilespmem:s29+$0xB0] =	vst v0;
	s0 =	sadd.s32 $0x200, s0;
	s30 =	sadd.s32 $0x100, s30  }
0xfd: {  	p0 =	slt.u32 s1, $0x78;
	v0 =	vld [tilespmem:s31+$0x60];
	_ =	sdelay $0x4  }
0xfe: {  	v1 =	vunpack.i.u.bf16.f32 v0;
	v0 =	vunpack.i.l.bf16.f32 v0  }
0xff: {  	[tilespmem:s29+$0xC0] =	vst v0  }
0x100: {  	[tilespmem:s29+$0xD0] =	vst v1  }
0x101: {  	v0 =	vld [tilespmem:s31+$0x70];
	s31 =	smov.u32 s30;
	_ =	sdelay $0x4  }
0x102: {  	v1 =	vunpack.i.u.bf16.f32 v0;
	v0 =	vunpack.i.l.bf16.f32 v0  }
0x103: {  	[tilespmem:s29+$0xE0] =	vst v0  }
0x104: {  	[tilespmem:s29+$0xF0] =	vst v1;
	s29 =	smov.u32 s0  }
0x105: {  	v0 =	vld [tilespmem:s30+$0xFFFFFF80];
	_ =	sdelay $0x4  }
0x106: {  	v1 =	vunpack.i.u.bf16.f32 v0;
	v0 =	vunpack.i.l.bf16.f32 v0  }
0x107: {  	[tilespmem:s0+$0xFFFFFF00] =	vst v0  }
0x108: {  	[tilespmem:s0+$0xFFFFFF10] =	vst v1  }
0x109: {  	v0 =	vld [tilespmem:s30+$0xFFFFFF90];
	_ =	sdelay $0x4  }
0x10a: {  	v1 =	vunpack.i.u.bf16.f32 v0;
	v0 =	vunpack.i.l.bf16.f32 v0  }
0x10b: {  	[tilespmem:s0+$0xFFFFFF20] =	vst v0  }
0x10c: {  	[tilespmem:s0+$0xFFFFFF30] =	vst v1  }
0x10d: {  	v0 =	vld [tilespmem:s30+$0xFFFFFFA0];
	_ =	sdelay $0x4  }
0x10e: {  	v1 =	vunpack.i.u.bf16.f32 v0;
	v0 =	vunpack.i.l.bf16.f32 v0  }
0x10f: {  	[tilespmem:s0+$0xFFFFFF40] =	vst v0  }
0x110: {  	[tilespmem:s0+$0xFFFFFF50] =	vst v1  }
0x111: {  	v0 =	vld [tilespmem:s30+$0xFFFFFFB0];
	_ =	sdelay $0x4  }
0x112: {  	v1 =	vunpack.i.u.bf16.f32 v0;
	v0 =	vunpack.i.l.bf16.f32 v0  }
0x113: {  	[tilespmem:s0+$0xFFFFFF60] =	vst v0  }
0x114: {  	[tilespmem:s0+$0xFFFFFF70] =	vst v1  }
0x115: {  	v0 =	vld [tilespmem:s30+$0xFFFFFFC0];
	_ =	sdelay $0x4  }
0x116: {  	v1 =	vunpack.i.u.bf16.f32 v0;
	v0 =	vunpack.i.l.bf16.f32 v0  }
0x117: {  	[tilespmem:s0+$0xFFFFFF80] =	vst v0  }
0x118: {  	[tilespmem:s0+$0xFFFFFF90] =	vst v1  }
0x119: {  	v0 =	vld [tilespmem:s30+$0xFFFFFFD0];
	_ =	sdelay $0x4  }
0x11a: {  	v1 =	vunpack.i.u.bf16.f32 v0;
	v0 =	vunpack.i.l.bf16.f32 v0  }
0x11b: {  	[tilespmem:s0+$0xFFFFFFA0] =	vst v0  }
0x11c: {  	[tilespmem:s0+$0xFFFFFFB0] =	vst v1  }
0x11d: {  	v0 =	vld [tilespmem:s30+$0xFFFFFFE0];
	_ =	sdelay $0x4  }
0x11e: {  	v1 =	vunpack.i.u.bf16.f32 v0;
	v0 =	vunpack.i.l.bf16.f32 v0  }
0x11f: {  	[tilespmem:s0+$0xFFFFFFC0] =	vst v0  }
0x120: {  	[tilespmem:s0+$0xFFFFFFD0] =	vst v1  }
0x121: {  	v0 =	vld [tilespmem:s30+$0xFFFFFFF0];
	_ =	sdelay $0x4  }
0x122: {  	v1 =	vunpack.i.u.bf16.f32 v0;
	v0 =	vunpack.i.l.bf16.f32 v0  }
0x123: {  	[tilespmem:s0+$0xFFFFFFE0] =	vst v0  }
0x124: {  	[tilespmem:s0+$0xFFFFFFF0] =	vst v1  }
0x125: {  	v0 =	vld [tilespmem:s30+$0x0];
	_ =	sdelay $0x4  }
0x126: {  	v1 =	vunpack.i.u.bf16.f32 v0;
	v0 =	vunpack.i.l.bf16.f32 v0  }
0x127: {  	[tilespmem:s0+$0x0] =	vst v0  }
0x128: {  	[tilespmem:s0+$0x10] =	vst v1  }
0x129: {  	v0 =	vld [tilespmem:s30+$0x10];
	_ =	sdelay $0x4  }
0x12a: {  	v1 =	vunpack.i.u.bf16.f32 v0;
	v0 =	vunpack.i.l.bf16.f32 v0  }
0x12b: {  	[tilespmem:s0+$0x20] =	vst v0  }
0x12c: {  	[tilespmem:s0+$0x30] =	vst v1  }
0x12d: {  	v0 =	vld [tilespmem:s30+$0x20];
	_ =	sdelay $0x4  }
0x12e: {  	v1 =	vunpack.i.u.bf16.f32 v0;
	v0 =	vunpack.i.l.bf16.f32 v0  }
0x12f: {  	[tilespmem:s0+$0x40] =	vst v0  }
0x130: {  	[tilespmem:s0+$0x50] =	vst v1  }
0x131: {  	v0 =	vld [tilespmem:s30+$0x30];
	_ =	sdelay $0x4  }
0x132: {  	v1 =	vunpack.i.u.bf16.f32 v0;
	v0 =	vunpack.i.l.bf16.f32 v0  }
0x133: {  	[tilespmem:s0+$0x60] =	vst v0  }
0x134: {  	[tilespmem:s0+$0x70] =	vst v1  }
0x135: {  	v0 =	vld [tilespmem:s30+$0x40];
	_ =	sdelay $0x4  }
0x136: {  	v1 =	vunpack.i.u.bf16.f32 v0;
	v0 =	vunpack.i.l.bf16.f32 v0  }
0x137: {  	[tilespmem:s0+$0x80] =	vst v0  }
0x138: {  	[tilespmem:s0+$0x90] =	vst v1  }
0x139: {  	v1 =	vld [tilespmem:s30+$0x50];
	_ =	sdelay $0x1  }
.Ltmp3:
0x13a: {  	(pc) =	sbr.rel @p0 .LBB2_5-.Ltmp3, $3  }
0x13b: {  	_ =	sdelay $0x1  }
0x13c: {  	v0 =	vunpack.i.u.bf16.f32 v1;
	v1 =	vunpack.i.l.bf16.f32 v1  }
0x13d: {  	[tilespmem:s0+$0xA0] =	vst v1  }
0x13e: {  	[tilespmem:s29+$0xB0] =	vst v0  }
0x13f: {  	v0 =	vld [tilespmem:s31+$0x60];
	_ =	sdelay $0x4  }
0x140: {  	v1 =	vunpack.i.l.bf16.f32 v0  }
0x141: {  	v0 =	vunpack.i.u.bf16.f32 v0;
	[tilespmem:s29+$0xC0] =	vst v1  }
0x142: {  	[tilespmem:s29+$0xD0] =	vst v0  }
0x143: {  	v0 =	vld [tilespmem:s31+$0x70];
	_ =	sdelay $0x2  }
.Ltmp4:
0x144: {  	_ = 	snop;
	(pc) =	sbr.rel @p1 .LBB2_8-.Ltmp4, $4  }
0x145: {  	_ = 	snop  }
0x146: {  	v63 =	vunpack.i.l.bf16.f32 v0  }
0x147: {  	v0 =	vunpack.i.u.bf16.f32 v0;
	[tilespmem:s29+$0xE0] =	vst v63  }
0x148: {  	s0 =	sadd.s32 $0x4F80, s28;
	[tilespmem:s29+$0xF0] =	vst v0  }
.Ltmp5:
0x149: {  	(pc) =	sbr.rel .LBB2_2-.Ltmp5, $4  }
0x14a: {  	s1 =	sadd.s32 $0x180, s28  }
0x14b: {  	[tilespmem:s18], [sflag:$0x2] =	stream.indirect.gather [spmem:s3], $0x20, s1, s16, $0xb8;
	[tilespmem:$0x1EE00] =	vst v63  }
0x14c: {  	s26 =	sadd.s32 $0x1, s26  }
0x14d: {  	[spmem:s2] =	stream.indirect.scatter.add.f32 [tilespmem:s22], [sflag:$0x4], $0x40, s0, s16, $0xb8;
	[tilespmem:$0x1EE00] =	vst v63  }
.LBB2_9:
0x14e: {  	_ =	sfence.sel $0x180000  }
0x14f: {  	[bflag:$0x0] =	sbarrier.arrive $0xFFFF  }
0x150: {  	_ =	strace $0x9000004A  }
0x151: {  	s0 =	stileid.u32;
	[bflag:$0x2] =	sbarrier.arrive $0xFFFF  }
0x152: {  	p0 =	sne.s32 s0, $0x0;
	s0 =	rddreg [dreg:$0x3]  }
0x153: {  	s0 =	sadd.s32 @!p0 $0x100000, s0  }
0x154: {  	[sflag:s0] =	ssyncadd.tile.s32 @!p0 $0x1;
	_ =	shalt  }
.Lfunc_end2:
_tile_overlayer_lowered:
.L_overlay_start_2:
0x155: {  	(tag) =	ssettag $0x2  }
0x156: {  	s0 =	rddreg [dreg:$0x0];
	s2 =	stileid.u32  }
0x157: {  	s1 =	rddreg [dreg:$0x1];
	p0 =	sne.s32 s2, $0x0  }
0x158: {  	s3 =	rddreg [dreg:$0x2];
	[bflag:$0x3] =	sbarrier.arrive $0xFFFF;
	s2 =	simm.s32 @!p0 $0x1C05  }
0x159: {  	[timem:s3], [sflag:s2] =	dma.local @!p0 [hbm:s0], s1  }
0x15a: {  	s0 =	simm.s32 @!p0 $0x5  }
0x15b: {  	_ =	swait.ge @!p0 [sflag:s0], s1  }
0x15c: {  	s1 =	ssub.s32 @!p0 $0x0, s1;
	[sflag:s0] =	ssyncset.done @!p0 $0x0  }
0x15d: {  	[sflag:s0] =	ssyncadd.s32 @!p0 s1  }
0x15e: {  	[bflag:$0x3] =	sbarrier.arrive $0xFFFF  }
0x15f: {  	_ =	shalt  }

// kernel: kernel.16.cloned.1.call-start
scs
__scs_entry_jumppad:
0x0: {  	(pc) =	sbr.rel $0x88, $3  }
0x1: {  	(tag) =	ssettag $0x0;
	lr =	simm.s32 $0x1  }
0x2: {  	[smem:$0x3F98] =	sst lr;
	_ =	strace $0xD0000000  }
0x3: {  	_ = 	snop  }
0x4: {  	_ = 	snop  }
0x5: {  	_ = 	snop  }
0x6: {  	_ = 	snop  }
0x7: {  	_ = 	snop  }
__scs_overlays_trampoline_lowered:
0x8: {  	[smem:$0x3FA7] =	sst s0  }
0x9: {  	[smem:$0x3FA8] =	sst s1  }
0xa: {  	[smem:$0x3FA9] =	sst s2  }
0xb: {  	[smem:$0x3FAA] =	sst s3  }
0xc: {  	[smem:$0x3FAB] =	sst s4  }
0xd: {  	[smem:$0x3FAC] =	sst s5  }
0xe: {  	[smem:$0x3FAD] =	sst s6  }
0xf: {  	[smem:$0x3FAE] =	sst s7  }
0x10: {  	[smem:$0x3FAF] =	sst s8  }
0x11: {  	[smem:$0x3FB0] =	sst s9;
	s0 =	simm.s32 @!p0 $0x0  }
0x12: {  	s1 =	sld [smem:$0x3F96];
	s0 =	simm.s32 @p0 $0x1  }
0x13: {  	[smem:$0x3FB1] =	sst s0;
	s0 =	simm.s32 @!p1 $0x0  }
0x14: {  	s2 =	sld [smem:$0x3F95];
	s0 =	simm.s32 @p1 $0x1  }
0x15: {  	[smem:$0x3FB2] =	sst s0;
	s0 =	simm.s32 @!p2 $0x0  }
0x16: {  	s3 =	sld [smem:$0x3FDB];
	s0 =	simm.s32 @p2 $0x1  }
0x17: {  	s4 =	simm.s32 $0x1BF5;
	[smem:$0x3FB4] =	sst s0  }
0x18: {  	s0 =	sld [smem:$0x3F97];
	_ =	swait.ge [sflag:s4], $0x0  }
0x19: {  	s7 =	sld [smem:$0x3F98]  }
0x1a: {  	s8 =	sadd.s32 $0xFFFFE003, lr  }
0x1b: {  	s9 =	sadd.s32 $0xFFFFFEF7, lr;
	s5 =	simm.s32 $0xFFFFFFFF;
	p2 =	slt.u32 s8, $0xFFFFF086  }
0x1c: {  	p1 =	slt.u32 s9, $0xF7A;
	s5 =	simm.s32 @!p2 $0x0  }
0x1d: {  	s5 =	simm.s32 @p1 $0x1;
	p0 =	seq.s32 s7, s2  }
0x1e: {  	s7 =	smul.u32 @!p0 $0xF7A, s2;
	p2 =	seq.s32 @!p0 s5, $0x0  }
0x1f: {  	s9 =	smul.u32 $0xF7A, s1;
	s8 =	simm.s32 @!p0 $0x1BF5;
	p2 =	por !p2, p0  }
0x20: {  	[sflag:s8] =	ssyncset.s32 @!p0 $0xFFFFF086;
	s6 =	sadd.s32 @!p0 s3, s7;
	s7 =	simm.s32 @!p0 $0x108  }
0x21: {  	s3 =	sadd.s32 s3, s9;
	s6 =	sadd.s32 @!p0 $0x88, s6;
	s7 =	simm.s32 @p2 $0x1082  }
0x22: {  	[simem:s7], [sflag:s8] =	dma.local @!p0 [hbm:s6], $0xF7A  }
0x23: {  	s9 =	sor.u32 $0xD0000000, s2;
	s6 =	simm.s32 $0x108;
	_ =	swait.ge @!p0 [sflag:s8], $0x0  }
0x24: {  	s3 =	sadd.s32 $0x88, s3;
	s6 =	simm.s32 @!p1 $0x1082;
	[sflag:s4] =	ssyncset.s32 $0xFFFFF086  }
0x25: {  	[simem:s6], [sflag:s4] =	dma.local [hbm:s3], $0xF7A  }
0x26: {  	[smem:$0x3F98] =	sst s1;
	(tag) =	ssettag s2;
	_ =	strace s9  }
0x27: {  	s1 =	sld [smem:$0x3FA8]  }
0x28: {  	s2 =	sld [smem:$0x3FA9]  }
0x29: {  	s4 =	sld [smem:$0x3FAB]  }
0x2a: {  	p0 =	seq.s32 s5, $0x0;
	s5 =	sld [smem:$0x3FAC]  }
0x2b: {  	s6 =	sld [smem:$0x3FAD]  }
0x2c: {  	s7 =	sld [smem:$0x3FAE]  }
0x2d: {  	s3 =	simm.s32 $0x108;
	s8 =	sld [smem:$0x3FAF]  }
0x2e: {  	s3 =	simm.s32 @!p0 $0x1082;
	s9 =	sld [smem:$0x3FB0]  }
0x2f: {  	lr =	sadd.s32 s0, s3;
	s0 =	sld [smem:$0x3FA7]  }
0x30: {  	s3 =	sld [smem:$0x3FAA]  }
0x31: {  	[smem:$0x3FB3] =	sst s10  }
0x32: {  	s10 =	sld [smem:$0x3FB1];
	_ =	sdelay $0x3  }
0x33: {  	p0 =	seq.s32 s10, $0x1;
	s10 =	sld [smem:$0x3FB3];
	_ =	sdelay $0x3  }
0x34: {  	[smem:$0x3FB3] =	sst s10  }
0x35: {  	s10 =	sld [smem:$0x3FB2];
	_ =	sdelay $0x3  }
0x36: {  	p1 =	seq.s32 s10, $0x1;
	s10 =	sld [smem:$0x3FB3];
	_ =	sdelay $0x3  }
0x37: {  	[smem:$0x3FB3] =	sst s10  }
0x38: {  	s10 =	sld [smem:$0x3FB4]  }
0x39: {  	_ = 	snop;
	(pc) =	sbr.ind lr, $3  }
0x3a: {  	_ = 	snop  }
0x3b: {  	_ = 	snop  }
0x3c: {  	p2 =	seq.s32 s10, $0x1;
	s10 =	sld [smem:$0x3FB3]  }
0x3d: {  	_ =	shalt  }
0x3e: {  	_ =	shalt  }
0x3f: {  	_ =	shalt  }
0x40: {  	_ =	shalt  }
0x41: {  	_ =	shalt  }
0x42: {  	_ =	shalt  }
0x43: {  	_ =	shalt  }
0x44: {  	_ =	shalt  }
0x45: {  	_ =	shalt  }
0x46: {  	_ =	shalt  }
0x47: {  	_ =	shalt  }
0x48: {  	_ =	shalt  }
0x49: {  	_ =	shalt  }
0x4a: {  	_ =	shalt  }
0x4b: {  	_ =	shalt  }
0x4c: {  	_ =	shalt  }
0x4d: {  	_ =	shalt  }
0x4e: {  	_ =	shalt  }
0x4f: {  	_ =	shalt  }
0x50: {  	_ =	shalt  }
0x51: {  	_ =	shalt  }
0x52: {  	_ =	shalt  }
0x53: {  	_ =	shalt  }
0x54: {  	_ =	shalt  }
0x55: {  	_ =	shalt  }
0x56: {  	_ =	shalt  }
0x57: {  	_ =	shalt  }
0x58: {  	_ =	shalt  }
0x59: {  	_ =	shalt  }
0x5a: {  	_ =	shalt  }
0x5b: {  	_ =	shalt  }
0x5c: {  	_ =	shalt  }
0x5d: {  	_ =	shalt  }
0x5e: {  	_ =	shalt  }
0x5f: {  	_ =	shalt  }
0x60: {  	_ =	shalt  }
0x61: {  	_ =	shalt  }
0x62: {  	_ =	shalt  }
0x63: {  	_ =	shalt  }
0x64: {  	_ =	shalt  }
0x65: {  	_ =	shalt  }
0x66: {  	_ =	shalt  }
0x67: {  	_ =	shalt  }
0x68: {  	_ =	shalt  }
0x69: {  	_ =	shalt  }
0x6a: {  	_ =	shalt  }
0x6b: {  	_ =	shalt  }
0x6c: {  	_ =	shalt  }
0x6d: {  	_ =	shalt  }
0x6e: {  	_ =	shalt  }
0x6f: {  	_ =	shalt  }
0x70: {  	_ =	shalt  }
0x71: {  	_ =	shalt  }
0x72: {  	_ =	shalt  }
0x73: {  	_ =	shalt  }
0x74: {  	_ =	shalt  }
0x75: {  	_ =	shalt  }
0x76: {  	_ =	shalt  }
0x77: {  	_ =	shalt  }
0x78: {  	_ =	shalt  }
0x79: {  	_ =	shalt  }
0x7a: {  	_ =	shalt  }
0x7b: {  	_ =	shalt  }
0x7c: {  	_ =	shalt  }
0x7d: {  	_ =	shalt  }
0x7e: {  	_ =	shalt  }
0x7f: {  	_ =	shalt  }
0x80: {  	_ =	shalt  }
0x81: {  	_ =	shalt  }
0x82: {  	_ =	shalt  }
0x83: {  	_ =	shalt  }
0x84: {  	_ =	shalt  }
0x85: {  	_ =	shalt  }
0x86: {  	_ =	shalt  }
0x87: {  	_ =	shalt  }
.Lfunc_end0:
.L_simem_size_0:
called_computation.2_lowered:
.L_overlay_start_0:
0x88: {  	s2 =	sld [smem:$0x3FD9]  }
0x89: {  	s3 =	sld [smem:$0x3FFE];
	_ =	sdelay $0x1  }
0x8a: {  	s1 =	srdreg.scid  }
0x8b: {  	s0 =	sand.u32 $0x1, s1  }
0x8c: {  	s16 =	sshll.u32 s0, $0xA;
	s2 =	sadd.s32 s3, s2  }
0x8d: {  	s2 =	sadd.s32 s2, s16  }
0x8e: {  	[smem:$0x3FBF] =	sst s2  }
0x8f: {  	_ = 	snop  }
0x90: {  	(tm) =	ssettm $0x1  }
0x91: {  	s17 =	sld [smem:$0x3FFB];
	_ =	sdelay $0x3  }
0x92: {  	_ =	strace s17  }
0x93: {  	s2 =	sld [smem:$0x3FFC];
	_ =	sdelay $0x3  }
0x94: {  	_ =	strace s2  }
0x95: {  	s2 =	sld [smem:$0x3FFD];
	_ =	sdelay $0x3  }
0x96: {  	_ =	strace s2  }
0x97: {  	_ =	strace $0x8FFFFFFF  }
0x98: {  	s18 =	sld [smem:$0x3FDB];
	_ =	sdelay $0x1  }
0x99: {  	s19 =	simm.s32 $_scs_section_size  }
0x9a: {  	s4 =	simm.s32 $_size__tile_overlayer_lowered;
	s5 =	simm.s32 $_tile_overlayer_lowered  }
0x9b: {  	s22 =	simm.s32 $0x1BFF;
	s21 =	sshll.u32 s5, $0x1;
	s2 =	sadd.s32 s19, s18  }
0x9c: {  	s6 =	simm.s32 $0x0;
	s20 =	sshll.u32 s4, $0x1;
	s4 =	sadd.s32 s21, s2  }
0x9d: {  	[timem:s6], [sflag:s22] =	dma.local [hbm:s4], s20  }
0x9e: {  	_ =	swait.ge [sflag:s22], s20  }
0x9f: {  	s3 =	ssub.s32 $0x0, s20;
	[sflag:s22] =	ssyncset.done $0x0  }
0xa0: {  	[sflag:s22] =	ssyncadd.s32 s3;
	_ =	sdelay $0x1  }
0xa1: {  	s23 =	simm.s32 $0x1B8B  }
0xa2: {  	_ =	swait.ge [sflag:s23], $0x1  }
0xa3: {  	[sflag:s23] =	ssyncset.done $0x0  }
0xa4: {  	s25 =	simm.s32 $0x1B8E;
	s24 =	sld [smem:$0x3FFE];
	[sflag:s23] =	ssyncadd.s32 $0xFFFFFFFF  }
0xa5: {  	s26 =	simm.s32 $execute0_lowered;
	[smem:$0x3FD2] =	sst s25  }
0xa6: {  	s4 =	sshll.u32 s26, $0x1;
	_ =	strace $0x8000004C;
	[dreg:$0x1] =	wrdreg $0xFFFFFFFF  }
0xa7: {  	s28 =	simm.s32 $_size_execute0_lowered;
	s2 =	sadd.s32 s2, s4;
	[dreg:$0x0] =	wrdreg $0x0  }
0xa8: {  	s4 =	sshll.u32 s28, $0x1;
	[dreg:$0x2] =	wrdreg s2  }
0xa9: {  	[dreg:$0x3] =	wrdreg s4  }
0xaa: {  	[dreg:$0x4] =	wrdreg $0xC0  }
0xab: {  	_ =	task [dreg:s6], $0x5FFFF  }
0xac: {  	[dreg:$0x1] =	wrdreg $0xFFFFFFFF  }
0xad: {  	[dreg:$0x0] =	wrdreg $0x60  }
0xae: {  	[dreg:$0x2] =	wrdreg s24  }
0xaf: {  	[dreg:$0x3] =	wrdreg $0x14E000  }
0xb0: {  	[dreg:$0x4] =	wrdreg $0xFE000  }
0xb1: {  	[dreg:$0x5] =	wrdreg $0x9  }
0xb2: {  	_ =	task.clear_ibuf [dreg:s6], $0x6FFFF;
	_ =	strace $0x9000004C  }
0xb3: {  	s29 =	simm.s32 $0x9;
	_ =	strace $0x8000004E  }
0xb4: {  	_ =	swait.ge [sflag:s29], $0x1  }
0xb5: {  	[sflag:s29] =	ssyncadd.s32 $0xFFFFFFFF  }
0xb6: {  	_ =	strace $0x9000004E  }
0xb7: {  	_ =	sfence  }
0xb8: {  	s30 =	sld [smem:$0x0];
	_ =	sdelay $0x2  }
0xb9: {  	s31 =	sshll.u32 s1, $0xD;
	s1 =	sshrl.u32 s1, $0x2  }
0xba: {  	s3 =	sand.u32 $0x4000, s31;
	s1 =	sadd.s32 s1, s30  }
0xbb: {  	s0 =	sor.u32 s3, s0;
	s1 =	sshll.u32 s1, $0x11  }
0xbc: {  	s0 =	sor.u32 s1, s0  }
0xbd: {  	s0 =	sadd.s32 $0x8F2B, s0  }
0xbe: {  	[sflag:s0] =	ssyncadd.remote.s32 $0x1  }
0xbf: {  	_ =	sfence.sel $0xFFFF  }
0xc0: {  	[dreg:$0x0] =	wrdreg $0xFFFFFFFF;
	(pc) =	sbr.abs _section_cstart, $3  }
0xc1: {  	[dreg:$0x1] =	wrdreg $0xFFFFFFFF  }
0xc2: {  	_ =	task.clear_ibuf [dreg:s6], $0x2FFFF;
	_ =	strace $0x9FFFFFFF  }
0xc3: {  	(tm) =	ssettm $0x7FFFFFFF  }
tec
execute0_lowered:
.L_overlay_start_1:
0x0: {  	(tag) =	ssettag $0x1  }
0x1: {  	s1 =	rddreg [dreg:$0x0]  }
0x2: {  	s0 =	srdreg.scid;
	s2 =	rddreg [dreg:$0x1]  }
0x3: {  	s11 =	stileid.u32;
	s3 =	rddreg [dreg:$0x2];
	s12 =	simm.s32 $0x4F00  }
0x4: {  	s16 =	simm.s32 $0x80;
	s17 =	simm.s32 $0x9E00;
	s18 =	simm.s32 $0xAE00  }
0x5: {  	s19 =	simm.s32 $0x1;
	s20 =	simm.s32 $0xBE00;
	s21 =	simm.s32 $0x2  }
0x6: {  	s22 =	simm.s32 $0xDE00;
	s23 =	simm.s32 $0x3;
	s24 =	simm.s32 $0x4  }
0x7: {  	s0 =	sand.u32 $0x1, s0;
	s7 =	smul.u32 $0xA000, s11;
	s31 =	sshll.u32 s11, $0x6  }
0x8: {  	s4 =	sshll.u32 s0, $0x4;
	s8 =	smul.u32 $0xA0000, s0;
	s0 =	ssub.s32 $0x2, s0  }
0x9: {  	s13 =	sor.u32 $0x1C05, s31;
	s5 =	sor.u32 s11, s4;
	s4 =	simm.s32 $0x0  }
0xa: {  	s6 =	sshrl.u32 s7, $0x4;
	s26 =	sshrl.u32 s7, $0x3;
	s29 =	sshrl.u32 s0, $0x1  }
0xb: {  	s14 =	sadd.s32 s7, s2;
	s30 =	sshrl.u32 s7, $0x1;
	s11 =	simm.s32 $0x5  }
0xc: {  	s5 =	smul.u32 $0x9E0, s5;
	[smem:$0x7FF] =	sst s4;
	s9 =	sadd.s32 s6, s1  }
0xd: {  	s8 =	sadd.s32 s7, s8;
	s10 =	sadd.s32 s26, s1;
	s0 =	ssub.s32 s0, s29  }
.Ltmp0:
0xe: {  	s15 =	sadd.s32 s30, s3;
	s14 =	sshrl.u32 s14, $0x3;
	(pc) =	sbr.rel .LBB2_1-.Ltmp0, $4  }
0xf: {  	_ =	strace $0x8000004D;
	s28 =	sshrl.u32 s8, $0x3;
	s7 =	sadd.s32 $0x8AE00, s10  }
0x10: {  	s8 =	sadd.s32 $0x18200, s9;
	s10 =	smax.u32 s0, $0x1;
	s25 =	sadd.s32 s5, s1  }
0x11: {  	s15 =	sshrl.u32 s15, $0x3;
	s1 =	sadd.s32 s28, s1;
	s5 =	sadd.s32 $0x27200, s25  }
0x12: {  	s6 =	sadd.s32 $0x4600, s25;
	s9 =	sadd.s32 $0x9EE00, s1;
	s25 =	simm.s32 $0x0  }
.LBB2_8:
0x13: {  	[spmem:s2] =	stream.indirect.scatter.add.f32 [tilespmem:s22], [sflag:$0x4], $0x40, s0, s16, $0xb8;
	[tilespmem:$0x1EE00] =	vst v63  }
0x14: {  	_ =	swait.ge [sflag:s23], $0x2000  }
0x15: {  	[sflag:s23] =	ssyncset.done $0x0  }
0x16: {  	[sflag:s23] =	ssyncadd.s32 $0xFFFFE000  }
0x17: {  	_ =	swait.ge [sflag:s24], $0x2000  }
0x18: {  	s25 =	sadd.s32 $0x1, s25;
	[sflag:s24] =	ssyncset.done $0x0  }
0x19: {  	p0 =	sne.s32 s25, s10;
	[sflag:s24] =	ssyncadd.s32 $0xFFFFE000  }
.Ltmp1:
0x1a: {  	[bflag:$0x0] =	sbarrier.arrive $0xFFFF;
	(pc) =	sbr.rel @!p0 .LBB2_9-.Ltmp1, $4  }
0x1b: {  	[hbm:s9], [sflag:s13] =	dma.local [spmem:s14], $0x1400  }
0x1c: {  	_ =	swait.ge [sflag:s11], $0x1400  }
0x1d: {  	[sflag:s11] =	ssyncset.done $0x0  }
0x1e: {  	[sflag:s11] =	ssyncadd.s32 $0xFFFFEC00  }
.LBB2_1:
0x1f: {  	[tilespmem:s4], [sflag:$0x5] =	stream.linear.gather [hbm4b:s5+s4], $0x4F00, $0x38;
	[tilespmem:$0x1EE00] =	vst v63  }
0x20: {  	_ =	swait.ge [sflag:s11], $0x4F00  }
0x21: {  	[sflag:s11] =	ssyncset.done $0x0  }
0x22: {  	[sflag:s11] =	ssyncadd.s32 $0xFFFFB100  }
0x23: {  	[tilespmem:s12], [sflag:$0x5] =	stream.linear.gather [hbm4b:s6+s4], $0x4F00, $0x38;
	[tilespmem:$0x1EE00] =	vst v63  }
0x24: {  	_ =	swait.ge [sflag:s11], $0x4F00  }
0x25: {  	[sflag:s11] =	ssyncset.done $0x0  }
0x26: {  	[sflag:s11] =	ssyncadd.s32 $0xFFFFB100  }
0x27: {  	[spmem:s14], [sflag:s13] =	dma.local [hbm:s7], $0x1400  }
0x28: {  	_ =	swait.ge [sflag:s11], $0x1400  }
0x29: {  	[sflag:s11] =	ssyncset.done $0x0  }
0x2a: {  	[sflag:s11] =	ssyncadd.s32 $0xFFFFEC00  }
0x2b: {  	[spmem:s15], [sflag:s13] =	dma.local [hbm:s8], $0xA00  }
0x2c: {  	_ =	swait.ge [sflag:s11], $0xA00  }
0x2d: {  	[sflag:s11] =	ssyncset.done $0x0  }
0x2e: {  	[sflag:s11] =	ssyncadd.s32 $0xFFFFF600  }
0x2f: {  	[bflag:$0x0] =	sbarrier.arrive $0xFFFF  }
0x30: {  	[tilespmem:s17], [sflag:$0x1] =	stream.indirect.gather [spmem:s3], $0x20, s4, s16, $0xb8;
	[tilespmem:$0x1EE00] =	vst v63  }
0x31: {  	s26 =	simm.s32 $0x0  }
0x32: {  	[tilespmem:s18], [sflag:$0x2] =	stream.indirect.gather [spmem:s3], $0x20, s16, s16, $0xb8;
	[tilespmem:$0x1EE00] =	vst v63  }
.LBB2_2:
0x33: {  	_ =	swait.ge [sflag:s19], $0x1000  }
0x34: {  	p0 =	seq.s32 s26, $0x0;
	[sflag:s19] =	ssyncset.done $0x0  }
0x35: {  	s0 =	simm.s32 @!p0 $0x3;
	[sflag:s19] =	ssyncadd.s32 $0xFFFFF000  }
0x36: {  	_ =	swait.ge @!p0 [sflag:s0], $0x2000  }
0x37: {  	[sflag:s0] =	ssyncset.done @!p0 $0x0  }
0x38: {  	s29 =	simm.s32 $0x9E80;
	[sflag:s0] =	ssyncadd.s32 @!p0 $0xFFFFE000  }
0x39: {  	v0 =	vld [tilespmem:s29+$0xFFFFFF80];
	_ =	sdelay $0x4  }
0x3a: {  	s28 =	simm.s32 $0xBF00;
	v1 =	vunpack.i.l.bf16.f32 v0  }
0x3b: {  	v0 =	vunpack.i.u.bf16.f32 v0;
	[tilespmem:s28+$0xFFFFFF00] =	vst v1  }
0x3c: {  	[tilespmem:s28+$0xFFFFFF10] =	vst v0  }
0x3d: {  	v0 =	vld [tilespmem:s29+$0xFFFFFF90];
	_ =	sdelay $0x4  }
0x3e: {  	v1 =	vunpack.i.l.bf16.f32 v0  }
0x3f: {  	v0 =	vunpack.i.u.bf16.f32 v0;
	[tilespmem:s28+$0xFFFFFF20] =	vst v1  }
0x40: {  	[tilespmem:s28+$0xFFFFFF30] =	vst v0  }
0x41: {  	v0 =	vld [tilespmem:s29+$0xFFFFFFA0];
	_ =	sdelay $0x4  }
0x42: {  	v1 =	vunpack.i.l.bf16.f32 v0  }
0x43: {  	v0 =	vunpack.i.u.bf16.f32 v0;
	[tilespmem:s28+$0xFFFFFF40] =	vst v1  }
0x44: {  	[tilespmem:s28+$0xFFFFFF50] =	vst v0  }
0x45: {  	v0 =	vld [tilespmem:s29+$0xFFFFFFB0];
	_ =	sdelay $0x4  }
0x46: {  	v1 =	vunpack.i.l.bf16.f32 v0  }
0x47: {  	v0 =	vunpack.i.u.bf16.f32 v0;
	[tilespmem:s28+$0xFFFFFF60] =	vst v1  }
0x48: {  	[tilespmem:s28+$0xFFFFFF70] =	vst v0  }
0x49: {  	v0 =	vld [tilespmem:s29+$0xFFFFFFC0];
	_ =	sdelay $0x4  }
0x4a: {  	v1 =	vunpack.i.l.bf16.f32 v0  }
0x4b: {  	v0 =	vunpack.i.u.bf16.f32 v0;
	[tilespmem:s28+$0xFFFFFF80] =	vst v1  }
0x4c: {  	[tilespmem:s28+$0xFFFFFF90] =	vst v0  }
0x4d: {  	v0 =	vld [tilespmem:s29+$0xFFFFFFD0];
	_ =	sdelay $0x4  }
0x4e: {  	v1 =	vunpack.i.l.bf16.f32 v0  }
0x4f: {  	v0 =	vunpack.i.u.bf16.f32 v0;
	[tilespmem:s28+$0xFFFFFFA0] =	vst v1  }
0x50: {  	[tilespmem:s28+$0xFFFFFFB0] =	vst v0  }
0x51: {  	v0 =	vld [tilespmem:s29+$0xFFFFFFE0];
	_ =	sdelay $0x4  }
0x52: {  	v1 =	vunpack.i.l.bf16.f32 v0  }
0x53: {  	v0 =	vunpack.i.u.bf16.f32 v0;
	[tilespmem:s28+$0xFFFFFFC0] =	vst v1  }
0x54: {  	[tilespmem:s28+$0xFFFFFFD0] =	vst v0  }
0x55: {  	v0 =	vld [tilespmem:s29+$0xFFFFFFF0];
	_ =	sdelay $0x4  }
0x56: {  	v1 =	vunpack.i.l.bf16.f32 v0  }
0x57: {  	v0 =	vunpack.i.u.bf16.f32 v0;
	[tilespmem:s28+$0xFFFFFFE0] =	vst v1  }
0x58: {  	[tilespmem:s28+$0xFFFFFFF0] =	vst v0  }
0x59: {  	v0 =	vld [tilespmem:s29+$0x0];
	_ =	sdelay $0x4  }
0x5a: {  	v1 =	vunpack.i.l.bf16.f32 v0  }
0x5b: {  	v0 =	vunpack.i.u.bf16.f32 v0;
	[tilespmem:s28+$0x0] =	vst v1  }
0x5c: {  	[tilespmem:s28+$0x10] =	vst v0  }
0x5d: {  	v0 =	vld [tilespmem:s29+$0x10];
	_ =	sdelay $0x4  }
0x5e: {  	v1 =	vunpack.i.l.bf16.f32 v0  }
0x5f: {  	v0 =	vunpack.i.u.bf16.f32 v0;
	[tilespmem:s28+$0x20] =	vst v1  }
0x60: {  	[tilespmem:s28+$0x30] =	vst v0  }
0x61: {  	v0 =	vld [tilespmem:s29+$0x20];
	_ =	sdelay $0x4  }
0x62: {  	v1 =	vunpack.i.l.bf16.f32 v0  }
0x63: {  	v0 =	vunpack.i.u.bf16.f32 v0;
	[tilespmem:s28+$0x40] =	vst v1  }
0x64: {  	[tilespmem:s28+$0x50] =	vst v0  }
0x65: {  	v0 =	vld [tilespmem:s29+$0x30];
	_ =	sdelay $0x4  }
0x66: {  	v1 =	vunpack.i.l.bf16.f32 v0  }
0x67: {  	v0 =	vunpack.i.u.bf16.f32 v0;
	[tilespmem:s28+$0x60] =	vst v1  }
0x68: {  	[tilespmem:s28+$0x70] =	vst v0  }
0x69: {  	v0 =	vld [tilespmem:s29+$0x40];
	_ =	sdelay $0x4  }
0x6a: {  	v1 =	vunpack.i.l.bf16.f32 v0  }
0x6b: {  	v0 =	vunpack.i.u.bf16.f32 v0;
	[tilespmem:s28+$0x80] =	vst v1  }
0x6c: {  	[tilespmem:s28+$0x90] =	vst v0  }
0x6d: {  	v0 =	vld [tilespmem:s29+$0x50];
	_ =	sdelay $0x4  }
0x6e: {  	s30 =	sshll.u32 s26, $0xA;
	v1 =	vunpack.i.l.bf16.f32 v0  }
0x6f: {  	s1 =	simm.s32 $0x0;
	s31 =	simm.s32 $0x9E80;
	s0 =	simm.s32 $0xBF00;
	v0 =	vunpack.i.u.bf16.f32 v0;
	[tilespmem:s28+$0xA0] =	vst v1  }
.LBB2_3:
0x70: {  	s1 =	sadd.s32 $0x8, s1;
	[tilespmem:s28+$0xB0] =	vst v0;
	s0 =	sadd.s32 $0x200, s0;
	s29 =	sadd.s32 $0x100, s29  }
0x71: {  	p1 =	slt.u32 s1, $0x78;
	v0 =	vld [tilespmem:s31+$0x60];
	_ =	sdelay $0x4  }
0x72: {  	v1 =	vunpack.i.u.bf16.f32 v0;
	v0 =	vunpack.i.l.bf16.f32 v0  }
0x73: {  	[tilespmem:s28+$0xC0] =	vst v0  }
0x74: {  	[tilespmem:s28+$0xD0] =	vst v1  }
0x75: {  	v0 =	vld [tilespmem:s31+$0x70];
	s31 =	smov.u32 s29;
	_ =	sdelay $0x4  }
0x76: {  	v1 =	vunpack.i.u.bf16.f32 v0;
	v0 =	vunpack.i.l.bf16.f32 v0  }
0x77: {  	[tilespmem:s28+$0xE0] =	vst v0  }
0x78: {  	[tilespmem:s28+$0xF0] =	vst v1;
	s28 =	smov.u32 s0  }
0x79: {  	v0 =	vld [tilespmem:s29+$0xFFFFFF80];
	_ =	sdelay $0x4  }
0x7a: {  	v1 =	vunpack.i.u.bf16.f32 v0;
	v0 =	vunpack.i.l.bf16.f32 v0  }
0x7b: {  	[tilespmem:s0+$0xFFFFFF00] =	vst v0  }
0x7c: {  	[tilespmem:s0+$0xFFFFFF10] =	vst v1  }
0x7d: {  	v0 =	vld [tilespmem:s29+$0xFFFFFF90];
	_ =	sdelay $0x4  }
0x7e: {  	v1 =	vunpack.i.u.bf16.f32 v0;
	v0 =	vunpack.i.l.bf16.f32 v0  }
0x7f: {  	[tilespmem:s0+$0xFFFFFF20] =	vst v0  }
0x80: {  	[tilespmem:s0+$0xFFFFFF30] =	vst v1  }
0x81: {  	v0 =	vld [tilespmem:s29+$0xFFFFFFA0];
	_ =	sdelay $0x4  }
0x82: {  	v1 =	vunpack.i.u.bf16.f32 v0;
	v0 =	vunpack.i.l.bf16.f32 v0  }
0x83: {  	[tilespmem:s0+$0xFFFFFF40] =	vst v0  }
0x84: {  	[tilespmem:s0+$0xFFFFFF50] =	vst v1  }
0x85: {  	v0 =	vld [tilespmem:s29+$0xFFFFFFB0];
	_ =	sdelay $0x4  }
0x86: {  	v1 =	vunpack.i.u.bf16.f32 v0;
	v0 =	vunpack.i.l.bf16.f32 v0  }
0x87: {  	[tilespmem:s0+$0xFFFFFF60] =	vst v0  }
0x88: {  	[tilespmem:s0+$0xFFFFFF70] =	vst v1  }
0x89: {  	v0 =	vld [tilespmem:s29+$0xFFFFFFC0];
	_ =	sdelay $0x4  }
0x8a: {  	v1 =	vunpack.i.u.bf16.f32 v0;
	v0 =	vunpack.i.l.bf16.f32 v0  }
0x8b: {  	[tilespmem:s0+$0xFFFFFF80] =	vst v0  }
0x8c: {  	[tilespmem:s0+$0xFFFFFF90] =	vst v1  }
0x8d: {  	v0 =	vld [tilespmem:s29+$0xFFFFFFD0];
	_ =	sdelay $0x4  }
0x8e: {  	v1 =	vunpack.i.u.bf16.f32 v0;
	v0 =	vunpack.i.l.bf16.f32 v0  }
0x8f: {  	[tilespmem:s0+$0xFFFFFFA0] =	vst v0  }
0x90: {  	[tilespmem:s0+$0xFFFFFFB0] =	vst v1  }
0x91: {  	v0 =	vld [tilespmem:s29+$0xFFFFFFE0];
	_ =	sdelay $0x4  }
0x92: {  	v1 =	vunpack.i.u.bf16.f32 v0;
	v0 =	vunpack.i.l.bf16.f32 v0  }
0x93: {  	[tilespmem:s0+$0xFFFFFFC0] =	vst v0  }
0x94: {  	[tilespmem:s0+$0xFFFFFFD0] =	vst v1  }
0x95: {  	v0 =	vld [tilespmem:s29+$0xFFFFFFF0];
	_ =	sdelay $0x4  }
0x96: {  	v1 =	vunpack.i.u.bf16.f32 v0;
	v0 =	vunpack.i.l.bf16.f32 v0  }
0x97: {  	[tilespmem:s0+$0xFFFFFFE0] =	vst v0  }
0x98: {  	[tilespmem:s0+$0xFFFFFFF0] =	vst v1  }
0x99: {  	v0 =	vld [tilespmem:s29+$0x0];
	_ =	sdelay $0x4  }
0x9a: {  	v1 =	vunpack.i.u.bf16.f32 v0;
	v0 =	vunpack.i.l.bf16.f32 v0  }
0x9b: {  	[tilespmem:s0+$0x0] =	vst v0  }
0x9c: {  	[tilespmem:s0+$0x10] =	vst v1  }
0x9d: {  	v0 =	vld [tilespmem:s29+$0x10];
	_ =	sdelay $0x4  }
0x9e: {  	v1 =	vunpack.i.u.bf16.f32 v0;
	v0 =	vunpack.i.l.bf16.f32 v0  }
0x9f: {  	[tilespmem:s0+$0x20] =	vst v0  }
0xa0: {  	[tilespmem:s0+$0x30] =	vst v1  }
0xa1: {  	v0 =	vld [tilespmem:s29+$0x20];
	_ =	sdelay $0x4  }
0xa2: {  	v1 =	vunpack.i.u.bf16.f32 v0;
	v0 =	vunpack.i.l.bf16.f32 v0  }
0xa3: {  	[tilespmem:s0+$0x40] =	vst v0  }
0xa4: {  	[tilespmem:s0+$0x50] =	vst v1  }
0xa5: {  	v0 =	vld [tilespmem:s29+$0x30];
	_ =	sdelay $0x4  }
0xa6: {  	v1 =	vunpack.i.u.bf16.f32 v0;
	v0 =	vunpack.i.l.bf16.f32 v0  }
0xa7: {  	[tilespmem:s0+$0x60] =	vst v0  }
0xa8: {  	[tilespmem:s0+$0x70] =	vst v1  }
0xa9: {  	v0 =	vld [tilespmem:s29+$0x40];
	_ =	sdelay $0x4  }
0xaa: {  	v1 =	vunpack.i.u.bf16.f32 v0;
	v0 =	vunpack.i.l.bf16.f32 v0  }
0xab: {  	[tilespmem:s0+$0x80] =	vst v0  }
0xac: {  	[tilespmem:s0+$0x90] =	vst v1  }
0xad: {  	v1 =	vld [tilespmem:s29+$0x50];
	_ =	sdelay $0x1  }
.Ltmp2:
0xae: {  	(pc) =	sbr.rel @p1 .LBB2_3-.Ltmp2, $3  }
0xaf: {  	_ =	sdelay $0x1  }
0xb0: {  	v0 =	vunpack.i.u.bf16.f32 v1;
	v1 =	vunpack.i.l.bf16.f32 v1  }
0xb1: {  	[tilespmem:s0+$0xA0] =	vst v1  }
0xb2: {  	[tilespmem:s28+$0xB0] =	vst v0  }
0xb3: {  	v0 =	vld [tilespmem:s31+$0x60];
	_ =	sdelay $0x4  }
0xb4: {  	v1 =	vunpack.i.l.bf16.f32 v0  }
0xb5: {  	v0 =	vunpack.i.u.bf16.f32 v0;
	[tilespmem:s28+$0xC0] =	vst v1  }
0xb6: {  	[tilespmem:s28+$0xD0] =	vst v0  }
0xb7: {  	v0 =	vld [tilespmem:s31+$0x70];
	_ =	sdelay $0x4  }
0xb8: {  	p1 =	seq.s32 s26, $0x4E;
	v1 =	vunpack.i.l.bf16.f32 v0  }
0xb9: {  	s0 =	sshrl.u32 @!p1 s30, $0x2;
	v0 =	vunpack.i.u.bf16.f32 v0;
	[tilespmem:s28+$0xE0] =	vst v1  }
0xba: {  	s1 =	simm.s32 @!p1 $0x80;
	s0 =	sadd.s32 @!p1 $0x100, s0;
	[tilespmem:s28+$0xF0] =	vst v0;
	s28 =	simm.s32 @!p1 $0x9E00  }
0xbb: {  	[tilespmem:s28], [sflag:$0x1] =	stream.indirect.gather @!p1 [spmem:s3], $0x20, s0, s1, $0xb8;
	[tilespmem:$0x1EE00] =	vst v63  }
0xbc: {  	s28 =	sshrl.u32 s30, $0x2  }
0xbd: {  	s1 =	sadd.s32 $0x4F00, s28  }
0xbe: {  	[spmem:s2] =	stream.indirect.scatter.add.f32 [tilespmem:s20], [sflag:$0x3], $0x40, s1, s16, $0xb8;
	[tilespmem:$0x1EE00] =	vst v63  }
0xbf: {  	_ =	swait.ge [sflag:s21], $0x1000  }
0xc0: {  	[sflag:s21] =	ssyncset.done $0x0  }
0xc1: {  	s0 =	simm.s32 @!p0 $0x4;
	[sflag:s21] =	ssyncadd.s32 $0xFFFFF000  }
0xc2: {  	_ =	swait.ge @!p0 [sflag:s0], $0x2000  }
0xc3: {  	[sflag:s0] =	ssyncset.done @!p0 $0x0  }
0xc4: {  	s30 =	simm.s32 $0xAE80;
	[sflag:s0] =	ssyncadd.s32 @!p0 $0xFFFFE000  }
0xc5: {  	v0 =	vld [tilespmem:s30+$0xFFFFFF80];
	_ =	sdelay $0x4  }
0xc6: {  	s29 =	simm.s32 $0xDF00;
	v1 =	vunpack.i.l.bf16.f32 v0  }
0xc7: {  	v0 =	vunpack.i.u.bf16.f32 v0;
	[tilespmem:s29+$0xFFFFFF00] =	vst v1  }
0xc8: {  	[tilespmem:s29+$0xFFFFFF10] =	vst v0  }
0xc9: {  	v0 =	vld [tilespmem:s30+$0xFFFFFF90];
	_ =	sdelay $0x4  }
0xca: {  	v1 =	vunpack.i.l.bf16.f32 v0  }
0xcb: {  	v0 =	vunpack.i.u.bf16.f32 v0;
	[tilespmem:s29+$0xFFFFFF20] =	vst v1  }
0xcc: {  	[tilespmem:s29+$0xFFFFFF30] =	vst v0  }
0xcd: {  	v0 =	vld [tilespmem:s30+$0xFFFFFFA0];
	_ =	sdelay $0x4  }
0xce: {  	v1 =	vunpack.i.l.bf16.f32 v0  }
0xcf: {  	v0 =	vunpack.i.u.bf16.f32 v0;
	[tilespmem:s29+$0xFFFFFF40] =	vst v1  }
0xd0: {  	[tilespmem:s29+$0xFFFFFF50] =	vst v0  }
0xd1: {  	v0 =	vld [tilespmem:s30+$0xFFFFFFB0];
	_ =	sdelay $0x4  }
0xd2: {  	v1 =	vunpack.i.l.bf16.f32 v0  }
0xd3: {  	v0 =	vunpack.i.u.bf16.f32 v0;
	[tilespmem:s29+$0xFFFFFF60] =	vst v1  }
0xd4: {  	[tilespmem:s29+$0xFFFFFF70] =	vst v0  }
0xd5: {  	v0 =	vld [tilespmem:s30+$0xFFFFFFC0];
	_ =	sdelay $0x4  }
0xd6: {  	v1 =	vunpack.i.l.bf16.f32 v0  }
0xd7: {  	v0 =	vunpack.i.u.bf16.f32 v0;
	[tilespmem:s29+$0xFFFFFF80] =	vst v1  }
0xd8: {  	[tilespmem:s29+$0xFFFFFF90] =	vst v0  }
0xd9: {  	v0 =	vld [tilespmem:s30+$0xFFFFFFD0];
	_ =	sdelay $0x4  }
0xda: {  	v1 =	vunpack.i.l.bf16.f32 v0  }
0xdb: {  	v0 =	vunpack.i.u.bf16.f32 v0;
	[tilespmem:s29+$0xFFFFFFA0] =	vst v1  }
0xdc: {  	[tilespmem:s29+$0xFFFFFFB0] =	vst v0  }
0xdd: {  	v0 =	vld [tilespmem:s30+$0xFFFFFFE0];
	_ =	sdelay $0x4  }
0xde: {  	v1 =	vunpack.i.l.bf16.f32 v0  }
0xdf: {  	v0 =	vunpack.i.u.bf16.f32 v0;
	[tilespmem:s29+$0xFFFFFFC0] =	vst v1  }
0xe0: {  	[tilespmem:s29+$0xFFFFFFD0] =	vst v0  }
0xe1: {  	v0 =	vld [tilespmem:s30+$0xFFFFFFF0];
	_ =	sdelay $0x4  }
0xe2: {  	v1 =	vunpack.i.l.bf16.f32 v0  }
0xe3: {  	v0 =	vunpack.i.u.bf16.f32 v0;
	[tilespmem:s29+$0xFFFFFFE0] =	vst v1  }
0xe4: {  	[tilespmem:s29+$0xFFFFFFF0] =	vst v0  }
0xe5: {  	v0 =	vld [tilespmem:s30+$0x0];
	_ =	sdelay $0x4  }
0xe6: {  	v1 =	vunpack.i.l.bf16.f32 v0  }
0xe7: {  	v0 =	vunpack.i.u.bf16.f32 v0;
	[tilespmem:s29+$0x0] =	vst v1  }
0xe8: {  	[tilespmem:s29+$0x10] =	vst v0  }
0xe9: {  	v0 =	vld [tilespmem:s30+$0x10];
	_ =	sdelay $0x4  }
0xea: {  	v1 =	vunpack.i.l.bf16.f32 v0  }
0xeb: {  	v0 =	vunpack.i.u.bf16.f32 v0;
	[tilespmem:s29+$0x20] =	vst v1  }
0xec: {  	[tilespmem:s29+$0x30] =	vst v0  }
0xed: {  	v0 =	vld [tilespmem:s30+$0x20];
	_ =	sdelay $0x4  }
0xee: {  	v1 =	vunpack.i.l.bf16.f32 v0  }
0xef: {  	v0 =	vunpack.i.u.bf16.f32 v0;
	[tilespmem:s29+$0x40] =	vst v1  }
0xf0: {  	[tilespmem:s29+$0x50] =	vst v0  }
0xf1: {  	v0 =	vld [tilespmem:s30+$0x30];
	_ =	sdelay $0x4  }
0xf2: {  	v1 =	vunpack.i.l.bf16.f32 v0  }
0xf3: {  	v0 =	vunpack.i.u.bf16.f32 v0;
	[tilespmem:s29+$0x60] =	vst v1  }
0xf4: {  	[tilespmem:s29+$0x70] =	vst v0  }
0xf5: {  	v0 =	vld [tilespmem:s30+$0x40];
	_ =	sdelay $0x4  }
0xf6: {  	v1 =	vunpack.i.l.bf16.f32 v0  }
0xf7: {  	v0 =	vunpack.i.u.bf16.f32 v0;
	[tilespmem:s29+$0x80] =	vst v1  }
0xf8: {  	[tilespmem:s29+$0x90] =	vst v0  }
0xf9: {  	v0 =	vld [tilespmem:s30+$0x50];
	_ =	sdelay $0x4  }
0xfa: {  	v1 =	vunpack.i.l.bf16.f32 v0  }
0xfb: {  	s31 =	simm.s32 $0xAE80;
	s1 =	simm.s32 $0x0;
	s0 =	simm.s32 $0xDF00;
	v0 =	vunpack.i.u.bf16.f32 v0;
	[tilespmem:s29+$0xA0] =	vst v1  }
.LBB2_5:
0xfc: {  	s1 =	sadd.s32 $0x8, s1;
	[tilespmem:s29+$0xB0] =	vst v0;
	s0 =	sadd.s32 $0x200, s0;
	s30 =	sadd.s32 $0x100, s30  }
0xfd: {  	p0 =	slt.u32 s1, $0x78;
	v0 =	vld [tilespmem:s31+$0x60];
	_ =	sdelay $0x4  }
0xfe: {  	v1 =	vunpack.i.u.bf16.f32 v0;
	v0 =	vunpack.i.l.bf16.f32 v0  }
0xff: {  	[tilespmem:s29+$0xC0] =	vst v0  }
0x100: {  	[tilespmem:s29+$0xD0] =	vst v1  }
0x101: {  	v0 =	vld [tilespmem:s31+$0x70];
	s31 =	smov.u32 s30;
	_ =	sdelay $0x4  }
0x102: {  	v1 =	vunpack.i.u.bf16.f32 v0;
	v0 =	vunpack.i.l.bf16.f32 v0  }
0x103: {  	[tilespmem:s29+$0xE0] =	vst v0  }
0x104: {  	[tilespmem:s29+$0xF0] =	vst v1;
	s29 =	smov.u32 s0  }
0x105: {  	v0 =	vld [tilespmem:s30+$0xFFFFFF80];
	_ =	sdelay $0x4  }
0x106: {  	v1 =	vunpack.i.u.bf16.f32 v0;
	v0 =	vunpack.i.l.bf16.f32 v0  }
0x107: {  	[tilespmem:s0+$0xFFFFFF00] =	vst v0  }
0x108: {  	[tilespmem:s0+$0xFFFFFF10] =	vst v1  }
0x109: {  	v0 =	vld [tilespmem:s30+$0xFFFFFF90];
	_ =	sdelay $0x4  }
0x10a: {  	v1 =	vunpack.i.u.bf16.f32 v0;
	v0 =	vunpack.i.l.bf16.f32 v0  }
0x10b: {  	[tilespmem:s0+$0xFFFFFF20] =	vst v0  }
0x10c: {  	[tilespmem:s0+$0xFFFFFF30] =	vst v1  }
0x10d: {  	v0 =	vld [tilespmem:s30+$0xFFFFFFA0];
	_ =	sdelay $0x4  }
0x10e: {  	v1 =	vunpack.i.u.bf16.f32 v0;
	v0 =	vunpack.i.l.bf16.f32 v0  }
0x10f: {  	[tilespmem:s0+$0xFFFFFF40] =	vst v0  }
0x110: {  	[tilespmem:s0+$0xFFFFFF50] =	vst v1  }
0x111: {  	v0 =	vld [tilespmem:s30+$0xFFFFFFB0];
	_ =	sdelay $0x4  }
0x112: {  	v1 =	vunpack.i.u.bf16.f32 v0;
	v0 =	vunpack.i.l.bf16.f32 v0  }
0x113: {  	[tilespmem:s0+$0xFFFFFF60] =	vst v0  }
0x114: {  	[tilespmem:s0+$0xFFFFFF70] =	vst v1  }
0x115: {  	v0 =	vld [tilespmem:s30+$0xFFFFFFC0];
	_ =	sdelay $0x4  }
0x116: {  	v1 =	vunpack.i.u.bf16.f32 v0;
	v0 =	vunpack.i.l.bf16.f32 v0  }
0x117: {  	[tilespmem:s0+$0xFFFFFF80] =	vst v0  }
0x118: {  	[tilespmem:s0+$0xFFFFFF90] =	vst v1  }
0x119: {  	v0 =	vld [tilespmem:s30+$0xFFFFFFD0];
	_ =	sdelay $0x4  }
0x11a: {  	v1 =	vunpack.i.u.bf16.f32 v0;
	v0 =	vunpack.i.l.bf16.f32 v0  }
0x11b: {  	[tilespmem:s0+$0xFFFFFFA0] =	vst v0  }
0x11c: {  	[tilespmem:s0+$0xFFFFFFB0] =	vst v1  }
0x11d: {  	v0 =	vld [tilespmem:s30+$0xFFFFFFE0];
	_ =	sdelay $0x4  }
0x11e: {  	v1 =	vunpack.i.u.bf16.f32 v0;
	v0 =	vunpack.i.l.bf16.f32 v0  }
0x11f: {  	[tilespmem:s0+$0xFFFFFFC0] =	vst v0  }
0x120: {  	[tilespmem:s0+$0xFFFFFFD0] =	vst v1  }
0x121: {  	v0 =	vld [tilespmem:s30+$0xFFFFFFF0];
	_ =	sdelay $0x4  }
0x122: {  	v1 =	vunpack.i.u.bf16.f32 v0;
	v0 =	vunpack.i.l.bf16.f32 v0  }
0x123: {  	[tilespmem:s0+$0xFFFFFFE0] =	vst v0  }
0x124: {  	[tilespmem:s0+$0xFFFFFFF0] =	vst v1  }
0x125: {  	v0 =	vld [tilespmem:s30+$0x0];
	_ =	sdelay $0x4  }
0x126: {  	v1 =	vunpack.i.u.bf16.f32 v0;
	v0 =	vunpack.i.l.bf16.f32 v0  }
0x127: {  	[tilespmem:s0+$0x0] =	vst v0  }
0x128: {  	[tilespmem:s0+$0x10] =	vst v1  }
0x129: {  	v0 =	vld [tilespmem:s30+$0x10];
	_ =	sdelay $0x4  }
0x12a: {  	v1 =	vunpack.i.u.bf16.f32 v0;
	v0 =	vunpack.i.l.bf16.f32 v0  }
0x12b: {  	[tilespmem:s0+$0x20] =	vst v0  }
0x12c: {  	[tilespmem:s0+$0x30] =	vst v1  }
0x12d: {  	v0 =	vld [tilespmem:s30+$0x20];
	_ =	sdelay $0x4  }
0x12e: {  	v1 =	vunpack.i.u.bf16.f32 v0;
	v0 =	vunpack.i.l.bf16.f32 v0  }
0x12f: {  	[tilespmem:s0+$0x40] =	vst v0  }
0x130: {  	[tilespmem:s0+$0x50] =	vst v1  }
0x131: {  	v0 =	vld [tilespmem:s30+$0x30];
	_ =	sdelay $0x4  }
0x132: {  	v1 =	vunpack.i.u.bf16.f32 v0;
	v0 =	vunpack.i.l.bf16.f32 v0  }
0x133: {  	[tilespmem:s0+$0x60] =	vst v0  }
0x134: {  	[tilespmem:s0+$0x70] =	vst v1  }
0x135: {  	v0 =	vld [tilespmem:s30+$0x40];
	_ =	sdelay $0x4  }
0x136: {  	v1 =	vunpack.i.u.bf16.f32 v0;
	v0 =	vunpack.i.l.bf16.f32 v0  }
0x137: {  	[tilespmem:s0+$0x80] =	vst v0  }
0x138: {  	[tilespmem:s0+$0x90] =	vst v1  }
0x139: {  	v1 =	vld [tilespmem:s30+$0x50];
	_ =	sdelay $0x1  }
.Ltmp3:
0x13a: {  	(pc) =	sbr.rel @p0 .LBB2_5-.Ltmp3, $3  }
0x13b: {  	_ =	sdelay $0x1  }
0x13c: {  	v0 =	vunpack.i.u.bf16.f32 v1;
	v1 =	vunpack.i.l.bf16.f32 v1  }
0x13d: {  	[tilespmem:s0+$0xA0] =	vst v1  }
0x13e: {  	[tilespmem:s29+$0xB0] =	vst v0  }
0x13f: {  	v0 =	vld [tilespmem:s31+$0x60];
	_ =	sdelay $0x4  }
0x140: {  	v1 =	vunpack.i.l.bf16.f32 v0  }
0x141: {  	v0 =	vunpack.i.u.bf16.f32 v0;
	[tilespmem:s29+$0xC0] =	vst v1  }
0x142: {  	[tilespmem:s29+$0xD0] =	vst v0  }
0x143: {  	v0 =	vld [tilespmem:s31+$0x70];
	_ =	sdelay $0x2  }
.Ltmp4:
0x144: {  	_ = 	snop;
	(pc) =	sbr.rel @p1 .LBB2_8-.Ltmp4, $4  }
0x145: {  	_ = 	snop  }
0x146: {  	v63 =	vunpack.i.l.bf16.f32 v0  }
0x147: {  	v0 =	vunpack.i.u.bf16.f32 v0;
	[tilespmem:s29+$0xE0] =	vst v63  }
0x148: {  	s0 =	sadd.s32 $0x4F80, s28;
	[tilespmem:s29+$0xF0] =	vst v0  }
.Ltmp5:
0x149: {  	(pc) =	sbr.rel .LBB2_2-.Ltmp5, $4  }
0x14a: {  	s1 =	sadd.s32 $0x180, s28  }
0x14b: {  	[tilespmem:s18], [sflag:$0x2] =	stream.indirect.gather [spmem:s3], $0x20, s1, s16, $0xb8;
	[tilespmem:$0x1EE00] =	vst v63  }
0x14c: {  	s26 =	sadd.s32 $0x1, s26  }
0x14d: {  	[spmem:s2] =	stream.indirect.scatter.add.f32 [tilespmem:s22], [sflag:$0x4], $0x40, s0, s16, $0xb8;
	[tilespmem:$0x1EE00] =	vst v63  }
.LBB2_9:
0x14e: {  	_ =	sfence.sel $0x180000  }
0x14f: {  	[bflag:$0x0] =	sbarrier.arrive $0xFFFF  }
0x150: {  	_ =	strace $0x9000004D  }
0x151: {  	s0 =	stileid.u32;
	[bflag:$0x2] =	sbarrier.arrive $0xFFFF  }
0x152: {  	p0 =	sne.s32 s0, $0x0;
	s0 =	rddreg [dreg:$0x3]  }
0x153: {  	s0 =	sadd.s32 @!p0 $0x100000, s0  }
0x154: {  	[sflag:s0] =	ssyncadd.tile.s32 @!p0 $0x1;
	_ =	shalt  }
.Lfunc_end2:
_tile_overlayer_lowered:
.L_overlay_start_2:
0x155: {  	(tag) =	ssettag $0x2  }
0x156: {  	s0 =	rddreg [dreg:$0x0];
	s2 =	stileid.u32  }
0x157: {  	s1 =	rddreg [dreg:$0x1];
	p0 =	sne.s32 s2, $0x0  }
0x158: {  	s3 =	rddreg [dreg:$0x2];
	[bflag:$0x3] =	sbarrier.arrive $0xFFFF;
	s2 =	simm.s32 @!p0 $0x1C05  }
0x159: {  	[timem:s3], [sflag:s2] =	dma.local @!p0 [hbm:s0], s1  }
0x15a: {  	s0 =	simm.s32 @!p0 $0x5  }
0x15b: {  	_ =	swait.ge @!p0 [sflag:s0], s1  }
0x15c: {  	s1 =	ssub.s32 @!p0 $0x0, s1;
	[sflag:s0] =	ssyncset.done @!p0 $0x0  }
0x15d: {  	[sflag:s0] =	ssyncadd.s32 @!p0 s1  }
0x15e: {  	[bflag:$0x3] =	sbarrier.arrive $0xFFFF  }
0x15f: {  	_ =	shalt  }

// kernel: kernel.19.cloned.1.call-start
scs
__scs_entry_jumppad:
0x0: {  	(pc) =	sbr.rel $0x88, $3  }
0x1: {  	(tag) =	ssettag $0x0;
	lr =	simm.s32 $0x1  }
0x2: {  	[smem:$0x3F98] =	sst lr;
	_ =	strace $0xD0000000  }
0x3: {  	_ = 	snop  }
0x4: {  	_ = 	snop  }
0x5: {  	_ = 	snop  }
0x6: {  	_ = 	snop  }
0x7: {  	_ = 	snop  }
__scs_overlays_trampoline_lowered:
0x8: {  	[smem:$0x3FA7] =	sst s0  }
0x9: {  	[smem:$0x3FA8] =	sst s1  }
0xa: {  	[smem:$0x3FA9] =	sst s2  }
0xb: {  	[smem:$0x3FAA] =	sst s3  }
0xc: {  	[smem:$0x3FAB] =	sst s4  }
0xd: {  	[smem:$0x3FAC] =	sst s5  }
0xe: {  	[smem:$0x3FAD] =	sst s6  }
0xf: {  	[smem:$0x3FAE] =	sst s7  }
0x10: {  	[smem:$0x3FAF] =	sst s8  }
0x11: {  	[smem:$0x3FB0] =	sst s9;
	s0 =	simm.s32 @!p0 $0x0  }
0x12: {  	s1 =	sld [smem:$0x3F96];
	s0 =	simm.s32 @p0 $0x1  }
0x13: {  	[smem:$0x3FB1] =	sst s0;
	s0 =	simm.s32 @!p1 $0x0  }
0x14: {  	s2 =	sld [smem:$0x3F95];
	s0 =	simm.s32 @p1 $0x1  }
0x15: {  	[smem:$0x3FB2] =	sst s0;
	s0 =	simm.s32 @!p2 $0x0  }
0x16: {  	s3 =	sld [smem:$0x3FDB];
	s0 =	simm.s32 @p2 $0x1  }
0x17: {  	s4 =	simm.s32 $0x1BF5;
	[smem:$0x3FB4] =	sst s0  }
0x18: {  	s0 =	sld [smem:$0x3F97];
	_ =	swait.ge [sflag:s4], $0x0  }
0x19: {  	s7 =	sld [smem:$0x3F98]  }
0x1a: {  	s8 =	sadd.s32 $0xFFFFE003, lr  }
0x1b: {  	s9 =	sadd.s32 $0xFFFFFEF7, lr;
	s5 =	simm.s32 $0xFFFFFFFF;
	p2 =	slt.u32 s8, $0xFFFFF086  }
0x1c: {  	p1 =	slt.u32 s9, $0xF7A;
	s5 =	simm.s32 @!p2 $0x0  }
0x1d: {  	s5 =	simm.s32 @p1 $0x1;
	p0 =	seq.s32 s7, s2  }
0x1e: {  	s7 =	smul.u32 @!p0 $0xF7A, s2;
	p2 =	seq.s32 @!p0 s5, $0x0  }
0x1f: {  	s9 =	smul.u32 $0xF7A, s1;
	s8 =	simm.s32 @!p0 $0x1BF5;
	p2 =	por !p2, p0  }
0x20: {  	[sflag:s8] =	ssyncset.s32 @!p0 $0xFFFFF086;
	s6 =	sadd.s32 @!p0 s3, s7;
	s7 =	simm.s32 @!p0 $0x108  }
0x21: {  	s3 =	sadd.s32 s3, s9;
	s6 =	sadd.s32 @!p0 $0x88, s6;
	s7 =	simm.s32 @p2 $0x1082  }
0x22: {  	[simem:s7], [sflag:s8] =	dma.local @!p0 [hbm:s6], $0xF7A  }
0x23: {  	s9 =	sor.u32 $0xD0000000, s2;
	s6 =	simm.s32 $0x108;
	_ =	swait.ge @!p0 [sflag:s8], $0x0  }
0x24: {  	s3 =	sadd.s32 $0x88, s3;
	s6 =	simm.s32 @!p1 $0x1082;
	[sflag:s4] =	ssyncset.s32 $0xFFFFF086  }
0x25: {  	[simem:s6], [sflag:s4] =	dma.local [hbm:s3], $0xF7A  }
0x26: {  	[smem:$0x3F98] =	sst s1;
	(tag) =	ssettag s2;
	_ =	strace s9  }
0x27: {  	s1 =	sld [smem:$0x3FA8]  }
0x28: {  	s2 =	sld [smem:$0x3FA9]  }
0x29: {  	s4 =	sld [smem:$0x3FAB]  }
0x2a: {  	p0 =	seq.s32 s5, $0x0;
	s5 =	sld [smem:$0x3FAC]  }
0x2b: {  	s6 =	sld [smem:$0x3FAD]  }
0x2c: {  	s7 =	sld [smem:$0x3FAE]  }
0x2d: {  	s3 =	simm.s32 $0x108;
	s8 =	sld [smem:$0x3FAF]  }
0x2e: {  	s3 =	simm.s32 @!p0 $0x1082;
	s9 =	sld [smem:$0x3FB0]  }
0x2f: {  	lr =	sadd.s32 s0, s3;
	s0 =	sld [smem:$0x3FA7]  }
0x30: {  	s3 =	sld [smem:$0x3FAA]  }
0x31: {  	[smem:$0x3FB3] =	sst s10  }
0x32: {  	s10 =	sld [smem:$0x3FB1];
	_ =	sdelay $0x3  }
0x33: {  	p0 =	seq.s32 s10, $0x1;
	s10 =	sld [smem:$0x3FB3];
	_ =	sdelay $0x3  }
0x34: {  	[smem:$0x3FB3] =	sst s10  }
0x35: {  	s10 =	sld [smem:$0x3FB2];
	_ =	sdelay $0x3  }
0x36: {  	p1 =	seq.s32 s10, $0x1;
	s10 =	sld [smem:$0x3FB3];
	_ =	sdelay $0x3  }
0x37: {  	[smem:$0x3FB3] =	sst s10  }
0x38: {  	s10 =	sld [smem:$0x3FB4]  }
0x39: {  	_ = 	snop;
	(pc) =	sbr.ind lr, $3  }
0x3a: {  	_ = 	snop  }
0x3b: {  	_ = 	snop  }
0x3c: {  	p2 =	seq.s32 s10, $0x1;
	s10 =	sld [smem:$0x3FB3]  }
0x3d: {  	_ =	shalt  }
0x3e: {  	_ =	shalt  }
0x3f: {  	_ =	shalt  }
0x40: {  	_ =	shalt  }
0x41: {  	_ =	shalt  }
0x42: {  	_ =	shalt  }
0x43: {  	_ =	shalt  }
0x44: {  	_ =	shalt  }
0x45: {  	_ =	shalt  }
0x46: {  	_ =	shalt  }
0x47: {  	_ =	shalt  }
0x48: {  	_ =	shalt  }
0x49: {  	_ =	shalt  }
0x4a: {  	_ =	shalt  }
0x4b: {  	_ =	shalt  }
0x4c: {  	_ =	shalt  }
0x4d: {  	_ =	shalt  }
0x4e: {  	_ =	shalt  }
0x4f: {  	_ =	shalt  }
0x50: {  	_ =	shalt  }
0x51: {  	_ =	shalt  }
0x52: {  	_ =	shalt  }
0x53: {  	_ =	shalt  }
0x54: {  	_ =	shalt  }
0x55: {  	_ =	shalt  }
0x56: {  	_ =	shalt  }
0x57: {  	_ =	shalt  }
0x58: {  	_ =	shalt  }
0x59: {  	_ =	shalt  }
0x5a: {  	_ =	shalt  }
0x5b: {  	_ =	shalt  }
0x5c: {  	_ =	shalt  }
0x5d: {  	_ =	shalt  }
0x5e: {  	_ =	shalt  }
0x5f: {  	_ =	shalt  }
0x60: {  	_ =	shalt  }
0x61: {  	_ =	shalt  }
0x62: {  	_ =	shalt  }
0x63: {  	_ =	shalt  }
0x64: {  	_ =	shalt  }
0x65: {  	_ =	shalt  }
0x66: {  	_ =	shalt  }
0x67: {  	_ =	shalt  }
0x68: {  	_ =	shalt  }
0x69: {  	_ =	shalt  }
0x6a: {  	_ =	shalt  }
0x6b: {  	_ =	shalt  }
0x6c: {  	_ =	shalt  }
0x6d: {  	_ =	shalt  }
0x6e: {  	_ =	shalt  }
0x6f: {  	_ =	shalt  }
0x70: {  	_ =	shalt  }
0x71: {  	_ =	shalt  }
0x72: {  	_ =	shalt  }
0x73: {  	_ =	shalt  }
0x74: {  	_ =	shalt  }
0x75: {  	_ =	shalt  }
0x76: {  	_ =	shalt  }
0x77: {  	_ =	shalt  }
0x78: {  	_ =	shalt  }
0x79: {  	_ =	shalt  }
0x7a: {  	_ =	shalt  }
0x7b: {  	_ =	shalt  }
0x7c: {  	_ =	shalt  }
0x7d: {  	_ =	shalt  }
0x7e: {  	_ =	shalt  }
0x7f: {  	_ =	shalt  }
0x80: {  	_ =	shalt  }
0x81: {  	_ =	shalt  }
0x82: {  	_ =	shalt  }
0x83: {  	_ =	shalt  }
0x84: {  	_ =	shalt  }
0x85: {  	_ =	shalt  }
0x86: {  	_ =	shalt  }
0x87: {  	_ =	shalt  }
.Lfunc_end0:
.L_simem_size_0:
called_computation.3_lowered:
.L_overlay_start_0:
0x88: {  	s2 =	sld [smem:$0x3FD9]  }
0x89: {  	s3 =	sld [smem:$0x3FFE];
	_ =	sdelay $0x1  }
0x8a: {  	s1 =	srdreg.scid  }
0x8b: {  	s0 =	sand.u32 $0x1, s1  }
0x8c: {  	s16 =	sshll.u32 s0, $0xA;
	s2 =	sadd.s32 s3, s2  }
0x8d: {  	s2 =	sadd.s32 s2, s16  }
0x8e: {  	[smem:$0x3FBF] =	sst s2  }
0x8f: {  	_ = 	snop  }
0x90: {  	(tm) =	ssettm $0x1  }
0x91: {  	s17 =	sld [smem:$0x3FFB];
	_ =	sdelay $0x3  }
0x92: {  	_ =	strace s17  }
0x93: {  	s2 =	sld [smem:$0x3FFC];
	_ =	sdelay $0x3  }
0x94: {  	_ =	strace s2  }
0x95: {  	s2 =	sld [smem:$0x3FFD];
	_ =	sdelay $0x3  }
0x96: {  	_ =	strace s2  }
0x97: {  	_ =	strace $0x8FFFFFFF  }
0x98: {  	s18 =	sld [smem:$0x3FDB];
	_ =	sdelay $0x1  }
0x99: {  	s19 =	simm.s32 $_scs_section_size  }
0x9a: {  	s4 =	simm.s32 $_size__tile_overlayer_lowered;
	s5 =	simm.s32 $_tile_overlayer_lowered  }
0x9b: {  	s22 =	simm.s32 $0x1BFF;
	s21 =	sshll.u32 s5, $0x1;
	s2 =	sadd.s32 s19, s18  }
0x9c: {  	s6 =	simm.s32 $0x0;
	s20 =	sshll.u32 s4, $0x1;
	s4 =	sadd.s32 s21, s2  }
0x9d: {  	[timem:s6], [sflag:s22] =	dma.local [hbm:s4], s20  }
0x9e: {  	_ =	swait.ge [sflag:s22], s20  }
0x9f: {  	s3 =	ssub.s32 $0x0, s20;
	[sflag:s22] =	ssyncset.done $0x0  }
0xa0: {  	[sflag:s22] =	ssyncadd.s32 s3;
	_ =	sdelay $0x1  }
0xa1: {  	s23 =	simm.s32 $0x1B8B  }
0xa2: {  	_ =	swait.ge [sflag:s23], $0x1  }
0xa3: {  	[sflag:s23] =	ssyncset.done $0x0  }
0xa4: {  	s25 =	simm.s32 $0x1B8E;
	s24 =	sld [smem:$0x3FFE];
	[sflag:s23] =	ssyncadd.s32 $0xFFFFFFFF  }
0xa5: {  	s26 =	simm.s32 $execute0_lowered;
	[smem:$0x3FD2] =	sst s25  }
0xa6: {  	s4 =	sshll.u32 s26, $0x1;
	_ =	strace $0x8000004F;
	[dreg:$0x1] =	wrdreg $0xFFFFFFFF  }
0xa7: {  	s28 =	simm.s32 $_size_execute0_lowered;
	s2 =	sadd.s32 s2, s4;
	[dreg:$0x0] =	wrdreg $0x0  }
0xa8: {  	s4 =	sshll.u32 s28, $0x1;
	[dreg:$0x2] =	wrdreg s2  }
0xa9: {  	[dreg:$0x3] =	wrdreg s4  }
0xaa: {  	[dreg:$0x4] =	wrdreg $0xC0  }
0xab: {  	_ =	task [dreg:s6], $0x5FFFF  }
0xac: {  	[dreg:$0x1] =	wrdreg $0xFFFFFFFF  }
0xad: {  	[dreg:$0x0] =	wrdreg $0x60  }
0xae: {  	[dreg:$0x2] =	wrdreg s24  }
0xaf: {  	[dreg:$0x3] =	wrdreg $0x14E000  }
0xb0: {  	[dreg:$0x4] =	wrdreg $0xFE000  }
0xb1: {  	[dreg:$0x5] =	wrdreg $0x9  }
0xb2: {  	_ =	task.clear_ibuf [dreg:s6], $0x6FFFF;
	_ =	strace $0x9000004F  }
0xb3: {  	s29 =	simm.s32 $0x9;
	_ =	strace $0x80000051  }
0xb4: {  	_ =	swait.ge [sflag:s29], $0x1  }
0xb5: {  	[sflag:s29] =	ssyncadd.s32 $0xFFFFFFFF  }
0xb6: {  	_ =	strace $0x90000051  }
0xb7: {  	_ =	sfence  }
0xb8: {  	s30 =	sld [smem:$0x0];
	_ =	sdelay $0x2  }
0xb9: {  	s31 =	sshll.u32 s1, $0xD;
	s1 =	sshrl.u32 s1, $0x2  }
0xba: {  	s3 =	sand.u32 $0x4000, s31;
	s1 =	sadd.s32 s1, s30  }
0xbb: {  	s0 =	sor.u32 s3, s0;
	s1 =	sshll.u32 s1, $0x11  }
0xbc: {  	s0 =	sor.u32 s1, s0  }
0xbd: {  	s0 =	sadd.s32 $0x8F2B, s0  }
0xbe: {  	[sflag:s0] =	ssyncadd.remote.s32 $0x1  }
0xbf: {  	_ =	sfence.sel $0xFFFF  }
0xc0: {  	[dreg:$0x0] =	wrdreg $0xFFFFFFFF;
	(pc) =	sbr.abs _section_cstart, $3  }
0xc1: {  	[dreg:$0x1] =	wrdreg $0xFFFFFFFF  }
0xc2: {  	_ =	task.clear_ibuf [dreg:s6], $0x2FFFF;
	_ =	strace $0x9FFFFFFF  }
0xc3: {  	(tm) =	ssettm $0x7FFFFFFF  }
tec
execute0_lowered:
.L_overlay_start_1:
0x0: {  	(tag) =	ssettag $0x1  }
0x1: {  	s1 =	rddreg [dreg:$0x0]  }
0x2: {  	s0 =	srdreg.scid;
	s2 =	rddreg [dreg:$0x1]  }
0x3: {  	s11 =	stileid.u32;
	s3 =	rddreg [dreg:$0x2];
	s12 =	simm.s32 $0x4F00  }
0x4: {  	s16 =	simm.s32 $0x80;
	s17 =	simm.s32 $0x9E00;
	s18 =	simm.s32 $0xAE00  }
0x5: {  	s19 =	simm.s32 $0x1;
	s20 =	simm.s32 $0xBE00;
	s21 =	simm.s32 $0x2  }
0x6: {  	s22 =	simm.s32 $0xDE00;
	s23 =	simm.s32 $0x3;
	s24 =	simm.s32 $0x4  }
0x7: {  	s0 =	sand.u32 $0x1, s0;
	s7 =	smul.u32 $0xA000, s11;
	s31 =	sshll.u32 s11, $0x6  }
0x8: {  	s4 =	sshll.u32 s0, $0x4;
	s8 =	smul.u32 $0xA0000, s0;
	s0 =	ssub.s32 $0x2, s0  }
0x9: {  	s13 =	sor.u32 $0x1C05, s31;
	s5 =	sor.u32 s11, s4;
	s4 =	simm.s32 $0x0  }
0xa: {  	s6 =	sshrl.u32 s7, $0x4;
	s26 =	sshrl.u32 s7, $0x3;
	s29 =	sshrl.u32 s0, $0x1  }
0xb: {  	s14 =	sadd.s32 s7, s2;
	s30 =	sshrl.u32 s7, $0x1;
	s11 =	simm.s32 $0x5  }
0xc: {  	s5 =	smul.u32 $0x9E0, s5;
	[smem:$0x7FF] =	sst s4;
	s9 =	sadd.s32 s6, s1  }
0xd: {  	s8 =	sadd.s32 s7, s8;
	s10 =	sadd.s32 s26, s1;
	s0 =	ssub.s32 s0, s29  }
.Ltmp0:
0xe: {  	s15 =	sadd.s32 s30, s3;
	s14 =	sshrl.u32 s14, $0x3;
	(pc) =	sbr.rel .LBB2_1-.Ltmp0, $4  }
0xf: {  	_ =	strace $0x80000050;
	s28 =	sshrl.u32 s8, $0x3;
	s7 =	sadd.s32 $0x8AE00, s10  }
0x10: {  	s8 =	sadd.s32 $0x18200, s9;
	s10 =	smax.u32 s0, $0x1;
	s25 =	sadd.s32 s5, s1  }
0x11: {  	s15 =	sshrl.u32 s15, $0x3;
	s1 =	sadd.s32 s28, s1;
	s5 =	sadd.s32 $0x27200, s25  }
0x12: {  	s6 =	sadd.s32 $0x4600, s25;
	s9 =	sadd.s32 $0x3AE00, s1;
	s25 =	simm.s32 $0x0  }
.LBB2_8:
0x13: {  	[spmem:s2] =	stream.indirect.scatter.add.f32 [tilespmem:s22], [sflag:$0x4], $0x40, s0, s16, $0xb8;
	[tilespmem:$0x1EE00] =	vst v63  }
0x14: {  	_ =	swait.ge [sflag:s23], $0x2000  }
0x15: {  	[sflag:s23] =	ssyncset.done $0x0  }
0x16: {  	[sflag:s23] =	ssyncadd.s32 $0xFFFFE000  }
0x17: {  	_ =	swait.ge [sflag:s24], $0x2000  }
0x18: {  	s25 =	sadd.s32 $0x1, s25;
	[sflag:s24] =	ssyncset.done $0x0  }
0x19: {  	p0 =	sne.s32 s25, s10;
	[sflag:s24] =	ssyncadd.s32 $0xFFFFE000  }
.Ltmp1:
0x1a: {  	[bflag:$0x0] =	sbarrier.arrive $0xFFFF;
	(pc) =	sbr.rel @!p0 .LBB2_9-.Ltmp1, $4  }
0x1b: {  	[hbm:s9], [sflag:s13] =	dma.local [spmem:s14], $0x1400  }
0x1c: {  	_ =	swait.ge [sflag:s11], $0x1400  }
0x1d: {  	[sflag:s11] =	ssyncset.done $0x0  }
0x1e: {  	[sflag:s11] =	ssyncadd.s32 $0xFFFFEC00  }
.LBB2_1:
0x1f: {  	[tilespmem:s4], [sflag:$0x5] =	stream.linear.gather [hbm4b:s5+s4], $0x4F00, $0x38;
	[tilespmem:$0x1EE00] =	vst v63  }
0x20: {  	_ =	swait.ge [sflag:s11], $0x4F00  }
0x21: {  	[sflag:s11] =	ssyncset.done $0x0  }
0x22: {  	[sflag:s11] =	ssyncadd.s32 $0xFFFFB100  }
0x23: {  	[tilespmem:s12], [sflag:$0x5] =	stream.linear.gather [hbm4b:s6+s4], $0x4F00, $0x38;
	[tilespmem:$0x1EE00] =	vst v63  }
0x24: {  	_ =	swait.ge [sflag:s11], $0x4F00  }
0x25: {  	[sflag:s11] =	ssyncset.done $0x0  }
0x26: {  	[sflag:s11] =	ssyncadd.s32 $0xFFFFB100  }
0x27: {  	[spmem:s14], [sflag:s13] =	dma.local [hbm:s7], $0x1400  }
0x28: {  	_ =	swait.ge [sflag:s11], $0x1400  }
0x29: {  	[sflag:s11] =	ssyncset.done $0x0  }
0x2a: {  	[sflag:s11] =	ssyncadd.s32 $0xFFFFEC00  }
0x2b: {  	[spmem:s15], [sflag:s13] =	dma.local [hbm:s8], $0xA00  }
0x2c: {  	_ =	swait.ge [sflag:s11], $0xA00  }
0x2d: {  	[sflag:s11] =	ssyncset.done $0x0  }
0x2e: {  	[sflag:s11] =	ssyncadd.s32 $0xFFFFF600  }
0x2f: {  	[bflag:$0x0] =	sbarrier.arrive $0xFFFF  }
0x30: {  	[tilespmem:s17], [sflag:$0x1] =	stream.indirect.gather [spmem:s3], $0x20, s4, s16, $0xb8;
	[tilespmem:$0x1EE00] =	vst v63  }
0x31: {  	s26 =	simm.s32 $0x0  }
0x32: {  	[tilespmem:s18], [sflag:$0x2] =	stream.indirect.gather [spmem:s3], $0x20, s16, s16, $0xb8;
	[tilespmem:$0x1EE00] =	vst v63  }
.LBB2_2:
0x33: {  	_ =	swait.ge [sflag:s19], $0x1000  }
0x34: {  	p0 =	seq.s32 s26, $0x0;
	[sflag:s19] =	ssyncset.done $0x0  }
0x35: {  	s0 =	simm.s32 @!p0 $0x3;
	[sflag:s19] =	ssyncadd.s32 $0xFFFFF000  }
0x36: {  	_ =	swait.ge @!p0 [sflag:s0], $0x2000  }
0x37: {  	[sflag:s0] =	ssyncset.done @!p0 $0x0  }
0x38: {  	s29 =	simm.s32 $0x9E80;
	[sflag:s0] =	ssyncadd.s32 @!p0 $0xFFFFE000  }
0x39: {  	v0 =	vld [tilespmem:s29+$0xFFFFFF80];
	_ =	sdelay $0x4  }
0x3a: {  	s28 =	simm.s32 $0xBF00;
	v1 =	vunpack.i.l.bf16.f32 v0  }
0x3b: {  	v0 =	vunpack.i.u.bf16.f32 v0;
	[tilespmem:s28+$0xFFFFFF00] =	vst v1  }
0x3c: {  	[tilespmem:s28+$0xFFFFFF10] =	vst v0  }
0x3d: {  	v0 =	vld [tilespmem:s29+$0xFFFFFF90];
	_ =	sdelay $0x4  }
0x3e: {  	v1 =	vunpack.i.l.bf16.f32 v0  }
0x3f: {  	v0 =	vunpack.i.u.bf16.f32 v0;
	[tilespmem:s28+$0xFFFFFF20] =	vst v1  }
0x40: {  	[tilespmem:s28+$0xFFFFFF30] =	vst v0  }
0x41: {  	v0 =	vld [tilespmem:s29+$0xFFFFFFA0];
	_ =	sdelay $0x4  }
0x42: {  	v1 =	vunpack.i.l.bf16.f32 v0  }
0x43: {  	v0 =	vunpack.i.u.bf16.f32 v0;
	[tilespmem:s28+$0xFFFFFF40] =	vst v1  }
0x44: {  	[tilespmem:s28+$0xFFFFFF50] =	vst v0  }
0x45: {  	v0 =	vld [tilespmem:s29+$0xFFFFFFB0];
	_ =	sdelay $0x4  }
0x46: {  	v1 =	vunpack.i.l.bf16.f32 v0  }
0x47: {  	v0 =	vunpack.i.u.bf16.f32 v0;
	[tilespmem:s28+$0xFFFFFF60] =	vst v1  }
0x48: {  	[tilespmem:s28+$0xFFFFFF70] =	vst v0  }
0x49: {  	v0 =	vld [tilespmem:s29+$0xFFFFFFC0];
	_ =	sdelay $0x4  }
0x4a: {  	v1 =	vunpack.i.l.bf16.f32 v0  }
0x4b: {  	v0 =	vunpack.i.u.bf16.f32 v0;
	[tilespmem:s28+$0xFFFFFF80] =	vst v1  }
0x4c: {  	[tilespmem:s28+$0xFFFFFF90] =	vst v0  }
0x4d: {  	v0 =	vld [tilespmem:s29+$0xFFFFFFD0];
	_ =	sdelay $0x4  }
0x4e: {  	v1 =	vunpack.i.l.bf16.f32 v0  }
0x4f: {  	v0 =	vunpack.i.u.bf16.f32 v0;
	[tilespmem:s28+$0xFFFFFFA0] =	vst v1  }
0x50: {  	[tilespmem:s28+$0xFFFFFFB0] =	vst v0  }
0x51: {  	v0 =	vld [tilespmem:s29+$0xFFFFFFE0];
	_ =	sdelay $0x4  }
0x52: {  	v1 =	vunpack.i.l.bf16.f32 v0  }
0x53: {  	v0 =	vunpack.i.u.bf16.f32 v0;
	[tilespmem:s28+$0xFFFFFFC0] =	vst v1  }
0x54: {  	[tilespmem:s28+$0xFFFFFFD0] =	vst v0  }
0x55: {  	v0 =	vld [tilespmem:s29+$0xFFFFFFF0];
	_ =	sdelay $0x4  }
0x56: {  	v1 =	vunpack.i.l.bf16.f32 v0  }
0x57: {  	v0 =	vunpack.i.u.bf16.f32 v0;
	[tilespmem:s28+$0xFFFFFFE0] =	vst v1  }
0x58: {  	[tilespmem:s28+$0xFFFFFFF0] =	vst v0  }
0x59: {  	v0 =	vld [tilespmem:s29+$0x0];
	_ =	sdelay $0x4  }
0x5a: {  	v1 =	vunpack.i.l.bf16.f32 v0  }
0x5b: {  	v0 =	vunpack.i.u.bf16.f32 v0;
	[tilespmem:s28+$0x0] =	vst v1  }
0x5c: {  	[tilespmem:s28+$0x10] =	vst v0  }
0x5d: {  	v0 =	vld [tilespmem:s29+$0x10];
	_ =	sdelay $0x4  }
0x5e: {  	v1 =	vunpack.i.l.bf16.f32 v0  }
0x5f: {  	v0 =	vunpack.i.u.bf16.f32 v0;
	[tilespmem:s28+$0x20] =	vst v1  }
0x60: {  	[tilespmem:s28+$0x30] =	vst v0  }
0x61: {  	v0 =	vld [tilespmem:s29+$0x20];
	_ =	sdelay $0x4  }
0x62: {  	v1 =	vunpack.i.l.bf16.f32 v0  }
0x63: {  	v0 =	vunpack.i.u.bf16.f32 v0;
	[tilespmem:s28+$0x40] =	vst v1  }
0x64: {  	[tilespmem:s28+$0x50] =	vst v0  }
0x65: {  	v0 =	vld [tilespmem:s29+$0x30];
	_ =	sdelay $0x4  }
0x66: {  	v1 =	vunpack.i.l.bf16.f32 v0  }
0x67: {  	v0 =	vunpack.i.u.bf16.f32 v0;
	[tilespmem:s28+$0x60] =	vst v1  }
0x68: {  	[tilespmem:s28+$0x70] =	vst v0  }
0x69: {  	v0 =	vld [tilespmem:s29+$0x40];
	_ =	sdelay $0x4  }
0x6a: {  	v1 =	vunpack.i.l.bf16.f32 v0  }
0x6b: {  	v0 =	vunpack.i.u.bf16.f32 v0;
	[tilespmem:s28+$0x80] =	vst v1  }
0x6c: {  	[tilespmem:s28+$0x90] =	vst v0  }
0x6d: {  	v0 =	vld [tilespmem:s29+$0x50];
	_ =	sdelay $0x4  }
0x6e: {  	s30 =	sshll.u32 s26, $0xA;
	v1 =	vunpack.i.l.bf16.f32 v0  }
0x6f: {  	s1 =	simm.s32 $0x0;
	s31 =	simm.s32 $0x9E80;
	s0 =	simm.s32 $0xBF00;
	v0 =	vunpack.i.u.bf16.f32 v0;
	[tilespmem:s28+$0xA0] =	vst v1  }
.LBB2_3:
0x70: {  	s1 =	sadd.s32 $0x8, s1;
	[tilespmem:s28+$0xB0] =	vst v0;
	s0 =	sadd.s32 $0x200, s0;
	s29 =	sadd.s32 $0x100, s29  }
0x71: {  	p1 =	slt.u32 s1, $0x78;
	v0 =	vld [tilespmem:s31+$0x60];
	_ =	sdelay $0x4  }
0x72: {  	v1 =	vunpack.i.u.bf16.f32 v0;
	v0 =	vunpack.i.l.bf16.f32 v0  }
0x73: {  	[tilespmem:s28+$0xC0] =	vst v0  }
0x74: {  	[tilespmem:s28+$0xD0] =	vst v1  }
0x75: {  	v0 =	vld [tilespmem:s31+$0x70];
	s31 =	smov.u32 s29;
	_ =	sdelay $0x4  }
0x76: {  	v1 =	vunpack.i.u.bf16.f32 v0;
	v0 =	vunpack.i.l.bf16.f32 v0  }
0x77: {  	[tilespmem:s28+$0xE0] =	vst v0  }
0x78: {  	[tilespmem:s28+$0xF0] =	vst v1;
	s28 =	smov.u32 s0  }
0x79: {  	v0 =	vld [tilespmem:s29+$0xFFFFFF80];
	_ =	sdelay $0x4  }
0x7a: {  	v1 =	vunpack.i.u.bf16.f32 v0;
	v0 =	vunpack.i.l.bf16.f32 v0  }
0x7b: {  	[tilespmem:s0+$0xFFFFFF00] =	vst v0  }
0x7c: {  	[tilespmem:s0+$0xFFFFFF10] =	vst v1  }
0x7d: {  	v0 =	vld [tilespmem:s29+$0xFFFFFF90];
	_ =	sdelay $0x4  }
0x7e: {  	v1 =	vunpack.i.u.bf16.f32 v0;
	v0 =	vunpack.i.l.bf16.f32 v0  }
0x7f: {  	[tilespmem:s0+$0xFFFFFF20] =	vst v0  }
0x80: {  	[tilespmem:s0+$0xFFFFFF30] =	vst v1  }
0x81: {  	v0 =	vld [tilespmem:s29+$0xFFFFFFA0];
	_ =	sdelay $0x4  }
0x82: {  	v1 =	vunpack.i.u.bf16.f32 v0;
	v0 =	vunpack.i.l.bf16.f32 v0  }
0x83: {  	[tilespmem:s0+$0xFFFFFF40] =	vst v0  }
0x84: {  	[tilespmem:s0+$0xFFFFFF50] =	vst v1  }
0x85: {  	v0 =	vld [tilespmem:s29+$0xFFFFFFB0];
	_ =	sdelay $0x4  }
0x86: {  	v1 =	vunpack.i.u.bf16.f32 v0;
	v0 =	vunpack.i.l.bf16.f32 v0  }
0x87: {  	[tilespmem:s0+$0xFFFFFF60] =	vst v0  }
0x88: {  	[tilespmem:s0+$0xFFFFFF70] =	vst v1  }
0x89: {  	v0 =	vld [tilespmem:s29+$0xFFFFFFC0];
	_ =	sdelay $0x4  }
0x8a: {  	v1 =	vunpack.i.u.bf16.f32 v0;
	v0 =	vunpack.i.l.bf16.f32 v0  }
0x8b: {  	[tilespmem:s0+$0xFFFFFF80] =	vst v0  }
0x8c: {  	[tilespmem:s0+$0xFFFFFF90] =	vst v1  }
0x8d: {  	v0 =	vld [tilespmem:s29+$0xFFFFFFD0];
	_ =	sdelay $0x4  }
0x8e: {  	v1 =	vunpack.i.u.bf16.f32 v0;
	v0 =	vunpack.i.l.bf16.f32 v0  }
0x8f: {  	[tilespmem:s0+$0xFFFFFFA0] =	vst v0  }
0x90: {  	[tilespmem:s0+$0xFFFFFFB0] =	vst v1  }
0x91: {  	v0 =	vld [tilespmem:s29+$0xFFFFFFE0];
	_ =	sdelay $0x4  }
0x92: {  	v1 =	vunpack.i.u.bf16.f32 v0;
	v0 =	vunpack.i.l.bf16.f32 v0  }
0x93: {  	[tilespmem:s0+$0xFFFFFFC0] =	vst v0  }
0x94: {  	[tilespmem:s0+$0xFFFFFFD0] =	vst v1  }
0x95: {  	v0 =	vld [tilespmem:s29+$0xFFFFFFF0];
	_ =	sdelay $0x4  }
0x96: {  	v1 =	vunpack.i.u.bf16.f32 v0;
	v0 =	vunpack.i.l.bf16.f32 v0  }
0x97: {  	[tilespmem:s0+$0xFFFFFFE0] =	vst v0  }
0x98: {  	[tilespmem:s0+$0xFFFFFFF0] =	vst v1  }
0x99: {  	v0 =	vld [tilespmem:s29+$0x0];
	_ =	sdelay $0x4  }
0x9a: {  	v1 =	vunpack.i.u.bf16.f32 v0;
	v0 =	vunpack.i.l.bf16.f32 v0  }
0x9b: {  	[tilespmem:s0+$0x0] =	vst v0  }
0x9c: {  	[tilespmem:s0+$0x10] =	vst v1  }
0x9d: {  	v0 =	vld [tilespmem:s29+$0x10];
	_ =	sdelay $0x4  }
0x9e: {  	v1 =	vunpack.i.u.bf16.f32 v0;
	v0 =	vunpack.i.l.bf16.f32 v0  }
0x9f: {  	[tilespmem:s0+$0x20] =	vst v0  }
0xa0: {  	[tilespmem:s0+$0x30] =	vst v1  }
0xa1: {  	v0 =	vld [tilespmem:s29+$0x20];
	_ =	sdelay $0x4  }
0xa2: {  	v1 =	vunpack.i.u.bf16.f32 v0;
	v0 =	vunpack.i.l.bf16.f32 v0  }
0xa3: {  	[tilespmem:s0+$0x40] =	vst v0  }
0xa4: {  	[tilespmem:s0+$0x50] =	vst v1  }
0xa5: {  	v0 =	vld [tilespmem:s29+$0x30];
	_ =	sdelay $0x4  }
0xa6: {  	v1 =	vunpack.i.u.bf16.f32 v0;
	v0 =	vunpack.i.l.bf16.f32 v0  }
0xa7: {  	[tilespmem:s0+$0x60] =	vst v0  }
0xa8: {  	[tilespmem:s0+$0x70] =	vst v1  }
0xa9: {  	v0 =	vld [tilespmem:s29+$0x40];
	_ =	sdelay $0x4  }
0xaa: {  	v1 =	vunpack.i.u.bf16.f32 v0;
	v0 =	vunpack.i.l.bf16.f32 v0  }
0xab: {  	[tilespmem:s0+$0x80] =	vst v0  }
0xac: {  	[tilespmem:s0+$0x90] =	vst v1  }
0xad: {  	v1 =	vld [tilespmem:s29+$0x50];
	_ =	sdelay $0x1  }
.Ltmp2:
0xae: {  	(pc) =	sbr.rel @p1 .LBB2_3-.Ltmp2, $3  }
0xaf: {  	_ =	sdelay $0x1  }
0xb0: {  	v0 =	vunpack.i.u.bf16.f32 v1;
	v1 =	vunpack.i.l.bf16.f32 v1  }
0xb1: {  	[tilespmem:s0+$0xA0] =	vst v1  }
0xb2: {  	[tilespmem:s28+$0xB0] =	vst v0  }
0xb3: {  	v0 =	vld [tilespmem:s31+$0x60];
	_ =	sdelay $0x4  }
0xb4: {  	v1 =	vunpack.i.l.bf16.f32 v0  }
0xb5: {  	v0 =	vunpack.i.u.bf16.f32 v0;
	[tilespmem:s28+$0xC0] =	vst v1  }
0xb6: {  	[tilespmem:s28+$0xD0] =	vst v0  }
0xb7: {  	v0 =	vld [tilespmem:s31+$0x70];
	_ =	sdelay $0x4  }
0xb8: {  	p1 =	seq.s32 s26, $0x4E;
	v1 =	vunpack.i.l.bf16.f32 v0  }
0xb9: {  	s0 =	sshrl.u32 @!p1 s30, $0x2;
	v0 =	vunpack.i.u.bf16.f32 v0;
	[tilespmem:s28+$0xE0] =	vst v1  }
0xba: {  	s1 =	simm.s32 @!p1 $0x80;
	s0 =	sadd.s32 @!p1 $0x100, s0;
	[tilespmem:s28+$0xF0] =	vst v0;
	s28 =	simm.s32 @!p1 $0x9E00  }
0xbb: {  	[tilespmem:s28], [sflag:$0x1] =	stream.indirect.gather @!p1 [spmem:s3], $0x20, s0, s1, $0xb8;
	[tilespmem:$0x1EE00] =	vst v63  }
0xbc: {  	s28 =	sshrl.u32 s30, $0x2  }
0xbd: {  	s1 =	sadd.s32 $0x4F00, s28  }
0xbe: {  	[spmem:s2] =	stream.indirect.scatter.add.f32 [tilespmem:s20], [sflag:$0x3], $0x40, s1, s16, $0xb8;
	[tilespmem:$0x1EE00] =	vst v63  }
0xbf: {  	_ =	swait.ge [sflag:s21], $0x1000  }
0xc0: {  	[sflag:s21] =	ssyncset.done $0x0  }
0xc1: {  	s0 =	simm.s32 @!p0 $0x4;
	[sflag:s21] =	ssyncadd.s32 $0xFFFFF000  }
0xc2: {  	_ =	swait.ge @!p0 [sflag:s0], $0x2000  }
0xc3: {  	[sflag:s0] =	ssyncset.done @!p0 $0x0  }
0xc4: {  	s30 =	simm.s32 $0xAE80;
	[sflag:s0] =	ssyncadd.s32 @!p0 $0xFFFFE000  }
0xc5: {  	v0 =	vld [tilespmem:s30+$0xFFFFFF80];
	_ =	sdelay $0x4  }
0xc6: {  	s29 =	simm.s32 $0xDF00;
	v1 =	vunpack.i.l.bf16.f32 v0  }
0xc7: {  	v0 =	vunpack.i.u.bf16.f32 v0;
	[tilespmem:s29+$0xFFFFFF00] =	vst v1  }
0xc8: {  	[tilespmem:s29+$0xFFFFFF10] =	vst v0  }
0xc9: {  	v0 =	vld [tilespmem:s30+$0xFFFFFF90];
	_ =	sdelay $0x4  }
0xca: {  	v1 =	vunpack.i.l.bf16.f32 v0  }
0xcb: {  	v0 =	vunpack.i.u.bf16.f32 v0;
	[tilespmem:s29+$0xFFFFFF20] =	vst v1  }
0xcc: {  	[tilespmem:s29+$0xFFFFFF30] =	vst v0  }
0xcd: {  	v0 =	vld [tilespmem:s30+$0xFFFFFFA0];
	_ =	sdelay $0x4  }
0xce: {  	v1 =	vunpack.i.l.bf16.f32 v0  }
0xcf: {  	v0 =	vunpack.i.u.bf16.f32 v0;
	[tilespmem:s29+$0xFFFFFF40] =	vst v1  }
0xd0: {  	[tilespmem:s29+$0xFFFFFF50] =	vst v0  }
0xd1: {  	v0 =	vld [tilespmem:s30+$0xFFFFFFB0];
	_ =	sdelay $0x4  }
0xd2: {  	v1 =	vunpack.i.l.bf16.f32 v0  }
0xd3: {  	v0 =	vunpack.i.u.bf16.f32 v0;
	[tilespmem:s29+$0xFFFFFF60] =	vst v1  }
0xd4: {  	[tilespmem:s29+$0xFFFFFF70] =	vst v0  }
0xd5: {  	v0 =	vld [tilespmem:s30+$0xFFFFFFC0];
	_ =	sdelay $0x4  }
0xd6: {  	v1 =	vunpack.i.l.bf16.f32 v0  }
0xd7: {  	v0 =	vunpack.i.u.bf16.f32 v0;
	[tilespmem:s29+$0xFFFFFF80] =	vst v1  }
0xd8: {  	[tilespmem:s29+$0xFFFFFF90] =	vst v0  }
0xd9: {  	v0 =	vld [tilespmem:s30+$0xFFFFFFD0];
	_ =	sdelay $0x4  }
0xda: {  	v1 =	vunpack.i.l.bf16.f32 v0  }
0xdb: {  	v0 =	vunpack.i.u.bf16.f32 v0;
	[tilespmem:s29+$0xFFFFFFA0] =	vst v1  }
0xdc: {  	[tilespmem:s29+$0xFFFFFFB0] =	vst v0  }
0xdd: {  	v0 =	vld [tilespmem:s30+$0xFFFFFFE0];
	_ =	sdelay $0x4  }
0xde: {  	v1 =	vunpack.i.l.bf16.f32 v0  }
0xdf: {  	v0 =	vunpack.i.u.bf16.f32 v0;
	[tilespmem:s29+$0xFFFFFFC0] =	vst v1  }
0xe0: {  	[tilespmem:s29+$0xFFFFFFD0] =	vst v0  }
0xe1: {  	v0 =	vld [tilespmem:s30+$0xFFFFFFF0];
	_ =	sdelay $0x4  }
0xe2: {  	v1 =	vunpack.i.l.bf16.f32 v0  }
0xe3: {  	v0 =	vunpack.i.u.bf16.f32 v0;
	[tilespmem:s29+$0xFFFFFFE0] =	vst v1  }
0xe4: {  	[tilespmem:s29+$0xFFFFFFF0] =	vst v0  }
0xe5: {  	v0 =	vld [tilespmem:s30+$0x0];
	_ =	sdelay $0x4  }
0xe6: {  	v1 =	vunpack.i.l.bf16.f32 v0  }
0xe7: {  	v0 =	vunpack.i.u.bf16.f32 v0;
	[tilespmem:s29+$0x0] =	vst v1  }
0xe8: {  	[tilespmem:s29+$0x10] =	vst v0  }
0xe9: {  	v0 =	vld [tilespmem:s30+$0x10];
	_ =	sdelay $0x4  }
0xea: {  	v1 =	vunpack.i.l.bf16.f32 v0  }
0xeb: {  	v0 =	vunpack.i.u.bf16.f32 v0;
	[tilespmem:s29+$0x20] =	vst v1  }
0xec: {  	[tilespmem:s29+$0x30] =	vst v0  }
0xed: {  	v0 =	vld [tilespmem:s30+$0x20];
	_ =	sdelay $0x4  }
0xee: {  	v1 =	vunpack.i.l.bf16.f32 v0  }
0xef: {  	v0 =	vunpack.i.u.bf16.f32 v0;
	[tilespmem:s29+$0x40] =	vst v1  }
0xf0: {  	[tilespmem:s29+$0x50] =	vst v0  }
0xf1: {  	v0 =	vld [tilespmem:s30+$0x30];
	_ =	sdelay $0x4  }
0xf2: {  	v1 =	vunpack.i.l.bf16.f32 v0  }
0xf3: {  	v0 =	vunpack.i.u.bf16.f32 v0;
	[tilespmem:s29+$0x60] =	vst v1  }
0xf4: {  	[tilespmem:s29+$0x70] =	vst v0  }
0xf5: {  	v0 =	vld [tilespmem:s30+$0x40];
	_ =	sdelay $0x4  }
0xf6: {  	v1 =	vunpack.i.l.bf16.f32 v0  }
0xf7: {  	v0 =	vunpack.i.u.bf16.f32 v0;
	[tilespmem:s29+$0x80] =	vst v1  }
0xf8: {  	[tilespmem:s29+$0x90] =	vst v0  }
0xf9: {  	v0 =	vld [tilespmem:s30+$0x50];
	_ =	sdelay $0x4  }
0xfa: {  	v1 =	vunpack.i.l.bf16.f32 v0  }
0xfb: {  	s31 =	simm.s32 $0xAE80;
	s1 =	simm.s32 $0x0;
	s0 =	simm.s32 $0xDF00;
	v0 =	vunpack.i.u.bf16.f32 v0;
	[tilespmem:s29+$0xA0] =	vst v1  }
.LBB2_5:
0xfc: {  	s1 =	sadd.s32 $0x8, s1;
	[tilespmem:s29+$0xB0] =	vst v0;
	s0 =	sadd.s32 $0x200, s0;
	s30 =	sadd.s32 $0x100, s30  }
0xfd: {  	p0 =	slt.u32 s1, $0x78;
	v0 =	vld [tilespmem:s31+$0x60];
	_ =	sdelay $0x4  }
0xfe: {  	v1 =	vunpack.i.u.bf16.f32 v0;
	v0 =	vunpack.i.l.bf16.f32 v0  }
0xff: {  	[tilespmem:s29+$0xC0] =	vst v0  }
0x100: {  	[tilespmem:s29+$0xD0] =	vst v1  }
0x101: {  	v0 =	vld [tilespmem:s31+$0x70];
	s31 =	smov.u32 s30;
	_ =	sdelay $0x4  }
0x102: {  	v1 =	vunpack.i.u.bf16.f32 v0;
	v0 =	vunpack.i.l.bf16.f32 v0  }
0x103: {  	[tilespmem:s29+$0xE0] =	vst v0  }
0x104: {  	[tilespmem:s29+$0xF0] =	vst v1;
	s29 =	smov.u32 s0  }
0x105: {  	v0 =	vld [tilespmem:s30+$0xFFFFFF80];
	_ =	sdelay $0x4  }
0x106: {  	v1 =	vunpack.i.u.bf16.f32 v0;
	v0 =	vunpack.i.l.bf16.f32 v0  }
0x107: {  	[tilespmem:s0+$0xFFFFFF00] =	vst v0  }
0x108: {  	[tilespmem:s0+$0xFFFFFF10] =	vst v1  }
0x109: {  	v0 =	vld [tilespmem:s30+$0xFFFFFF90];
	_ =	sdelay $0x4  }
0x10a: {  	v1 =	vunpack.i.u.bf16.f32 v0;
	v0 =	vunpack.i.l.bf16.f32 v0  }
0x10b: {  	[tilespmem:s0+$0xFFFFFF20] =	vst v0  }
0x10c: {  	[tilespmem:s0+$0xFFFFFF30] =	vst v1  }
0x10d: {  	v0 =	vld [tilespmem:s30+$0xFFFFFFA0];
	_ =	sdelay $0x4  }
0x10e: {  	v1 =	vunpack.i.u.bf16.f32 v0;
	v0 =	vunpack.i.l.bf16.f32 v0  }
0x10f: {  	[tilespmem:s0+$0xFFFFFF40] =	vst v0  }
0x110: {  	[tilespmem:s0+$0xFFFFFF50] =	vst v1  }
0x111: {  	v0 =	vld [tilespmem:s30+$0xFFFFFFB0];
	_ =	sdelay $0x4  }
0x112: {  	v1 =	vunpack.i.u.bf16.f32 v0;
	v0 =	vunpack.i.l.bf16.f32 v0  }
0x113: {  	[tilespmem:s0+$0xFFFFFF60] =	vst v0  }
0x114: {  	[tilespmem:s0+$0xFFFFFF70] =	vst v1  }
0x115: {  	v0 =	vld [tilespmem:s30+$0xFFFFFFC0];
	_ =	sdelay $0x4  }
0x116: {  	v1 =	vunpack.i.u.bf16.f32 v0;
	v0 =	vunpack.i.l.bf16.f32 v0  }
0x117: {  	[tilespmem:s0+$0xFFFFFF80] =	vst v0  }
0x118: {  	[tilespmem:s0+$0xFFFFFF90] =	vst v1  }
0x119: {  	v0 =	vld [tilespmem:s30+$0xFFFFFFD0];
	_ =	sdelay $0x4  }
0x11a: {  	v1 =	vunpack.i.u.bf16.f32 v0;
	v0 =	vunpack.i.l.bf16.f32 v0  }
0x11b: {  	[tilespmem:s0+$0xFFFFFFA0] =	vst v0  }
0x11c: {  	[tilespmem:s0+$0xFFFFFFB0] =	vst v1  }
0x11d: {  	v0 =	vld [tilespmem:s30+$0xFFFFFFE0];
	_ =	sdelay $0x4  }
0x11e: {  	v1 =	vunpack.i.u.bf16.f32 v0;
	v0 =	vunpack.i.l.bf16.f32 v0  }
0x11f: {  	[tilespmem:s0+$0xFFFFFFC0] =	vst v0  }
0x120: {  	[tilespmem:s0+$0xFFFFFFD0] =	vst v1  }
0x121: {  	v0 =	vld [tilespmem:s30+$0xFFFFFFF0];
	_ =	sdelay $0x4  }
0x122: {  	v1 =	vunpack.i.u.bf16.f32 v0;
	v0 =	vunpack.i.l.bf16.f32 v0  }
0x123: {  	[tilespmem:s0+$0xFFFFFFE0] =	vst v0  }
0x124: {  	[tilespmem:s0+$0xFFFFFFF0] =	vst v1  }
0x125: {  	v0 =	vld [tilespmem:s30+$0x0];
	_ =	sdelay $0x4  }
0x126: {  	v1 =	vunpack.i.u.bf16.f32 v0;
	v0 =	vunpack.i.l.bf16.f32 v0  }
0x127: {  	[tilespmem:s0+$0x0] =	vst v0  }
0x128: {  	[tilespmem:s0+$0x10] =	vst v1  }
0x129: {  	v0 =	vld [tilespmem:s30+$0x10];
	_ =	sdelay $0x4  }
0x12a: {  	v1 =	vunpack.i.u.bf16.f32 v0;
	v0 =	vunpack.i.l.bf16.f32 v0  }
0x12b: {  	[tilespmem:s0+$0x20] =	vst v0  }
0x12c: {  	[tilespmem:s0+$0x30] =	vst v1  }
0x12d: {  	v0 =	vld [tilespmem:s30+$0x20];
	_ =	sdelay $0x4  }
0x12e: {  	v1 =	vunpack.i.u.bf16.f32 v0;
	v0 =	vunpack.i.l.bf16.f32 v0  }
0x12f: {  	[tilespmem:s0+$0x40] =	vst v0  }
0x130: {  	[tilespmem:s0+$0x50] =	vst v1  }
0x131: {  	v0 =	vld [tilespmem:s30+$0x30];
	_ =	sdelay $0x4  }
0x132: {  	v1 =	vunpack.i.u.bf16.f32 v0;
	v0 =	vunpack.i.l.bf16.f32 v0  }
0x133: {  	[tilespmem:s0+$0x60] =	vst v0  }
0x134: {  	[tilespmem:s0+$0x70] =	vst v1  }
0x135: {  	v0 =	vld [tilespmem:s30+$0x40];
	_ =	sdelay $0x4  }
0x136: {  	v1 =	vunpack.i.u.bf16.f32 v0;
	v0 =	vunpack.i.l.bf16.f32 v0  }
0x137: {  	[tilespmem:s0+$0x80] =	vst v0  }
0x138: {  	[tilespmem:s0+$0x90] =	vst v1  }
0x139: {  	v1 =	vld [tilespmem:s30+$0x50];
	_ =	sdelay $0x1  }
.Ltmp3:
0x13a: {  	(pc) =	sbr.rel @p0 .LBB2_5-.Ltmp3, $3  }
0x13b: {  	_ =	sdelay $0x1  }
0x13c: {  	v0 =	vunpack.i.u.bf16.f32 v1;
	v1 =	vunpack.i.l.bf16.f32 v1  }
0x13d: {  	[tilespmem:s0+$0xA0] =	vst v1  }
0x13e: {  	[tilespmem:s29+$0xB0] =	vst v0  }
0x13f: {  	v0 =	vld [tilespmem:s31+$0x60];
	_ =	sdelay $0x4  }
0x140: {  	v1 =	vunpack.i.l.bf16.f32 v0  }
0x141: {  	v0 =	vunpack.i.u.bf16.f32 v0;
	[tilespmem:s29+$0xC0] =	vst v1  }
0x142: {  	[tilespmem:s29+$0xD0] =	vst v0  }
0x143: {  	v0 =	vld [tilespmem:s31+$0x70];
	_ =	sdelay $0x2  }
.Ltmp4:
0x144: {  	_ = 	snop;
	(pc) =	sbr.rel @p1 .LBB2_8-.Ltmp4, $4  }
0x145: {  	_ = 	snop  }
0x146: {  	v63 =	vunpack.i.l.bf16.f32 v0  }
0x147: {  	v0 =	vunpack.i.u.bf16.f32 v0;
	[tilespmem:s29+$0xE0] =	vst v63  }
0x148: {  	s0 =	sadd.s32 $0x4F80, s28;
	[tilespmem:s29+$0xF0] =	vst v0  }
.Ltmp5:
0x149: {  	(pc) =	sbr.rel .LBB2_2-.Ltmp5, $4  }
0x14a: {  	s1 =	sadd.s32 $0x180, s28  }
0x14b: {  	[tilespmem:s18], [sflag:$0x2] =	stream.indirect.gather [spmem:s3], $0x20, s1, s16, $0xb8;
	[tilespmem:$0x1EE00] =	vst v63  }
0x14c: {  	s26 =	sadd.s32 $0x1, s26  }
0x14d: {  	[spmem:s2] =	stream.indirect.scatter.add.f32 [tilespmem:s22], [sflag:$0x4], $0x40, s0, s16, $0xb8;
	[tilespmem:$0x1EE00] =	vst v63  }
.LBB2_9:
0x14e: {  	_ =	sfence.sel $0x180000  }
0x14f: {  	[bflag:$0x0] =	sbarrier.arrive $0xFFFF  }
0x150: {  	_ =	strace $0x90000050  }
0x151: {  	s0 =	stileid.u32;
	[bflag:$0x2] =	sbarrier.arrive $0xFFFF  }
0x152: {  	p0 =	sne.s32 s0, $0x0;
	s0 =	rddreg [dreg:$0x3]  }
0x153: {  	s0 =	sadd.s32 @!p0 $0x100000, s0  }
0x154: {  	[sflag:s0] =	ssyncadd.tile.s32 @!p0 $0x1;
	_ =	shalt  }
.Lfunc_end2:
_tile_overlayer_lowered:
.L_overlay_start_2:
0x155: {  	(tag) =	ssettag $0x2  }
0x156: {  	s0 =	rddreg [dreg:$0x0];
	s2 =	stileid.u32  }
0x157: {  	s1 =	rddreg [dreg:$0x1];
	p0 =	sne.s32 s2, $0x0  }
0x158: {  	s3 =	rddreg [dreg:$0x2];
	[bflag:$0x3] =	sbarrier.arrive $0xFFFF;
	s2 =	simm.s32 @!p0 $0x1C05  }
0x159: {  	[timem:s3], [sflag:s2] =	dma.local @!p0 [hbm:s0], s1  }
0x15a: {  	s0 =	simm.s32 @!p0 $0x5  }
0x15b: {  	_ =	swait.ge @!p0 [sflag:s0], s1  }
0x15c: {  	s1 =	ssub.s32 @!p0 $0x0, s1;
	[sflag:s0] =	ssyncset.done @!p0 $0x0  }
0x15d: {  	[sflag:s0] =	ssyncadd.s32 @!p0 s1  }
0x15e: {  	[bflag:$0x3] =	sbarrier.arrive $0xFFFF  }
0x15f: {  	_ =	shalt  }

</sc_bundles>
